<compile_context>
chip_gen: v7x
topology: tpu7x:2x2x1
jax: 0.10.2.dev20260603
libtpu: 0.0.44.dev20260713+nightly
codegen_flags: <defaults>
</compile_context>

<pallas_src>
import functools
import math

import jax
import jax.numpy as jnp
from jax import lax
from jax.experimental import pallas as pl
from jax.experimental.pallas import tpu as pltpu
from jax.experimental.pallas import tpu_sc as plsc

N = 10000
E = 320000
D = 128
BN_EPS = 1e-5

NC = 2
NS = 16
NW = NC * NS

N_PAD = 10240
CHUNK = 80
NCHUNK = 128
E_PAD = NW * CHUNK * NCHUNK
ROWS_PER_TILE = N_PAD // NS

BM = 1280
GRID = N_PAD // BM



def _make_propagate(ones_mode=False):
  mesh = plsc.VectorSubcoreMesh(core_axis_name="c", subcore_axis_name="s",
                                num_cores=NC, num_subcores=NS)

  @functools.partial(
      pl.kernel,
      out_type=jax.ShapeDtypeStruct((NC, N_PAD, D), jnp.float32),
      mesh=mesh,
      scratch_types=[
          [pltpu.VMEM((CHUNK,), jnp.int32) for _ in range(4)],
          [pltpu.VMEM((CHUNK,), jnp.int32) for _ in range(4)],
          [pltpu.VMEM((CHUNK, D), jnp.float32) for _ in range(2)],
          pltpu.VMEM_SHARED((N_PAD, D), jnp.float32),
          pltpu.SemaphoreType.DMA,
          [pltpu.SemaphoreType.DMA for _ in range(2)],
          pltpu.SemaphoreType.DMA,
      ],
  )
  def prop(g_hbm, edges_hbm, out_hbm, si, di, rows, acc, gsem, ssem, isem):
    cid = lax.axis_index("c")
    sid = lax.axis_index("s")
    tid = cid * NS + sid
    cb = tid * NCHUNK

    pltpu.async_copy(edges_hbm.at[cb, 0], si[0], isem)
    pltpu.async_copy(edges_hbm.at[cb, 1], di[0], isem)

    fill16 = (jnp.ones if ones_mode else jnp.zeros)((16,), jnp.float32)
    zero16 = jnp.zeros((16,), jnp.float32)

    def zbody(r, c):
      for col in range(D // 16):
        rows[0][r, pl.ds(col * 16, 16)] = zero16
      return c

    def fbody(r, c):
      for col in range(D // 16):
        rows[0][r, pl.ds(col * 16, 16)] = fill16
        rows[1][r, pl.ds(col * 16, 16)] = fill16
      return c

    with jax.named_scope("acc_zero"):
      lax.fori_loop(0, CHUNK, zbody, 0)
      for k in range(ROWS_PER_TILE // CHUNK):
        pltpu.sync_copy(rows[0],
                        acc.at[pl.ds(sid * ROWS_PER_TILE + k * CHUNK, CHUNK)])
      if ones_mode:
        lax.fori_loop(0, CHUNK, fbody, 0)
      plsc.subcore_barrier()

    def body(it, carry):
      for q in range(4):
        j = it * 4 + q
        b = q % 2
        pltpu.make_async_copy(edges_hbm.at[cb + j, 0], si[q], isem).wait()
        pltpu.make_async_copy(edges_hbm.at[cb + j, 1], di[q], isem).wait()

        @pl.when(j + 1 < NCHUNK)
        def _():
          pltpu.async_copy(edges_hbm.at[cb + j + 1, 0], si[(q + 1) % 4], isem)
          pltpu.async_copy(edges_hbm.at[cb + j + 1, 1], di[(q + 1) % 4], isem)

        @pl.when(j >= 2)
        def _():
          pltpu.make_async_copy(rows[b], acc.at[di[(q + 2) % 4]],
                                ssem[b]).wait()

        if not ones_mode:
          pltpu.async_copy(g_hbm.at[si[q]], rows[b], gsem).wait()
        pltpu.async_copy(rows[b], acc.at[di[q]], ssem[b], add=True)
      return carry

    with jax.named_scope("edge_loop"):
      lax.fori_loop(0, NCHUNK // 4, body, 0)
      pltpu.make_async_copy(rows[0], acc.at[di[2]], ssem[0]).wait()
      pltpu.make_async_copy(rows[1], acc.at[di[3]], ssem[1]).wait()
    with jax.named_scope("post_barrier"):
      plsc.subcore_barrier()

    with jax.named_scope("writeout"):
      pltpu.sync_copy(acc.at[pl.ds(sid * ROWS_PER_TILE, ROWS_PER_TILE)],
                      out_hbm.at[cid, pl.ds(sid * ROWS_PER_TILE, ROWS_PER_TILE)])

  return prop


@functools.cache
def _get_propagate(ones_mode=False):
  return _make_propagate(ones_mode)


def _propagate(g, edges):
  return _get_propagate()(g, edges)


def _degree(g, edges):
  return _get_propagate(True)(g, edges)



def _prep_dinv(deg_partials, h1):
  def body(p_ref, h_ref, o_ref, g_ref):
    i = pl.program_id(0)
    deg = 1.0 + p_ref[0] + p_ref[1]
    dinv = lax.rsqrt(deg)
    row = i * BM + lax.broadcasted_iota(jnp.int32, (BM, D), 0)
    dinv = jnp.where(row < N, dinv, 0.0)
    o_ref[...] = dinv
    g_ref[...] = dinv * h_ref[...]

  return pl.pallas_call(
      body,
      grid=(GRID,),
      in_specs=[pl.BlockSpec((NC, BM, D), lambda i: (0, i, 0)),
                pl.BlockSpec((BM, D), lambda i: (i, 0))],
      out_specs=[pl.BlockSpec((BM, D), lambda i: (i, 0)),
                 pl.BlockSpec((BM, D), lambda i: (i, 0))],
      out_shape=[jax.ShapeDtypeStruct((N_PAD, D), jnp.float32),
                 jax.ShapeDtypeStruct((N_PAD, D), jnp.float32)],
  )(deg_partials, h1)


def _matmul(x, W):
  def body(x_ref, w_ref, o_ref):
    o_ref[...] = jnp.dot(x_ref[...], w_ref[...],
                         preferred_element_type=jnp.float32)

  return pl.pallas_call(
      body,
      grid=(GRID,),
      in_specs=[
          pl.BlockSpec((BM, D), lambda i: (i, 0)),
          pl.BlockSpec((D, D), lambda i: (0, 0)),
      ],
      out_specs=pl.BlockSpec((BM, D), lambda i: (i, 0)),
      out_shape=jax.ShapeDtypeStruct((N_PAD, D), jnp.float32),
  )(x, W)


def _combine_matmul(P, g, dinv_b, bvec, gamma, beta, W):
  bn_c = float(1.0 / math.sqrt(1.0 + BN_EPS))

  def body(p_ref, g_ref, d_ref, b_ref, ga_ref, be_ref, w_ref, o_ref):
    z = d_ref[...] * (p_ref[0] + p_ref[1] + g_ref[...]) + b_ref[...]
    z = jnp.maximum(z, 0.0) * (ga_ref[...] * bn_c) + be_ref[...]
    o_ref[...] = d_ref[...] * jnp.dot(z, w_ref[...],
                                      preferred_element_type=jnp.float32)

  return pl.pallas_call(
      body,
      grid=(GRID,),
      in_specs=[
          pl.BlockSpec((NC, BM, D), lambda i: (0, i, 0)),
          pl.BlockSpec((BM, D), lambda i: (i, 0)),
          pl.BlockSpec((BM, D), lambda i: (i, 0)),
          pl.BlockSpec((1, D), lambda i: (0, 0)),
          pl.BlockSpec((1, D), lambda i: (0, 0)),
          pl.BlockSpec((1, D), lambda i: (0, 0)),
          pl.BlockSpec((D, D), lambda i: (0, 0)),
      ],
      out_specs=pl.BlockSpec((BM, D), lambda i: (i, 0)),
      out_shape=jax.ShapeDtypeStruct((N_PAD, D), jnp.float32),
  )(P, g, dinv_b, bvec, gamma, beta, W)


def _final_mean(P, g, dinv_b, bvec):
  def body(p_ref, g_ref, d_ref, b_ref, o_ref):
    i = pl.program_id(0)
    z = d_ref[...] * (p_ref[0] + p_ref[1] + g_ref[...])
    row = i * BM + lax.broadcasted_iota(jnp.int32, (BM, D), 0)
    z = jnp.where(row < N, z, 0.0)
    part = jnp.sum(z, axis=0, keepdims=True)

    @pl.when(i == 0)
    def _():
      o_ref[...] = jnp.zeros_like(o_ref)

    o_ref[...] += part

    @pl.when(i == GRID - 1)
    def _():
      o_ref[...] = o_ref[...] * (1.0 / N) + b_ref[...]

  return pl.pallas_call(
      body,
      grid=(GRID,),
      in_specs=[
          pl.BlockSpec((NC, BM, D), lambda i: (0, i, 0)),
          pl.BlockSpec((BM, D), lambda i: (i, 0)),
          pl.BlockSpec((BM, D), lambda i: (i, 0)),
          pl.BlockSpec((1, D), lambda i: (0, 0)),
      ],
      out_specs=pl.BlockSpec((1, D), lambda i: (0, 0)),
      out_shape=jax.ShapeDtypeStruct((1, D), jnp.float32),
  )(P, g, dinv_b, bvec)



@jax.jit
def _run(x, edge_index, W1, b1, W2, b2, W3, b3, W4, b4,
         gamma1, beta1, gamma2, beta2, gamma3, beta3):
  src = edge_index[0]
  dst = edge_index[1]
  pad_e = N + (jnp.arange(E_PAD - E, dtype=jnp.int32) % (N_PAD - N))
  srcp = jnp.concatenate([src, pad_e])
  dstp = jnp.concatenate([dst, pad_e])
  edges = jnp.stack([srcp.reshape(-1, CHUNK), dstp.reshape(-1, CHUNK)], axis=1)
  x_pad = jnp.pad(x, ((0, N_PAD - N), (0, 0)))


  b1r = b1.reshape(1, D)
  b2r = b2.reshape(1, D)
  b3r = b3.reshape(1, D)
  b4r = b4.reshape(1, D)
  g1r = gamma1.reshape(1, D)
  g2r = gamma2.reshape(1, D)
  g3r = gamma3.reshape(1, D)
  be1r = beta1.reshape(1, D)
  be2r = beta2.reshape(1, D)
  be3r = beta3.reshape(1, D)

  h1 = _matmul(x_pad, W1)
  deg_p = _degree(x_pad, edges)
  dinv_b, g1 = _prep_dinv(deg_p, h1)
  P1 = _propagate(g1, edges)
  g2 = _combine_matmul(P1, g1, dinv_b, b1r, g1r, be1r, W2)
  P2 = _propagate(g2, edges)
  g3 = _combine_matmul(P2, g2, dinv_b, b2r, g2r, be2r, W3)
  P3 = _propagate(g3, edges)
  g4 = _combine_matmul(P3, g3, dinv_b, b3r, g3r, be3r, W4)
  P4 = _propagate(g4, edges)
  return _final_mean(P4, g4, dinv_b, b4r)


def kernel(x, edge_index, W1, b1, W2, b2, W3, b3, W4, b4,
           gamma1, beta1, gamma2, beta2, gamma3, beta3):
  return _run(x, edge_index, W1, b1, W2, b2, W3, b3, W4, b4,
              gamma1, beta1, gamma2, beta2, gamma3, beta3)

# --- scband reference (transcript-rebuilt; emitter-appended) ---
"""Pipeline reference for scband-gcnmodel-78305843741413 (READ-ONLY COPY).

The authoritative reference and input builder live on the scoring server;
editing this copy changes nothing except your own understanding.
"""

import jax, jax.numpy as jnp
import numpy as np

N = 10000
E = 320000
D_IN = 128
D_HID = 128
D_OUT = 128
BN_EPS = 1e-5


def setup_inputs(seed: int = 0) -> dict:
    key = jax.random.key(seed)
    ks = jax.random.split(key, 16)
    inp = {}
    inp["x"] = jax.random.normal(ks[0], (N, D_IN), dtype=jnp.float32)
    inp["edge_index"] = jax.random.randint(ks[1], (2, E), 0, N, dtype=jnp.int32)
    def glorot(k, fan_in, fan_out):
        s = np.sqrt(6.0 / (fan_in + fan_out))
        return jax.random.uniform(k, (fan_in, fan_out), dtype=jnp.float32, minval=-s, maxval=s)
    inp["W1"] = glorot(ks[2], D_IN, D_HID)
    inp["b1"] = jnp.zeros((D_HID,), dtype=jnp.float32)
    inp["W2"] = glorot(ks[3], D_HID, D_HID)
    inp["b2"] = jnp.zeros((D_HID,), dtype=jnp.float32)
    inp["W3"] = glorot(ks[4], D_HID, D_HID)
    inp["b3"] = jnp.zeros((D_HID,), dtype=jnp.float32)
    inp["W4"] = glorot(ks[5], D_HID, D_OUT)
    inp["b4"] = jnp.zeros((D_OUT,), dtype=jnp.float32)
    inp["gamma1"] = jnp.ones((D_HID,), dtype=jnp.float32)
    inp["beta1"] = jnp.zeros((D_HID,), dtype=jnp.float32)
    inp["gamma2"] = jnp.ones((D_HID,), dtype=jnp.float32)
    inp["beta2"] = jnp.zeros((D_HID,), dtype=jnp.float32)
    inp["gamma3"] = jnp.ones((D_HID,), dtype=jnp.float32)
    inp["beta3"] = jnp.zeros((D_HID,), dtype=jnp.float32)
    return inp


def _gcn_conv(x, src, dst, W, b):
    # PyG GCNConv: add self-loops, symmetric normalization D^-1/2 (A+I) D^-1/2 (X W) + b
    n = x.shape[0]
    h = x @ W
    loop = jnp.arange(n, dtype=src.dtype)
    s = jnp.concatenate([src, loop])
    d = jnp.concatenate([dst, loop])
    deg = jax.ops.segment_sum(jnp.ones(s.shape[0], dtype=h.dtype), d, num_segments=n)
    dinv = jnp.where(deg > 0, 1.0 / jnp.sqrt(deg), 0.0)
    norm = dinv[s] * dinv[d]
    msg = h[s] * norm[:, None]
    out = jax.ops.segment_sum(msg, d, num_segments=n)
    return out + b


def _bn_eval(x, gamma, beta):
    # BatchNorm1d in eval mode with running_mean=0, running_var=1
    return x * (gamma / jnp.sqrt(1.0 + BN_EPS)) + beta


def reference(x, edge_index, W1, b1, W2, b2, W3, b3, W4, b4,
              gamma1, beta1, gamma2, beta2, gamma3, beta3):
    src = edge_index[0]
    dst = edge_index[1]
    h = _gcn_conv(x, src, dst, W1, b1)
    h = jax.nn.relu(h)
    h = _bn_eval(h, gamma1, beta1)
    # dropout is identity in eval mode
    h = _gcn_conv(h, src, dst, W2, b2)
    h = jax.nn.relu(h)
    h = _bn_eval(h, gamma2, beta2)
    h = _gcn_conv(h, src, dst, W3, b3)
    h = jax.nn.relu(h)
    h = _bn_eval(h, gamma3, beta3)
    h = _gcn_conv(h, src, dst, W4, b4)
    # global_mean_pool with batch=None -> mean over all nodes
    out = jnp.mean(h, axis=0, keepdims=True)
    return out

if __name__ == "__main__":
    import jax
    _d = setup_inputs()
    print(jax.jit(kernel)(*tuple(_d.values())))

</pallas_src>

<mosaic_0001>
#map = affine_map<(d0, d1) -> (0, 0)>
#map1 = affine_map<(d0, d1) -> (0, 0, 0)>
module attributes {stable_mosaic.version = 14 : i64} {
  func.func @prop(%arg0: i32, %arg1: i32, %arg2: memref<10240x128xf32, #tpu.memory_space<hbm>>, %arg3: memref<4096x2x80xi32, #tpu.memory_space<hbm>>, %arg4: memref<2x10240x128xf32, #tpu.memory_space<hbm>>, %arg5: memref<80xi32, #tpu.memory_space<vmem>>, %arg6: memref<80xi32, #tpu.memory_space<vmem>>, %arg7: memref<80xi32, #tpu.memory_space<vmem>>, %arg8: memref<80xi32, #tpu.memory_space<vmem>>, %arg9: memref<80xi32, #tpu.memory_space<vmem>>, %arg10: memref<80xi32, #tpu.memory_space<vmem>>, %arg11: memref<80xi32, #tpu.memory_space<vmem>>, %arg12: memref<80xi32, #tpu.memory_space<vmem>>, %arg13: memref<80x128xf32, #tpu.memory_space<vmem>>, %arg14: memref<80x128xf32, #tpu.memory_space<vmem>>, %arg15: memref<10240x128xf32, #tpu.memory_space<vmem_shared>>, %arg16: memref<!tpu.dma_semaphore, #tpu.memory_space<semaphore_mem>>, %arg17: memref<!tpu.dma_semaphore, #tpu.memory_space<semaphore_mem>>, %arg18: memref<!tpu.dma_semaphore, #tpu.memory_space<semaphore_mem>>, %arg19: memref<!tpu.dma_semaphore, #tpu.memory_space<semaphore_mem>>) attributes {dimension_semantics = [#tpu.dimension_semantics<core_parallel>, #tpu.dimension_semantics<subcore_parallel>], iteration_bounds = array<i64: 2, 16>, scalar_prefetch = 0 : i64, scratch_operands = 15 : i64, tpu.core_type = #tpu.core_type<sc_vector_subcore>, window_params = [{transform_indices = #map}, {transform_indices = #map1}, {transform_indices = #map1}]} {
    %mul3A = arith.constant 16 : i32
    %mul3A_0 = arith.muli %arg0, %mul3A : i32
    %add3A = arith.addi %mul3A_0, %arg1 : i32
    %mul3A_1 = arith.constant 128 : i32
    %mul3A_2 = arith.muli %add3A, %mul3A_1 : i32
    %dma_start3A = arith.constant 0 : i32
    %dma_start3A_3 = arith.constant 0 : i32
    %dma_start3A_4 = tpu.memref_slice %arg3[%mul3A_2, %dma_start3A, %dma_start3A_3] : memref<4096x2x80xi32, #tpu.memory_space<hbm>> -> memref<1x1x80xi32, #tpu.memory_space<hbm>>
    %dma_start3A_5 = tpu.memref_squeeze %dma_start3A_4 : memref<1x1x80xi32, #tpu.memory_space<hbm>> -> memref<80xi32, #tpu.memory_space<hbm>>
    %dma_start3A_6 = arith.constant 0 : i32
    %dma_start3A_7 = tpu.memref_slice %arg3[%mul3A_2, %dma_start3A, %dma_start3A_6] : memref<4096x2x80xi32, #tpu.memory_space<hbm>> -> memref<1x1x80xi32, #tpu.memory_space<hbm>>
    %dma_start3A_8 = tpu.memref_squeeze %dma_start3A_7 : memref<1x1x80xi32, #tpu.memory_space<hbm>> -> memref<80xi32, #tpu.memory_space<hbm>>
    tpu.enqueue_dma source(%dma_start3A_8 : memref<80xi32, #tpu.memory_space<hbm>>) target(%arg5 : memref<80xi32, #tpu.memory_space<vmem>>) target_semaphore(%arg19 : memref<!tpu.dma_semaphore, #tpu.memory_space<semaphore_mem>>)
    %dma_start3A_9 = arith.constant 1 : i32
    %dma_start3A_10 = arith.constant 0 : i32
    %dma_start3A_11 = tpu.memref_slice %arg3[%mul3A_2, %dma_start3A_9, %dma_start3A_10] : memref<4096x2x80xi32, #tpu.memory_space<hbm>> -> memref<1x1x80xi32, #tpu.memory_space<hbm>>
    %dma_start3A_12 = tpu.memref_squeeze %dma_start3A_11 : memref<1x1x80xi32, #tpu.memory_space<hbm>> -> memref<80xi32, #tpu.memory_space<hbm>>
    %dma_start3A_13 = arith.constant 0 : i32
    %dma_start3A_14 = tpu.memref_slice %arg3[%mul3A_2, %dma_start3A_9, %dma_start3A_13] : memref<4096x2x80xi32, #tpu.memory_space<hbm>> -> memref<1x1x80xi32, #tpu.memory_space<hbm>>
    %dma_start3A_15 = tpu.memref_squeeze %dma_start3A_14 : memref<1x1x80xi32, #tpu.memory_space<hbm>> -> memref<80xi32, #tpu.memory_space<hbm>>
    tpu.enqueue_dma source(%dma_start3A_15 : memref<80xi32, #tpu.memory_space<hbm>>) target(%arg9 : memref<80xi32, #tpu.memory_space<vmem>>) target_semaphore(%arg19 : memref<!tpu.dma_semaphore, #tpu.memory_space<semaphore_mem>>)
    %broadcast_in_dim3A = arith.constant 1.000000e+00 : f32
    %broadcast_in_dim3A_16 = vector.broadcast %broadcast_in_dim3A : f32 to vector<16xf32>
    %broadcast_in_dim3A_17 = arith.constant 0.000000e+00 : f32
    %broadcast_in_dim3A_18 = vector.broadcast %broadcast_in_dim3A_17 : f32 to vector<16xf32>
    "tpu.trace_start"() <{level = 10 : i32, message = "acc_zero"}> : () -> ()
    %scan3A = arith.constant 0 : i32
    %scan3A_19 = arith.constant 0 : i32
    %scan3A_20 = arith.constant 80 : i32
    %scan3A_21 = arith.addi %scan3A_19, %scan3A_20 : i32
    %scan3A_22 = arith.constant 1 : i32
    scf.for %scan3A_78 = %scan3A_19 to %scan3A_21 step %scan3A_22  : i32 {
      %swap3A = arith.index_cast %scan3A_78 : i32 to index
      %swap3A_79 = arith.constant 0 : index
      %swap3A_80 = tpu.vector_load %arg13[%swap3A, %swap3A_79] {strides = array<i32>} : memref<80x128xf32, #tpu.memory_space<vmem>>, vector<1x16xf32>,
      %swap3A_81 = vector.shape_cast %swap3A_80 : vector<1x16xf32> to vector<16xf32>
      %swap3A_82 = vector.shape_cast %broadcast_in_dim3A_18 : vector<16xf32> to vector<1x16xf32>
      tpu.vector_store %arg13[%swap3A, %swap3A_79], %swap3A_82 {strides = array<i32>} : memref<80x128xf32, #tpu.memory_space<vmem>>, vector<1x16xf32>,
      %swap3A_83 = arith.index_cast %scan3A_78 : i32 to index
      %swap3A_84 = arith.constant 16 : index
      %swap3A_85 = tpu.vector_load %arg13[%swap3A_83, %swap3A_84] {strides = array<i32>} : memref<80x128xf32, #tpu.memory_space<vmem>>, vector<1x16xf32>,
      %swap3A_86 = vector.shape_cast %swap3A_85 : vector<1x16xf32> to vector<16xf32>
      %swap3A_87 = vector.shape_cast %broadcast_in_dim3A_18 : vector<16xf32> to vector<1x16xf32>
      tpu.vector_store %arg13[%swap3A_83, %swap3A_84], %swap3A_87 {strides = array<i32>} : memref<80x128xf32, #tpu.memory_space<vmem>>, vector<1x16xf32>,
      %swap3A_88 = arith.index_cast %scan3A_78 : i32 to index
      %swap3A_89 = arith.constant 32 : index
      %swap3A_90 = tpu.vector_load %arg13[%swap3A_88, %swap3A_89] {strides = array<i32>} : memref<80x128xf32, #tpu.memory_space<vmem>>, vector<1x16xf32>,
      %swap3A_91 = vector.shape_cast %swap3A_90 : vector<1x16xf32> to vector<16xf32>
      %swap3A_92 = vector.shape_cast %broadcast_in_dim3A_18 : vector<16xf32> to vector<1x16xf32>
      tpu.vector_store %arg13[%swap3A_88, %swap3A_89], %swap3A_92 {strides = array<i32>} : memref<80x128xf32, #tpu.memory_space<vmem>>, vector<1x16xf32>,
      %swap3A_93 = arith.index_cast %scan3A_78 : i32 to index
      %swap3A_94 = arith.constant 48 : index
      %swap3A_95 = tpu.vector_load %arg13[%swap3A_93, %swap3A_94] {strides = array<i32>} : memref<80x128xf32, #tpu.memory_space<vmem>>, vector<1x16xf32>,
      %swap3A_96 = vector.shape_cast %swap3A_95 : vector<1x16xf32> to vector<16xf32>
      %swap3A_97 = vector.shape_cast %broadcast_in_dim3A_18 : vector<16xf32> to vector<1x16xf32>
      tpu.vector_store %arg13[%swap3A_93, %swap3A_94], %swap3A_97 {strides = array<i32>} : memref<80x128xf32, #tpu.memory_space<vmem>>, vector<1x16xf32>,
      %swap3A_98 = arith.index_cast %scan3A_78 : i32 to index
      %swap3A_99 = arith.constant 64 : index
      %swap3A_100 = tpu.vector_load %arg13[%swap3A_98, %swap3A_99] {strides = array<i32>} : memref<80x128xf32, #tpu.memory_space<vmem>>, vector<1x16xf32>,
      %swap3A_101 = vector.shape_cast %swap3A_100 : vector<1x16xf32> to vector<16xf32>
      %swap3A_102 = vector.shape_cast %broadcast_in_dim3A_18 : vector<16xf32> to vector<1x16xf32>
      tpu.vector_store %arg13[%swap3A_98, %swap3A_99], %swap3A_102 {strides = array<i32>} : memref<80x128xf32, #tpu.memory_space<vmem>>, vector<1x16xf32>,
      %swap3A_103 = arith.index_cast %scan3A_78 : i32 to index
      %swap3A_104 = arith.constant 80 : index
      %swap3A_105 = tpu.vector_load %arg13[%swap3A_103, %swap3A_104] {strides = array<i32>} : memref<80x128xf32, #tpu.memory_space<vmem>>, vector<1x16xf32>,
      %swap3A_106 = vector.shape_cast %swap3A_105 : vector<1x16xf32> to vector<16xf32>
      %swap3A_107 = vector.shape_cast %broadcast_in_dim3A_18 : vector<16xf32> to vector<1x16xf32>
      tpu.vector_store %arg13[%swap3A_103, %swap3A_104], %swap3A_107 {strides = array<i32>} : memref<80x128xf32, #tpu.memory_space<vmem>>, vector<1x16xf32>,
      %swap3A_108 = arith.index_cast %scan3A_78 : i32 to index
      %swap3A_109 = arith.constant 96 : index
      %swap3A_110 = tpu.vector_load %arg13[%swap3A_108, %swap3A_109] {strides = array<i32>} : memref<80x128xf32, #tpu.memory_space<vmem>>, vector<1x16xf32>,
      %swap3A_111 = vector.shape_cast %swap3A_110 : vector<1x16xf32> to vector<16xf32>
      %swap3A_112 = vector.shape_cast %broadcast_in_dim3A_18 : vector<16xf32> to vector<1x16xf32>
      tpu.vector_store %arg13[%swap3A_108, %swap3A_109], %swap3A_112 {strides = array<i32>} : memref<80x128xf32, #tpu.memory_space<vmem>>, vector<1x16xf32>,
      %swap3A_113 = arith.index_cast %scan3A_78 : i32 to index
      %swap3A_114 = arith.constant 112 : index
      %swap3A_115 = tpu.vector_load %arg13[%swap3A_113, %swap3A_114] {strides = array<i32>} : memref<80x128xf32, #tpu.memory_space<vmem>>, vector<1x16xf32>,
      %swap3A_116 = vector.shape_cast %swap3A_115 : vector<1x16xf32> to vector<16xf32>
      %swap3A_117 = vector.shape_cast %broadcast_in_dim3A_18 : vector<16xf32> to vector<1x16xf32>
      tpu.vector_store %arg13[%swap3A_113, %swap3A_114], %swap3A_117 {strides = array<i32>} : memref<80x128xf32, #tpu.memory_space<vmem>>, vector<1x16xf32>,
    }
    %scan3A_23 = arith.constant 80 : i32
    %mul3A_24 = arith.constant 640 : i32
    %mul3A_25 = arith.muli %arg1, %mul3A_24 : i32
    %add3A_26 = arith.constant 0 : i32
    %add3A_27 = arith.addi %mul3A_25, %add3A_26 : i32
    "tpu.region"() ({
      %run_scoped3A = tpu.sem_alloc : memref<!tpu.dma_semaphore, #tpu.memory_space<semaphore_mem>>
      %dma_start3A_78 = arith.constant 0 : i32
      %dma_start3A_79 = tpu.memref_slice %arg15[%add3A_27, %dma_start3A_78] : memref<10240x128xf32, #tpu.memory_space<vmem_shared>> -> memref<80x128xf32, #tpu.memory_space<vmem_shared>>
      %dma_start3A_80 = arith.constant 0 : i32
      %dma_start3A_81 = tpu.memref_slice %arg15[%add3A_27, %dma_start3A_80] : memref<10240x128xf32, #tpu.memory_space<vmem_shared>> -> memref<80x128xf32, #tpu.memory_space<vmem_shared>>
      tpu.enqueue_dma source(%arg13 : memref<80x128xf32, #tpu.memory_space<vmem>>) target(%dma_start3A_81 : memref<80x128xf32, #tpu.memory_space<vmem_shared>>) target_semaphore(%run_scoped3A : memref<!tpu.dma_semaphore, #tpu.memory_space<semaphore_mem>>)
      %dma_wait3A_82 = arith.constant 0 : i32
      %dma_wait3A_83 = tpu.memref_slice %arg15[%add3A_27, %dma_wait3A_82] : memref<10240x128xf32, #tpu.memory_space<vmem_shared>> -> memref<80x128xf32, #tpu.memory_space<vmem_shared>>
      %dma_wait3A_84 = arith.constant 0 : i32
      %dma_wait3A_85 = tpu.memref_slice %arg15[%add3A_27, %dma_wait3A_84] : memref<10240x128xf32, #tpu.memory_space<vmem_shared>> -> memref<80x128xf32, #tpu.memory_space<vmem_shared>>
      tpu.wait_dma2 semaphore(%run_scoped3A : memref<!tpu.dma_semaphore, #tpu.memory_space<semaphore_mem>>) src(%arg13 : memref<80x128xf32, #tpu.memory_space<vmem>>) dst(%dma_wait3A_85 : memref<80x128xf32, #tpu.memory_space<vmem_shared>>)
      tpu.yield
    }) : () -> ()
    %mul3A_28 = arith.constant 640 : i32
    %mul3A_29 = arith.muli %arg1, %mul3A_28 : i32
    %add3A_30 = arith.constant 80 : i32
    %add3A_31 = arith.addi %mul3A_29, %add3A_30 : i32
    "tpu.region"() ({
      %run_scoped3A = tpu.sem_alloc : memref<!tpu.dma_semaphore, #tpu.memory_space<semaphore_mem>>
      %dma_start3A_78 = arith.constant 0 : i32
      %dma_start3A_79 = tpu.memref_slice %arg15[%add3A_31, %dma_start3A_78] : memref<10240x128xf32, #tpu.memory_space<vmem_shared>> -> memref<80x128xf32, #tpu.memory_space<vmem_shared>>
      %dma_start3A_80 = arith.constant 0 : i32
      %dma_start3A_81 = tpu.memref_slice %arg15[%add3A_31, %dma_start3A_80] : memref<10240x128xf32, #tpu.memory_space<vmem_shared>> -> memref<80x128xf32, #tpu.memory_space<vmem_shared>>
      tpu.enqueue_dma source(%arg13 : memref<80x128xf32, #tpu.memory_space<vmem>>) target(%dma_start3A_81 : memref<80x128xf32, #tpu.memory_space<vmem_shared>>) target_semaphore(%run_scoped3A : memref<!tpu.dma_semaphore, #tpu.memory_space<semaphore_mem>>)
      %dma_wait3A_82 = arith.constant 0 : i32
      %dma_wait3A_83 = tpu.memref_slice %arg15[%add3A_31, %dma_wait3A_82] : memref<10240x128xf32, #tpu.memory_space<vmem_shared>> -> memref<80x128xf32, #tpu.memory_space<vmem_shared>>
      %dma_wait3A_84 = arith.constant 0 : i32
      %dma_wait3A_85 = tpu.memref_slice %arg15[%add3A_31, %dma_wait3A_84] : memref<10240x128xf32, #tpu.memory_space<vmem_shared>> -> memref<80x128xf32, #tpu.memory_space<vmem_shared>>
      tpu.wait_dma2 semaphore(%run_scoped3A : memref<!tpu.dma_semaphore, #tpu.memory_space<semaphore_mem>>) src(%arg13 : memref<80x128xf32, #tpu.memory_space<vmem>>) dst(%dma_wait3A_85 : memref<80x128xf32, #tpu.memory_space<vmem_shared>>)
      tpu.yield
    }) : () -> ()
    %mul3A_32 = arith.constant 640 : i32
    %mul3A_33 = arith.muli %arg1, %mul3A_32 : i32
    %add3A_34 = arith.constant 160 : i32
    %add3A_35 = arith.addi %mul3A_33, %add3A_34 : i32
    "tpu.region"() ({
      %run_scoped3A = tpu.sem_alloc : memref<!tpu.dma_semaphore, #tpu.memory_space<semaphore_mem>>
      %dma_start3A_78 = arith.constant 0 : i32
      %dma_start3A_79 = tpu.memref_slice %arg15[%add3A_35, %dma_start3A_78] : memref<10240x128xf32, #tpu.memory_space<vmem_shared>> -> memref<80x128xf32, #tpu.memory_space<vmem_shared>>
      %dma_start3A_80 = arith.constant 0 : i32
      %dma_start3A_81 = tpu.memref_slice %arg15[%add3A_35, %dma_start3A_80] : memref<10240x128xf32, #tpu.memory_space<vmem_shared>> -> memref<80x128xf32, #tpu.memory_space<vmem_shared>>
      tpu.enqueue_dma source(%arg13 : memref<80x128xf32, #tpu.memory_space<vmem>>) target(%dma_start3A_81 : memref<80x128xf32, #tpu.memory_space<vmem_shared>>) target_semaphore(%run_scoped3A : memref<!tpu.dma_semaphore, #tpu.memory_space<semaphore_mem>>)
      %dma_wait3A_82 = arith.constant 0 : i32
      %dma_wait3A_83 = tpu.memref_slice %arg15[%add3A_35, %dma_wait3A_82] : memref<10240x128xf32, #tpu.memory_space<vmem_shared>> -> memref<80x128xf32, #tpu.memory_space<vmem_shared>>
      %dma_wait3A_84 = arith.constant 0 : i32
      %dma_wait3A_85 = tpu.memref_slice %arg15[%add3A_35, %dma_wait3A_84] : memref<10240x128xf32, #tpu.memory_space<vmem_shared>> -> memref<80x128xf32, #tpu.memory_space<vmem_shared>>
      tpu.wait_dma2 semaphore(%run_scoped3A : memref<!tpu.dma_semaphore, #tpu.memory_space<semaphore_mem>>) src(%arg13 : memref<80x128xf32, #tpu.memory_space<vmem>>) dst(%dma_wait3A_85 : memref<80x128xf32, #tpu.memory_space<vmem_shared>>)
      tpu.yield
    }) : () -> ()
    %mul3A_36 = arith.constant 640 : i32
    %mul3A_37 = arith.muli %arg1, %mul3A_36 : i32
    %add3A_38 = arith.constant 240 : i32
    %add3A_39 = arith.addi %mul3A_37, %add3A_38 : i32
    "tpu.region"() ({
      %run_scoped3A = tpu.sem_alloc : memref<!tpu.dma_semaphore, #tpu.memory_space<semaphore_mem>>
      %dma_start3A_78 = arith.constant 0 : i32
      %dma_start3A_79 = tpu.memref_slice %arg15[%add3A_39, %dma_start3A_78] : memref<10240x128xf32, #tpu.memory_space<vmem_shared>> -> memref<80x128xf32, #tpu.memory_space<vmem_shared>>
      %dma_start3A_80 = arith.constant 0 : i32
      %dma_start3A_81 = tpu.memref_slice %arg15[%add3A_39, %dma_start3A_80] : memref<10240x128xf32, #tpu.memory_space<vmem_shared>> -> memref<80x128xf32, #tpu.memory_space<vmem_shared>>
      tpu.enqueue_dma source(%arg13 : memref<80x128xf32, #tpu.memory_space<vmem>>) target(%dma_start3A_81 : memref<80x128xf32, #tpu.memory_space<vmem_shared>>) target_semaphore(%run_scoped3A : memref<!tpu.dma_semaphore, #tpu.memory_space<semaphore_mem>>)
      %dma_wait3A_82 = arith.constant 0 : i32
      %dma_wait3A_83 = tpu.memref_slice %arg15[%add3A_39, %dma_wait3A_82] : memref<10240x128xf32, #tpu.memory_space<vmem_shared>> -> memref<80x128xf32, #tpu.memory_space<vmem_shared>>
      %dma_wait3A_84 = arith.constant 0 : i32
      %dma_wait3A_85 = tpu.memref_slice %arg15[%add3A_39, %dma_wait3A_84] : memref<10240x128xf32, #tpu.memory_space<vmem_shared>> -> memref<80x128xf32, #tpu.memory_space<vmem_shared>>
      tpu.wait_dma2 semaphore(%run_scoped3A : memref<!tpu.dma_semaphore, #tpu.memory_space<semaphore_mem>>) src(%arg13 : memref<80x128xf32, #tpu.memory_space<vmem>>) dst(%dma_wait3A_85 : memref<80x128xf32, #tpu.memory_space<vmem_shared>>)
      tpu.yield
    }) : () -> ()
    %mul3A_40 = arith.constant 640 : i32
    %mul3A_41 = arith.muli %arg1, %mul3A_40 : i32
    %add3A_42 = arith.constant 320 : i32
    %add3A_43 = arith.addi %mul3A_41, %add3A_42 : i32
    "tpu.region"() ({
      %run_scoped3A = tpu.sem_alloc : memref<!tpu.dma_semaphore, #tpu.memory_space<semaphore_mem>>
      %dma_start3A_78 = arith.constant 0 : i32
      %dma_start3A_79 = tpu.memref_slice %arg15[%add3A_43, %dma_start3A_78] : memref<10240x128xf32, #tpu.memory_space<vmem_shared>> -> memref<80x128xf32, #tpu.memory_space<vmem_shared>>
      %dma_start3A_80 = arith.constant 0 : i32
      %dma_start3A_81 = tpu.memref_slice %arg15[%add3A_43, %dma_start3A_80] : memref<10240x128xf32, #tpu.memory_space<vmem_shared>> -> memref<80x128xf32, #tpu.memory_space<vmem_shared>>
      tpu.enqueue_dma source(%arg13 : memref<80x128xf32, #tpu.memory_space<vmem>>) target(%dma_start3A_81 : memref<80x128xf32, #tpu.memory_space<vmem_shared>>) target_semaphore(%run_scoped3A : memref<!tpu.dma_semaphore, #tpu.memory_space<semaphore_mem>>)
      %dma_wait3A_82 = arith.constant 0 : i32
      %dma_wait3A_83 = tpu.memref_slice %arg15[%add3A_43, %dma_wait3A_82] : memref<10240x128xf32, #tpu.memory_space<vmem_shared>> -> memref<80x128xf32, #tpu.memory_space<vmem_shared>>
      %dma_wait3A_84 = arith.constant 0 : i32
      %dma_wait3A_85 = tpu.memref_slice %arg15[%add3A_43, %dma_wait3A_84] : memref<10240x128xf32, #tpu.memory_space<vmem_shared>> -> memref<80x128xf32, #tpu.memory_space<vmem_shared>>
      tpu.wait_dma2 semaphore(%run_scoped3A : memref<!tpu.dma_semaphore, #tpu.memory_space<semaphore_mem>>) src(%arg13 : memref<80x128xf32, #tpu.memory_space<vmem>>) dst(%dma_wait3A_85 : memref<80x128xf32, #tpu.memory_space<vmem_shared>>)
      tpu.yield
    }) : () -> ()
    %mul3A_44 = arith.constant 640 : i32
    %mul3A_45 = arith.muli %arg1, %mul3A_44 : i32
    %add3A_46 = arith.constant 400 : i32
    %add3A_47 = arith.addi %mul3A_45, %add3A_46 : i32
    "tpu.region"() ({
      %run_scoped3A = tpu.sem_alloc : memref<!tpu.dma_semaphore, #tpu.memory_space<semaphore_mem>>
      %dma_start3A_78 = arith.constant 0 : i32
      %dma_start3A_79 = tpu.memref_slice %arg15[%add3A_47, %dma_start3A_78] : memref<10240x128xf32, #tpu.memory_space<vmem_shared>> -> memref<80x128xf32, #tpu.memory_space<vmem_shared>>
      %dma_start3A_80 = arith.constant 0 : i32
      %dma_start3A_81 = tpu.memref_slice %arg15[%add3A_47, %dma_start3A_80] : memref<10240x128xf32, #tpu.memory_space<vmem_shared>> -> memref<80x128xf32, #tpu.memory_space<vmem_shared>>
      tpu.enqueue_dma source(%arg13 : memref<80x128xf32, #tpu.memory_space<vmem>>) target(%dma_start3A_81 : memref<80x128xf32, #tpu.memory_space<vmem_shared>>) target_semaphore(%run_scoped3A : memref<!tpu.dma_semaphore, #tpu.memory_space<semaphore_mem>>)
      %dma_wait3A_82 = arith.constant 0 : i32
      %dma_wait3A_83 = tpu.memref_slice %arg15[%add3A_47, %dma_wait3A_82] : memref<10240x128xf32, #tpu.memory_space<vmem_shared>> -> memref<80x128xf32, #tpu.memory_space<vmem_shared>>
      %dma_wait3A_84 = arith.constant 0 : i32
      %dma_wait3A_85 = tpu.memref_slice %arg15[%add3A_47, %dma_wait3A_84] : memref<10240x128xf32, #tpu.memory_space<vmem_shared>> -> memref<80x128xf32, #tpu.memory_space<vmem_shared>>
      tpu.wait_dma2 semaphore(%run_scoped3A : memref<!tpu.dma_semaphore, #tpu.memory_space<semaphore_mem>>) src(%arg13 : memref<80x128xf32, #tpu.memory_space<vmem>>) dst(%dma_wait3A_85 : memref<80x128xf32, #tpu.memory_space<vmem_shared>>)
      tpu.yield
    }) : () -> ()
    %mul3A_48 = arith.constant 640 : i32
    %mul3A_49 = arith.muli %arg1, %mul3A_48 : i32
    %add3A_50 = arith.constant 480 : i32
    %add3A_51 = arith.addi %mul3A_49, %add3A_50 : i32
    "tpu.region"() ({
      %run_scoped3A = tpu.sem_alloc : memref<!tpu.dma_semaphore, #tpu.memory_space<semaphore_mem>>
      %dma_start3A_78 = arith.constant 0 : i32
      %dma_start3A_79 = tpu.memref_slice %arg15[%add3A_51, %dma_start3A_78] : memref<10240x128xf32, #tpu.memory_space<vmem_shared>> -> memref<80x128xf32, #tpu.memory_space<vmem_shared>>
      %dma_start3A_80 = arith.constant 0 : i32
      %dma_start3A_81 = tpu.memref_slice %arg15[%add3A_51, %dma_start3A_80] : memref<10240x128xf32, #tpu.memory_space<vmem_shared>> -> memref<80x128xf32, #tpu.memory_space<vmem_shared>>
      tpu.enqueue_dma source(%arg13 : memref<80x128xf32, #tpu.memory_space<vmem>>) target(%dma_start3A_81 : memref<80x128xf32, #tpu.memory_space<vmem_shared>>) target_semaphore(%run_scoped3A : memref<!tpu.dma_semaphore, #tpu.memory_space<semaphore_mem>>)
      %dma_wait3A_82 = arith.constant 0 : i32
      %dma_wait3A_83 = tpu.memref_slice %arg15[%add3A_51, %dma_wait3A_82] : memref<10240x128xf32, #tpu.memory_space<vmem_shared>> -> memref<80x128xf32, #tpu.memory_space<vmem_shared>>
      %dma_wait3A_84 = arith.constant 0 : i32
      %dma_wait3A_85 = tpu.memref_slice %arg15[%add3A_51, %dma_wait3A_84] : memref<10240x128xf32, #tpu.memory_space<vmem_shared>> -> memref<80x128xf32, #tpu.memory_space<vmem_shared>>
      tpu.wait_dma2 semaphore(%run_scoped3A : memref<!tpu.dma_semaphore, #tpu.memory_space<semaphore_mem>>) src(%arg13 : memref<80x128xf32, #tpu.memory_space<vmem>>) dst(%dma_wait3A_85 : memref<80x128xf32, #tpu.memory_space<vmem_shared>>)
      tpu.yield
    }) : () -> ()
    %mul3A_52 = arith.constant 640 : i32
    %mul3A_53 = arith.muli %arg1, %mul3A_52 : i32
    %add3A_54 = arith.constant 560 : i32
    %add3A_55 = arith.addi %mul3A_53, %add3A_54 : i32
    "tpu.region"() ({
      %run_scoped3A = tpu.sem_alloc : memref<!tpu.dma_semaphore, #tpu.memory_space<semaphore_mem>>
      %dma_start3A_78 = arith.constant 0 : i32
      %dma_start3A_79 = tpu.memref_slice %arg15[%add3A_55, %dma_start3A_78] : memref<10240x128xf32, #tpu.memory_space<vmem_shared>> -> memref<80x128xf32, #tpu.memory_space<vmem_shared>>
      %dma_start3A_80 = arith.constant 0 : i32
      %dma_start3A_81 = tpu.memref_slice %arg15[%add3A_55, %dma_start3A_80] : memref<10240x128xf32, #tpu.memory_space<vmem_shared>> -> memref<80x128xf32, #tpu.memory_space<vmem_shared>>
      tpu.enqueue_dma source(%arg13 : memref<80x128xf32, #tpu.memory_space<vmem>>) target(%dma_start3A_81 : memref<80x128xf32, #tpu.memory_space<vmem_shared>>) target_semaphore(%run_scoped3A : memref<!tpu.dma_semaphore, #tpu.memory_space<semaphore_mem>>)
      %dma_wait3A_82 = arith.constant 0 : i32
      %dma_wait3A_83 = tpu.memref_slice %arg15[%add3A_55, %dma_wait3A_82] : memref<10240x128xf32, #tpu.memory_space<vmem_shared>> -> memref<80x128xf32, #tpu.memory_space<vmem_shared>>
      %dma_wait3A_84 = arith.constant 0 : i32
      %dma_wait3A_85 = tpu.memref_slice %arg15[%add3A_55, %dma_wait3A_84] : memref<10240x128xf32, #tpu.memory_space<vmem_shared>> -> memref<80x128xf32, #tpu.memory_space<vmem_shared>>
      tpu.wait_dma2 semaphore(%run_scoped3A : memref<!tpu.dma_semaphore, #tpu.memory_space<semaphore_mem>>) src(%arg13 : memref<80x128xf32, #tpu.memory_space<vmem>>) dst(%dma_wait3A_85 : memref<80x128xf32, #tpu.memory_space<vmem_shared>>)
      tpu.yield
    }) : () -> ()
    %scan3A_56 = arith.constant 0 : i32
    %scan3A_57 = arith.constant 0 : i32
    %scan3A_58 = arith.constant 80 : i32
    %scan3A_59 = arith.addi %scan3A_57, %scan3A_58 : i32
    %scan3A_60 = arith.constant 1 : i32
    scf.for %scan3A_78 = %scan3A_57 to %scan3A_59 step %scan3A_60  : i32 {
      %swap3A = arith.index_cast %scan3A_78 : i32 to index
      %swap3A_79 = arith.constant 0 : index
      %swap3A_80 = tpu.vector_load %arg13[%swap3A, %swap3A_79] {strides = array<i32>} : memref<80x128xf32, #tpu.memory_space<vmem>>, vector<1x16xf32>,
      %swap3A_81 = vector.shape_cast %swap3A_80 : vector<1x16xf32> to vector<16xf32>
      %swap3A_82 = vector.shape_cast %broadcast_in_dim3A_16 : vector<16xf32> to vector<1x16xf32>
      tpu.vector_store %arg13[%swap3A, %swap3A_79], %swap3A_82 {strides = array<i32>} : memref<80x128xf32, #tpu.memory_space<vmem>>, vector<1x16xf32>,
      %swap3A_83 = arith.index_cast %scan3A_78 : i32 to index
      %swap3A_84 = arith.constant 0 : index
      %swap3A_85 = tpu.vector_load %arg14[%swap3A_83, %swap3A_84] {strides = array<i32>} : memref<80x128xf32, #tpu.memory_space<vmem>>, vector<1x16xf32>,
      %swap3A_86 = vector.shape_cast %swap3A_85 : vector<1x16xf32> to vector<16xf32>
      %swap3A_87 = vector.shape_cast %broadcast_in_dim3A_16 : vector<16xf32> to vector<1x16xf32>
      tpu.vector_store %arg14[%swap3A_83, %swap3A_84], %swap3A_87 {strides = array<i32>} : memref<80x128xf32, #tpu.memory_space<vmem>>, vector<1x16xf32>,
      %swap3A_88 = arith.index_cast %scan3A_78 : i32 to index
      %swap3A_89 = arith.constant 16 : index
      %swap3A_90 = tpu.vector_load %arg13[%swap3A_88, %swap3A_89] {strides = array<i32>} : memref<80x128xf32, #tpu.memory_space<vmem>>, vector<1x16xf32>,
      %swap3A_91 = vector.shape_cast %swap3A_90 : vector<1x16xf32> to vector<16xf32>
      %swap3A_92 = vector.shape_cast %broadcast_in_dim3A_16 : vector<16xf32> to vector<1x16xf32>
      tpu.vector_store %arg13[%swap3A_88, %swap3A_89], %swap3A_92 {strides = array<i32>} : memref<80x128xf32, #tpu.memory_space<vmem>>, vector<1x16xf32>,
      %swap3A_93 = arith.index_cast %scan3A_78 : i32 to index
      %swap3A_94 = arith.constant 16 : index
      %swap3A_95 = tpu.vector_load %arg14[%swap3A_93, %swap3A_94] {strides = array<i32>} : memref<80x128xf32, #tpu.memory_space<vmem>>, vector<1x16xf32>,
      %swap3A_96 = vector.shape_cast %swap3A_95 : vector<1x16xf32> to vector<16xf32>
      %swap3A_97 = vector.shape_cast %broadcast_in_dim3A_16 : vector<16xf32> to vector<1x16xf32>
      tpu.vector_store %arg14[%swap3A_93, %swap3A_94], %swap3A_97 {strides = array<i32>} : memref<80x128xf32, #tpu.memory_space<vmem>>, vector<1x16xf32>,
      %swap3A_98 = arith.index_cast %scan3A_78 : i32 to index
      %swap3A_99 = arith.constant 32 : index
      %swap3A_100 = tpu.vector_load %arg13[%swap3A_98, %swap3A_99] {strides = array<i32>} : memref<80x128xf32, #tpu.memory_space<vmem>>, vector<1x16xf32>,
      %swap3A_101 = vector.shape_cast %swap3A_100 : vector<1x16xf32> to vector<16xf32>
      %swap3A_102 = vector.shape_cast %broadcast_in_dim3A_16 : vector<16xf32> to vector<1x16xf32>
      tpu.vector_store %arg13[%swap3A_98, %swap3A_99], %swap3A_102 {strides = array<i32>} : memref<80x128xf32, #tpu.memory_space<vmem>>, vector<1x16xf32>,
      %swap3A_103 = arith.index_cast %scan3A_78 : i32 to index
      %swap3A_104 = arith.constant 32 : index
      %swap3A_105 = tpu.vector_load %arg14[%swap3A_103, %swap3A_104] {strides = array<i32>} : memref<80x128xf32, #tpu.memory_space<vmem>>, vector<1x16xf32>,
      %swap3A_106 = vector.shape_cast %swap3A_105 : vector<1x16xf32> to vector<16xf32>
      %swap3A_107 = vector.shape_cast %broadcast_in_dim3A_16 : vector<16xf32> to vector<1x16xf32>
      tpu.vector_store %arg14[%swap3A_103, %swap3A_104], %swap3A_107 {strides = array<i32>} : memref<80x128xf32, #tpu.memory_space<vmem>>, vector<1x16xf32>,
      %swap3A_108 = arith.index_cast %scan3A_78 : i32 to index
      %swap3A_109 = arith.constant 48 : index
      %swap3A_110 = tpu.vector_load %arg13[%swap3A_108, %swap3A_109] {strides = array<i32>} : memref<80x128xf32, #tpu.memory_space<vmem>>, vector<1x16xf32>,
      %swap3A_111 = vector.shape_cast %swap3A_110 : vector<1x16xf32> to vector<16xf32>
      %swap3A_112 = vector.shape_cast %broadcast_in_dim3A_16 : vector<16xf32> to vector<1x16xf32>
      tpu.vector_store %arg13[%swap3A_108, %swap3A_109], %swap3A_112 {strides = array<i32>} : memref<80x128xf32, #tpu.memory_space<vmem>>, vector<1x16xf32>,
      %swap3A_113 = arith.index_cast %scan3A_78 : i32 to index
      %swap3A_114 = arith.constant 48 : index
      %swap3A_115 = tpu.vector_load %arg14[%swap3A_113, %swap3A_114] {strides = array<i32>} : memref<80x128xf32, #tpu.memory_space<vmem>>, vector<1x16xf32>,
      %swap3A_116 = vector.shape_cast %swap3A_115 : vector<1x16xf32> to vector<16xf32>
      %swap3A_117 = vector.shape_cast %broadcast_in_dim3A_16 : vector<16xf32> to vector<1x16xf32>
      tpu.vector_store %arg14[%swap3A_113, %swap3A_114], %swap3A_117 {strides = array<i32>} : memref<80x128xf32, #tpu.memory_space<vmem>>, vector<1x16xf32>,
      %swap3A_118 = arith.index_cast %scan3A_78 : i32 to index
      %swap3A_119 = arith.constant 64 : index
      %swap3A_120 = tpu.vector_load %arg13[%swap3A_118, %swap3A_119] {strides = array<i32>} : memref<80x128xf32, #tpu.memory_space<vmem>>, vector<1x16xf32>,
      %swap3A_121 = vector.shape_cast %swap3A_120 : vector<1x16xf32> to vector<16xf32>
      %swap3A_122 = vector.shape_cast %broadcast_in_dim3A_16 : vector<16xf32> to vector<1x16xf32>
      tpu.vector_store %arg13[%swap3A_118, %swap3A_119], %swap3A_122 {strides = array<i32>} : memref<80x128xf32, #tpu.memory_space<vmem>>, vector<1x16xf32>,
      %swap3A_123 = arith.index_cast %scan3A_78 : i32 to index
      %swap3A_124 = arith.constant 64 : index
      %swap3A_125 = tpu.vector_load %arg14[%swap3A_123, %swap3A_124] {strides = array<i32>} : memref<80x128xf32, #tpu.memory_space<vmem>>, vector<1x16xf32>,
      %swap3A_126 = vector.shape_cast %swap3A_125 : vector<1x16xf32> to vector<16xf32>
      %swap3A_127 = vector.shape_cast %broadcast_in_dim3A_16 : vector<16xf32> to vector<1x16xf32>
      tpu.vector_store %arg14[%swap3A_123, %swap3A_124], %swap3A_127 {strides = array<i32>} : memref<80x128xf32, #tpu.memory_space<vmem>>, vector<1x16xf32>,
      %swap3A_128 = arith.index_cast %scan3A_78 : i32 to index
      %swap3A_129 = arith.constant 80 : index
      %swap3A_130 = tpu.vector_load %arg13[%swap3A_128, %swap3A_129] {strides = array<i32>} : memref<80x128xf32, #tpu.memory_space<vmem>>, vector<1x16xf32>,
      %swap3A_131 = vector.shape_cast %swap3A_130 : vector<1x16xf32> to vector<16xf32>
      %swap3A_132 = vector.shape_cast %broadcast_in_dim3A_16 : vector<16xf32> to vector<1x16xf32>
      tpu.vector_store %arg13[%swap3A_128, %swap3A_129], %swap3A_132 {strides = array<i32>} : memref<80x128xf32, #tpu.memory_space<vmem>>, vector<1x16xf32>,
      %swap3A_133 = arith.index_cast %scan3A_78 : i32 to index
      %swap3A_134 = arith.constant 80 : index
      %swap3A_135 = tpu.vector_load %arg14[%swap3A_133, %swap3A_134] {strides = array<i32>} : memref<80x128xf32, #tpu.memory_space<vmem>>, vector<1x16xf32>,
      %swap3A_136 = vector.shape_cast %swap3A_135 : vector<1x16xf32> to vector<16xf32>
      %swap3A_137 = vector.shape_cast %broadcast_in_dim3A_16 : vector<16xf32> to vector<1x16xf32>
      tpu.vector_store %arg14[%swap3A_133, %swap3A_134], %swap3A_137 {strides = array<i32>} : memref<80x128xf32, #tpu.memory_space<vmem>>, vector<1x16xf32>,
      %swap3A_138 = arith.index_cast %scan3A_78 : i32 to index
      %swap3A_139 = arith.constant 96 : index
      %swap3A_140 = tpu.vector_load %arg13[%swap3A_138, %swap3A_139] {strides = array<i32>} : memref<80x128xf32, #tpu.memory_space<vmem>>, vector<1x16xf32>,
      %swap3A_141 = vector.shape_cast %swap3A_140 : vector<1x16xf32> to vector<16xf32>
      %swap3A_142 = vector.shape_cast %broadcast_in_dim3A_16 : vector<16xf32> to vector<1x16xf32>
      tpu.vector_store %arg13[%swap3A_138, %swap3A_139], %swap3A_142 {strides = array<i32>} : memref<80x128xf32, #tpu.memory_space<vmem>>, vector<1x16xf32>,
      %swap3A_143 = arith.index_cast %scan3A_78 : i32 to index
      %swap3A_144 = arith.constant 96 : index
      %swap3A_145 = tpu.vector_load %arg14[%swap3A_143, %swap3A_144] {strides = array<i32>} : memref<80x128xf32, #tpu.memory_space<vmem>>, vector<1x16xf32>,
      %swap3A_146 = vector.shape_cast %swap3A_145 : vector<1x16xf32> to vector<16xf32>
      %swap3A_147 = vector.shape_cast %broadcast_in_dim3A_16 : vector<16xf32> to vector<1x16xf32>
      tpu.vector_store %arg14[%swap3A_143, %swap3A_144], %swap3A_147 {strides = array<i32>} : memref<80x128xf32, #tpu.memory_space<vmem>>, vector<1x16xf32>,
      %swap3A_148 = arith.index_cast %scan3A_78 : i32 to index
      %swap3A_149 = arith.constant 112 : index
      %swap3A_150 = tpu.vector_load %arg13[%swap3A_148, %swap3A_149] {strides = array<i32>} : memref<80x128xf32, #tpu.memory_space<vmem>>, vector<1x16xf32>,
      %swap3A_151 = vector.shape_cast %swap3A_150 : vector<1x16xf32> to vector<16xf32>
      %swap3A_152 = vector.shape_cast %broadcast_in_dim3A_16 : vector<16xf32> to vector<1x16xf32>
      tpu.vector_store %arg13[%swap3A_148, %swap3A_149], %swap3A_152 {strides = array<i32>} : memref<80x128xf32, #tpu.memory_space<vmem>>, vector<1x16xf32>,
      %swap3A_153 = arith.index_cast %scan3A_78 : i32 to index
      %swap3A_154 = arith.constant 112 : index
      %swap3A_155 = tpu.vector_load %arg14[%swap3A_153, %swap3A_154] {strides = array<i32>} : memref<80x128xf32, #tpu.memory_space<vmem>>, vector<1x16xf32>,
      %swap3A_156 = vector.shape_cast %swap3A_155 : vector<1x16xf32> to vector<16xf32>
      %swap3A_157 = vector.shape_cast %broadcast_in_dim3A_16 : vector<16xf32> to vector<1x16xf32>
      tpu.vector_store %arg14[%swap3A_153, %swap3A_154], %swap3A_157 {strides = array<i32>} : memref<80x128xf32, #tpu.memory_space<vmem>>, vector<1x16xf32>,
    }
    %scan3A_61 = arith.constant 80 : i32
    %barrier3A = arith.constant 0 : index
    tpu.barrier barrier_id(%barrier3A)
    "tpu.trace_stop"() : () -> ()
    "tpu.trace_start"() <{level = 10 : i32, message = "edge_loop"}> : () -> ()
    %scan3A_62 = arith.constant 0 : i32
    %scan3A_63 = arith.constant 0 : i32
    %scan3A_64 = arith.constant 32 : i32
    %scan3A_65 = arith.addi %scan3A_63, %scan3A_64 : i32
    %scan3A_66 = arith.constant 1 : i32
    scf.for %scan3A_78 = %scan3A_63 to %scan3A_65 step %scan3A_66  : i32 {
      %mul3A_79 = arith.constant 4 : i32
      %mul3A_80 = arith.muli %scan3A_78, %mul3A_79 : i32
      %add3A_81 = arith.constant 0 : i32
      %add3A_82 = arith.addi %mul3A_80, %add3A_81 : i32
      %add3A_83 = arith.addi %mul3A_2, %add3A_82 : i32
      %dma_wait3A_84 = arith.constant 0 : i32
      %dma_wait3A_85 = arith.constant 0 : i32
      %dma_wait3A_86 = tpu.memref_slice %arg3[%add3A_83, %dma_wait3A_84, %dma_wait3A_85] : memref<4096x2x80xi32, #tpu.memory_space<hbm>> -> memref<1x1x80xi32, #tpu.memory_space<hbm>>
      %dma_wait3A_87 = tpu.memref_squeeze %dma_wait3A_86 : memref<1x1x80xi32, #tpu.memory_space<hbm>> -> memref<80xi32, #tpu.memory_space<hbm>>
      %dma_wait3A_88 = arith.constant 0 : i32
      %dma_wait3A_89 = tpu.memref_slice %arg3[%add3A_83, %dma_wait3A_84, %dma_wait3A_88] : memref<4096x2x80xi32, #tpu.memory_space<hbm>> -> memref<1x1x80xi32, #tpu.memory_space<hbm>>
      %dma_wait3A_90 = tpu.memref_squeeze %dma_wait3A_89 : memref<1x1x80xi32, #tpu.memory_space<hbm>> -> memref<80xi32, #tpu.memory_space<hbm>>
      tpu.wait_dma2 semaphore(%arg19 : memref<!tpu.dma_semaphore, #tpu.memory_space<semaphore_mem>>) src(%dma_wait3A_90 : memref<80xi32, #tpu.memory_space<hbm>>) dst(%arg5 : memref<80xi32, #tpu.memory_space<vmem>>)
      %add3A_91 = arith.addi %mul3A_2, %add3A_82 : i32
      %dma_wait3A_92 = arith.constant 1 : i32
      %dma_wait3A_93 = arith.constant 0 : i32
      %dma_wait3A_94 = tpu.memref_slice %arg3[%add3A_91, %dma_wait3A_92, %dma_wait3A_93] : memref<4096x2x80xi32, #tpu.memory_space<hbm>> -> memref<1x1x80xi32, #tpu.memory_space<hbm>>
      %dma_wait3A_95 = tpu.memref_squeeze %dma_wait3A_94 : memref<1x1x80xi32, #tpu.memory_space<hbm>> -> memref<80xi32, #tpu.memory_space<hbm>>
      %dma_wait3A_96 = arith.constant 0 : i32
      %dma_wait3A_97 = tpu.memref_slice %arg3[%add3A_91, %dma_wait3A_92, %dma_wait3A_96] : memref<4096x2x80xi32, #tpu.memory_space<hbm>> -> memref<1x1x80xi32, #tpu.memory_space<hbm>>
      %dma_wait3A_98 = tpu.memref_squeeze %dma_wait3A_97 : memref<1x1x80xi32, #tpu.memory_space<hbm>> -> memref<80xi32, #tpu.memory_space<hbm>>
      tpu.wait_dma2 semaphore(%arg19 : memref<!tpu.dma_semaphore, #tpu.memory_space<semaphore_mem>>) src(%dma_wait3A_98 : memref<80xi32, #tpu.memory_space<hbm>>) dst(%arg9 : memref<80xi32, #tpu.memory_space<vmem>>)
      %add3A_99 = arith.constant 1 : i32
      %add3A_100 = arith.addi %add3A_82, %add3A_99 : i32
      %lt3A = arith.constant 128 : i32
      %lt3A_101 = arith.cmpi slt, %add3A_100, %lt3A : i32
      %convert_element_type3A = arith.extui %lt3A_101 : i1 to i32
      %cond3A = arith.constant 0 : i32
      %cond3A_102 = arith.cmpi ne, %convert_element_type3A, %cond3A : i32
      scf.if %cond3A_102 {
        %add3A_215 = arith.addi %mul3A_2, %add3A_82 : i32
        %add3A_216 = arith.constant 1 : i32
        %add3A_217 = arith.addi %add3A_215, %add3A_216 : i32
        %dma_start3A_218 = arith.constant 0 : i32
        %dma_start3A_219 = arith.constant 0 : i32
        %dma_start3A_220 = tpu.memref_slice %arg3[%add3A_217, %dma_start3A_218, %dma_start3A_219] : memref<4096x2x80xi32, #tpu.memory_space<hbm>> -> memref<1x1x80xi32, #tpu.memory_space<hbm>>
        %dma_start3A_221 = tpu.memref_squeeze %dma_start3A_220 : memref<1x1x80xi32, #tpu.memory_space<hbm>> -> memref<80xi32, #tpu.memory_space<hbm>>
        %dma_start3A_222 = arith.constant 0 : i32
        %dma_start3A_223 = tpu.memref_slice %arg3[%add3A_217, %dma_start3A_218, %dma_start3A_222] : memref<4096x2x80xi32, #tpu.memory_space<hbm>> -> memref<1x1x80xi32, #tpu.memory_space<hbm>>
        %dma_start3A_224 = tpu.memref_squeeze %dma_start3A_223 : memref<1x1x80xi32, #tpu.memory_space<hbm>> -> memref<80xi32, #tpu.memory_space<hbm>>
        tpu.enqueue_dma source(%dma_start3A_224 : memref<80xi32, #tpu.memory_space<hbm>>) target(%arg6 : memref<80xi32, #tpu.memory_space<vmem>>) target_semaphore(%arg19 : memref<!tpu.dma_semaphore, #tpu.memory_space<semaphore_mem>>)
        %add3A_225 = arith.addi %mul3A_2, %add3A_82 : i32
        %add3A_226 = arith.constant 1 : i32
        %add3A_227 = arith.addi %add3A_225, %add3A_226 : i32
        %dma_start3A_228 = arith.constant 1 : i32
        %dma_start3A_229 = arith.constant 0 : i32
        %dma_start3A_230 = tpu.memref_slice %arg3[%add3A_227, %dma_start3A_228, %dma_start3A_229] : memref<4096x2x80xi32, #tpu.memory_space<hbm>> -> memref<1x1x80xi32, #tpu.memory_space<hbm>>
        %dma_start3A_231 = tpu.memref_squeeze %dma_start3A_230 : memref<1x1x80xi32, #tpu.memory_space<hbm>> -> memref<80xi32, #tpu.memory_space<hbm>>
        %dma_start3A_232 = arith.constant 0 : i32
        %dma_start3A_233 = tpu.memref_slice %arg3[%add3A_227, %dma_start3A_228, %dma_start3A_232] : memref<4096x2x80xi32, #tpu.memory_space<hbm>> -> memref<1x1x80xi32, #tpu.memory_space<hbm>>
        %dma_start3A_234 = tpu.memref_squeeze %dma_start3A_233 : memref<1x1x80xi32, #tpu.memory_space<hbm>> -> memref<80xi32, #tpu.memory_space<hbm>>
        tpu.enqueue_dma source(%dma_start3A_234 : memref<80xi32, #tpu.memory_space<hbm>>) target(%arg10 : memref<80xi32, #tpu.memory_space<vmem>>) target_semaphore(%arg19 : memref<!tpu.dma_semaphore, #tpu.memory_space<semaphore_mem>>)
      } else {
      }
      %ge3A = arith.constant 2 : i32
      %ge3A_103 = arith.cmpi sge, %add3A_82, %ge3A : i32
      %convert_element_type3A_104 = arith.extui %ge3A_103 : i1 to i32
      %cond3A_105 = arith.constant 0 : i32
      %cond3A_106 = arith.cmpi ne, %convert_element_type3A_104, %cond3A_105 : i32
      scf.if %cond3A_106 {
        %dma_wait3A_215 = arith.constant 0 : i32
        %dma_wait3A_216 = arith.constant 0 : i32
        %dma_wait3A_217 = tpu.memref_slice %arg15[%dma_wait3A_215, %dma_wait3A_216] : memref<10240x128xf32, #tpu.memory_space<vmem_shared>> -> memref<10240x128xf32, #tpu.memory_space<vmem_shared>>
        tpu.wait_indirect_dma semaphore(%arg17 : memref<!tpu.dma_semaphore, #tpu.memory_space<semaphore_mem>>) src(%arg13 : memref<80x128xf32, #tpu.memory_space<vmem>>) dst(%dma_wait3A_217 : memref<10240x128xf32, #tpu.memory_space<vmem_shared>>)
      } else {
      }
      %dma_start3A_107 = arith.constant 0 : i32
      %dma_start3A_108 = arith.constant 0 : i32
      %dma_start3A_109 = tpu.memref_slice %arg15[%dma_start3A_107, %dma_start3A_108] : memref<10240x128xf32, #tpu.memory_space<vmem_shared>> -> memref<10240x128xf32, #tpu.memory_space<vmem_shared>>
      tpu.enqueue_indirect_dma source(%arg13 : memref<80x128xf32, #tpu.memory_space<vmem>>) target(%dma_start3A_109 : memref<10240x128xf32, #tpu.memory_space<vmem_shared>>) offsets(%arg9 : memref<80xi32, #tpu.memory_space<vmem>>) semaphore(%arg17 : memref<!tpu.dma_semaphore, #tpu.memory_space<semaphore_mem>>) {add = true}
      %mul3A_110 = arith.constant 4 : i32
      %mul3A_111 = arith.muli %scan3A_78, %mul3A_110 : i32
      %add3A_112 = arith.constant 1 : i32
      %add3A_113 = arith.addi %mul3A_111, %add3A_112 : i32
      %add3A_114 = arith.addi %mul3A_2, %add3A_113 : i32
      %dma_wait3A_115 = arith.constant 0 : i32
      %dma_wait3A_116 = arith.constant 0 : i32
      %dma_wait3A_117 = tpu.memref_slice %arg3[%add3A_114, %dma_wait3A_115, %dma_wait3A_116] : memref<4096x2x80xi32, #tpu.memory_space<hbm>> -> memref<1x1x80xi32, #tpu.memory_space<hbm>>
      %dma_wait3A_118 = tpu.memref_squeeze %dma_wait3A_117 : memref<1x1x80xi32, #tpu.memory_space<hbm>> -> memref<80xi32, #tpu.memory_space<hbm>>
      %dma_wait3A_119 = arith.constant 0 : i32
      %dma_wait3A_120 = tpu.memref_slice %arg3[%add3A_114, %dma_wait3A_115, %dma_wait3A_119] : memref<4096x2x80xi32, #tpu.memory_space<hbm>> -> memref<1x1x80xi32, #tpu.memory_space<hbm>>
      %dma_wait3A_121 = tpu.memref_squeeze %dma_wait3A_120 : memref<1x1x80xi32, #tpu.memory_space<hbm>> -> memref<80xi32, #tpu.memory_space<hbm>>
      tpu.wait_dma2 semaphore(%arg19 : memref<!tpu.dma_semaphore, #tpu.memory_space<semaphore_mem>>) src(%dma_wait3A_121 : memref<80xi32, #tpu.memory_space<hbm>>) dst(%arg6 : memref<80xi32, #tpu.memory_space<vmem>>)
      %add3A_122 = arith.addi %mul3A_2, %add3A_113 : i32
      %dma_wait3A_123 = arith.constant 1 : i32
      %dma_wait3A_124 = arith.constant 0 : i32
      %dma_wait3A_125 = tpu.memref_slice %arg3[%add3A_122, %dma_wait3A_123, %dma_wait3A_124] : memref<4096x2x80xi32, #tpu.memory_space<hbm>> -> memref<1x1x80xi32, #tpu.memory_space<hbm>>
      %dma_wait3A_126 = tpu.memref_squeeze %dma_wait3A_125 : memref<1x1x80xi32, #tpu.memory_space<hbm>> -> memref<80xi32, #tpu.memory_space<hbm>>
      %dma_wait3A_127 = arith.constant 0 : i32
      %dma_wait3A_128 = tpu.memref_slice %arg3[%add3A_122, %dma_wait3A_123, %dma_wait3A_127] : memref<4096x2x80xi32, #tpu.memory_space<hbm>> -> memref<1x1x80xi32, #tpu.memory_space<hbm>>
      %dma_wait3A_129 = tpu.memref_squeeze %dma_wait3A_128 : memref<1x1x80xi32, #tpu.memory_space<hbm>> -> memref<80xi32, #tpu.memory_space<hbm>>
      tpu.wait_dma2 semaphore(%arg19 : memref<!tpu.dma_semaphore, #tpu.memory_space<semaphore_mem>>) src(%dma_wait3A_129 : memref<80xi32, #tpu.memory_space<hbm>>) dst(%arg10 : memref<80xi32, #tpu.memory_space<vmem>>)
      %add3A_130 = arith.constant 1 : i32
      %add3A_131 = arith.addi %add3A_113, %add3A_130 : i32
      %lt3A_132 = arith.constant 128 : i32
      %lt3A_133 = arith.cmpi slt, %add3A_131, %lt3A_132 : i32
      %convert_element_type3A_134 = arith.extui %lt3A_133 : i1 to i32
      %cond3A_135 = arith.constant 0 : i32
      %cond3A_136 = arith.cmpi ne, %convert_element_type3A_134, %cond3A_135 : i32
      scf.if %cond3A_136 {
        %add3A_215 = arith.addi %mul3A_2, %add3A_113 : i32
        %add3A_216 = arith.constant 1 : i32
        %add3A_217 = arith.addi %add3A_215, %add3A_216 : i32
        %dma_start3A_218 = arith.constant 0 : i32
        %dma_start3A_219 = arith.constant 0 : i32
        %dma_start3A_220 = tpu.memref_slice %arg3[%add3A_217, %dma_start3A_218, %dma_start3A_219] : memref<4096x2x80xi32, #tpu.memory_space<hbm>> -> memref<1x1x80xi32, #tpu.memory_space<hbm>>
        %dma_start3A_221 = tpu.memref_squeeze %dma_start3A_220 : memref<1x1x80xi32, #tpu.memory_space<hbm>> -> memref<80xi32, #tpu.memory_space<hbm>>
        %dma_start3A_222 = arith.constant 0 : i32
        %dma_start3A_223 = tpu.memref_slice %arg3[%add3A_217, %dma_start3A_218, %dma_start3A_222] : memref<4096x2x80xi32, #tpu.memory_space<hbm>> -> memref<1x1x80xi32, #tpu.memory_space<hbm>>
        %dma_start3A_224 = tpu.memref_squeeze %dma_start3A_223 : memref<1x1x80xi32, #tpu.memory_space<hbm>> -> memref<80xi32, #tpu.memory_space<hbm>>
        tpu.enqueue_dma source(%dma_start3A_224 : memref<80xi32, #tpu.memory_space<hbm>>) target(%arg7 : memref<80xi32, #tpu.memory_space<vmem>>) target_semaphore(%arg19 : memref<!tpu.dma_semaphore, #tpu.memory_space<semaphore_mem>>)
        %add3A_225 = arith.addi %mul3A_2, %add3A_113 : i32
        %add3A_226 = arith.constant 1 : i32
        %add3A_227 = arith.addi %add3A_225, %add3A_226 : i32
        %dma_start3A_228 = arith.constant 1 : i32
        %dma_start3A_229 = arith.constant 0 : i32
        %dma_start3A_230 = tpu.memref_slice %arg3[%add3A_227, %dma_start3A_228, %dma_start3A_229] : memref<4096x2x80xi32, #tpu.memory_space<hbm>> -> memref<1x1x80xi32, #tpu.memory_space<hbm>>
        %dma_start3A_231 = tpu.memref_squeeze %dma_start3A_230 : memref<1x1x80xi32, #tpu.memory_space<hbm>> -> memref<80xi32, #tpu.memory_space<hbm>>
        %dma_start3A_232 = arith.constant 0 : i32
        %dma_start3A_233 = tpu.memref_slice %arg3[%add3A_227, %dma_start3A_228, %dma_start3A_232] : memref<4096x2x80xi32, #tpu.memory_space<hbm>> -> memref<1x1x80xi32, #tpu.memory_space<hbm>>
        %dma_start3A_234 = tpu.memref_squeeze %dma_start3A_233 : memref<1x1x80xi32, #tpu.memory_space<hbm>> -> memref<80xi32, #tpu.memory_space<hbm>>
        tpu.enqueue_dma source(%dma_start3A_234 : memref<80xi32, #tpu.memory_space<hbm>>) target(%arg11 : memref<80xi32, #tpu.memory_space<vmem>>) target_semaphore(%arg19 : memref<!tpu.dma_semaphore, #tpu.memory_space<semaphore_mem>>)
      } else {
      }
      %ge3A_137 = arith.constant 2 : i32
      %ge3A_138 = arith.cmpi sge, %add3A_113, %ge3A_137 : i32
      %convert_element_type3A_139 = arith.extui %ge3A_138 : i1 to i32
      %cond3A_140 = arith.constant 0 : i32
      %cond3A_141 = arith.cmpi ne, %convert_element_type3A_139, %cond3A_140 : i32
      scf.if %cond3A_141 {
        %dma_wait3A_215 = arith.constant 0 : i32
        %dma_wait3A_216 = arith.constant 0 : i32
        %dma_wait3A_217 = tpu.memref_slice %arg15[%dma_wait3A_215, %dma_wait3A_216] : memref<10240x128xf32, #tpu.memory_space<vmem_shared>> -> memref<10240x128xf32, #tpu.memory_space<vmem_shared>>
        tpu.wait_indirect_dma semaphore(%arg18 : memref<!tpu.dma_semaphore, #tpu.memory_space<semaphore_mem>>) src(%arg14 : memref<80x128xf32, #tpu.memory_space<vmem>>) dst(%dma_wait3A_217 : memref<10240x128xf32, #tpu.memory_space<vmem_shared>>)
      } else {
      }
      %dma_start3A_142 = arith.constant 0 : i32
      %dma_start3A_143 = arith.constant 0 : i32
      %dma_start3A_144 = tpu.memref_slice %arg15[%dma_start3A_142, %dma_start3A_143] : memref<10240x128xf32, #tpu.memory_space<vmem_shared>> -> memref<10240x128xf32, #tpu.memory_space<vmem_shared>>
      tpu.enqueue_indirect_dma source(%arg14 : memref<80x128xf32, #tpu.memory_space<vmem>>) target(%dma_start3A_144 : memref<10240x128xf32, #tpu.memory_space<vmem_shared>>) offsets(%arg10 : memref<80xi32, #tpu.memory_space<vmem>>) semaphore(%arg18 : memref<!tpu.dma_semaphore, #tpu.memory_space<semaphore_mem>>) {add = true}
      %mul3A_145 = arith.constant 4 : i32
      %mul3A_146 = arith.muli %scan3A_78, %mul3A_145 : i32
      %add3A_147 = arith.constant 2 : i32
      %add3A_148 = arith.addi %mul3A_146, %add3A_147 : i32
      %add3A_149 = arith.addi %mul3A_2, %add3A_148 : i32
      %dma_wait3A_150 = arith.constant 0 : i32
      %dma_wait3A_151 = arith.constant 0 : i32
      %dma_wait3A_152 = tpu.memref_slice %arg3[%add3A_149, %dma_wait3A_150, %dma_wait3A_151] : memref<4096x2x80xi32, #tpu.memory_space<hbm>> -> memref<1x1x80xi32, #tpu.memory_space<hbm>>
      %dma_wait3A_153 = tpu.memref_squeeze %dma_wait3A_152 : memref<1x1x80xi32, #tpu.memory_space<hbm>> -> memref<80xi32, #tpu.memory_space<hbm>>
      %dma_wait3A_154 = arith.constant 0 : i32
      %dma_wait3A_155 = tpu.memref_slice %arg3[%add3A_149, %dma_wait3A_150, %dma_wait3A_154] : memref<4096x2x80xi32, #tpu.memory_space<hbm>> -> memref<1x1x80xi32, #tpu.memory_space<hbm>>
      %dma_wait3A_156 = tpu.memref_squeeze %dma_wait3A_155 : memref<1x1x80xi32, #tpu.memory_space<hbm>> -> memref<80xi32, #tpu.memory_space<hbm>>
      tpu.wait_dma2 semaphore(%arg19 : memref<!tpu.dma_semaphore, #tpu.memory_space<semaphore_mem>>) src(%dma_wait3A_156 : memref<80xi32, #tpu.memory_space<hbm>>) dst(%arg7 : memref<80xi32, #tpu.memory_space<vmem>>)
      %add3A_157 = arith.addi %mul3A_2, %add3A_148 : i32
      %dma_wait3A_158 = arith.constant 1 : i32
      %dma_wait3A_159 = arith.constant 0 : i32
      %dma_wait3A_160 = tpu.memref_slice %arg3[%add3A_157, %dma_wait3A_158, %dma_wait3A_159] : memref<4096x2x80xi32, #tpu.memory_space<hbm>> -> memref<1x1x80xi32, #tpu.memory_space<hbm>>
      %dma_wait3A_161 = tpu.memref_squeeze %dma_wait3A_160 : memref<1x1x80xi32, #tpu.memory_space<hbm>> -> memref<80xi32, #tpu.memory_space<hbm>>
      %dma_wait3A_162 = arith.constant 0 : i32
      %dma_wait3A_163 = tpu.memref_slice %arg3[%add3A_157, %dma_wait3A_158, %dma_wait3A_162] : memref<4096x2x80xi32, #tpu.memory_space<hbm>> -> memref<1x1x80xi32, #tpu.memory_space<hbm>>
      %dma_wait3A_164 = tpu.memref_squeeze %dma_wait3A_163 : memref<1x1x80xi32, #tpu.memory_space<hbm>> -> memref<80xi32, #tpu.memory_space<hbm>>
      tpu.wait_dma2 semaphore(%arg19 : memref<!tpu.dma_semaphore, #tpu.memory_space<semaphore_mem>>) src(%dma_wait3A_164 : memref<80xi32, #tpu.memory_space<hbm>>) dst(%arg11 : memref<80xi32, #tpu.memory_space<vmem>>)
      %add3A_165 = arith.constant 1 : i32
      %add3A_166 = arith.addi %add3A_148, %add3A_165 : i32
      %lt3A_167 = arith.constant 128 : i32
      %lt3A_168 = arith.cmpi slt, %add3A_166, %lt3A_167 : i32
      %convert_element_type3A_169 = arith.extui %lt3A_168 : i1 to i32
      %cond3A_170 = arith.constant 0 : i32
      %cond3A_171 = arith.cmpi ne, %convert_element_type3A_169, %cond3A_170 : i32
      scf.if %cond3A_171 {
        %add3A_215 = arith.addi %mul3A_2, %add3A_148 : i32
        %add3A_216 = arith.constant 1 : i32
        %add3A_217 = arith.addi %add3A_215, %add3A_216 : i32
        %dma_start3A_218 = arith.constant 0 : i32
        %dma_start3A_219 = arith.constant 0 : i32
        %dma_start3A_220 = tpu.memref_slice %arg3[%add3A_217, %dma_start3A_218, %dma_start3A_219] : memref<4096x2x80xi32, #tpu.memory_space<hbm>> -> memref<1x1x80xi32, #tpu.memory_space<hbm>>
        %dma_start3A_221 = tpu.memref_squeeze %dma_start3A_220 : memref<1x1x80xi32, #tpu.memory_space<hbm>> -> memref<80xi32, #tpu.memory_space<hbm>>
        %dma_start3A_222 = arith.constant 0 : i32
        %dma_start3A_223 = tpu.memref_slice %arg3[%add3A_217, %dma_start3A_218, %dma_start3A_222] : memref<4096x2x80xi32, #tpu.memory_space<hbm>> -> memref<1x1x80xi32, #tpu.memory_space<hbm>>
        %dma_start3A_224 = tpu.memref_squeeze %dma_start3A_223 : memref<1x1x80xi32, #tpu.memory_space<hbm>> -> memref<80xi32, #tpu.memory_space<hbm>>
        tpu.enqueue_dma source(%dma_start3A_224 : memref<80xi32, #tpu.memory_space<hbm>>) target(%arg8 : memref<80xi32, #tpu.memory_space<vmem>>) target_semaphore(%arg19 : memref<!tpu.dma_semaphore, #tpu.memory_space<semaphore_mem>>)
        %add3A_225 = arith.addi %mul3A_2, %add3A_148 : i32
        %add3A_226 = arith.constant 1 : i32
        %add3A_227 = arith.addi %add3A_225, %add3A_226 : i32
        %dma_start3A_228 = arith.constant 1 : i32
        %dma_start3A_229 = arith.constant 0 : i32
        %dma_start3A_230 = tpu.memref_slice %arg3[%add3A_227, %dma_start3A_228, %dma_start3A_229] : memref<4096x2x80xi32, #tpu.memory_space<hbm>> -> memref<1x1x80xi32, #tpu.memory_space<hbm>>
        %dma_start3A_231 = tpu.memref_squeeze %dma_start3A_230 : memref<1x1x80xi32, #tpu.memory_space<hbm>> -> memref<80xi32, #tpu.memory_space<hbm>>
        %dma_start3A_232 = arith.constant 0 : i32
        %dma_start3A_233 = tpu.memref_slice %arg3[%add3A_227, %dma_start3A_228, %dma_start3A_232] : memref<4096x2x80xi32, #tpu.memory_space<hbm>> -> memref<1x1x80xi32, #tpu.memory_space<hbm>>
        %dma_start3A_234 = tpu.memref_squeeze %dma_start3A_233 : memref<1x1x80xi32, #tpu.memory_space<hbm>> -> memref<80xi32, #tpu.memory_space<hbm>>
        tpu.enqueue_dma source(%dma_start3A_234 : memref<80xi32, #tpu.memory_space<hbm>>) target(%arg12 : memref<80xi32, #tpu.memory_space<vmem>>) target_semaphore(%arg19 : memref<!tpu.dma_semaphore, #tpu.memory_space<semaphore_mem>>)
      } else {
      }
      %ge3A_172 = arith.constant 2 : i32
      %ge3A_173 = arith.cmpi sge, %add3A_148, %ge3A_172 : i32
      %convert_element_type3A_174 = arith.extui %ge3A_173 : i1 to i32
      %cond3A_175 = arith.constant 0 : i32
      %cond3A_176 = arith.cmpi ne, %convert_element_type3A_174, %cond3A_175 : i32
      scf.if %cond3A_176 {
        %dma_wait3A_215 = arith.constant 0 : i32
        %dma_wait3A_216 = arith.constant 0 : i32
        %dma_wait3A_217 = tpu.memref_slice %arg15[%dma_wait3A_215, %dma_wait3A_216] : memref<10240x128xf32, #tpu.memory_space<vmem_shared>> -> memref<10240x128xf32, #tpu.memory_space<vmem_shared>>
        tpu.wait_indirect_dma semaphore(%arg17 : memref<!tpu.dma_semaphore, #tpu.memory_space<semaphore_mem>>) src(%arg13 : memref<80x128xf32, #tpu.memory_space<vmem>>) dst(%dma_wait3A_217 : memref<10240x128xf32, #tpu.memory_space<vmem_shared>>)
      } else {
      }
      %dma_start3A_177 = arith.constant 0 : i32
      %dma_start3A_178 = arith.constant 0 : i32
      %dma_start3A_179 = tpu.memref_slice %arg15[%dma_start3A_177, %dma_start3A_178] : memref<10240x128xf32, #tpu.memory_space<vmem_shared>> -> memref<10240x128xf32, #tpu.memory_space<vmem_shared>>
      tpu.enqueue_indirect_dma source(%arg13 : memref<80x128xf32, #tpu.memory_space<vmem>>) target(%dma_start3A_179 : memref<10240x128xf32, #tpu.memory_space<vmem_shared>>) offsets(%arg11 : memref<80xi32, #tpu.memory_space<vmem>>) semaphore(%arg17 : memref<!tpu.dma_semaphore, #tpu.memory_space<semaphore_mem>>) {add = true}
      %mul3A_180 = arith.constant 4 : i32
      %mul3A_181 = arith.muli %scan3A_78, %mul3A_180 : i32
      %add3A_182 = arith.constant 3 : i32
      %add3A_183 = arith.addi %mul3A_181, %add3A_182 : i32
      %add3A_184 = arith.addi %mul3A_2, %add3A_183 : i32
      %dma_wait3A_185 = arith.constant 0 : i32
      %dma_wait3A_186 = arith.constant 0 : i32
      %dma_wait3A_187 = tpu.memref_slice %arg3[%add3A_184, %dma_wait3A_185, %dma_wait3A_186] : memref<4096x2x80xi32, #tpu.memory_space<hbm>> -> memref<1x1x80xi32, #tpu.memory_space<hbm>>
      %dma_wait3A_188 = tpu.memref_squeeze %dma_wait3A_187 : memref<1x1x80xi32, #tpu.memory_space<hbm>> -> memref<80xi32, #tpu.memory_space<hbm>>
      %dma_wait3A_189 = arith.constant 0 : i32
      %dma_wait3A_190 = tpu.memref_slice %arg3[%add3A_184, %dma_wait3A_185, %dma_wait3A_189] : memref<4096x2x80xi32, #tpu.memory_space<hbm>> -> memref<1x1x80xi32, #tpu.memory_space<hbm>>
      %dma_wait3A_191 = tpu.memref_squeeze %dma_wait3A_190 : memref<1x1x80xi32, #tpu.memory_space<hbm>> -> memref<80xi32, #tpu.memory_space<hbm>>
      tpu.wait_dma2 semaphore(%arg19 : memref<!tpu.dma_semaphore, #tpu.memory_space<semaphore_mem>>) src(%dma_wait3A_191 : memref<80xi32, #tpu.memory_space<hbm>>) dst(%arg8 : memref<80xi32, #tpu.memory_space<vmem>>)
      %add3A_192 = arith.addi %mul3A_2, %add3A_183 : i32
      %dma_wait3A_193 = arith.constant 1 : i32
      %dma_wait3A_194 = arith.constant 0 : i32
      %dma_wait3A_195 = tpu.memref_slice %arg3[%add3A_192, %dma_wait3A_193, %dma_wait3A_194] : memref<4096x2x80xi32, #tpu.memory_space<hbm>> -> memref<1x1x80xi32, #tpu.memory_space<hbm>>
      %dma_wait3A_196 = tpu.memref_squeeze %dma_wait3A_195 : memref<1x1x80xi32, #tpu.memory_space<hbm>> -> memref<80xi32, #tpu.memory_space<hbm>>
      %dma_wait3A_197 = arith.constant 0 : i32
      %dma_wait3A_198 = tpu.memref_slice %arg3[%add3A_192, %dma_wait3A_193, %dma_wait3A_197] : memref<4096x2x80xi32, #tpu.memory_space<hbm>> -> memref<1x1x80xi32, #tpu.memory_space<hbm>>
      %dma_wait3A_199 = tpu.memref_squeeze %dma_wait3A_198 : memref<1x1x80xi32, #tpu.memory_space<hbm>> -> memref<80xi32, #tpu.memory_space<hbm>>
      tpu.wait_dma2 semaphore(%arg19 : memref<!tpu.dma_semaphore, #tpu.memory_space<semaphore_mem>>) src(%dma_wait3A_199 : memref<80xi32, #tpu.memory_space<hbm>>) dst(%arg12 : memref<80xi32, #tpu.memory_space<vmem>>)
      %add3A_200 = arith.constant 1 : i32
      %add3A_201 = arith.addi %add3A_183, %add3A_200 : i32
      %lt3A_202 = arith.constant 128 : i32
      %lt3A_203 = arith.cmpi slt, %add3A_201, %lt3A_202 : i32
      %convert_element_type3A_204 = arith.extui %lt3A_203 : i1 to i32
      %cond3A_205 = arith.constant 0 : i32
      %cond3A_206 = arith.cmpi ne, %convert_element_type3A_204, %cond3A_205 : i32
      scf.if %cond3A_206 {
        %add3A_215 = arith.addi %mul3A_2, %add3A_183 : i32
        %add3A_216 = arith.constant 1 : i32
        %add3A_217 = arith.addi %add3A_215, %add3A_216 : i32
        %dma_start3A_218 = arith.constant 0 : i32
        %dma_start3A_219 = arith.constant 0 : i32
        %dma_start3A_220 = tpu.memref_slice %arg3[%add3A_217, %dma_start3A_218, %dma_start3A_219] : memref<4096x2x80xi32, #tpu.memory_space<hbm>> -> memref<1x1x80xi32, #tpu.memory_space<hbm>>
        %dma_start3A_221 = tpu.memref_squeeze %dma_start3A_220 : memref<1x1x80xi32, #tpu.memory_space<hbm>> -> memref<80xi32, #tpu.memory_space<hbm>>
        %dma_start3A_222 = arith.constant 0 : i32
        %dma_start3A_223 = tpu.memref_slice %arg3[%add3A_217, %dma_start3A_218, %dma_start3A_222] : memref<4096x2x80xi32, #tpu.memory_space<hbm>> -> memref<1x1x80xi32, #tpu.memory_space<hbm>>
        %dma_start3A_224 = tpu.memref_squeeze %dma_start3A_223 : memref<1x1x80xi32, #tpu.memory_space<hbm>> -> memref<80xi32, #tpu.memory_space<hbm>>
        tpu.enqueue_dma source(%dma_start3A_224 : memref<80xi32, #tpu.memory_space<hbm>>) target(%arg5 : memref<80xi32, #tpu.memory_space<vmem>>) target_semaphore(%arg19 : memref<!tpu.dma_semaphore, #tpu.memory_space<semaphore_mem>>)
        %add3A_225 = arith.addi %mul3A_2, %add3A_183 : i32
        %add3A_226 = arith.constant 1 : i32
        %add3A_227 = arith.addi %add3A_225, %add3A_226 : i32
        %dma_start3A_228 = arith.constant 1 : i32
        %dma_start3A_229 = arith.constant 0 : i32
        %dma_start3A_230 = tpu.memref_slice %arg3[%add3A_227, %dma_start3A_228, %dma_start3A_229] : memref<4096x2x80xi32, #tpu.memory_space<hbm>> -> memref<1x1x80xi32, #tpu.memory_space<hbm>>
        %dma_start3A_231 = tpu.memref_squeeze %dma_start3A_230 : memref<1x1x80xi32, #tpu.memory_space<hbm>> -> memref<80xi32, #tpu.memory_space<hbm>>
        %dma_start3A_232 = arith.constant 0 : i32
        %dma_start3A_233 = tpu.memref_slice %arg3[%add3A_227, %dma_start3A_228, %dma_start3A_232] : memref<4096x2x80xi32, #tpu.memory_space<hbm>> -> memref<1x1x80xi32, #tpu.memory_space<hbm>>
        %dma_start3A_234 = tpu.memref_squeeze %dma_start3A_233 : memref<1x1x80xi32, #tpu.memory_space<hbm>> -> memref<80xi32, #tpu.memory_space<hbm>>
        tpu.enqueue_dma source(%dma_start3A_234 : memref<80xi32, #tpu.memory_space<hbm>>) target(%arg9 : memref<80xi32, #tpu.memory_space<vmem>>) target_semaphore(%arg19 : memref<!tpu.dma_semaphore, #tpu.memory_space<semaphore_mem>>)
      } else {
      }
      %ge3A_207 = arith.constant 2 : i32
      %ge3A_208 = arith.cmpi sge, %add3A_183, %ge3A_207 : i32
      %convert_element_type3A_209 = arith.extui %ge3A_208 : i1 to i32
      %cond3A_210 = arith.constant 0 : i32
      %cond3A_211 = arith.cmpi ne, %convert_element_type3A_209, %cond3A_210 : i32
      scf.if %cond3A_211 {
        %dma_wait3A_215 = arith.constant 0 : i32
        %dma_wait3A_216 = arith.constant 0 : i32
        %dma_wait3A_217 = tpu.memref_slice %arg15[%dma_wait3A_215, %dma_wait3A_216] : memref<10240x128xf32, #tpu.memory_space<vmem_shared>> -> memref<10240x128xf32, #tpu.memory_space<vmem_shared>>
        tpu.wait_indirect_dma semaphore(%arg18 : memref<!tpu.dma_semaphore, #tpu.memory_space<semaphore_mem>>) src(%arg14 : memref<80x128xf32, #tpu.memory_space<vmem>>) dst(%dma_wait3A_217 : memref<10240x128xf32, #tpu.memory_space<vmem_shared>>)
      } else {
      }
      %dma_start3A_212 = arith.constant 0 : i32
      %dma_start3A_213 = arith.constant 0 : i32
      %dma_start3A_214 = tpu.memref_slice %arg15[%dma_start3A_212, %dma_start3A_213] : memref<10240x128xf32, #tpu.memory_space<vmem_shared>> -> memref<10240x128xf32, #tpu.memory_space<vmem_shared>>
      tpu.enqueue_indirect_dma source(%arg14 : memref<80x128xf32, #tpu.memory_space<vmem>>) target(%dma_start3A_214 : memref<10240x128xf32, #tpu.memory_space<vmem_shared>>) offsets(%arg12 : memref<80xi32, #tpu.memory_space<vmem>>) semaphore(%arg18 : memref<!tpu.dma_semaphore, #tpu.memory_space<semaphore_mem>>) {add = true}
    }
    %scan3A_67 = arith.constant 32 : i32
    %dma_wait3A = arith.constant 0 : i32
    %dma_wait3A_68 = arith.constant 0 : i32
    %dma_wait3A_69 = tpu.memref_slice %arg15[%dma_wait3A, %dma_wait3A_68] : memref<10240x128xf32, #tpu.memory_space<vmem_shared>> -> memref<10240x128xf32, #tpu.memory_space<vmem_shared>>
    tpu.wait_indirect_dma semaphore(%arg17 : memref<!tpu.dma_semaphore, #tpu.memory_space<semaphore_mem>>) src(%arg13 : memref<80x128xf32, #tpu.memory_space<vmem>>) dst(%dma_wait3A_69 : memref<10240x128xf32, #tpu.memory_space<vmem_shared>>)
    %dma_wait3A_70 = arith.constant 0 : i32
    %dma_wait3A_71 = arith.constant 0 : i32
    %dma_wait3A_72 = tpu.memref_slice %arg15[%dma_wait3A_70, %dma_wait3A_71] : memref<10240x128xf32, #tpu.memory_space<vmem_shared>> -> memref<10240x128xf32, #tpu.memory_space<vmem_shared>>
    tpu.wait_indirect_dma semaphore(%arg18 : memref<!tpu.dma_semaphore, #tpu.memory_space<semaphore_mem>>) src(%arg14 : memref<80x128xf32, #tpu.memory_space<vmem>>) dst(%dma_wait3A_72 : memref<10240x128xf32, #tpu.memory_space<vmem_shared>>)
    "tpu.trace_stop"() : () -> ()
    "tpu.trace_start"() <{level = 10 : i32, message = "post_barrier"}> : () -> ()
    %barrier3A_73 = arith.constant 0 : index
    tpu.barrier barrier_id(%barrier3A_73)
    "tpu.trace_stop"() : () -> ()
    "tpu.trace_start"() <{level = 10 : i32, message = "writeout"}> : () -> ()
    %mul3A_74 = arith.constant 640 : i32
    %mul3A_75 = arith.muli %arg1, %mul3A_74 : i32
    %mul3A_76 = arith.constant 640 : i32
    %mul3A_77 = arith.muli %arg1, %mul3A_76 : i32
    "tpu.region"() ({
      %run_scoped3A = tpu.sem_alloc : memref<!tpu.dma_semaphore, #tpu.memory_space<semaphore_mem>>
      %dma_start3A_78 = arith.constant 0 : i32
      %dma_start3A_79 = tpu.memref_slice %arg4[%arg0, %mul3A_77, %dma_start3A_78] : memref<2x10240x128xf32, #tpu.memory_space<hbm>> -> memref<1x640x128xf32, #tpu.memory_space<hbm>>
      %dma_start3A_80 = tpu.memref_squeeze %dma_start3A_79 : memref<1x640x128xf32, #tpu.memory_space<hbm>> -> memref<640x128xf32, #tpu.memory_space<hbm>>
      %dma_start3A_81 = arith.constant 0 : i32
      %dma_start3A_82 = tpu.memref_slice %arg15[%mul3A_75, %dma_start3A_81] : memref<10240x128xf32, #tpu.memory_space<vmem_shared>> -> memref<640x128xf32, #tpu.memory_space<vmem_shared>>
      tpu.enqueue_dma source(%dma_start3A_82 : memref<640x128xf32, #tpu.memory_space<vmem_shared>>) target(%dma_start3A_80 : memref<640x128xf32, #tpu.memory_space<hbm>>) target_semaphore(%run_scoped3A : memref<!tpu.dma_semaphore, #tpu.memory_space<semaphore_mem>>)
      %dma_wait3A_83 = arith.constant 0 : i32
      %dma_wait3A_84 = tpu.memref_slice %arg4[%arg0, %mul3A_77, %dma_wait3A_83] : memref<2x10240x128xf32, #tpu.memory_space<hbm>> -> memref<1x640x128xf32, #tpu.memory_space<hbm>>
      %dma_wait3A_85 = tpu.memref_squeeze %dma_wait3A_84 : memref<1x640x128xf32, #tpu.memory_space<hbm>> -> memref<640x128xf32, #tpu.memory_space<hbm>>
      %dma_wait3A_86 = arith.constant 0 : i32
      %dma_wait3A_87 = tpu.memref_slice %arg15[%mul3A_75, %dma_wait3A_86] : memref<10240x128xf32, #tpu.memory_space<vmem_shared>> -> memref<640x128xf32, #tpu.memory_space<vmem_shared>>
      tpu.wait_dma2 semaphore(%run_scoped3A : memref<!tpu.dma_semaphore, #tpu.memory_space<semaphore_mem>>) src(%dma_wait3A_87 : memref<640x128xf32, #tpu.memory_space<vmem_shared>>) dst(%dma_wait3A_85 : memref<640x128xf32, #tpu.memory_space<hbm>>)
      tpu.yield
    }) : () -> ()
    "tpu.trace_stop"() : () -> ()
    return
  }
}

#map = affine_map<(d0, d1) -> (0, 0)>
#map1 = affine_map<(d0, d1) -> (0, 0, 0)>
module attributes {stable_mosaic.version = 14 : i64} {
  func.func @prop(%arg0: i32, %arg1: i32, %arg2: memref<10240x128xf32, #tpu.memory_space<hbm>>, %arg3: memref<4096x2x80xi32, #tpu.memory_space<hbm>>, %arg4: memref<2x10240x128xf32, #tpu.memory_space<hbm>>, %arg5: memref<80xi32, #tpu.memory_space<vmem>>, %arg6: memref<80xi32, #tpu.memory_space<vmem>>, %arg7: memref<80xi32, #tpu.memory_space<vmem>>, %arg8: memref<80xi32, #tpu.memory_space<vmem>>, %arg9: memref<80xi32, #tpu.memory_space<vmem>>, %arg10: memref<80xi32, #tpu.memory_space<vmem>>, %arg11: memref<80xi32, #tpu.memory_space<vmem>>, %arg12: memref<80xi32, #tpu.memory_space<vmem>>, %arg13: memref<80x128xf32, #tpu.memory_space<vmem>>, %arg14: memref<80x128xf32, #tpu.memory_space<vmem>>, %arg15: memref<10240x128xf32, #tpu.memory_space<vmem_shared>>, %arg16: memref<!tpu.dma_semaphore, #tpu.memory_space<semaphore_mem>>, %arg17: memref<!tpu.dma_semaphore, #tpu.memory_space<semaphore_mem>>, %arg18: memref<!tpu.dma_semaphore, #tpu.memory_space<semaphore_mem>>, %arg19: memref<!tpu.dma_semaphore, #tpu.memory_space<semaphore_mem>>) attributes {dimension_semantics = [#tpu.dimension_semantics<core_parallel>, #tpu.dimension_semantics<subcore_parallel>], iteration_bounds = array<i64: 2, 16>, scalar_prefetch = 0 : i64, scratch_operands = 15 : i64, tpu.core_type = #tpu.core_type<sc_vector_subcore>, window_params = [{transform_indices = #map}, {transform_indices = #map1}, {transform_indices = #map1}]} {
    %mul3A = arith.constant 16 : i32
    %mul3A_0 = arith.muli %arg0, %mul3A : i32
    %add3A = arith.addi %mul3A_0, %arg1 : i32
    %mul3A_1 = arith.constant 128 : i32
    %mul3A_2 = arith.muli %add3A, %mul3A_1 : i32
    %dma_start3A = arith.constant 0 : i32
    %dma_start3A_3 = arith.constant 0 : i32
    %dma_start3A_4 = tpu.memref_slice %arg3[%mul3A_2, %dma_start3A, %dma_start3A_3] : memref<4096x2x80xi32, #tpu.memory_space<hbm>> -> memref<1x1x80xi32, #tpu.memory_space<hbm>>
    %dma_start3A_5 = tpu.memref_squeeze %dma_start3A_4 : memref<1x1x80xi32, #tpu.memory_space<hbm>> -> memref<80xi32, #tpu.memory_space<hbm>>
    %dma_start3A_6 = arith.constant 0 : i32
    %dma_start3A_7 = tpu.memref_slice %arg3[%mul3A_2, %dma_start3A, %dma_start3A_6] : memref<4096x2x80xi32, #tpu.memory_space<hbm>> -> memref<1x1x80xi32, #tpu.memory_space<hbm>>
    %dma_start3A_8 = tpu.memref_squeeze %dma_start3A_7 : memref<1x1x80xi32, #tpu.memory_space<hbm>> -> memref<80xi32, #tpu.memory_space<hbm>>
    tpu.enqueue_dma source(%dma_start3A_8 : memref<80xi32, #tpu.memory_space<hbm>>) target(%arg5 : memref<80xi32, #tpu.memory_space<vmem>>) target_semaphore(%arg19 : memref<!tpu.dma_semaphore, #tpu.memory_space<semaphore_mem>>)
    %dma_start3A_9 = arith.constant 1 : i32
    %dma_start3A_10 = arith.constant 0 : i32
    %dma_start3A_11 = tpu.memref_slice %arg3[%mul3A_2, %dma_start3A_9, %dma_start3A_10] : memref<4096x2x80xi32, #tpu.memory_space<hbm>> -> memref<1x1x80xi32, #tpu.memory_space<hbm>>
    %dma_start3A_12 = tpu.memref_squeeze %dma_start3A_11 : memref<1x1x80xi32, #tpu.memory_space<hbm>> -> memref<80xi32, #tpu.memory_space<hbm>>
    %dma_start3A_13 = arith.constant 0 : i32
    %dma_start3A_14 = tpu.memref_slice %arg3[%mul3A_2, %dma_start3A_9, %dma_start3A_13] : memref<4096x2x80xi32, #tpu.memory_space<hbm>> -> memref<1x1x80xi32, #tpu.memory_space<hbm>>
    %dma_start3A_15 = tpu.memref_squeeze %dma_start3A_14 : memref<1x1x80xi32, #tpu.memory_space<hbm>> -> memref<80xi32, #tpu.memory_space<hbm>>
    tpu.enqueue_dma source(%dma_start3A_15 : memref<80xi32, #tpu.memory_space<hbm>>) target(%arg9 : memref<80xi32, #tpu.memory_space<vmem>>) target_semaphore(%arg19 : memref<!tpu.dma_semaphore, #tpu.memory_space<semaphore_mem>>)
    %broadcast_in_dim3A = arith.constant 0.000000e+00 : f32
    %broadcast_in_dim3A_16 = vector.broadcast %broadcast_in_dim3A : f32 to vector<16xf32>
    %broadcast_in_dim3A_17 = arith.constant 0.000000e+00 : f32
    %broadcast_in_dim3A_18 = vector.broadcast %broadcast_in_dim3A_17 : f32 to vector<16xf32>
    "tpu.trace_start"() <{level = 10 : i32, message = "acc_zero"}> : () -> ()
    %scan3A = arith.constant 0 : i32
    %scan3A_19 = arith.constant 0 : i32
    %scan3A_20 = arith.constant 80 : i32
    %scan3A_21 = arith.addi %scan3A_19, %scan3A_20 : i32
    %scan3A_22 = arith.constant 1 : i32
    scf.for %scan3A_72 = %scan3A_19 to %scan3A_21 step %scan3A_22  : i32 {
      %swap3A = arith.index_cast %scan3A_72 : i32 to index
      %swap3A_73 = arith.constant 0 : index
      %swap3A_74 = tpu.vector_load %arg13[%swap3A, %swap3A_73] {strides = array<i32>} : memref<80x128xf32, #tpu.memory_space<vmem>>, vector<1x16xf32>,
      %swap3A_75 = vector.shape_cast %swap3A_74 : vector<1x16xf32> to vector<16xf32>
      %swap3A_76 = vector.shape_cast %broadcast_in_dim3A_18 : vector<16xf32> to vector<1x16xf32>
      tpu.vector_store %arg13[%swap3A, %swap3A_73], %swap3A_76 {strides = array<i32>} : memref<80x128xf32, #tpu.memory_space<vmem>>, vector<1x16xf32>,
      %swap3A_77 = arith.index_cast %scan3A_72 : i32 to index
      %swap3A_78 = arith.constant 16 : index
      %swap3A_79 = tpu.vector_load %arg13[%swap3A_77, %swap3A_78] {strides = array<i32>} : memref<80x128xf32, #tpu.memory_space<vmem>>, vector<1x16xf32>,
      %swap3A_80 = vector.shape_cast %swap3A_79 : vector<1x16xf32> to vector<16xf32>
      %swap3A_81 = vector.shape_cast %broadcast_in_dim3A_18 : vector<16xf32> to vector<1x16xf32>
      tpu.vector_store %arg13[%swap3A_77, %swap3A_78], %swap3A_81 {strides = array<i32>} : memref<80x128xf32, #tpu.memory_space<vmem>>, vector<1x16xf32>,
      %swap3A_82 = arith.index_cast %scan3A_72 : i32 to index
      %swap3A_83 = arith.constant 32 : index
      %swap3A_84 = tpu.vector_load %arg13[%swap3A_82, %swap3A_83] {strides = array<i32>} : memref<80x128xf32, #tpu.memory_space<vmem>>, vector<1x16xf32>,
      %swap3A_85 = vector.shape_cast %swap3A_84 : vector<1x16xf32> to vector<16xf32>
      %swap3A_86 = vector.shape_cast %broadcast_in_dim3A_18 : vector<16xf32> to vector<1x16xf32>
      tpu.vector_store %arg13[%swap3A_82, %swap3A_83], %swap3A_86 {strides = array<i32>} : memref<80x128xf32, #tpu.memory_space<vmem>>, vector<1x16xf32>,
      %swap3A_87 = arith.index_cast %scan3A_72 : i32 to index
      %swap3A_88 = arith.constant 48 : index
      %swap3A_89 = tpu.vector_load %arg13[%swap3A_87, %swap3A_88] {strides = array<i32>} : memref<80x128xf32, #tpu.memory_space<vmem>>, vector<1x16xf32>,
      %swap3A_90 = vector.shape_cast %swap3A_89 : vector<1x16xf32> to vector<16xf32>
      %swap3A_91 = vector.shape_cast %broadcast_in_dim3A_18 : vector<16xf32> to vector<1x16xf32>
      tpu.vector_store %arg13[%swap3A_87, %swap3A_88], %swap3A_91 {strides = array<i32>} : memref<80x128xf32, #tpu.memory_space<vmem>>, vector<1x16xf32>,
      %swap3A_92 = arith.index_cast %scan3A_72 : i32 to index
      %swap3A_93 = arith.constant 64 : index
      %swap3A_94 = tpu.vector_load %arg13[%swap3A_92, %swap3A_93] {strides = array<i32>} : memref<80x128xf32, #tpu.memory_space<vmem>>, vector<1x16xf32>,
      %swap3A_95 = vector.shape_cast %swap3A_94 : vector<1x16xf32> to vector<16xf32>
      %swap3A_96 = vector.shape_cast %broadcast_in_dim3A_18 : vector<16xf32> to vector<1x16xf32>
      tpu.vector_store %arg13[%swap3A_92, %swap3A_93], %swap3A_96 {strides = array<i32>} : memref<80x128xf32, #tpu.memory_space<vmem>>, vector<1x16xf32>,
      %swap3A_97 = arith.index_cast %scan3A_72 : i32 to index
      %swap3A_98 = arith.constant 80 : index
      %swap3A_99 = tpu.vector_load %arg13[%swap3A_97, %swap3A_98] {strides = array<i32>} : memref<80x128xf32, #tpu.memory_space<vmem>>, vector<1x16xf32>,
      %swap3A_100 = vector.shape_cast %swap3A_99 : vector<1x16xf32> to vector<16xf32>
      %swap3A_101 = vector.shape_cast %broadcast_in_dim3A_18 : vector<16xf32> to vector<1x16xf32>
      tpu.vector_store %arg13[%swap3A_97, %swap3A_98], %swap3A_101 {strides = array<i32>} : memref<80x128xf32, #tpu.memory_space<vmem>>, vector<1x16xf32>,
      %swap3A_102 = arith.index_cast %scan3A_72 : i32 to index
      %swap3A_103 = arith.constant 96 : index
      %swap3A_104 = tpu.vector_load %arg13[%swap3A_102, %swap3A_103] {strides = array<i32>} : memref<80x128xf32, #tpu.memory_space<vmem>>, vector<1x16xf32>,
      %swap3A_105 = vector.shape_cast %swap3A_104 : vector<1x16xf32> to vector<16xf32>
      %swap3A_106 = vector.shape_cast %broadcast_in_dim3A_18 : vector<16xf32> to vector<1x16xf32>
      tpu.vector_store %arg13[%swap3A_102, %swap3A_103], %swap3A_106 {strides = array<i32>} : memref<80x128xf32, #tpu.memory_space<vmem>>, vector<1x16xf32>,
      %swap3A_107 = arith.index_cast %scan3A_72 : i32 to index
      %swap3A_108 = arith.constant 112 : index
      %swap3A_109 = tpu.vector_load %arg13[%swap3A_107, %swap3A_108] {strides = array<i32>} : memref<80x128xf32, #tpu.memory_space<vmem>>, vector<1x16xf32>,
      %swap3A_110 = vector.shape_cast %swap3A_109 : vector<1x16xf32> to vector<16xf32>
      %swap3A_111 = vector.shape_cast %broadcast_in_dim3A_18 : vector<16xf32> to vector<1x16xf32>
      tpu.vector_store %arg13[%swap3A_107, %swap3A_108], %swap3A_111 {strides = array<i32>} : memref<80x128xf32, #tpu.memory_space<vmem>>, vector<1x16xf32>,
    }
    %scan3A_23 = arith.constant 80 : i32
    %mul3A_24 = arith.constant 640 : i32
    %mul3A_25 = arith.muli %arg1, %mul3A_24 : i32
    %add3A_26 = arith.constant 0 : i32
    %add3A_27 = arith.addi %mul3A_25, %add3A_26 : i32
    "tpu.region"() ({
      %run_scoped3A = tpu.sem_alloc : memref<!tpu.dma_semaphore, #tpu.memory_space<semaphore_mem>>
      %dma_start3A_72 = arith.constant 0 : i32
      %dma_start3A_73 = tpu.memref_slice %arg15[%add3A_27, %dma_start3A_72] : memref<10240x128xf32, #tpu.memory_space<vmem_shared>> -> memref<80x128xf32, #tpu.memory_space<vmem_shared>>
      %dma_start3A_74 = arith.constant 0 : i32
      %dma_start3A_75 = tpu.memref_slice %arg15[%add3A_27, %dma_start3A_74] : memref<10240x128xf32, #tpu.memory_space<vmem_shared>> -> memref<80x128xf32, #tpu.memory_space<vmem_shared>>
      tpu.enqueue_dma source(%arg13 : memref<80x128xf32, #tpu.memory_space<vmem>>) target(%dma_start3A_75 : memref<80x128xf32, #tpu.memory_space<vmem_shared>>) target_semaphore(%run_scoped3A : memref<!tpu.dma_semaphore, #tpu.memory_space<semaphore_mem>>)
      %dma_wait3A_76 = arith.constant 0 : i32
      %dma_wait3A_77 = tpu.memref_slice %arg15[%add3A_27, %dma_wait3A_76] : memref<10240x128xf32, #tpu.memory_space<vmem_shared>> -> memref<80x128xf32, #tpu.memory_space<vmem_shared>>
      %dma_wait3A_78 = arith.constant 0 : i32
      %dma_wait3A_79 = tpu.memref_slice %arg15[%add3A_27, %dma_wait3A_78] : memref<10240x128xf32, #tpu.memory_space<vmem_shared>> -> memref<80x128xf32, #tpu.memory_space<vmem_shared>>
      tpu.wait_dma2 semaphore(%run_scoped3A : memref<!tpu.dma_semaphore, #tpu.memory_space<semaphore_mem>>) src(%arg13 : memref<80x128xf32, #tpu.memory_space<vmem>>) dst(%dma_wait3A_79 : memref<80x128xf32, #tpu.memory_space<vmem_shared>>)
      tpu.yield
    }) : () -> ()
    %mul3A_28 = arith.constant 640 : i32
    %mul3A_29 = arith.muli %arg1, %mul3A_28 : i32
    %add3A_30 = arith.constant 80 : i32
    %add3A_31 = arith.addi %mul3A_29, %add3A_30 : i32
    "tpu.region"() ({
      %run_scoped3A = tpu.sem_alloc : memref<!tpu.dma_semaphore, #tpu.memory_space<semaphore_mem>>
      %dma_start3A_72 = arith.constant 0 : i32
      %dma_start3A_73 = tpu.memref_slice %arg15[%add3A_31, %dma_start3A_72] : memref<10240x128xf32, #tpu.memory_space<vmem_shared>> -> memref<80x128xf32, #tpu.memory_space<vmem_shared>>
      %dma_start3A_74 = arith.constant 0 : i32
      %dma_start3A_75 = tpu.memref_slice %arg15[%add3A_31, %dma_start3A_74] : memref<10240x128xf32, #tpu.memory_space<vmem_shared>> -> memref<80x128xf32, #tpu.memory_space<vmem_shared>>
      tpu.enqueue_dma source(%arg13 : memref<80x128xf32, #tpu.memory_space<vmem>>) target(%dma_start3A_75 : memref<80x128xf32, #tpu.memory_space<vmem_shared>>) target_semaphore(%run_scoped3A : memref<!tpu.dma_semaphore, #tpu.memory_space<semaphore_mem>>)
      %dma_wait3A_76 = arith.constant 0 : i32
      %dma_wait3A_77 = tpu.memref_slice %arg15[%add3A_31, %dma_wait3A_76] : memref<10240x128xf32, #tpu.memory_space<vmem_shared>> -> memref<80x128xf32, #tpu.memory_space<vmem_shared>>
      %dma_wait3A_78 = arith.constant 0 : i32
      %dma_wait3A_79 = tpu.memref_slice %arg15[%add3A_31, %dma_wait3A_78] : memref<10240x128xf32, #tpu.memory_space<vmem_shared>> -> memref<80x128xf32, #tpu.memory_space<vmem_shared>>
      tpu.wait_dma2 semaphore(%run_scoped3A : memref<!tpu.dma_semaphore, #tpu.memory_space<semaphore_mem>>) src(%arg13 : memref<80x128xf32, #tpu.memory_space<vmem>>) dst(%dma_wait3A_79 : memref<80x128xf32, #tpu.memory_space<vmem_shared>>)
      tpu.yield
    }) : () -> ()
    %mul3A_32 = arith.constant 640 : i32
    %mul3A_33 = arith.muli %arg1, %mul3A_32 : i32
    %add3A_34 = arith.constant 160 : i32
    %add3A_35 = arith.addi %mul3A_33, %add3A_34 : i32
    "tpu.region"() ({
      %run_scoped3A = tpu.sem_alloc : memref<!tpu.dma_semaphore, #tpu.memory_space<semaphore_mem>>
      %dma_start3A_72 = arith.constant 0 : i32
      %dma_start3A_73 = tpu.memref_slice %arg15[%add3A_35, %dma_start3A_72] : memref<10240x128xf32, #tpu.memory_space<vmem_shared>> -> memref<80x128xf32, #tpu.memory_space<vmem_shared>>
      %dma_start3A_74 = arith.constant 0 : i32
      %dma_start3A_75 = tpu.memref_slice %arg15[%add3A_35, %dma_start3A_74] : memref<10240x128xf32, #tpu.memory_space<vmem_shared>> -> memref<80x128xf32, #tpu.memory_space<vmem_shared>>
      tpu.enqueue_dma source(%arg13 : memref<80x128xf32, #tpu.memory_space<vmem>>) target(%dma_start3A_75 : memref<80x128xf32, #tpu.memory_space<vmem_shared>>) target_semaphore(%run_scoped3A : memref<!tpu.dma_semaphore, #tpu.memory_space<semaphore_mem>>)
      %dma_wait3A_76 = arith.constant 0 : i32
      %dma_wait3A_77 = tpu.memref_slice %arg15[%add3A_35, %dma_wait3A_76] : memref<10240x128xf32, #tpu.memory_space<vmem_shared>> -> memref<80x128xf32, #tpu.memory_space<vmem_shared>>
      %dma_wait3A_78 = arith.constant 0 : i32
      %dma_wait3A_79 = tpu.memref_slice %arg15[%add3A_35, %dma_wait3A_78] : memref<10240x128xf32, #tpu.memory_space<vmem_shared>> -> memref<80x128xf32, #tpu.memory_space<vmem_shared>>
      tpu.wait_dma2 semaphore(%run_scoped3A : memref<!tpu.dma_semaphore, #tpu.memory_space<semaphore_mem>>) src(%arg13 : memref<80x128xf32, #tpu.memory_space<vmem>>) dst(%dma_wait3A_79 : memref<80x128xf32, #tpu.memory_space<vmem_shared>>)
      tpu.yield
    }) : () -> ()
    %mul3A_36 = arith.constant 640 : i32
    %mul3A_37 = arith.muli %arg1, %mul3A_36 : i32
    %add3A_38 = arith.constant 240 : i32
    %add3A_39 = arith.addi %mul3A_37, %add3A_38 : i32
    "tpu.region"() ({
      %run_scoped3A = tpu.sem_alloc : memref<!tpu.dma_semaphore, #tpu.memory_space<semaphore_mem>>
      %dma_start3A_72 = arith.constant 0 : i32
      %dma_start3A_73 = tpu.memref_slice %arg15[%add3A_39, %dma_start3A_72] : memref<10240x128xf32, #tpu.memory_space<vmem_shared>> -> memref<80x128xf32, #tpu.memory_space<vmem_shared>>
      %dma_start3A_74 = arith.constant 0 : i32
      %dma_start3A_75 = tpu.memref_slice %arg15[%add3A_39, %dma_start3A_74] : memref<10240x128xf32, #tpu.memory_space<vmem_shared>> -> memref<80x128xf32, #tpu.memory_space<vmem_shared>>
      tpu.enqueue_dma source(%arg13 : memref<80x128xf32, #tpu.memory_space<vmem>>) target(%dma_start3A_75 : memref<80x128xf32, #tpu.memory_space<vmem_shared>>) target_semaphore(%run_scoped3A : memref<!tpu.dma_semaphore, #tpu.memory_space<semaphore_mem>>)
      %dma_wait3A_76 = arith.constant 0 : i32
      %dma_wait3A_77 = tpu.memref_slice %arg15[%add3A_39, %dma_wait3A_76] : memref<10240x128xf32, #tpu.memory_space<vmem_shared>> -> memref<80x128xf32, #tpu.memory_space<vmem_shared>>
      %dma_wait3A_78 = arith.constant 0 : i32
      %dma_wait3A_79 = tpu.memref_slice %arg15[%add3A_39, %dma_wait3A_78] : memref<10240x128xf32, #tpu.memory_space<vmem_shared>> -> memref<80x128xf32, #tpu.memory_space<vmem_shared>>
      tpu.wait_dma2 semaphore(%run_scoped3A : memref<!tpu.dma_semaphore, #tpu.memory_space<semaphore_mem>>) src(%arg13 : memref<80x128xf32, #tpu.memory_space<vmem>>) dst(%dma_wait3A_79 : memref<80x128xf32, #tpu.memory_space<vmem_shared>>)
      tpu.yield
    }) : () -> ()
    %mul3A_40 = arith.constant 640 : i32
    %mul3A_41 = arith.muli %arg1, %mul3A_40 : i32
    %add3A_42 = arith.constant 320 : i32
    %add3A_43 = arith.addi %mul3A_41, %add3A_42 : i32
    "tpu.region"() ({
      %run_scoped3A = tpu.sem_alloc : memref<!tpu.dma_semaphore, #tpu.memory_space<semaphore_mem>>
      %dma_start3A_72 = arith.constant 0 : i32
      %dma_start3A_73 = tpu.memref_slice %arg15[%add3A_43, %dma_start3A_72] : memref<10240x128xf32, #tpu.memory_space<vmem_shared>> -> memref<80x128xf32, #tpu.memory_space<vmem_shared>>
      %dma_start3A_74 = arith.constant 0 : i32
      %dma_start3A_75 = tpu.memref_slice %arg15[%add3A_43, %dma_start3A_74] : memref<10240x128xf32, #tpu.memory_space<vmem_shared>> -> memref<80x128xf32, #tpu.memory_space<vmem_shared>>
      tpu.enqueue_dma source(%arg13 : memref<80x128xf32, #tpu.memory_space<vmem>>) target(%dma_start3A_75 : memref<80x128xf32, #tpu.memory_space<vmem_shared>>) target_semaphore(%run_scoped3A : memref<!tpu.dma_semaphore, #tpu.memory_space<semaphore_mem>>)
      %dma_wait3A_76 = arith.constant 0 : i32
      %dma_wait3A_77 = tpu.memref_slice %arg15[%add3A_43, %dma_wait3A_76] : memref<10240x128xf32, #tpu.memory_space<vmem_shared>> -> memref<80x128xf32, #tpu.memory_space<vmem_shared>>
      %dma_wait3A_78 = arith.constant 0 : i32
      %dma_wait3A_79 = tpu.memref_slice %arg15[%add3A_43, %dma_wait3A_78] : memref<10240x128xf32, #tpu.memory_space<vmem_shared>> -> memref<80x128xf32, #tpu.memory_space<vmem_shared>>
      tpu.wait_dma2 semaphore(%run_scoped3A : memref<!tpu.dma_semaphore, #tpu.memory_space<semaphore_mem>>) src(%arg13 : memref<80x128xf32, #tpu.memory_space<vmem>>) dst(%dma_wait3A_79 : memref<80x128xf32, #tpu.memory_space<vmem_shared>>)
      tpu.yield
    }) : () -> ()
    %mul3A_44 = arith.constant 640 : i32
    %mul3A_45 = arith.muli %arg1, %mul3A_44 : i32
    %add3A_46 = arith.constant 400 : i32
    %add3A_47 = arith.addi %mul3A_45, %add3A_46 : i32
    "tpu.region"() ({
      %run_scoped3A = tpu.sem_alloc : memref<!tpu.dma_semaphore, #tpu.memory_space<semaphore_mem>>
      %dma_start3A_72 = arith.constant 0 : i32
      %dma_start3A_73 = tpu.memref_slice %arg15[%add3A_47, %dma_start3A_72] : memref<10240x128xf32, #tpu.memory_space<vmem_shared>> -> memref<80x128xf32, #tpu.memory_space<vmem_shared>>
      %dma_start3A_74 = arith.constant 0 : i32
      %dma_start3A_75 = tpu.memref_slice %arg15[%add3A_47, %dma_start3A_74] : memref<10240x128xf32, #tpu.memory_space<vmem_shared>> -> memref<80x128xf32, #tpu.memory_space<vmem_shared>>
      tpu.enqueue_dma source(%arg13 : memref<80x128xf32, #tpu.memory_space<vmem>>) target(%dma_start3A_75 : memref<80x128xf32, #tpu.memory_space<vmem_shared>>) target_semaphore(%run_scoped3A : memref<!tpu.dma_semaphore, #tpu.memory_space<semaphore_mem>>)
      %dma_wait3A_76 = arith.constant 0 : i32
      %dma_wait3A_77 = tpu.memref_slice %arg15[%add3A_47, %dma_wait3A_76] : memref<10240x128xf32, #tpu.memory_space<vmem_shared>> -> memref<80x128xf32, #tpu.memory_space<vmem_shared>>
      %dma_wait3A_78 = arith.constant 0 : i32
      %dma_wait3A_79 = tpu.memref_slice %arg15[%add3A_47, %dma_wait3A_78] : memref<10240x128xf32, #tpu.memory_space<vmem_shared>> -> memref<80x128xf32, #tpu.memory_space<vmem_shared>>
      tpu.wait_dma2 semaphore(%run_scoped3A : memref<!tpu.dma_semaphore, #tpu.memory_space<semaphore_mem>>) src(%arg13 : memref<80x128xf32, #tpu.memory_space<vmem>>) dst(%dma_wait3A_79 : memref<80x128xf32, #tpu.memory_space<vmem_shared>>)
      tpu.yield
    }) : () -> ()
    %mul3A_48 = arith.constant 640 : i32
    %mul3A_49 = arith.muli %arg1, %mul3A_48 : i32
    %add3A_50 = arith.constant 480 : i32
    %add3A_51 = arith.addi %mul3A_49, %add3A_50 : i32
    "tpu.region"() ({
      %run_scoped3A = tpu.sem_alloc : memref<!tpu.dma_semaphore, #tpu.memory_space<semaphore_mem>>
      %dma_start3A_72 = arith.constant 0 : i32
      %dma_start3A_73 = tpu.memref_slice %arg15[%add3A_51, %dma_start3A_72] : memref<10240x128xf32, #tpu.memory_space<vmem_shared>> -> memref<80x128xf32, #tpu.memory_space<vmem_shared>>
      %dma_start3A_74 = arith.constant 0 : i32
      %dma_start3A_75 = tpu.memref_slice %arg15[%add3A_51, %dma_start3A_74] : memref<10240x128xf32, #tpu.memory_space<vmem_shared>> -> memref<80x128xf32, #tpu.memory_space<vmem_shared>>
      tpu.enqueue_dma source(%arg13 : memref<80x128xf32, #tpu.memory_space<vmem>>) target(%dma_start3A_75 : memref<80x128xf32, #tpu.memory_space<vmem_shared>>) target_semaphore(%run_scoped3A : memref<!tpu.dma_semaphore, #tpu.memory_space<semaphore_mem>>)
      %dma_wait3A_76 = arith.constant 0 : i32
      %dma_wait3A_77 = tpu.memref_slice %arg15[%add3A_51, %dma_wait3A_76] : memref<10240x128xf32, #tpu.memory_space<vmem_shared>> -> memref<80x128xf32, #tpu.memory_space<vmem_shared>>
      %dma_wait3A_78 = arith.constant 0 : i32
      %dma_wait3A_79 = tpu.memref_slice %arg15[%add3A_51, %dma_wait3A_78] : memref<10240x128xf32, #tpu.memory_space<vmem_shared>> -> memref<80x128xf32, #tpu.memory_space<vmem_shared>>
      tpu.wait_dma2 semaphore(%run_scoped3A : memref<!tpu.dma_semaphore, #tpu.memory_space<semaphore_mem>>) src(%arg13 : memref<80x128xf32, #tpu.memory_space<vmem>>) dst(%dma_wait3A_79 : memref<80x128xf32, #tpu.memory_space<vmem_shared>>)
      tpu.yield
    }) : () -> ()
    %mul3A_52 = arith.constant 640 : i32
    %mul3A_53 = arith.muli %arg1, %mul3A_52 : i32
    %add3A_54 = arith.constant 560 : i32
    %add3A_55 = arith.addi %mul3A_53, %add3A_54 : i32
    "tpu.region"() ({
      %run_scoped3A = tpu.sem_alloc : memref<!tpu.dma_semaphore, #tpu.memory_space<semaphore_mem>>
      %dma_start3A_72 = arith.constant 0 : i32
      %dma_start3A_73 = tpu.memref_slice %arg15[%add3A_55, %dma_start3A_72] : memref<10240x128xf32, #tpu.memory_space<vmem_shared>> -> memref<80x128xf32, #tpu.memory_space<vmem_shared>>
      %dma_start3A_74 = arith.constant 0 : i32
      %dma_start3A_75 = tpu.memref_slice %arg15[%add3A_55, %dma_start3A_74] : memref<10240x128xf32, #tpu.memory_space<vmem_shared>> -> memref<80x128xf32, #tpu.memory_space<vmem_shared>>
      tpu.enqueue_dma source(%arg13 : memref<80x128xf32, #tpu.memory_space<vmem>>) target(%dma_start3A_75 : memref<80x128xf32, #tpu.memory_space<vmem_shared>>) target_semaphore(%run_scoped3A : memref<!tpu.dma_semaphore, #tpu.memory_space<semaphore_mem>>)
      %dma_wait3A_76 = arith.constant 0 : i32
      %dma_wait3A_77 = tpu.memref_slice %arg15[%add3A_55, %dma_wait3A_76] : memref<10240x128xf32, #tpu.memory_space<vmem_shared>> -> memref<80x128xf32, #tpu.memory_space<vmem_shared>>
      %dma_wait3A_78 = arith.constant 0 : i32
      %dma_wait3A_79 = tpu.memref_slice %arg15[%add3A_55, %dma_wait3A_78] : memref<10240x128xf32, #tpu.memory_space<vmem_shared>> -> memref<80x128xf32, #tpu.memory_space<vmem_shared>>
      tpu.wait_dma2 semaphore(%run_scoped3A : memref<!tpu.dma_semaphore, #tpu.memory_space<semaphore_mem>>) src(%arg13 : memref<80x128xf32, #tpu.memory_space<vmem>>) dst(%dma_wait3A_79 : memref<80x128xf32, #tpu.memory_space<vmem_shared>>)
      tpu.yield
    }) : () -> ()
    %barrier3A = arith.constant 0 : index
    tpu.barrier barrier_id(%barrier3A)
    "tpu.trace_stop"() : () -> ()
    "tpu.trace_start"() <{level = 10 : i32, message = "edge_loop"}> : () -> ()
    %scan3A_56 = arith.constant 0 : i32
    %scan3A_57 = arith.constant 0 : i32
    %scan3A_58 = arith.constant 32 : i32
    %scan3A_59 = arith.addi %scan3A_57, %scan3A_58 : i32
    %scan3A_60 = arith.constant 1 : i32
    scf.for %scan3A_72 = %scan3A_57 to %scan3A_59 step %scan3A_60  : i32 {
      %mul3A_73 = arith.constant 4 : i32
      %mul3A_74 = arith.muli %scan3A_72, %mul3A_73 : i32
      %add3A_75 = arith.constant 0 : i32
      %add3A_76 = arith.addi %mul3A_74, %add3A_75 : i32
      %add3A_77 = arith.addi %mul3A_2, %add3A_76 : i32
      %dma_wait3A_78 = arith.constant 0 : i32
      %dma_wait3A_79 = arith.constant 0 : i32
      %dma_wait3A_80 = tpu.memref_slice %arg3[%add3A_77, %dma_wait3A_78, %dma_wait3A_79] : memref<4096x2x80xi32, #tpu.memory_space<hbm>> -> memref<1x1x80xi32, #tpu.memory_space<hbm>>
      %dma_wait3A_81 = tpu.memref_squeeze %dma_wait3A_80 : memref<1x1x80xi32, #tpu.memory_space<hbm>> -> memref<80xi32, #tpu.memory_space<hbm>>
      %dma_wait3A_82 = arith.constant 0 : i32
      %dma_wait3A_83 = tpu.memref_slice %arg3[%add3A_77, %dma_wait3A_78, %dma_wait3A_82] : memref<4096x2x80xi32, #tpu.memory_space<hbm>> -> memref<1x1x80xi32, #tpu.memory_space<hbm>>
      %dma_wait3A_84 = tpu.memref_squeeze %dma_wait3A_83 : memref<1x1x80xi32, #tpu.memory_space<hbm>> -> memref<80xi32, #tpu.memory_space<hbm>>
      tpu.wait_dma2 semaphore(%arg19 : memref<!tpu.dma_semaphore, #tpu.memory_space<semaphore_mem>>) src(%dma_wait3A_84 : memref<80xi32, #tpu.memory_space<hbm>>) dst(%arg5 : memref<80xi32, #tpu.memory_space<vmem>>)
      %add3A_85 = arith.addi %mul3A_2, %add3A_76 : i32
      %dma_wait3A_86 = arith.constant 1 : i32
      %dma_wait3A_87 = arith.constant 0 : i32
      %dma_wait3A_88 = tpu.memref_slice %arg3[%add3A_85, %dma_wait3A_86, %dma_wait3A_87] : memref<4096x2x80xi32, #tpu.memory_space<hbm>> -> memref<1x1x80xi32, #tpu.memory_space<hbm>>
      %dma_wait3A_89 = tpu.memref_squeeze %dma_wait3A_88 : memref<1x1x80xi32, #tpu.memory_space<hbm>> -> memref<80xi32, #tpu.memory_space<hbm>>
      %dma_wait3A_90 = arith.constant 0 : i32
      %dma_wait3A_91 = tpu.memref_slice %arg3[%add3A_85, %dma_wait3A_86, %dma_wait3A_90] : memref<4096x2x80xi32, #tpu.memory_space<hbm>> -> memref<1x1x80xi32, #tpu.memory_space<hbm>>
      %dma_wait3A_92 = tpu.memref_squeeze %dma_wait3A_91 : memref<1x1x80xi32, #tpu.memory_space<hbm>> -> memref<80xi32, #tpu.memory_space<hbm>>
      tpu.wait_dma2 semaphore(%arg19 : memref<!tpu.dma_semaphore, #tpu.memory_space<semaphore_mem>>) src(%dma_wait3A_92 : memref<80xi32, #tpu.memory_space<hbm>>) dst(%arg9 : memref<80xi32, #tpu.memory_space<vmem>>)
      %add3A_93 = arith.constant 1 : i32
      %add3A_94 = arith.addi %add3A_76, %add3A_93 : i32
      %lt3A = arith.constant 128 : i32
      %lt3A_95 = arith.cmpi slt, %add3A_94, %lt3A : i32
      %convert_element_type3A = arith.extui %lt3A_95 : i1 to i32
      %cond3A = arith.constant 0 : i32
      %cond3A_96 = arith.cmpi ne, %convert_element_type3A, %cond3A : i32
      scf.if %cond3A_96 {
        %add3A_233 = arith.addi %mul3A_2, %add3A_76 : i32
        %add3A_234 = arith.constant 1 : i32
        %add3A_235 = arith.addi %add3A_233, %add3A_234 : i32
        %dma_start3A_236 = arith.constant 0 : i32
        %dma_start3A_237 = arith.constant 0 : i32
        %dma_start3A_238 = tpu.memref_slice %arg3[%add3A_235, %dma_start3A_236, %dma_start3A_237] : memref<4096x2x80xi32, #tpu.memory_space<hbm>> -> memref<1x1x80xi32, #tpu.memory_space<hbm>>
        %dma_start3A_239 = tpu.memref_squeeze %dma_start3A_238 : memref<1x1x80xi32, #tpu.memory_space<hbm>> -> memref<80xi32, #tpu.memory_space<hbm>>
        %dma_start3A_240 = arith.constant 0 : i32
        %dma_start3A_241 = tpu.memref_slice %arg3[%add3A_235, %dma_start3A_236, %dma_start3A_240] : memref<4096x2x80xi32, #tpu.memory_space<hbm>> -> memref<1x1x80xi32, #tpu.memory_space<hbm>>
        %dma_start3A_242 = tpu.memref_squeeze %dma_start3A_241 : memref<1x1x80xi32, #tpu.memory_space<hbm>> -> memref<80xi32, #tpu.memory_space<hbm>>
        tpu.enqueue_dma source(%dma_start3A_242 : memref<80xi32, #tpu.memory_space<hbm>>) target(%arg6 : memref<80xi32, #tpu.memory_space<vmem>>) target_semaphore(%arg19 : memref<!tpu.dma_semaphore, #tpu.memory_space<semaphore_mem>>)
        %add3A_243 = arith.addi %mul3A_2, %add3A_76 : i32
        %add3A_244 = arith.constant 1 : i32
        %add3A_245 = arith.addi %add3A_243, %add3A_244 : i32
        %dma_start3A_246 = arith.constant 1 : i32
        %dma_start3A_247 = arith.constant 0 : i32
        %dma_start3A_248 = tpu.memref_slice %arg3[%add3A_245, %dma_start3A_246, %dma_start3A_247] : memref<4096x2x80xi32, #tpu.memory_space<hbm>> -> memref<1x1x80xi32, #tpu.memory_space<hbm>>
        %dma_start3A_249 = tpu.memref_squeeze %dma_start3A_248 : memref<1x1x80xi32, #tpu.memory_space<hbm>> -> memref<80xi32, #tpu.memory_space<hbm>>
        %dma_start3A_250 = arith.constant 0 : i32
        %dma_start3A_251 = tpu.memref_slice %arg3[%add3A_245, %dma_start3A_246, %dma_start3A_250] : memref<4096x2x80xi32, #tpu.memory_space<hbm>> -> memref<1x1x80xi32, #tpu.memory_space<hbm>>
        %dma_start3A_252 = tpu.memref_squeeze %dma_start3A_251 : memref<1x1x80xi32, #tpu.memory_space<hbm>> -> memref<80xi32, #tpu.memory_space<hbm>>
        tpu.enqueue_dma source(%dma_start3A_252 : memref<80xi32, #tpu.memory_space<hbm>>) target(%arg10 : memref<80xi32, #tpu.memory_space<vmem>>) target_semaphore(%arg19 : memref<!tpu.dma_semaphore, #tpu.memory_space<semaphore_mem>>)
      } else {
      }
      %ge3A = arith.constant 2 : i32
      %ge3A_97 = arith.cmpi sge, %add3A_76, %ge3A : i32
      %convert_element_type3A_98 = arith.extui %ge3A_97 : i1 to i32
      %cond3A_99 = arith.constant 0 : i32
      %cond3A_100 = arith.cmpi ne, %convert_element_type3A_98, %cond3A_99 : i32
      scf.if %cond3A_100 {
        %dma_wait3A_233 = arith.constant 0 : i32
        %dma_wait3A_234 = arith.constant 0 : i32
        %dma_wait3A_235 = tpu.memref_slice %arg15[%dma_wait3A_233, %dma_wait3A_234] : memref<10240x128xf32, #tpu.memory_space<vmem_shared>> -> memref<10240x128xf32, #tpu.memory_space<vmem_shared>>
        tpu.wait_indirect_dma semaphore(%arg17 : memref<!tpu.dma_semaphore, #tpu.memory_space<semaphore_mem>>) src(%arg13 : memref<80x128xf32, #tpu.memory_space<vmem>>) dst(%dma_wait3A_235 : memref<10240x128xf32, #tpu.memory_space<vmem_shared>>)
      } else {
      }
      %dma_start3A_101 = arith.constant 0 : i32
      %dma_start3A_102 = arith.constant 0 : i32
      %dma_start3A_103 = tpu.memref_slice %arg2[%dma_start3A_101, %dma_start3A_102] : memref<10240x128xf32, #tpu.memory_space<hbm>> -> memref<10240x128xf32, #tpu.memory_space<hbm>>
      tpu.enqueue_indirect_dma source(%dma_start3A_103 : memref<10240x128xf32, #tpu.memory_space<hbm>>) target(%arg13 : memref<80x128xf32, #tpu.memory_space<vmem>>) offsets(%arg5 : memref<80xi32, #tpu.memory_space<vmem>>) semaphore(%arg16 : memref<!tpu.dma_semaphore, #tpu.memory_space<semaphore_mem>>)
      %dma_wait3A_104 = arith.constant 0 : i32
      %dma_wait3A_105 = arith.constant 0 : i32
      %dma_wait3A_106 = tpu.memref_slice %arg2[%dma_wait3A_104, %dma_wait3A_105] : memref<10240x128xf32, #tpu.memory_space<hbm>> -> memref<10240x128xf32, #tpu.memory_space<hbm>>
      tpu.wait_indirect_dma semaphore(%arg16 : memref<!tpu.dma_semaphore, #tpu.memory_space<semaphore_mem>>) src(%dma_wait3A_106 : memref<10240x128xf32, #tpu.memory_space<hbm>>) dst(%arg13 : memref<80x128xf32, #tpu.memory_space<vmem>>)
      %dma_start3A_107 = arith.constant 0 : i32
      %dma_start3A_108 = arith.constant 0 : i32
      %dma_start3A_109 = tpu.memref_slice %arg15[%dma_start3A_107, %dma_start3A_108] : memref<10240x128xf32, #tpu.memory_space<vmem_shared>> -> memref<10240x128xf32, #tpu.memory_space<vmem_shared>>
      tpu.enqueue_indirect_dma source(%arg13 : memref<80x128xf32, #tpu.memory_space<vmem>>) target(%dma_start3A_109 : memref<10240x128xf32, #tpu.memory_space<vmem_shared>>) offsets(%arg9 : memref<80xi32, #tpu.memory_space<vmem>>) semaphore(%arg17 : memref<!tpu.dma_semaphore, #tpu.memory_space<semaphore_mem>>) {add = true}
      %mul3A_110 = arith.constant 4 : i32
      %mul3A_111 = arith.muli %scan3A_72, %mul3A_110 : i32
      %add3A_112 = arith.constant 1 : i32
      %add3A_113 = arith.addi %mul3A_111, %add3A_112 : i32
      %add3A_114 = arith.addi %mul3A_2, %add3A_113 : i32
      %dma_wait3A_115 = arith.constant 0 : i32
      %dma_wait3A_116 = arith.constant 0 : i32
      %dma_wait3A_117 = tpu.memref_slice %arg3[%add3A_114, %dma_wait3A_115, %dma_wait3A_116] : memref<4096x2x80xi32, #tpu.memory_space<hbm>> -> memref<1x1x80xi32, #tpu.memory_space<hbm>>
      %dma_wait3A_118 = tpu.memref_squeeze %dma_wait3A_117 : memref<1x1x80xi32, #tpu.memory_space<hbm>> -> memref<80xi32, #tpu.memory_space<hbm>>
      %dma_wait3A_119 = arith.constant 0 : i32
      %dma_wait3A_120 = tpu.memref_slice %arg3[%add3A_114, %dma_wait3A_115, %dma_wait3A_119] : memref<4096x2x80xi32, #tpu.memory_space<hbm>> -> memref<1x1x80xi32, #tpu.memory_space<hbm>>
      %dma_wait3A_121 = tpu.memref_squeeze %dma_wait3A_120 : memref<1x1x80xi32, #tpu.memory_space<hbm>> -> memref<80xi32, #tpu.memory_space<hbm>>
      tpu.wait_dma2 semaphore(%arg19 : memref<!tpu.dma_semaphore, #tpu.memory_space<semaphore_mem>>) src(%dma_wait3A_121 : memref<80xi32, #tpu.memory_space<hbm>>) dst(%arg6 : memref<80xi32, #tpu.memory_space<vmem>>)
      %add3A_122 = arith.addi %mul3A_2, %add3A_113 : i32
      %dma_wait3A_123 = arith.constant 1 : i32
      %dma_wait3A_124 = arith.constant 0 : i32
      %dma_wait3A_125 = tpu.memref_slice %arg3[%add3A_122, %dma_wait3A_123, %dma_wait3A_124] : memref<4096x2x80xi32, #tpu.memory_space<hbm>> -> memref<1x1x80xi32, #tpu.memory_space<hbm>>
      %dma_wait3A_126 = tpu.memref_squeeze %dma_wait3A_125 : memref<1x1x80xi32, #tpu.memory_space<hbm>> -> memref<80xi32, #tpu.memory_space<hbm>>
      %dma_wait3A_127 = arith.constant 0 : i32
      %dma_wait3A_128 = tpu.memref_slice %arg3[%add3A_122, %dma_wait3A_123, %dma_wait3A_127] : memref<4096x2x80xi32, #tpu.memory_space<hbm>> -> memref<1x1x80xi32, #tpu.memory_space<hbm>>
      %dma_wait3A_129 = tpu.memref_squeeze %dma_wait3A_128 : memref<1x1x80xi32, #tpu.memory_space<hbm>> -> memref<80xi32, #tpu.memory_space<hbm>>
      tpu.wait_dma2 semaphore(%arg19 : memref<!tpu.dma_semaphore, #tpu.memory_space<semaphore_mem>>) src(%dma_wait3A_129 : memref<80xi32, #tpu.memory_space<hbm>>) dst(%arg10 : memref<80xi32, #tpu.memory_space<vmem>>)
      %add3A_130 = arith.constant 1 : i32
      %add3A_131 = arith.addi %add3A_113, %add3A_130 : i32
      %lt3A_132 = arith.constant 128 : i32
      %lt3A_133 = arith.cmpi slt, %add3A_131, %lt3A_132 : i32
      %convert_element_type3A_134 = arith.extui %lt3A_133 : i1 to i32
      %cond3A_135 = arith.constant 0 : i32
      %cond3A_136 = arith.cmpi ne, %convert_element_type3A_134, %cond3A_135 : i32
      scf.if %cond3A_136 {
        %add3A_233 = arith.addi %mul3A_2, %add3A_113 : i32
        %add3A_234 = arith.constant 1 : i32
        %add3A_235 = arith.addi %add3A_233, %add3A_234 : i32
        %dma_start3A_236 = arith.constant 0 : i32
        %dma_start3A_237 = arith.constant 0 : i32
        %dma_start3A_238 = tpu.memref_slice %arg3[%add3A_235, %dma_start3A_236, %dma_start3A_237] : memref<4096x2x80xi32, #tpu.memory_space<hbm>> -> memref<1x1x80xi32, #tpu.memory_space<hbm>>
        %dma_start3A_239 = tpu.memref_squeeze %dma_start3A_238 : memref<1x1x80xi32, #tpu.memory_space<hbm>> -> memref<80xi32, #tpu.memory_space<hbm>>
        %dma_start3A_240 = arith.constant 0 : i32
        %dma_start3A_241 = tpu.memref_slice %arg3[%add3A_235, %dma_start3A_236, %dma_start3A_240] : memref<4096x2x80xi32, #tpu.memory_space<hbm>> -> memref<1x1x80xi32, #tpu.memory_space<hbm>>
        %dma_start3A_242 = tpu.memref_squeeze %dma_start3A_241 : memref<1x1x80xi32, #tpu.memory_space<hbm>> -> memref<80xi32, #tpu.memory_space<hbm>>
        tpu.enqueue_dma source(%dma_start3A_242 : memref<80xi32, #tpu.memory_space<hbm>>) target(%arg7 : memref<80xi32, #tpu.memory_space<vmem>>) target_semaphore(%arg19 : memref<!tpu.dma_semaphore, #tpu.memory_space<semaphore_mem>>)
        %add3A_243 = arith.addi %mul3A_2, %add3A_113 : i32
        %add3A_244 = arith.constant 1 : i32
        %add3A_245 = arith.addi %add3A_243, %add3A_244 : i32
        %dma_start3A_246 = arith.constant 1 : i32
        %dma_start3A_247 = arith.constant 0 : i32
        %dma_start3A_248 = tpu.memref_slice %arg3[%add3A_245, %dma_start3A_246, %dma_start3A_247] : memref<4096x2x80xi32, #tpu.memory_space<hbm>> -> memref<1x1x80xi32, #tpu.memory_space<hbm>>
        %dma_start3A_249 = tpu.memref_squeeze %dma_start3A_248 : memref<1x1x80xi32, #tpu.memory_space<hbm>> -> memref<80xi32, #tpu.memory_space<hbm>>
        %dma_start3A_250 = arith.constant 0 : i32
        %dma_start3A_251 = tpu.memref_slice %arg3[%add3A_245, %dma_start3A_246, %dma_start3A_250] : memref<4096x2x80xi32, #tpu.memory_space<hbm>> -> memref<1x1x80xi32, #tpu.memory_space<hbm>>
        %dma_start3A_252 = tpu.memref_squeeze %dma_start3A_251 : memref<1x1x80xi32, #tpu.memory_space<hbm>> -> memref<80xi32, #tpu.memory_space<hbm>>
        tpu.enqueue_dma source(%dma_start3A_252 : memref<80xi32, #tpu.memory_space<hbm>>) target(%arg11 : memref<80xi32, #tpu.memory_space<vmem>>) target_semaphore(%arg19 : memref<!tpu.dma_semaphore, #tpu.memory_space<semaphore_mem>>)
      } else {
      }
      %ge3A_137 = arith.constant 2 : i32
      %ge3A_138 = arith.cmpi sge, %add3A_113, %ge3A_137 : i32
      %convert_element_type3A_139 = arith.extui %ge3A_138 : i1 to i32
      %cond3A_140 = arith.constant 0 : i32
      %cond3A_141 = arith.cmpi ne, %convert_element_type3A_139, %cond3A_140 : i32
      scf.if %cond3A_141 {
        %dma_wait3A_233 = arith.constant 0 : i32
        %dma_wait3A_234 = arith.constant 0 : i32
        %dma_wait3A_235 = tpu.memref_slice %arg15[%dma_wait3A_233, %dma_wait3A_234] : memref<10240x128xf32, #tpu.memory_space<vmem_shared>> -> memref<10240x128xf32, #tpu.memory_space<vmem_shared>>
        tpu.wait_indirect_dma semaphore(%arg18 : memref<!tpu.dma_semaphore, #tpu.memory_space<semaphore_mem>>) src(%arg14 : memref<80x128xf32, #tpu.memory_space<vmem>>) dst(%dma_wait3A_235 : memref<10240x128xf32, #tpu.memory_space<vmem_shared>>)
      } else {
      }
      %dma_start3A_142 = arith.constant 0 : i32
      %dma_start3A_143 = arith.constant 0 : i32
      %dma_start3A_144 = tpu.memref_slice %arg2[%dma_start3A_142, %dma_start3A_143] : memref<10240x128xf32, #tpu.memory_space<hbm>> -> memref<10240x128xf32, #tpu.memory_space<hbm>>
      tpu.enqueue_indirect_dma source(%dma_start3A_144 : memref<10240x128xf32, #tpu.memory_space<hbm>>) target(%arg14 : memref<80x128xf32, #tpu.memory_space<vmem>>) offsets(%arg6 : memref<80xi32, #tpu.memory_space<vmem>>) semaphore(%arg16 : memref<!tpu.dma_semaphore, #tpu.memory_space<semaphore_mem>>)
      %dma_wait3A_145 = arith.constant 0 : i32
      %dma_wait3A_146 = arith.constant 0 : i32
      %dma_wait3A_147 = tpu.memref_slice %arg2[%dma_wait3A_145, %dma_wait3A_146] : memref<10240x128xf32, #tpu.memory_space<hbm>> -> memref<10240x128xf32, #tpu.memory_space<hbm>>
      tpu.wait_indirect_dma semaphore(%arg16 : memref<!tpu.dma_semaphore, #tpu.memory_space<semaphore_mem>>) src(%dma_wait3A_147 : memref<10240x128xf32, #tpu.memory_space<hbm>>) dst(%arg14 : memref<80x128xf32, #tpu.memory_space<vmem>>)
      %dma_start3A_148 = arith.constant 0 : i32
      %dma_start3A_149 = arith.constant 0 : i32
      %dma_start3A_150 = tpu.memref_slice %arg15[%dma_start3A_148, %dma_start3A_149] : memref<10240x128xf32, #tpu.memory_space<vmem_shared>> -> memref<10240x128xf32, #tpu.memory_space<vmem_shared>>
      tpu.enqueue_indirect_dma source(%arg14 : memref<80x128xf32, #tpu.memory_space<vmem>>) target(%dma_start3A_150 : memref<10240x128xf32, #tpu.memory_space<vmem_shared>>) offsets(%arg10 : memref<80xi32, #tpu.memory_space<vmem>>) semaphore(%arg18 : memref<!tpu.dma_semaphore, #tpu.memory_space<semaphore_mem>>) {add = true}
      %mul3A_151 = arith.constant 4 : i32
      %mul3A_152 = arith.muli %scan3A_72, %mul3A_151 : i32
      %add3A_153 = arith.constant 2 : i32
      %add3A_154 = arith.addi %mul3A_152, %add3A_153 : i32
      %add3A_155 = arith.addi %mul3A_2, %add3A_154 : i32
      %dma_wait3A_156 = arith.constant 0 : i32
      %dma_wait3A_157 = arith.constant 0 : i32
      %dma_wait3A_158 = tpu.memref_slice %arg3[%add3A_155, %dma_wait3A_156, %dma_wait3A_157] : memref<4096x2x80xi32, #tpu.memory_space<hbm>> -> memref<1x1x80xi32, #tpu.memory_space<hbm>>
      %dma_wait3A_159 = tpu.memref_squeeze %dma_wait3A_158 : memref<1x1x80xi32, #tpu.memory_space<hbm>> -> memref<80xi32, #tpu.memory_space<hbm>>
      %dma_wait3A_160 = arith.constant 0 : i32
      %dma_wait3A_161 = tpu.memref_slice %arg3[%add3A_155, %dma_wait3A_156, %dma_wait3A_160] : memref<4096x2x80xi32, #tpu.memory_space<hbm>> -> memref<1x1x80xi32, #tpu.memory_space<hbm>>
      %dma_wait3A_162 = tpu.memref_squeeze %dma_wait3A_161 : memref<1x1x80xi32, #tpu.memory_space<hbm>> -> memref<80xi32, #tpu.memory_space<hbm>>
      tpu.wait_dma2 semaphore(%arg19 : memref<!tpu.dma_semaphore, #tpu.memory_space<semaphore_mem>>) src(%dma_wait3A_162 : memref<80xi32, #tpu.memory_space<hbm>>) dst(%arg7 : memref<80xi32, #tpu.memory_space<vmem>>)
      %add3A_163 = arith.addi %mul3A_2, %add3A_154 : i32
      %dma_wait3A_164 = arith.constant 1 : i32
      %dma_wait3A_165 = arith.constant 0 : i32
      %dma_wait3A_166 = tpu.memref_slice %arg3[%add3A_163, %dma_wait3A_164, %dma_wait3A_165] : memref<4096x2x80xi32, #tpu.memory_space<hbm>> -> memref<1x1x80xi32, #tpu.memory_space<hbm>>
      %dma_wait3A_167 = tpu.memref_squeeze %dma_wait3A_166 : memref<1x1x80xi32, #tpu.memory_space<hbm>> -> memref<80xi32, #tpu.memory_space<hbm>>
      %dma_wait3A_168 = arith.constant 0 : i32
      %dma_wait3A_169 = tpu.memref_slice %arg3[%add3A_163, %dma_wait3A_164, %dma_wait3A_168] : memref<4096x2x80xi32, #tpu.memory_space<hbm>> -> memref<1x1x80xi32, #tpu.memory_space<hbm>>
      %dma_wait3A_170 = tpu.memref_squeeze %dma_wait3A_169 : memref<1x1x80xi32, #tpu.memory_space<hbm>> -> memref<80xi32, #tpu.memory_space<hbm>>
      tpu.wait_dma2 semaphore(%arg19 : memref<!tpu.dma_semaphore, #tpu.memory_space<semaphore_mem>>) src(%dma_wait3A_170 : memref<80xi32, #tpu.memory_space<hbm>>) dst(%arg11 : memref<80xi32, #tpu.memory_space<vmem>>)
      %add3A_171 = arith.constant 1 : i32
      %add3A_172 = arith.addi %add3A_154, %add3A_171 : i32
      %lt3A_173 = arith.constant 128 : i32
      %lt3A_174 = arith.cmpi slt, %add3A_172, %lt3A_173 : i32
      %convert_element_type3A_175 = arith.extui %lt3A_174 : i1 to i32
      %cond3A_176 = arith.constant 0 : i32
      %cond3A_177 = arith.cmpi ne, %convert_element_type3A_175, %cond3A_176 : i32
      scf.if %cond3A_177 {
        %add3A_233 = arith.addi %mul3A_2, %add3A_154 : i32
        %add3A_234 = arith.constant 1 : i32
        %add3A_235 = arith.addi %add3A_233, %add3A_234 : i32
        %dma_start3A_236 = arith.constant 0 : i32
        %dma_start3A_237 = arith.constant 0 : i32
        %dma_start3A_238 = tpu.memref_slice %arg3[%add3A_235, %dma_start3A_236, %dma_start3A_237] : memref<4096x2x80xi32, #tpu.memory_space<hbm>> -> memref<1x1x80xi32, #tpu.memory_space<hbm>>
        %dma_start3A_239 = tpu.memref_squeeze %dma_start3A_238 : memref<1x1x80xi32, #tpu.memory_space<hbm>> -> memref<80xi32, #tpu.memory_space<hbm>>
        %dma_start3A_240 = arith.constant 0 : i32
        %dma_start3A_241 = tpu.memref_slice %arg3[%add3A_235, %dma_start3A_236, %dma_start3A_240] : memref<4096x2x80xi32, #tpu.memory_space<hbm>> -> memref<1x1x80xi32, #tpu.memory_space<hbm>>
        %dma_start3A_242 = tpu.memref_squeeze %dma_start3A_241 : memref<1x1x80xi32, #tpu.memory_space<hbm>> -> memref<80xi32, #tpu.memory_space<hbm>>
        tpu.enqueue_dma source(%dma_start3A_242 : memref<80xi32, #tpu.memory_space<hbm>>) target(%arg8 : memref<80xi32, #tpu.memory_space<vmem>>) target_semaphore(%arg19 : memref<!tpu.dma_semaphore, #tpu.memory_space<semaphore_mem>>)
        %add3A_243 = arith.addi %mul3A_2, %add3A_154 : i32
        %add3A_244 = arith.constant 1 : i32
        %add3A_245 = arith.addi %add3A_243, %add3A_244 : i32
        %dma_start3A_246 = arith.constant 1 : i32
        %dma_start3A_247 = arith.constant 0 : i32
        %dma_start3A_248 = tpu.memref_slice %arg3[%add3A_245, %dma_start3A_246, %dma_start3A_247] : memref<4096x2x80xi32, #tpu.memory_space<hbm>> -> memref<1x1x80xi32, #tpu.memory_space<hbm>>
        %dma_start3A_249 = tpu.memref_squeeze %dma_start3A_248 : memref<1x1x80xi32, #tpu.memory_space<hbm>> -> memref<80xi32, #tpu.memory_space<hbm>>
        %dma_start3A_250 = arith.constant 0 : i32
        %dma_start3A_251 = tpu.memref_slice %arg3[%add3A_245, %dma_start3A_246, %dma_start3A_250] : memref<4096x2x80xi32, #tpu.memory_space<hbm>> -> memref<1x1x80xi32, #tpu.memory_space<hbm>>
        %dma_start3A_252 = tpu.memref_squeeze %dma_start3A_251 : memref<1x1x80xi32, #tpu.memory_space<hbm>> -> memref<80xi32, #tpu.memory_space<hbm>>
        tpu.enqueue_dma source(%dma_start3A_252 : memref<80xi32, #tpu.memory_space<hbm>>) target(%arg12 : memref<80xi32, #tpu.memory_space<vmem>>) target_semaphore(%arg19 : memref<!tpu.dma_semaphore, #tpu.memory_space<semaphore_mem>>)
      } else {
      }
      %ge3A_178 = arith.constant 2 : i32
      %ge3A_179 = arith.cmpi sge, %add3A_154, %ge3A_178 : i32
      %convert_element_type3A_180 = arith.extui %ge3A_179 : i1 to i32
      %cond3A_181 = arith.constant 0 : i32
      %cond3A_182 = arith.cmpi ne, %convert_element_type3A_180, %cond3A_181 : i32
      scf.if %cond3A_182 {
        %dma_wait3A_233 = arith.constant 0 : i32
        %dma_wait3A_234 = arith.constant 0 : i32
        %dma_wait3A_235 = tpu.memref_slice %arg15[%dma_wait3A_233, %dma_wait3A_234] : memref<10240x128xf32, #tpu.memory_space<vmem_shared>> -> memref<10240x128xf32, #tpu.memory_space<vmem_shared>>
        tpu.wait_indirect_dma semaphore(%arg17 : memref<!tpu.dma_semaphore, #tpu.memory_space<semaphore_mem>>) src(%arg13 : memref<80x128xf32, #tpu.memory_space<vmem>>) dst(%dma_wait3A_235 : memref<10240x128xf32, #tpu.memory_space<vmem_shared>>)
      } else {
      }
      %dma_start3A_183 = arith.constant 0 : i32
      %dma_start3A_184 = arith.constant 0 : i32
      %dma_start3A_185 = tpu.memref_slice %arg2[%dma_start3A_183, %dma_start3A_184] : memref<10240x128xf32, #tpu.memory_space<hbm>> -> memref<10240x128xf32, #tpu.memory_space<hbm>>
      tpu.enqueue_indirect_dma source(%dma_start3A_185 : memref<10240x128xf32, #tpu.memory_space<hbm>>) target(%arg13 : memref<80x128xf32, #tpu.memory_space<vmem>>) offsets(%arg7 : memref<80xi32, #tpu.memory_space<vmem>>) semaphore(%arg16 : memref<!tpu.dma_semaphore, #tpu.memory_space<semaphore_mem>>)
      %dma_wait3A_186 = arith.constant 0 : i32
      %dma_wait3A_187 = arith.constant 0 : i32
      %dma_wait3A_188 = tpu.memref_slice %arg2[%dma_wait3A_186, %dma_wait3A_187] : memref<10240x128xf32, #tpu.memory_space<hbm>> -> memref<10240x128xf32, #tpu.memory_space<hbm>>
      tpu.wait_indirect_dma semaphore(%arg16 : memref<!tpu.dma_semaphore, #tpu.memory_space<semaphore_mem>>) src(%dma_wait3A_188 : memref<10240x128xf32, #tpu.memory_space<hbm>>) dst(%arg13 : memref<80x128xf32, #tpu.memory_space<vmem>>)
      %dma_start3A_189 = arith.constant 0 : i32
      %dma_start3A_190 = arith.constant 0 : i32
      %dma_start3A_191 = tpu.memref_slice %arg15[%dma_start3A_189, %dma_start3A_190] : memref<10240x128xf32, #tpu.memory_space<vmem_shared>> -> memref<10240x128xf32, #tpu.memory_space<vmem_shared>>
      tpu.enqueue_indirect_dma source(%arg13 : memref<80x128xf32, #tpu.memory_space<vmem>>) target(%dma_start3A_191 : memref<10240x128xf32, #tpu.memory_space<vmem_shared>>) offsets(%arg11 : memref<80xi32, #tpu.memory_space<vmem>>) semaphore(%arg17 : memref<!tpu.dma_semaphore, #tpu.memory_space<semaphore_mem>>) {add = true}
      %mul3A_192 = arith.constant 4 : i32
      %mul3A_193 = arith.muli %scan3A_72, %mul3A_192 : i32
      %add3A_194 = arith.constant 3 : i32
      %add3A_195 = arith.addi %mul3A_193, %add3A_194 : i32
      %add3A_196 = arith.addi %mul3A_2, %add3A_195 : i32
      %dma_wait3A_197 = arith.constant 0 : i32
      %dma_wait3A_198 = arith.constant 0 : i32
      %dma_wait3A_199 = tpu.memref_slice %arg3[%add3A_196, %dma_wait3A_197, %dma_wait3A_198] : memref<4096x2x80xi32, #tpu.memory_space<hbm>> -> memref<1x1x80xi32, #tpu.memory_space<hbm>>
      %dma_wait3A_200 = tpu.memref_squeeze %dma_wait3A_199 : memref<1x1x80xi32, #tpu.memory_space<hbm>> -> memref<80xi32, #tpu.memory_space<hbm>>
      %dma_wait3A_201 = arith.constant 0 : i32
      %dma_wait3A_202 = tpu.memref_slice %arg3[%add3A_196, %dma_wait3A_197, %dma_wait3A_201] : memref<4096x2x80xi32, #tpu.memory_space<hbm>> -> memref<1x1x80xi32, #tpu.memory_space<hbm>>
      %dma_wait3A_203 = tpu.memref_squeeze %dma_wait3A_202 : memref<1x1x80xi32, #tpu.memory_space<hbm>> -> memref<80xi32, #tpu.memory_space<hbm>>
      tpu.wait_dma2 semaphore(%arg19 : memref<!tpu.dma_semaphore, #tpu.memory_space<semaphore_mem>>) src(%dma_wait3A_203 : memref<80xi32, #tpu.memory_space<hbm>>) dst(%arg8 : memref<80xi32, #tpu.memory_space<vmem>>)
      %add3A_204 = arith.addi %mul3A_2, %add3A_195 : i32
      %dma_wait3A_205 = arith.constant 1 : i32
      %dma_wait3A_206 = arith.constant 0 : i32
      %dma_wait3A_207 = tpu.memref_slice %arg3[%add3A_204, %dma_wait3A_205, %dma_wait3A_206] : memref<4096x2x80xi32, #tpu.memory_space<hbm>> -> memref<1x1x80xi32, #tpu.memory_space<hbm>>
      %dma_wait3A_208 = tpu.memref_squeeze %dma_wait3A_207 : memref<1x1x80xi32, #tpu.memory_space<hbm>> -> memref<80xi32, #tpu.memory_space<hbm>>
      %dma_wait3A_209 = arith.constant 0 : i32
      %dma_wait3A_210 = tpu.memref_slice %arg3[%add3A_204, %dma_wait3A_205, %dma_wait3A_209] : memref<4096x2x80xi32, #tpu.memory_space<hbm>> -> memref<1x1x80xi32, #tpu.memory_space<hbm>>
      %dma_wait3A_211 = tpu.memref_squeeze %dma_wait3A_210 : memref<1x1x80xi32, #tpu.memory_space<hbm>> -> memref<80xi32, #tpu.memory_space<hbm>>
      tpu.wait_dma2 semaphore(%arg19 : memref<!tpu.dma_semaphore, #tpu.memory_space<semaphore_mem>>) src(%dma_wait3A_211 : memref<80xi32, #tpu.memory_space<hbm>>) dst(%arg12 : memref<80xi32, #tpu.memory_space<vmem>>)
      %add3A_212 = arith.constant 1 : i32
      %add3A_213 = arith.addi %add3A_195, %add3A_212 : i32
      %lt3A_214 = arith.constant 128 : i32
      %lt3A_215 = arith.cmpi slt, %add3A_213, %lt3A_214 : i32
      %convert_element_type3A_216 = arith.extui %lt3A_215 : i1 to i32
      %cond3A_217 = arith.constant 0 : i32
      %cond3A_218 = arith.cmpi ne, %convert_element_type3A_216, %cond3A_217 : i32
      scf.if %cond3A_218 {
        %add3A_233 = arith.addi %mul3A_2, %add3A_195 : i32
        %add3A_234 = arith.constant 1 : i32
        %add3A_235 = arith.addi %add3A_233, %add3A_234 : i32
        %dma_start3A_236 = arith.constant 0 : i32
        %dma_start3A_237 = arith.constant 0 : i32
        %dma_start3A_238 = tpu.memref_slice %arg3[%add3A_235, %dma_start3A_236, %dma_start3A_237] : memref<4096x2x80xi32, #tpu.memory_space<hbm>> -> memref<1x1x80xi32, #tpu.memory_space<hbm>>
        %dma_start3A_239 = tpu.memref_squeeze %dma_start3A_238 : memref<1x1x80xi32, #tpu.memory_space<hbm>> -> memref<80xi32, #tpu.memory_space<hbm>>
        %dma_start3A_240 = arith.constant 0 : i32
        %dma_start3A_241 = tpu.memref_slice %arg3[%add3A_235, %dma_start3A_236, %dma_start3A_240] : memref<4096x2x80xi32, #tpu.memory_space<hbm>> -> memref<1x1x80xi32, #tpu.memory_space<hbm>>
        %dma_start3A_242 = tpu.memref_squeeze %dma_start3A_241 : memref<1x1x80xi32, #tpu.memory_space<hbm>> -> memref<80xi32, #tpu.memory_space<hbm>>
        tpu.enqueue_dma source(%dma_start3A_242 : memref<80xi32, #tpu.memory_space<hbm>>) target(%arg5 : memref<80xi32, #tpu.memory_space<vmem>>) target_semaphore(%arg19 : memref<!tpu.dma_semaphore, #tpu.memory_space<semaphore_mem>>)
        %add3A_243 = arith.addi %mul3A_2, %add3A_195 : i32
        %add3A_244 = arith.constant 1 : i32
        %add3A_245 = arith.addi %add3A_243, %add3A_244 : i32
        %dma_start3A_246 = arith.constant 1 : i32
        %dma_start3A_247 = arith.constant 0 : i32
        %dma_start3A_248 = tpu.memref_slice %arg3[%add3A_245, %dma_start3A_246, %dma_start3A_247] : memref<4096x2x80xi32, #tpu.memory_space<hbm>> -> memref<1x1x80xi32, #tpu.memory_space<hbm>>
        %dma_start3A_249 = tpu.memref_squeeze %dma_start3A_248 : memref<1x1x80xi32, #tpu.memory_space<hbm>> -> memref<80xi32, #tpu.memory_space<hbm>>
        %dma_start3A_250 = arith.constant 0 : i32
        %dma_start3A_251 = tpu.memref_slice %arg3[%add3A_245, %dma_start3A_246, %dma_start3A_250] : memref<4096x2x80xi32, #tpu.memory_space<hbm>> -> memref<1x1x80xi32, #tpu.memory_space<hbm>>
        %dma_start3A_252 = tpu.memref_squeeze %dma_start3A_251 : memref<1x1x80xi32, #tpu.memory_space<hbm>> -> memref<80xi32, #tpu.memory_space<hbm>>
        tpu.enqueue_dma source(%dma_start3A_252 : memref<80xi32, #tpu.memory_space<hbm>>) target(%arg9 : memref<80xi32, #tpu.memory_space<vmem>>) target_semaphore(%arg19 : memref<!tpu.dma_semaphore, #tpu.memory_space<semaphore_mem>>)
      } else {
      }
      %ge3A_219 = arith.constant 2 : i32
      %ge3A_220 = arith.cmpi sge, %add3A_195, %ge3A_219 : i32
      %convert_element_type3A_221 = arith.extui %ge3A_220 : i1 to i32
      %cond3A_222 = arith.constant 0 : i32
      %cond3A_223 = arith.cmpi ne, %convert_element_type3A_221, %cond3A_222 : i32
      scf.if %cond3A_223 {
        %dma_wait3A_233 = arith.constant 0 : i32
        %dma_wait3A_234 = arith.constant 0 : i32
        %dma_wait3A_235 = tpu.memref_slice %arg15[%dma_wait3A_233, %dma_wait3A_234] : memref<10240x128xf32, #tpu.memory_space<vmem_shared>> -> memref<10240x128xf32, #tpu.memory_space<vmem_shared>>
        tpu.wait_indirect_dma semaphore(%arg18 : memref<!tpu.dma_semaphore, #tpu.memory_space<semaphore_mem>>) src(%arg14 : memref<80x128xf32, #tpu.memory_space<vmem>>) dst(%dma_wait3A_235 : memref<10240x128xf32, #tpu.memory_space<vmem_shared>>)
      } else {
      }
      %dma_start3A_224 = arith.constant 0 : i32
      %dma_start3A_225 = arith.constant 0 : i32
      %dma_start3A_226 = tpu.memref_slice %arg2[%dma_start3A_224, %dma_start3A_225] : memref<10240x128xf32, #tpu.memory_space<hbm>> -> memref<10240x128xf32, #tpu.memory_space<hbm>>
      tpu.enqueue_indirect_dma source(%dma_start3A_226 : memref<10240x128xf32, #tpu.memory_space<hbm>>) target(%arg14 : memref<80x128xf32, #tpu.memory_space<vmem>>) offsets(%arg8 : memref<80xi32, #tpu.memory_space<vmem>>) semaphore(%arg16 : memref<!tpu.dma_semaphore, #tpu.memory_space<semaphore_mem>>)
      %dma_wait3A_227 = arith.constant 0 : i32
      %dma_wait3A_228 = arith.constant 0 : i32
      %dma_wait3A_229 = tpu.memref_slice %arg2[%dma_wait3A_227, %dma_wait3A_228] : memref<10240x128xf32, #tpu.memory_space<hbm>> -> memref<10240x128xf32, #tpu.memory_space<hbm>>
      tpu.wait_indirect_dma semaphore(%arg16 : memref<!tpu.dma_semaphore, #tpu.memory_space<semaphore_mem>>) src(%dma_wait3A_229 : memref<10240x128xf32, #tpu.memory_space<hbm>>) dst(%arg14 : memref<80x128xf32, #tpu.memory_space<vmem>>)
      %dma_start3A_230 = arith.constant 0 : i32
      %dma_start3A_231 = arith.constant 0 : i32
      %dma_start3A_232 = tpu.memref_slice %arg15[%dma_start3A_230, %dma_start3A_231] : memref<10240x128xf32, #tpu.memory_space<vmem_shared>> -> memref<10240x128xf32, #tpu.memory_space<vmem_shared>>
      tpu.enqueue_indirect_dma source(%arg14 : memref<80x128xf32, #tpu.memory_space<vmem>>) target(%dma_start3A_232 : memref<10240x128xf32, #tpu.memory_space<vmem_shared>>) offsets(%arg12 : memref<80xi32, #tpu.memory_space<vmem>>) semaphore(%arg18 : memref<!tpu.dma_semaphore, #tpu.memory_space<semaphore_mem>>) {add = true}
    }
    %scan3A_61 = arith.constant 32 : i32
    %dma_wait3A = arith.constant 0 : i32
    %dma_wait3A_62 = arith.constant 0 : i32
    %dma_wait3A_63 = tpu.memref_slice %arg15[%dma_wait3A, %dma_wait3A_62] : memref<10240x128xf32, #tpu.memory_space<vmem_shared>> -> memref<10240x128xf32, #tpu.memory_space<vmem_shared>>
    tpu.wait_indirect_dma semaphore(%arg17 : memref<!tpu.dma_semaphore, #tpu.memory_space<semaphore_mem>>) src(%arg13 : memref<80x128xf32, #tpu.memory_space<vmem>>) dst(%dma_wait3A_63 : memref<10240x128xf32, #tpu.memory_space<vmem_shared>>)
    %dma_wait3A_64 = arith.constant 0 : i32
    %dma_wait3A_65 = arith.constant 0 : i32
    %dma_wait3A_66 = tpu.memref_slice %arg15[%dma_wait3A_64, %dma_wait3A_65] : memref<10240x128xf32, #tpu.memory_space<vmem_shared>> -> memref<10240x128xf32, #tpu.memory_space<vmem_shared>>
    tpu.wait_indirect_dma semaphore(%arg18 : memref<!tpu.dma_semaphore, #tpu.memory_space<semaphore_mem>>) src(%arg14 : memref<80x128xf32, #tpu.memory_space<vmem>>) dst(%dma_wait3A_66 : memref<10240x128xf32, #tpu.memory_space<vmem_shared>>)
    "tpu.trace_stop"() : () -> ()
    "tpu.trace_start"() <{level = 10 : i32, message = "post_barrier"}> : () -> ()
    %barrier3A_67 = arith.constant 0 : index
    tpu.barrier barrier_id(%barrier3A_67)
    "tpu.trace_stop"() : () -> ()
    "tpu.trace_start"() <{level = 10 : i32, message = "writeout"}> : () -> ()
    %mul3A_68 = arith.constant 640 : i32
    %mul3A_69 = arith.muli %arg1, %mul3A_68 : i32
    %mul3A_70 = arith.constant 640 : i32
    %mul3A_71 = arith.muli %arg1, %mul3A_70 : i32
    "tpu.region"() ({
      %run_scoped3A = tpu.sem_alloc : memref<!tpu.dma_semaphore, #tpu.memory_space<semaphore_mem>>
      %dma_start3A_72 = arith.constant 0 : i32
      %dma_start3A_73 = tpu.memref_slice %arg4[%arg0, %mul3A_71, %dma_start3A_72] : memref<2x10240x128xf32, #tpu.memory_space<hbm>> -> memref<1x640x128xf32, #tpu.memory_space<hbm>>
      %dma_start3A_74 = tpu.memref_squeeze %dma_start3A_73 : memref<1x640x128xf32, #tpu.memory_space<hbm>> -> memref<640x128xf32, #tpu.memory_space<hbm>>
      %dma_start3A_75 = arith.constant 0 : i32
      %dma_start3A_76 = tpu.memref_slice %arg15[%mul3A_69, %dma_start3A_75] : memref<10240x128xf32, #tpu.memory_space<vmem_shared>> -> memref<640x128xf32, #tpu.memory_space<vmem_shared>>
      tpu.enqueue_dma source(%dma_start3A_76 : memref<640x128xf32, #tpu.memory_space<vmem_shared>>) target(%dma_start3A_74 : memref<640x128xf32, #tpu.memory_space<hbm>>) target_semaphore(%run_scoped3A : memref<!tpu.dma_semaphore, #tpu.memory_space<semaphore_mem>>)
      %dma_wait3A_77 = arith.constant 0 : i32
      %dma_wait3A_78 = tpu.memref_slice %arg4[%arg0, %mul3A_71, %dma_wait3A_77] : memref<2x10240x128xf32, #tpu.memory_space<hbm>> -> memref<1x640x128xf32, #tpu.memory_space<hbm>>
      %dma_wait3A_79 = tpu.memref_squeeze %dma_wait3A_78 : memref<1x640x128xf32, #tpu.memory_space<hbm>> -> memref<640x128xf32, #tpu.memory_space<hbm>>
      %dma_wait3A_80 = arith.constant 0 : i32
      %dma_wait3A_81 = tpu.memref_slice %arg15[%mul3A_69, %dma_wait3A_80] : memref<10240x128xf32, #tpu.memory_space<vmem_shared>> -> memref<640x128xf32, #tpu.memory_space<vmem_shared>>
      tpu.wait_dma2 semaphore(%run_scoped3A : memref<!tpu.dma_semaphore, #tpu.memory_space<semaphore_mem>>) src(%dma_wait3A_81 : memref<640x128xf32, #tpu.memory_space<vmem_shared>>) dst(%dma_wait3A_79 : memref<640x128xf32, #tpu.memory_space<hbm>>)
      tpu.yield
    }) : () -> ()
    "tpu.trace_stop"() : () -> ()
    return
  }
}

#map = affine_map<(d0, d1) -> (0, 0)>
#map1 = affine_map<(d0, d1) -> (0, 0, 0)>
module attributes {stable_mosaic.version = 14 : i64} {
  func.func @prop(%arg0: i32, %arg1: i32, %arg2: memref<10240x128xf32, #tpu.memory_space<hbm>>, %arg3: memref<4096x2x80xi32, #tpu.memory_space<hbm>>, %arg4: memref<2x10240x128xf32, #tpu.memory_space<hbm>>, %arg5: memref<80xi32, #tpu.memory_space<vmem>>, %arg6: memref<80xi32, #tpu.memory_space<vmem>>, %arg7: memref<80xi32, #tpu.memory_space<vmem>>, %arg8: memref<80xi32, #tpu.memory_space<vmem>>, %arg9: memref<80xi32, #tpu.memory_space<vmem>>, %arg10: memref<80xi32, #tpu.memory_space<vmem>>, %arg11: memref<80xi32, #tpu.memory_space<vmem>>, %arg12: memref<80xi32, #tpu.memory_space<vmem>>, %arg13: memref<80x128xf32, #tpu.memory_space<vmem>>, %arg14: memref<80x128xf32, #tpu.memory_space<vmem>>, %arg15: memref<10240x128xf32, #tpu.memory_space<vmem_shared>>, %arg16: memref<!tpu.dma_semaphore, #tpu.memory_space<semaphore_mem>>, %arg17: memref<!tpu.dma_semaphore, #tpu.memory_space<semaphore_mem>>, %arg18: memref<!tpu.dma_semaphore, #tpu.memory_space<semaphore_mem>>, %arg19: memref<!tpu.dma_semaphore, #tpu.memory_space<semaphore_mem>>) attributes {dimension_semantics = [#tpu.dimension_semantics<core_parallel>, #tpu.dimension_semantics<subcore_parallel>], iteration_bounds = array<i64: 2, 16>, scalar_prefetch = 0 : i64, scratch_operands = 15 : i64, tpu.core_type = #tpu.core_type<sc_vector_subcore>, window_params = [{transform_indices = #map}, {transform_indices = #map1}, {transform_indices = #map1}]} {
    %mul3A = arith.constant 16 : i32
    %mul3A_0 = arith.muli %arg0, %mul3A : i32
    %add3A = arith.addi %mul3A_0, %arg1 : i32
    %mul3A_1 = arith.constant 128 : i32
    %mul3A_2 = arith.muli %add3A, %mul3A_1 : i32
    %dma_start3A = arith.constant 0 : i32
    %dma_start3A_3 = arith.constant 0 : i32
    %dma_start3A_4 = tpu.memref_slice %arg3[%mul3A_2, %dma_start3A, %dma_start3A_3] : memref<4096x2x80xi32, #tpu.memory_space<hbm>> -> memref<1x1x80xi32, #tpu.memory_space<hbm>>
    %dma_start3A_5 = tpu.memref_squeeze %dma_start3A_4 : memref<1x1x80xi32, #tpu.memory_space<hbm>> -> memref<80xi32, #tpu.memory_space<hbm>>
    %dma_start3A_6 = arith.constant 0 : i32
    %dma_start3A_7 = tpu.memref_slice %arg3[%mul3A_2, %dma_start3A, %dma_start3A_6] : memref<4096x2x80xi32, #tpu.memory_space<hbm>> -> memref<1x1x80xi32, #tpu.memory_space<hbm>>
    %dma_start3A_8 = tpu.memref_squeeze %dma_start3A_7 : memref<1x1x80xi32, #tpu.memory_space<hbm>> -> memref<80xi32, #tpu.memory_space<hbm>>
    tpu.enqueue_dma source(%dma_start3A_8 : memref<80xi32, #tpu.memory_space<hbm>>) target(%arg5 : memref<80xi32, #tpu.memory_space<vmem>>) target_semaphore(%arg19 : memref<!tpu.dma_semaphore, #tpu.memory_space<semaphore_mem>>)
    %dma_start3A_9 = arith.constant 1 : i32
    %dma_start3A_10 = arith.constant 0 : i32
    %dma_start3A_11 = tpu.memref_slice %arg3[%mul3A_2, %dma_start3A_9, %dma_start3A_10] : memref<4096x2x80xi32, #tpu.memory_space<hbm>> -> memref<1x1x80xi32, #tpu.memory_space<hbm>>
    %dma_start3A_12 = tpu.memref_squeeze %dma_start3A_11 : memref<1x1x80xi32, #tpu.memory_space<hbm>> -> memref<80xi32, #tpu.memory_space<hbm>>
    %dma_start3A_13 = arith.constant 0 : i32
    %dma_start3A_14 = tpu.memref_slice %arg3[%mul3A_2, %dma_start3A_9, %dma_start3A_13] : memref<4096x2x80xi32, #tpu.memory_space<hbm>> -> memref<1x1x80xi32, #tpu.memory_space<hbm>>
    %dma_start3A_15 = tpu.memref_squeeze %dma_start3A_14 : memref<1x1x80xi32, #tpu.memory_space<hbm>> -> memref<80xi32, #tpu.memory_space<hbm>>
    tpu.enqueue_dma source(%dma_start3A_15 : memref<80xi32, #tpu.memory_space<hbm>>) target(%arg9 : memref<80xi32, #tpu.memory_space<vmem>>) target_semaphore(%arg19 : memref<!tpu.dma_semaphore, #tpu.memory_space<semaphore_mem>>)
    %broadcast_in_dim3A = arith.constant 0.000000e+00 : f32
    %broadcast_in_dim3A_16 = vector.broadcast %broadcast_in_dim3A : f32 to vector<16xf32>
    %broadcast_in_dim3A_17 = arith.constant 0.000000e+00 : f32
    %broadcast_in_dim3A_18 = vector.broadcast %broadcast_in_dim3A_17 : f32 to vector<16xf32>
    "tpu.trace_start"() <{level = 10 : i32, message = "acc_zero"}> : () -> ()
    %scan3A = arith.constant 0 : i32
    %scan3A_19 = arith.constant 0 : i32
    %scan3A_20 = arith.constant 80 : i32
    %scan3A_21 = arith.addi %scan3A_19, %scan3A_20 : i32
    %scan3A_22 = arith.constant 1 : i32
    scf.for %scan3A_72 = %scan3A_19 to %scan3A_21 step %scan3A_22  : i32 {
      %swap3A = arith.index_cast %scan3A_72 : i32 to index
      %swap3A_73 = arith.constant 0 : index
      %swap3A_74 = tpu.vector_load %arg13[%swap3A, %swap3A_73] {strides = array<i32>} : memref<80x128xf32, #tpu.memory_space<vmem>>, vector<1x16xf32>,
      %swap3A_75 = vector.shape_cast %swap3A_74 : vector<1x16xf32> to vector<16xf32>
      %swap3A_76 = vector.shape_cast %broadcast_in_dim3A_18 : vector<16xf32> to vector<1x16xf32>
      tpu.vector_store %arg13[%swap3A, %swap3A_73], %swap3A_76 {strides = array<i32>} : memref<80x128xf32, #tpu.memory_space<vmem>>, vector<1x16xf32>,
      %swap3A_77 = arith.index_cast %scan3A_72 : i32 to index
      %swap3A_78 = arith.constant 16 : index
      %swap3A_79 = tpu.vector_load %arg13[%swap3A_77, %swap3A_78] {strides = array<i32>} : memref<80x128xf32, #tpu.memory_space<vmem>>, vector<1x16xf32>,
      %swap3A_80 = vector.shape_cast %swap3A_79 : vector<1x16xf32> to vector<16xf32>
      %swap3A_81 = vector.shape_cast %broadcast_in_dim3A_18 : vector<16xf32> to vector<1x16xf32>
      tpu.vector_store %arg13[%swap3A_77, %swap3A_78], %swap3A_81 {strides = array<i32>} : memref<80x128xf32, #tpu.memory_space<vmem>>, vector<1x16xf32>,
      %swap3A_82 = arith.index_cast %scan3A_72 : i32 to index
      %swap3A_83 = arith.constant 32 : index
      %swap3A_84 = tpu.vector_load %arg13[%swap3A_82, %swap3A_83] {strides = array<i32>} : memref<80x128xf32, #tpu.memory_space<vmem>>, vector<1x16xf32>,
      %swap3A_85 = vector.shape_cast %swap3A_84 : vector<1x16xf32> to vector<16xf32>
      %swap3A_86 = vector.shape_cast %broadcast_in_dim3A_18 : vector<16xf32> to vector<1x16xf32>
      tpu.vector_store %arg13[%swap3A_82, %swap3A_83], %swap3A_86 {strides = array<i32>} : memref<80x128xf32, #tpu.memory_space<vmem>>, vector<1x16xf32>,
      %swap3A_87 = arith.index_cast %scan3A_72 : i32 to index
      %swap3A_88 = arith.constant 48 : index
      %swap3A_89 = tpu.vector_load %arg13[%swap3A_87, %swap3A_88] {strides = array<i32>} : memref<80x128xf32, #tpu.memory_space<vmem>>, vector<1x16xf32>,
      %swap3A_90 = vector.shape_cast %swap3A_89 : vector<1x16xf32> to vector<16xf32>
      %swap3A_91 = vector.shape_cast %broadcast_in_dim3A_18 : vector<16xf32> to vector<1x16xf32>
      tpu.vector_store %arg13[%swap3A_87, %swap3A_88], %swap3A_91 {strides = array<i32>} : memref<80x128xf32, #tpu.memory_space<vmem>>, vector<1x16xf32>,
      %swap3A_92 = arith.index_cast %scan3A_72 : i32 to index
      %swap3A_93 = arith.constant 64 : index
      %swap3A_94 = tpu.vector_load %arg13[%swap3A_92, %swap3A_93] {strides = array<i32>} : memref<80x128xf32, #tpu.memory_space<vmem>>, vector<1x16xf32>,
      %swap3A_95 = vector.shape_cast %swap3A_94 : vector<1x16xf32> to vector<16xf32>
      %swap3A_96 = vector.shape_cast %broadcast_in_dim3A_18 : vector<16xf32> to vector<1x16xf32>
      tpu.vector_store %arg13[%swap3A_92, %swap3A_93], %swap3A_96 {strides = array<i32>} : memref<80x128xf32, #tpu.memory_space<vmem>>, vector<1x16xf32>,
      %swap3A_97 = arith.index_cast %scan3A_72 : i32 to index
      %swap3A_98 = arith.constant 80 : index
      %swap3A_99 = tpu.vector_load %arg13[%swap3A_97, %swap3A_98] {strides = array<i32>} : memref<80x128xf32, #tpu.memory_space<vmem>>, vector<1x16xf32>,
      %swap3A_100 = vector.shape_cast %swap3A_99 : vector<1x16xf32> to vector<16xf32>
      %swap3A_101 = vector.shape_cast %broadcast_in_dim3A_18 : vector<16xf32> to vector<1x16xf32>
      tpu.vector_store %arg13[%swap3A_97, %swap3A_98], %swap3A_101 {strides = array<i32>} : memref<80x128xf32, #tpu.memory_space<vmem>>, vector<1x16xf32>,
      %swap3A_102 = arith.index_cast %scan3A_72 : i32 to index
      %swap3A_103 = arith.constant 96 : index
      %swap3A_104 = tpu.vector_load %arg13[%swap3A_102, %swap3A_103] {strides = array<i32>} : memref<80x128xf32, #tpu.memory_space<vmem>>, vector<1x16xf32>,
      %swap3A_105 = vector.shape_cast %swap3A_104 : vector<1x16xf32> to vector<16xf32>
      %swap3A_106 = vector.shape_cast %broadcast_in_dim3A_18 : vector<16xf32> to vector<1x16xf32>
      tpu.vector_store %arg13[%swap3A_102, %swap3A_103], %swap3A_106 {strides = array<i32>} : memref<80x128xf32, #tpu.memory_space<vmem>>, vector<1x16xf32>,
      %swap3A_107 = arith.index_cast %scan3A_72 : i32 to index
      %swap3A_108 = arith.constant 112 : index
      %swap3A_109 = tpu.vector_load %arg13[%swap3A_107, %swap3A_108] {strides = array<i32>} : memref<80x128xf32, #tpu.memory_space<vmem>>, vector<1x16xf32>,
      %swap3A_110 = vector.shape_cast %swap3A_109 : vector<1x16xf32> to vector<16xf32>
      %swap3A_111 = vector.shape_cast %broadcast_in_dim3A_18 : vector<16xf32> to vector<1x16xf32>
      tpu.vector_store %arg13[%swap3A_107, %swap3A_108], %swap3A_111 {strides = array<i32>} : memref<80x128xf32, #tpu.memory_space<vmem>>, vector<1x16xf32>,
    }
    %scan3A_23 = arith.constant 80 : i32
    %mul3A_24 = arith.constant 640 : i32
    %mul3A_25 = arith.muli %arg1, %mul3A_24 : i32
    %add3A_26 = arith.constant 0 : i32
    %add3A_27 = arith.addi %mul3A_25, %add3A_26 : i32
    "tpu.region"() ({
      %run_scoped3A = tpu.sem_alloc : memref<!tpu.dma_semaphore, #tpu.memory_space<semaphore_mem>>
      %dma_start3A_72 = arith.constant 0 : i32
      %dma_start3A_73 = tpu.memref_slice %arg15[%add3A_27, %dma_start3A_72] : memref<10240x128xf32, #tpu.memory_space<vmem_shared>> -> memref<80x128xf32, #tpu.memory_space<vmem_shared>>
      %dma_start3A_74 = arith.constant 0 : i32
      %dma_start3A_75 = tpu.memref_slice %arg15[%add3A_27, %dma_start3A_74] : memref<10240x128xf32, #tpu.memory_space<vmem_shared>> -> memref<80x128xf32, #tpu.memory_space<vmem_shared>>
      tpu.enqueue_dma source(%arg13 : memref<80x128xf32, #tpu.memory_space<vmem>>) target(%dma_start3A_75 : memref<80x128xf32, #tpu.memory_space<vmem_shared>>) target_semaphore(%run_scoped3A : memref<!tpu.dma_semaphore, #tpu.memory_space<semaphore_mem>>)
      %dma_wait3A_76 = arith.constant 0 : i32
      %dma_wait3A_77 = tpu.memref_slice %arg15[%add3A_27, %dma_wait3A_76] : memref<10240x128xf32, #tpu.memory_space<vmem_shared>> -> memref<80x128xf32, #tpu.memory_space<vmem_shared>>
      %dma_wait3A_78 = arith.constant 0 : i32
      %dma_wait3A_79 = tpu.memref_slice %arg15[%add3A_27, %dma_wait3A_78] : memref<10240x128xf32, #tpu.memory_space<vmem_shared>> -> memref<80x128xf32, #tpu.memory_space<vmem_shared>>
      tpu.wait_dma2 semaphore(%run_scoped3A : memref<!tpu.dma_semaphore, #tpu.memory_space<semaphore_mem>>) src(%arg13 : memref<80x128xf32, #tpu.memory_space<vmem>>) dst(%dma_wait3A_79 : memref<80x128xf32, #tpu.memory_space<vmem_shared>>)
      tpu.yield
    }) : () -> ()
    %mul3A_28 = arith.constant 640 : i32
    %mul3A_29 = arith.muli %arg1, %mul3A_28 : i32
    %add3A_30 = arith.constant 80 : i32
    %add3A_31 = arith.addi %mul3A_29, %add3A_30 : i32
    "tpu.region"() ({
      %run_scoped3A = tpu.sem_alloc : memref<!tpu.dma_semaphore, #tpu.memory_space<semaphore_mem>>
      %dma_start3A_72 = arith.constant 0 : i32
      %dma_start3A_73 = tpu.memref_slice %arg15[%add3A_31, %dma_start3A_72] : memref<10240x128xf32, #tpu.memory_space<vmem_shared>> -> memref<80x128xf32, #tpu.memory_space<vmem_shared>>
      %dma_start3A_74 = arith.constant 0 : i32
      %dma_start3A_75 = tpu.memref_slice %arg15[%add3A_31, %dma_start3A_74] : memref<10240x128xf32, #tpu.memory_space<vmem_shared>> -> memref<80x128xf32, #tpu.memory_space<vmem_shared>>
      tpu.enqueue_dma source(%arg13 : memref<80x128xf32, #tpu.memory_space<vmem>>) target(%dma_start3A_75 : memref<80x128xf32, #tpu.memory_space<vmem_shared>>) target_semaphore(%run_scoped3A : memref<!tpu.dma_semaphore, #tpu.memory_space<semaphore_mem>>)
      %dma_wait3A_76 = arith.constant 0 : i32
      %dma_wait3A_77 = tpu.memref_slice %arg15[%add3A_31, %dma_wait3A_76] : memref<10240x128xf32, #tpu.memory_space<vmem_shared>> -> memref<80x128xf32, #tpu.memory_space<vmem_shared>>
      %dma_wait3A_78 = arith.constant 0 : i32
      %dma_wait3A_79 = tpu.memref_slice %arg15[%add3A_31, %dma_wait3A_78] : memref<10240x128xf32, #tpu.memory_space<vmem_shared>> -> memref<80x128xf32, #tpu.memory_space<vmem_shared>>
      tpu.wait_dma2 semaphore(%run_scoped3A : memref<!tpu.dma_semaphore, #tpu.memory_space<semaphore_mem>>) src(%arg13 : memref<80x128xf32, #tpu.memory_space<vmem>>) dst(%dma_wait3A_79 : memref<80x128xf32, #tpu.memory_space<vmem_shared>>)
      tpu.yield
    }) : () -> ()
    %mul3A_32 = arith.constant 640 : i32
    %mul3A_33 = arith.muli %arg1, %mul3A_32 : i32
    %add3A_34 = arith.constant 160 : i32
    %add3A_35 = arith.addi %mul3A_33, %add3A_34 : i32
    "tpu.region"() ({
      %run_scoped3A = tpu.sem_alloc : memref<!tpu.dma_semaphore, #tpu.memory_space<semaphore_mem>>
      %dma_start3A_72 = arith.constant 0 : i32
      %dma_start3A_73 = tpu.memref_slice %arg15[%add3A_35, %dma_start3A_72] : memref<10240x128xf32, #tpu.memory_space<vmem_shared>> -> memref<80x128xf32, #tpu.memory_space<vmem_shared>>
      %dma_start3A_74 = arith.constant 0 : i32
      %dma_start3A_75 = tpu.memref_slice %arg15[%add3A_35, %dma_start3A_74] : memref<10240x128xf32, #tpu.memory_space<vmem_shared>> -> memref<80x128xf32, #tpu.memory_space<vmem_shared>>
      tpu.enqueue_dma source(%arg13 : memref<80x128xf32, #tpu.memory_space<vmem>>) target(%dma_start3A_75 : memref<80x128xf32, #tpu.memory_space<vmem_shared>>) target_semaphore(%run_scoped3A : memref<!tpu.dma_semaphore, #tpu.memory_space<semaphore_mem>>)
      %dma_wait3A_76 = arith.constant 0 : i32
      %dma_wait3A_77 = tpu.memref_slice %arg15[%add3A_35, %dma_wait3A_76] : memref<10240x128xf32, #tpu.memory_space<vmem_shared>> -> memref<80x128xf32, #tpu.memory_space<vmem_shared>>
      %dma_wait3A_78 = arith.constant 0 : i32
      %dma_wait3A_79 = tpu.memref_slice %arg15[%add3A_35, %dma_wait3A_78] : memref<10240x128xf32, #tpu.memory_space<vmem_shared>> -> memref<80x128xf32, #tpu.memory_space<vmem_shared>>
      tpu.wait_dma2 semaphore(%run_scoped3A : memref<!tpu.dma_semaphore, #tpu.memory_space<semaphore_mem>>) src(%arg13 : memref<80x128xf32, #tpu.memory_space<vmem>>) dst(%dma_wait3A_79 : memref<80x128xf32, #tpu.memory_space<vmem_shared>>)
      tpu.yield
    }) : () -> ()
    %mul3A_36 = arith.constant 640 : i32
    %mul3A_37 = arith.muli %arg1, %mul3A_36 : i32
    %add3A_38 = arith.constant 240 : i32
    %add3A_39 = arith.addi %mul3A_37, %add3A_38 : i32
    "tpu.region"() ({
      %run_scoped3A = tpu.sem_alloc : memref<!tpu.dma_semaphore, #tpu.memory_space<semaphore_mem>>
      %dma_start3A_72 = arith.constant 0 : i32
      %dma_start3A_73 = tpu.memref_slice %arg15[%add3A_39, %dma_start3A_72] : memref<10240x128xf32, #tpu.memory_space<vmem_shared>> -> memref<80x128xf32, #tpu.memory_space<vmem_shared>>
      %dma_start3A_74 = arith.constant 0 : i32
      %dma_start3A_75 = tpu.memref_slice %arg15[%add3A_39, %dma_start3A_74] : memref<10240x128xf32, #tpu.memory_space<vmem_shared>> -> memref<80x128xf32, #tpu.memory_space<vmem_shared>>
      tpu.enqueue_dma source(%arg13 : memref<80x128xf32, #tpu.memory_space<vmem>>) target(%dma_start3A_75 : memref<80x128xf32, #tpu.memory_space<vmem_shared>>) target_semaphore(%run_scoped3A : memref<!tpu.dma_semaphore, #tpu.memory_space<semaphore_mem>>)
      %dma_wait3A_76 = arith.constant 0 : i32
      %dma_wait3A_77 = tpu.memref_slice %arg15[%add3A_39, %dma_wait3A_76] : memref<10240x128xf32, #tpu.memory_space<vmem_shared>> -> memref<80x128xf32, #tpu.memory_space<vmem_shared>>
      %dma_wait3A_78 = arith.constant 0 : i32
      %dma_wait3A_79 = tpu.memref_slice %arg15[%add3A_39, %dma_wait3A_78] : memref<10240x128xf32, #tpu.memory_space<vmem_shared>> -> memref<80x128xf32, #tpu.memory_space<vmem_shared>>
      tpu.wait_dma2 semaphore(%run_scoped3A : memref<!tpu.dma_semaphore, #tpu.memory_space<semaphore_mem>>) src(%arg13 : memref<80x128xf32, #tpu.memory_space<vmem>>) dst(%dma_wait3A_79 : memref<80x128xf32, #tpu.memory_space<vmem_shared>>)
      tpu.yield
    }) : () -> ()
    %mul3A_40 = arith.constant 640 : i32
    %mul3A_41 = arith.muli %arg1, %mul3A_40 : i32
    %add3A_42 = arith.constant 320 : i32
    %add3A_43 = arith.addi %mul3A_41, %add3A_42 : i32
    "tpu.region"() ({
      %run_scoped3A = tpu.sem_alloc : memref<!tpu.dma_semaphore, #tpu.memory_space<semaphore_mem>>
      %dma_start3A_72 = arith.constant 0 : i32
      %dma_start3A_73 = tpu.memref_slice %arg15[%add3A_43, %dma_start3A_72] : memref<10240x128xf32, #tpu.memory_space<vmem_shared>> -> memref<80x128xf32, #tpu.memory_space<vmem_shared>>
      %dma_start3A_74 = arith.constant 0 : i32
      %dma_start3A_75 = tpu.memref_slice %arg15[%add3A_43, %dma_start3A_74] : memref<10240x128xf32, #tpu.memory_space<vmem_shared>> -> memref<80x128xf32, #tpu.memory_space<vmem_shared>>
      tpu.enqueue_dma source(%arg13 : memref<80x128xf32, #tpu.memory_space<vmem>>) target(%dma_start3A_75 : memref<80x128xf32, #tpu.memory_space<vmem_shared>>) target_semaphore(%run_scoped3A : memref<!tpu.dma_semaphore, #tpu.memory_space<semaphore_mem>>)
      %dma_wait3A_76 = arith.constant 0 : i32
      %dma_wait3A_77 = tpu.memref_slice %arg15[%add3A_43, %dma_wait3A_76] : memref<10240x128xf32, #tpu.memory_space<vmem_shared>> -> memref<80x128xf32, #tpu.memory_space<vmem_shared>>
      %dma_wait3A_78 = arith.constant 0 : i32
      %dma_wait3A_79 = tpu.memref_slice %arg15[%add3A_43, %dma_wait3A_78] : memref<10240x128xf32, #tpu.memory_space<vmem_shared>> -> memref<80x128xf32, #tpu.memory_space<vmem_shared>>
      tpu.wait_dma2 semaphore(%run_scoped3A : memref<!tpu.dma_semaphore, #tpu.memory_space<semaphore_mem>>) src(%arg13 : memref<80x128xf32, #tpu.memory_space<vmem>>) dst(%dma_wait3A_79 : memref<80x128xf32, #tpu.memory_space<vmem_shared>>)
      tpu.yield
    }) : () -> ()
    %mul3A_44 = arith.constant 640 : i32
    %mul3A_45 = arith.muli %arg1, %mul3A_44 : i32
    %add3A_46 = arith.constant 400 : i32
    %add3A_47 = arith.addi %mul3A_45, %add3A_46 : i32
    "tpu.region"() ({
      %run_scoped3A = tpu.sem_alloc : memref<!tpu.dma_semaphore, #tpu.memory_space<semaphore_mem>>
      %dma_start3A_72 = arith.constant 0 : i32
      %dma_start3A_73 = tpu.memref_slice %arg15[%add3A_47, %dma_start3A_72] : memref<10240x128xf32, #tpu.memory_space<vmem_shared>> -> memref<80x128xf32, #tpu.memory_space<vmem_shared>>
      %dma_start3A_74 = arith.constant 0 : i32
      %dma_start3A_75 = tpu.memref_slice %arg15[%add3A_47, %dma_start3A_74] : memref<10240x128xf32, #tpu.memory_space<vmem_shared>> -> memref<80x128xf32, #tpu.memory_space<vmem_shared>>
      tpu.enqueue_dma source(%arg13 : memref<80x128xf32, #tpu.memory_space<vmem>>) target(%dma_start3A_75 : memref<80x128xf32, #tpu.memory_space<vmem_shared>>) target_semaphore(%run_scoped3A : memref<!tpu.dma_semaphore, #tpu.memory_space<semaphore_mem>>)
      %dma_wait3A_76 = arith.constant 0 : i32
      %dma_wait3A_77 = tpu.memref_slice %arg15[%add3A_47, %dma_wait3A_76] : memref<10240x128xf32, #tpu.memory_space<vmem_shared>> -> memref<80x128xf32, #tpu.memory_space<vmem_shared>>
      %dma_wait3A_78 = arith.constant 0 : i32
      %dma_wait3A_79 = tpu.memref_slice %arg15[%add3A_47, %dma_wait3A_78] : memref<10240x128xf32, #tpu.memory_space<vmem_shared>> -> memref<80x128xf32, #tpu.memory_space<vmem_shared>>
      tpu.wait_dma2 semaphore(%run_scoped3A : memref<!tpu.dma_semaphore, #tpu.memory_space<semaphore_mem>>) src(%arg13 : memref<80x128xf32, #tpu.memory_space<vmem>>) dst(%dma_wait3A_79 : memref<80x128xf32, #tpu.memory_space<vmem_shared>>)
      tpu.yield
    }) : () -> ()
    %mul3A_48 = arith.constant 640 : i32
    %mul3A_49 = arith.muli %arg1, %mul3A_48 : i32
    %add3A_50 = arith.constant 480 : i32
    %add3A_51 = arith.addi %mul3A_49, %add3A_50 : i32
    "tpu.region"() ({
      %run_scoped3A = tpu.sem_alloc : memref<!tpu.dma_semaphore, #tpu.memory_space<semaphore_mem>>
      %dma_start3A_72 = arith.constant 0 : i32
      %dma_start3A_73 = tpu.memref_slice %arg15[%add3A_51, %dma_start3A_72] : memref<10240x128xf32, #tpu.memory_space<vmem_shared>> -> memref<80x128xf32, #tpu.memory_space<vmem_shared>>
      %dma_start3A_74 = arith.constant 0 : i32
      %dma_start3A_75 = tpu.memref_slice %arg15[%add3A_51, %dma_start3A_74] : memref<10240x128xf32, #tpu.memory_space<vmem_shared>> -> memref<80x128xf32, #tpu.memory_space<vmem_shared>>
      tpu.enqueue_dma source(%arg13 : memref<80x128xf32, #tpu.memory_space<vmem>>) target(%dma_start3A_75 : memref<80x128xf32, #tpu.memory_space<vmem_shared>>) target_semaphore(%run_scoped3A : memref<!tpu.dma_semaphore, #tpu.memory_space<semaphore_mem>>)
      %dma_wait3A_76 = arith.constant 0 : i32
      %dma_wait3A_77 = tpu.memref_slice %arg15[%add3A_51, %dma_wait3A_76] : memref<10240x128xf32, #tpu.memory_space<vmem_shared>> -> memref<80x128xf32, #tpu.memory_space<vmem_shared>>
      %dma_wait3A_78 = arith.constant 0 : i32
      %dma_wait3A_79 = tpu.memref_slice %arg15[%add3A_51, %dma_wait3A_78] : memref<10240x128xf32, #tpu.memory_space<vmem_shared>> -> memref<80x128xf32, #tpu.memory_space<vmem_shared>>
      tpu.wait_dma2 semaphore(%run_scoped3A : memref<!tpu.dma_semaphore, #tpu.memory_space<semaphore_mem>>) src(%arg13 : memref<80x128xf32, #tpu.memory_space<vmem>>) dst(%dma_wait3A_79 : memref<80x128xf32, #tpu.memory_space<vmem_shared>>)
      tpu.yield
    }) : () -> ()
    %mul3A_52 = arith.constant 640 : i32
    %mul3A_53 = arith.muli %arg1, %mul3A_52 : i32
    %add3A_54 = arith.constant 560 : i32
    %add3A_55 = arith.addi %mul3A_53, %add3A_54 : i32
    "tpu.region"() ({
      %run_scoped3A = tpu.sem_alloc : memref<!tpu.dma_semaphore, #tpu.memory_space<semaphore_mem>>
      %dma_start3A_72 = arith.constant 0 : i32
      %dma_start3A_73 = tpu.memref_slice %arg15[%add3A_55, %dma_start3A_72] : memref<10240x128xf32, #tpu.memory_space<vmem_shared>> -> memref<80x128xf32, #tpu.memory_space<vmem_shared>>
      %dma_start3A_74 = arith.constant 0 : i32
      %dma_start3A_75 = tpu.memref_slice %arg15[%add3A_55, %dma_start3A_74] : memref<10240x128xf32, #tpu.memory_space<vmem_shared>> -> memref<80x128xf32, #tpu.memory_space<vmem_shared>>
      tpu.enqueue_dma source(%arg13 : memref<80x128xf32, #tpu.memory_space<vmem>>) target(%dma_start3A_75 : memref<80x128xf32, #tpu.memory_space<vmem_shared>>) target_semaphore(%run_scoped3A : memref<!tpu.dma_semaphore, #tpu.memory_space<semaphore_mem>>)
      %dma_wait3A_76 = arith.constant 0 : i32
      %dma_wait3A_77 = tpu.memref_slice %arg15[%add3A_55, %dma_wait3A_76] : memref<10240x128xf32, #tpu.memory_space<vmem_shared>> -> memref<80x128xf32, #tpu.memory_space<vmem_shared>>
      %dma_wait3A_78 = arith.constant 0 : i32
      %dma_wait3A_79 = tpu.memref_slice %arg15[%add3A_55, %dma_wait3A_78] : memref<10240x128xf32, #tpu.memory_space<vmem_shared>> -> memref<80x128xf32, #tpu.memory_space<vmem_shared>>
      tpu.wait_dma2 semaphore(%run_scoped3A : memref<!tpu.dma_semaphore, #tpu.memory_space<semaphore_mem>>) src(%arg13 : memref<80x128xf32, #tpu.memory_space<vmem>>) dst(%dma_wait3A_79 : memref<80x128xf32, #tpu.memory_space<vmem_shared>>)
      tpu.yield
    }) : () -> ()
    %barrier3A = arith.constant 0 : index
    tpu.barrier barrier_id(%barrier3A)
    "tpu.trace_stop"() : () -> ()
    "tpu.trace_start"() <{level = 10 : i32, message = "edge_loop"}> : () -> ()
    %scan3A_56 = arith.constant 0 : i32
    %scan3A_57 = arith.constant 0 : i32
    %scan3A_58 = arith.constant 32 : i32
    %scan3A_59 = arith.addi %scan3A_57, %scan3A_58 : i32
    %scan3A_60 = arith.constant 1 : i32
    scf.for %scan3A_72 = %scan3A_57 to %scan3A_59 step %scan3A_60  : i32 {
      %mul3A_73 = arith.constant 4 : i32
      %mul3A_74 = arith.muli %scan3A_72, %mul3A_73 : i32
      %add3A_75 = arith.constant 0 : i32
      %add3A_76 = arith.addi %mul3A_74, %add3A_75 : i32
      %add3A_77 = arith.addi %mul3A_2, %add3A_76 : i32
      %dma_wait3A_78 = arith.constant 0 : i32
      %dma_wait3A_79 = arith.constant 0 : i32
      %dma_wait3A_80 = tpu.memref_slice %arg3[%add3A_77, %dma_wait3A_78, %dma_wait3A_79] : memref<4096x2x80xi32, #tpu.memory_space<hbm>> -> memref<1x1x80xi32, #tpu.memory_space<hbm>>
      %dma_wait3A_81 = tpu.memref_squeeze %dma_wait3A_80 : memref<1x1x80xi32, #tpu.memory_space<hbm>> -> memref<80xi32, #tpu.memory_space<hbm>>
      %dma_wait3A_82 = arith.constant 0 : i32
      %dma_wait3A_83 = tpu.memref_slice %arg3[%add3A_77, %dma_wait3A_78, %dma_wait3A_82] : memref<4096x2x80xi32, #tpu.memory_space<hbm>> -> memref<1x1x80xi32, #tpu.memory_space<hbm>>
      %dma_wait3A_84 = tpu.memref_squeeze %dma_wait3A_83 : memref<1x1x80xi32, #tpu.memory_space<hbm>> -> memref<80xi32, #tpu.memory_space<hbm>>
      tpu.wait_dma2 semaphore(%arg19 : memref<!tpu.dma_semaphore, #tpu.memory_space<semaphore_mem>>) src(%dma_wait3A_84 : memref<80xi32, #tpu.memory_space<hbm>>) dst(%arg5 : memref<80xi32, #tpu.memory_space<vmem>>)
      %add3A_85 = arith.addi %mul3A_2, %add3A_76 : i32
      %dma_wait3A_86 = arith.constant 1 : i32
      %dma_wait3A_87 = arith.constant 0 : i32
      %dma_wait3A_88 = tpu.memref_slice %arg3[%add3A_85, %dma_wait3A_86, %dma_wait3A_87] : memref<4096x2x80xi32, #tpu.memory_space<hbm>> -> memref<1x1x80xi32, #tpu.memory_space<hbm>>
      %dma_wait3A_89 = tpu.memref_squeeze %dma_wait3A_88 : memref<1x1x80xi32, #tpu.memory_space<hbm>> -> memref<80xi32, #tpu.memory_space<hbm>>
      %dma_wait3A_90 = arith.constant 0 : i32
      %dma_wait3A_91 = tpu.memref_slice %arg3[%add3A_85, %dma_wait3A_86, %dma_wait3A_90] : memref<4096x2x80xi32, #tpu.memory_space<hbm>> -> memref<1x1x80xi32, #tpu.memory_space<hbm>>
      %dma_wait3A_92 = tpu.memref_squeeze %dma_wait3A_91 : memref<1x1x80xi32, #tpu.memory_space<hbm>> -> memref<80xi32, #tpu.memory_space<hbm>>
      tpu.wait_dma2 semaphore(%arg19 : memref<!tpu.dma_semaphore, #tpu.memory_space<semaphore_mem>>) src(%dma_wait3A_92 : memref<80xi32, #tpu.memory_space<hbm>>) dst(%arg9 : memref<80xi32, #tpu.memory_space<vmem>>)
      %add3A_93 = arith.constant 1 : i32
      %add3A_94 = arith.addi %add3A_76, %add3A_93 : i32
      %lt3A = arith.constant 128 : i32
      %lt3A_95 = arith.cmpi slt, %add3A_94, %lt3A : i32
      %convert_element_type3A = arith.extui %lt3A_95 : i1 to i32
      %cond3A = arith.constant 0 : i32
      %cond3A_96 = arith.cmpi ne, %convert_element_type3A, %cond3A : i32
      scf.if %cond3A_96 {
        %add3A_233 = arith.addi %mul3A_2, %add3A_76 : i32
        %add3A_234 = arith.constant 1 : i32
        %add3A_235 = arith.addi %add3A_233, %add3A_234 : i32
        %dma_start3A_236 = arith.constant 0 : i32
        %dma_start3A_237 = arith.constant 0 : i32
        %dma_start3A_238 = tpu.memref_slice %arg3[%add3A_235, %dma_start3A_236, %dma_start3A_237] : memref<4096x2x80xi32, #tpu.memory_space<hbm>> -> memref<1x1x80xi32, #tpu.memory_space<hbm>>
        %dma_start3A_239 = tpu.memref_squeeze %dma_start3A_238 : memref<1x1x80xi32, #tpu.memory_space<hbm>> -> memref<80xi32, #tpu.memory_space<hbm>>
        %dma_start3A_240 = arith.constant 0 : i32
        %dma_start3A_241 = tpu.memref_slice %arg3[%add3A_235, %dma_start3A_236, %dma_start3A_240] : memref<4096x2x80xi32, #tpu.memory_space<hbm>> -> memref<1x1x80xi32, #tpu.memory_space<hbm>>
        %dma_start3A_242 = tpu.memref_squeeze %dma_start3A_241 : memref<1x1x80xi32, #tpu.memory_space<hbm>> -> memref<80xi32, #tpu.memory_space<hbm>>
        tpu.enqueue_dma source(%dma_start3A_242 : memref<80xi32, #tpu.memory_space<hbm>>) target(%arg6 : memref<80xi32, #tpu.memory_space<vmem>>) target_semaphore(%arg19 : memref<!tpu.dma_semaphore, #tpu.memory_space<semaphore_mem>>)
        %add3A_243 = arith.addi %mul3A_2, %add3A_76 : i32
        %add3A_244 = arith.constant 1 : i32
        %add3A_245 = arith.addi %add3A_243, %add3A_244 : i32
        %dma_start3A_246 = arith.constant 1 : i32
        %dma_start3A_247 = arith.constant 0 : i32
        %dma_start3A_248 = tpu.memref_slice %arg3[%add3A_245, %dma_start3A_246, %dma_start3A_247] : memref<4096x2x80xi32, #tpu.memory_space<hbm>> -> memref<1x1x80xi32, #tpu.memory_space<hbm>>
        %dma_start3A_249 = tpu.memref_squeeze %dma_start3A_248 : memref<1x1x80xi32, #tpu.memory_space<hbm>> -> memref<80xi32, #tpu.memory_space<hbm>>
        %dma_start3A_250 = arith.constant 0 : i32
        %dma_start3A_251 = tpu.memref_slice %arg3[%add3A_245, %dma_start3A_246, %dma_start3A_250] : memref<4096x2x80xi32, #tpu.memory_space<hbm>> -> memref<1x1x80xi32, #tpu.memory_space<hbm>>
        %dma_start3A_252 = tpu.memref_squeeze %dma_start3A_251 : memref<1x1x80xi32, #tpu.memory_space<hbm>> -> memref<80xi32, #tpu.memory_space<hbm>>
        tpu.enqueue_dma source(%dma_start3A_252 : memref<80xi32, #tpu.memory_space<hbm>>) target(%arg10 : memref<80xi32, #tpu.memory_space<vmem>>) target_semaphore(%arg19 : memref<!tpu.dma_semaphore, #tpu.memory_space<semaphore_mem>>)
      } else {
      }
      %ge3A = arith.constant 2 : i32
      %ge3A_97 = arith.cmpi sge, %add3A_76, %ge3A : i32
      %convert_element_type3A_98 = arith.extui %ge3A_97 : i1 to i32
      %cond3A_99 = arith.constant 0 : i32
      %cond3A_100 = arith.cmpi ne, %convert_element_type3A_98, %cond3A_99 : i32
      scf.if %cond3A_100 {
        %dma_wait3A_233 = arith.constant 0 : i32
        %dma_wait3A_234 = arith.constant 0 : i32
        %dma_wait3A_235 = tpu.memref_slice %arg15[%dma_wait3A_233, %dma_wait3A_234] : memref<10240x128xf32, #tpu.memory_space<vmem_shared>> -> memref<10240x128xf32, #tpu.memory_space<vmem_shared>>
        tpu.wait_indirect_dma semaphore(%arg17 : memref<!tpu.dma_semaphore, #tpu.memory_space<semaphore_mem>>) src(%arg13 : memref<80x128xf32, #tpu.memory_space<vmem>>) dst(%dma_wait3A_235 : memref<10240x128xf32, #tpu.memory_space<vmem_shared>>)
      } else {
      }
      %dma_start3A_101 = arith.constant 0 : i32
      %dma_start3A_102 = arith.constant 0 : i32
      %dma_start3A_103 = tpu.memref_slice %arg2[%dma_start3A_101, %dma_start3A_102] : memref<10240x128xf32, #tpu.memory_space<hbm>> -> memref<10240x128xf32, #tpu.memory_space<hbm>>
      tpu.enqueue_indirect_dma source(%dma_start3A_103 : memref<10240x128xf32, #tpu.memory_space<hbm>>) target(%arg13 : memref<80x128xf32, #tpu.memory_space<vmem>>) offsets(%arg5 : memref<80xi32, #tpu.memory_space<vmem>>) semaphore(%arg16 : memref<!tpu.dma_semaphore, #tpu.memory_space<semaphore_mem>>)
      %dma_wait3A_104 = arith.constant 0 : i32
      %dma_wait3A_105 = arith.constant 0 : i32
      %dma_wait3A_106 = tpu.memref_slice %arg2[%dma_wait3A_104, %dma_wait3A_105] : memref<10240x128xf32, #tpu.memory_space<hbm>> -> memref<10240x128xf32, #tpu.memory_space<hbm>>
      tpu.wait_indirect_dma semaphore(%arg16 : memref<!tpu.dma_semaphore, #tpu.memory_space<semaphore_mem>>) src(%dma_wait3A_106 : memref<10240x128xf32, #tpu.memory_space<hbm>>) dst(%arg13 : memref<80x128xf32, #tpu.memory_space<vmem>>)
      %dma_start3A_107 = arith.constant 0 : i32
      %dma_start3A_108 = arith.constant 0 : i32
      %dma_start3A_109 = tpu.memref_slice %arg15[%dma_start3A_107, %dma_start3A_108] : memref<10240x128xf32, #tpu.memory_space<vmem_shared>> -> memref<10240x128xf32, #tpu.memory_space<vmem_shared>>
      tpu.enqueue_indirect_dma source(%arg13 : memref<80x128xf32, #tpu.memory_space<vmem>>) target(%dma_start3A_109 : memref<10240x128xf32, #tpu.memory_space<vmem_shared>>) offsets(%arg9 : memref<80xi32, #tpu.memory_space<vmem>>) semaphore(%arg17 : memref<!tpu.dma_semaphore, #tpu.memory_space<semaphore_mem>>) {add = true}
      %mul3A_110 = arith.constant 4 : i32
      %mul3A_111 = arith.muli %scan3A_72, %mul3A_110 : i32
      %add3A_112 = arith.constant 1 : i32
      %add3A_113 = arith.addi %mul3A_111, %add3A_112 : i32
      %add3A_114 = arith.addi %mul3A_2, %add3A_113 : i32
      %dma_wait3A_115 = arith.constant 0 : i32
      %dma_wait3A_116 = arith.constant 0 : i32
      %dma_wait3A_117 = tpu.memref_slice %arg3[%add3A_114, %dma_wait3A_115, %dma_wait3A_116] : memref<4096x2x80xi32, #tpu.memory_space<hbm>> -> memref<1x1x80xi32, #tpu.memory_space<hbm>>
      %dma_wait3A_118 = tpu.memref_squeeze %dma_wait3A_117 : memref<1x1x80xi32, #tpu.memory_space<hbm>> -> memref<80xi32, #tpu.memory_space<hbm>>
      %dma_wait3A_119 = arith.constant 0 : i32
      %dma_wait3A_120 = tpu.memref_slice %arg3[%add3A_114, %dma_wait3A_115, %dma_wait3A_119] : memref<4096x2x80xi32, #tpu.memory_space<hbm>> -> memref<1x1x80xi32, #tpu.memory_space<hbm>>
      %dma_wait3A_121 = tpu.memref_squeeze %dma_wait3A_120 : memref<1x1x80xi32, #tpu.memory_space<hbm>> -> memref<80xi32, #tpu.memory_space<hbm>>
      tpu.wait_dma2 semaphore(%arg19 : memref<!tpu.dma_semaphore, #tpu.memory_space<semaphore_mem>>) src(%dma_wait3A_121 : memref<80xi32, #tpu.memory_space<hbm>>) dst(%arg6 : memref<80xi32, #tpu.memory_space<vmem>>)
      %add3A_122 = arith.addi %mul3A_2, %add3A_113 : i32
      %dma_wait3A_123 = arith.constant 1 : i32
      %dma_wait3A_124 = arith.constant 0 : i32
      %dma_wait3A_125 = tpu.memref_slice %arg3[%add3A_122, %dma_wait3A_123, %dma_wait3A_124] : memref<4096x2x80xi32, #tpu.memory_space<hbm>> -> memref<1x1x80xi32, #tpu.memory_space<hbm>>
      %dma_wait3A_126 = tpu.memref_squeeze %dma_wait3A_125 : memref<1x1x80xi32, #tpu.memory_space<hbm>> -> memref<80xi32, #tpu.memory_space<hbm>>
      %dma_wait3A_127 = arith.constant 0 : i32
      %dma_wait3A_128 = tpu.memref_slice %arg3[%add3A_122, %dma_wait3A_123, %dma_wait3A_127] : memref<4096x2x80xi32, #tpu.memory_space<hbm>> -> memref<1x1x80xi32, #tpu.memory_space<hbm>>
      %dma_wait3A_129 = tpu.memref_squeeze %dma_wait3A_128 : memref<1x1x80xi32, #tpu.memory_space<hbm>> -> memref<80xi32, #tpu.memory_space<hbm>>
      tpu.wait_dma2 semaphore(%arg19 : memref<!tpu.dma_semaphore, #tpu.memory_space<semaphore_mem>>) src(%dma_wait3A_129 : memref<80xi32, #tpu.memory_space<hbm>>) dst(%arg10 : memref<80xi32, #tpu.memory_space<vmem>>)
      %add3A_130 = arith.constant 1 : i32
      %add3A_131 = arith.addi %add3A_113, %add3A_130 : i32
      %lt3A_132 = arith.constant 128 : i32
      %lt3A_133 = arith.cmpi slt, %add3A_131, %lt3A_132 : i32
      %convert_element_type3A_134 = arith.extui %lt3A_133 : i1 to i32
      %cond3A_135 = arith.constant 0 : i32
      %cond3A_136 = arith.cmpi ne, %convert_element_type3A_134, %cond3A_135 : i32
      scf.if %cond3A_136 {
        %add3A_233 = arith.addi %mul3A_2, %add3A_113 : i32
        %add3A_234 = arith.constant 1 : i32
        %add3A_235 = arith.addi %add3A_233, %add3A_234 : i32
        %dma_start3A_236 = arith.constant 0 : i32
        %dma_start3A_237 = arith.constant 0 : i32
        %dma_start3A_238 = tpu.memref_slice %arg3[%add3A_235, %dma_start3A_236, %dma_start3A_237] : memref<4096x2x80xi32, #tpu.memory_space<hbm>> -> memref<1x1x80xi32, #tpu.memory_space<hbm>>
        %dma_start3A_239 = tpu.memref_squeeze %dma_start3A_238 : memref<1x1x80xi32, #tpu.memory_space<hbm>> -> memref<80xi32, #tpu.memory_space<hbm>>
        %dma_start3A_240 = arith.constant 0 : i32
        %dma_start3A_241 = tpu.memref_slice %arg3[%add3A_235, %dma_start3A_236, %dma_start3A_240] : memref<4096x2x80xi32, #tpu.memory_space<hbm>> -> memref<1x1x80xi32, #tpu.memory_space<hbm>>
        %dma_start3A_242 = tpu.memref_squeeze %dma_start3A_241 : memref<1x1x80xi32, #tpu.memory_space<hbm>> -> memref<80xi32, #tpu.memory_space<hbm>>
        tpu.enqueue_dma source(%dma_start3A_242 : memref<80xi32, #tpu.memory_space<hbm>>) target(%arg7 : memref<80xi32, #tpu.memory_space<vmem>>) target_semaphore(%arg19 : memref<!tpu.dma_semaphore, #tpu.memory_space<semaphore_mem>>)
        %add3A_243 = arith.addi %mul3A_2, %add3A_113 : i32
        %add3A_244 = arith.constant 1 : i32
        %add3A_245 = arith.addi %add3A_243, %add3A_244 : i32
        %dma_start3A_246 = arith.constant 1 : i32
        %dma_start3A_247 = arith.constant 0 : i32
        %dma_start3A_248 = tpu.memref_slice %arg3[%add3A_245, %dma_start3A_246, %dma_start3A_247] : memref<4096x2x80xi32, #tpu.memory_space<hbm>> -> memref<1x1x80xi32, #tpu.memory_space<hbm>>
        %dma_start3A_249 = tpu.memref_squeeze %dma_start3A_248 : memref<1x1x80xi32, #tpu.memory_space<hbm>> -> memref<80xi32, #tpu.memory_space<hbm>>
        %dma_start3A_250 = arith.constant 0 : i32
        %dma_start3A_251 = tpu.memref_slice %arg3[%add3A_245, %dma_start3A_246, %dma_start3A_250] : memref<4096x2x80xi32, #tpu.memory_space<hbm>> -> memref<1x1x80xi32, #tpu.memory_space<hbm>>
        %dma_start3A_252 = tpu.memref_squeeze %dma_start3A_251 : memref<1x1x80xi32, #tpu.memory_space<hbm>> -> memref<80xi32, #tpu.memory_space<hbm>>
        tpu.enqueue_dma source(%dma_start3A_252 : memref<80xi32, #tpu.memory_space<hbm>>) target(%arg11 : memref<80xi32, #tpu.memory_space<vmem>>) target_semaphore(%arg19 : memref<!tpu.dma_semaphore, #tpu.memory_space<semaphore_mem>>)
      } else {
      }
      %ge3A_137 = arith.constant 2 : i32
      %ge3A_138 = arith.cmpi sge, %add3A_113, %ge3A_137 : i32
      %convert_element_type3A_139 = arith.extui %ge3A_138 : i1 to i32
      %cond3A_140 = arith.constant 0 : i32
      %cond3A_141 = arith.cmpi ne, %convert_element_type3A_139, %cond3A_140 : i32
      scf.if %cond3A_141 {
        %dma_wait3A_233 = arith.constant 0 : i32
        %dma_wait3A_234 = arith.constant 0 : i32
        %dma_wait3A_235 = tpu.memref_slice %arg15[%dma_wait3A_233, %dma_wait3A_234] : memref<10240x128xf32, #tpu.memory_space<vmem_shared>> -> memref<10240x128xf32, #tpu.memory_space<vmem_shared>>
        tpu.wait_indirect_dma semaphore(%arg18 : memref<!tpu.dma_semaphore, #tpu.memory_space<semaphore_mem>>) src(%arg14 : memref<80x128xf32, #tpu.memory_space<vmem>>) dst(%dma_wait3A_235 : memref<10240x128xf32, #tpu.memory_space<vmem_shared>>)
      } else {
      }
      %dma_start3A_142 = arith.constant 0 : i32
      %dma_start3A_143 = arith.constant 0 : i32
      %dma_start3A_144 = tpu.memref_slice %arg2[%dma_start3A_142, %dma_start3A_143] : memref<10240x128xf32, #tpu.memory_space<hbm>> -> memref<10240x128xf32, #tpu.memory_space<hbm>>
      tpu.enqueue_indirect_dma source(%dma_start3A_144 : memref<10240x128xf32, #tpu.memory_space<hbm>>) target(%arg14 : memref<80x128xf32, #tpu.memory_space<vmem>>) offsets(%arg6 : memref<80xi32, #tpu.memory_space<vmem>>) semaphore(%arg16 : memref<!tpu.dma_semaphore, #tpu.memory_space<semaphore_mem>>)
      %dma_wait3A_145 = arith.constant 0 : i32
      %dma_wait3A_146 = arith.constant 0 : i32
      %dma_wait3A_147 = tpu.memref_slice %arg2[%dma_wait3A_145, %dma_wait3A_146] : memref<10240x128xf32, #tpu.memory_space<hbm>> -> memref<10240x128xf32, #tpu.memory_space<hbm>>
      tpu.wait_indirect_dma semaphore(%arg16 : memref<!tpu.dma_semaphore, #tpu.memory_space<semaphore_mem>>) src(%dma_wait3A_147 : memref<10240x128xf32, #tpu.memory_space<hbm>>) dst(%arg14 : memref<80x128xf32, #tpu.memory_space<vmem>>)
      %dma_start3A_148 = arith.constant 0 : i32
      %dma_start3A_149 = arith.constant 0 : i32
      %dma_start3A_150 = tpu.memref_slice %arg15[%dma_start3A_148, %dma_start3A_149] : memref<10240x128xf32, #tpu.memory_space<vmem_shared>> -> memref<10240x128xf32, #tpu.memory_space<vmem_shared>>
      tpu.enqueue_indirect_dma source(%arg14 : memref<80x128xf32, #tpu.memory_space<vmem>>) target(%dma_start3A_150 : memref<10240x128xf32, #tpu.memory_space<vmem_shared>>) offsets(%arg10 : memref<80xi32, #tpu.memory_space<vmem>>) semaphore(%arg18 : memref<!tpu.dma_semaphore, #tpu.memory_space<semaphore_mem>>) {add = true}
      %mul3A_151 = arith.constant 4 : i32
      %mul3A_152 = arith.muli %scan3A_72, %mul3A_151 : i32
      %add3A_153 = arith.constant 2 : i32
      %add3A_154 = arith.addi %mul3A_152, %add3A_153 : i32
      %add3A_155 = arith.addi %mul3A_2, %add3A_154 : i32
      %dma_wait3A_156 = arith.constant 0 : i32
      %dma_wait3A_157 = arith.constant 0 : i32
      %dma_wait3A_158 = tpu.memref_slice %arg3[%add3A_155, %dma_wait3A_156, %dma_wait3A_157] : memref<4096x2x80xi32, #tpu.memory_space<hbm>> -> memref<1x1x80xi32, #tpu.memory_space<hbm>>
      %dma_wait3A_159 = tpu.memref_squeeze %dma_wait3A_158 : memref<1x1x80xi32, #tpu.memory_space<hbm>> -> memref<80xi32, #tpu.memory_space<hbm>>
      %dma_wait3A_160 = arith.constant 0 : i32
      %dma_wait3A_161 = tpu.memref_slice %arg3[%add3A_155, %dma_wait3A_156, %dma_wait3A_160] : memref<4096x2x80xi32, #tpu.memory_space<hbm>> -> memref<1x1x80xi32, #tpu.memory_space<hbm>>
      %dma_wait3A_162 = tpu.memref_squeeze %dma_wait3A_161 : memref<1x1x80xi32, #tpu.memory_space<hbm>> -> memref<80xi32, #tpu.memory_space<hbm>>
      tpu.wait_dma2 semaphore(%arg19 : memref<!tpu.dma_semaphore, #tpu.memory_space<semaphore_mem>>) src(%dma_wait3A_162 : memref<80xi32, #tpu.memory_space<hbm>>) dst(%arg7 : memref<80xi32, #tpu.memory_space<vmem>>)
      %add3A_163 = arith.addi %mul3A_2, %add3A_154 : i32
      %dma_wait3A_164 = arith.constant 1 : i32
      %dma_wait3A_165 = arith.constant 0 : i32
      %dma_wait3A_166 = tpu.memref_slice %arg3[%add3A_163, %dma_wait3A_164, %dma_wait3A_165] : memref<4096x2x80xi32, #tpu.memory_space<hbm>> -> memref<1x1x80xi32, #tpu.memory_space<hbm>>
      %dma_wait3A_167 = tpu.memref_squeeze %dma_wait3A_166 : memref<1x1x80xi32, #tpu.memory_space<hbm>> -> memref<80xi32, #tpu.memory_space<hbm>>
      %dma_wait3A_168 = arith.constant 0 : i32
      %dma_wait3A_169 = tpu.memref_slice %arg3[%add3A_163, %dma_wait3A_164, %dma_wait3A_168] : memref<4096x2x80xi32, #tpu.memory_space<hbm>> -> memref<1x1x80xi32, #tpu.memory_space<hbm>>
      %dma_wait3A_170 = tpu.memref_squeeze %dma_wait3A_169 : memref<1x1x80xi32, #tpu.memory_space<hbm>> -> memref<80xi32, #tpu.memory_space<hbm>>
      tpu.wait_dma2 semaphore(%arg19 : memref<!tpu.dma_semaphore, #tpu.memory_space<semaphore_mem>>) src(%dma_wait3A_170 : memref<80xi32, #tpu.memory_space<hbm>>) dst(%arg11 : memref<80xi32, #tpu.memory_space<vmem>>)
      %add3A_171 = arith.constant 1 : i32
      %add3A_172 = arith.addi %add3A_154, %add3A_171 : i32
      %lt3A_173 = arith.constant 128 : i32
      %lt3A_174 = arith.cmpi slt, %add3A_172, %lt3A_173 : i32
      %convert_element_type3A_175 = arith.extui %lt3A_174 : i1 to i32
      %cond3A_176 = arith.constant 0 : i32
      %cond3A_177 = arith.cmpi ne, %convert_element_type3A_175, %cond3A_176 : i32
      scf.if %cond3A_177 {
        %add3A_233 = arith.addi %mul3A_2, %add3A_154 : i32
        %add3A_234 = arith.constant 1 : i32
        %add3A_235 = arith.addi %add3A_233, %add3A_234 : i32
        %dma_start3A_236 = arith.constant 0 : i32
        %dma_start3A_237 = arith.constant 0 : i32
        %dma_start3A_238 = tpu.memref_slice %arg3[%add3A_235, %dma_start3A_236, %dma_start3A_237] : memref<4096x2x80xi32, #tpu.memory_space<hbm>> -> memref<1x1x80xi32, #tpu.memory_space<hbm>>
        %dma_start3A_239 = tpu.memref_squeeze %dma_start3A_238 : memref<1x1x80xi32, #tpu.memory_space<hbm>> -> memref<80xi32, #tpu.memory_space<hbm>>
        %dma_start3A_240 = arith.constant 0 : i32
        %dma_start3A_241 = tpu.memref_slice %arg3[%add3A_235, %dma_start3A_236, %dma_start3A_240] : memref<4096x2x80xi32, #tpu.memory_space<hbm>> -> memref<1x1x80xi32, #tpu.memory_space<hbm>>
        %dma_start3A_242 = tpu.memref_squeeze %dma_start3A_241 : memref<1x1x80xi32, #tpu.memory_space<hbm>> -> memref<80xi32, #tpu.memory_space<hbm>>
        tpu.enqueue_dma source(%dma_start3A_242 : memref<80xi32, #tpu.memory_space<hbm>>) target(%arg8 : memref<80xi32, #tpu.memory_space<vmem>>) target_semaphore(%arg19 : memref<!tpu.dma_semaphore, #tpu.memory_space<semaphore_mem>>)
        %add3A_243 = arith.addi %mul3A_2, %add3A_154 : i32
        %add3A_244 = arith.constant 1 : i32
        %add3A_245 = arith.addi %add3A_243, %add3A_244 : i32
        %dma_start3A_246 = arith.constant 1 : i32
        %dma_start3A_247 = arith.constant 0 : i32
        %dma_start3A_248 = tpu.memref_slice %arg3[%add3A_245, %dma_start3A_246, %dma_start3A_247] : memref<4096x2x80xi32, #tpu.memory_space<hbm>> -> memref<1x1x80xi32, #tpu.memory_space<hbm>>
        %dma_start3A_249 = tpu.memref_squeeze %dma_start3A_248 : memref<1x1x80xi32, #tpu.memory_space<hbm>> -> memref<80xi32, #tpu.memory_space<hbm>>
        %dma_start3A_250 = arith.constant 0 : i32
        %dma_start3A_251 = tpu.memref_slice %arg3[%add3A_245, %dma_start3A_246, %dma_start3A_250] : memref<4096x2x80xi32, #tpu.memory_space<hbm>> -> memref<1x1x80xi32, #tpu.memory_space<hbm>>
        %dma_start3A_252 = tpu.memref_squeeze %dma_start3A_251 : memref<1x1x80xi32, #tpu.memory_space<hbm>> -> memref<80xi32, #tpu.memory_space<hbm>>
        tpu.enqueue_dma source(%dma_start3A_252 : memref<80xi32, #tpu.memory_space<hbm>>) target(%arg12 : memref<80xi32, #tpu.memory_space<vmem>>) target_semaphore(%arg19 : memref<!tpu.dma_semaphore, #tpu.memory_space<semaphore_mem>>)
      } else {
      }
      %ge3A_178 = arith.constant 2 : i32
      %ge3A_179 = arith.cmpi sge, %add3A_154, %ge3A_178 : i32
      %convert_element_type3A_180 = arith.extui %ge3A_179 : i1 to i32
      %cond3A_181 = arith.constant 0 : i32
      %cond3A_182 = arith.cmpi ne, %convert_element_type3A_180, %cond3A_181 : i32
      scf.if %cond3A_182 {
        %dma_wait3A_233 = arith.constant 0 : i32
        %dma_wait3A_234 = arith.constant 0 : i32
        %dma_wait3A_235 = tpu.memref_slice %arg15[%dma_wait3A_233, %dma_wait3A_234] : memref<10240x128xf32, #tpu.memory_space<vmem_shared>> -> memref<10240x128xf32, #tpu.memory_space<vmem_shared>>
        tpu.wait_indirect_dma semaphore(%arg17 : memref<!tpu.dma_semaphore, #tpu.memory_space<semaphore_mem>>) src(%arg13 : memref<80x128xf32, #tpu.memory_space<vmem>>) dst(%dma_wait3A_235 : memref<10240x128xf32, #tpu.memory_space<vmem_shared>>)
      } else {
      }
      %dma_start3A_183 = arith.constant 0 : i32
      %dma_start3A_184 = arith.constant 0 : i32
      %dma_start3A_185 = tpu.memref_slice %arg2[%dma_start3A_183, %dma_start3A_184] : memref<10240x128xf32, #tpu.memory_space<hbm>> -> memref<10240x128xf32, #tpu.memory_space<hbm>>
      tpu.enqueue_indirect_dma source(%dma_start3A_185 : memref<10240x128xf32, #tpu.memory_space<hbm>>) target(%arg13 : memref<80x128xf32, #tpu.memory_space<vmem>>) offsets(%arg7 : memref<80xi32, #tpu.memory_space<vmem>>) semaphore(%arg16 : memref<!tpu.dma_semaphore, #tpu.memory_space<semaphore_mem>>)
      %dma_wait3A_186 = arith.constant 0 : i32
      %dma_wait3A_187 = arith.constant 0 : i32
      %dma_wait3A_188 = tpu.memref_slice %arg2[%dma_wait3A_186, %dma_wait3A_187] : memref<10240x128xf32, #tpu.memory_space<hbm>> -> memref<10240x128xf32, #tpu.memory_space<hbm>>
      tpu.wait_indirect_dma semaphore(%arg16 : memref<!tpu.dma_semaphore, #tpu.memory_space<semaphore_mem>>) src(%dma_wait3A_188 : memref<10240x128xf32, #tpu.memory_space<hbm>>) dst(%arg13 : memref<80x128xf32, #tpu.memory_space<vmem>>)
      %dma_start3A_189 = arith.constant 0 : i32
      %dma_start3A_190 = arith.constant 0 : i32
      %dma_start3A_191 = tpu.memref_slice %arg15[%dma_start3A_189, %dma_start3A_190] : memref<10240x128xf32, #tpu.memory_space<vmem_shared>> -> memref<10240x128xf32, #tpu.memory_space<vmem_shared>>
      tpu.enqueue_indirect_dma source(%arg13 : memref<80x128xf32, #tpu.memory_space<vmem>>) target(%dma_start3A_191 : memref<10240x128xf32, #tpu.memory_space<vmem_shared>>) offsets(%arg11 : memref<80xi32, #tpu.memory_space<vmem>>) semaphore(%arg17 : memref<!tpu.dma_semaphore, #tpu.memory_space<semaphore_mem>>) {add = true}
      %mul3A_192 = arith.constant 4 : i32
      %mul3A_193 = arith.muli %scan3A_72, %mul3A_192 : i32
      %add3A_194 = arith.constant 3 : i32
      %add3A_195 = arith.addi %mul3A_193, %add3A_194 : i32
      %add3A_196 = arith.addi %mul3A_2, %add3A_195 : i32
      %dma_wait3A_197 = arith.constant 0 : i32
      %dma_wait3A_198 = arith.constant 0 : i32
      %dma_wait3A_199 = tpu.memref_slice %arg3[%add3A_196, %dma_wait3A_197, %dma_wait3A_198] : memref<4096x2x80xi32, #tpu.memory_space<hbm>> -> memref<1x1x80xi32, #tpu.memory_space<hbm>>
      %dma_wait3A_200 = tpu.memref_squeeze %dma_wait3A_199 : memref<1x1x80xi32, #tpu.memory_space<hbm>> -> memref<80xi32, #tpu.memory_space<hbm>>
      %dma_wait3A_201 = arith.constant 0 : i32
      %dma_wait3A_202 = tpu.memref_slice %arg3[%add3A_196, %dma_wait3A_197, %dma_wait3A_201] : memref<4096x2x80xi32, #tpu.memory_space<hbm>> -> memref<1x1x80xi32, #tpu.memory_space<hbm>>
      %dma_wait3A_203 = tpu.memref_squeeze %dma_wait3A_202 : memref<1x1x80xi32, #tpu.memory_space<hbm>> -> memref<80xi32, #tpu.memory_space<hbm>>
      tpu.wait_dma2 semaphore(%arg19 : memref<!tpu.dma_semaphore, #tpu.memory_space<semaphore_mem>>) src(%dma_wait3A_203 : memref<80xi32, #tpu.memory_space<hbm>>) dst(%arg8 : memref<80xi32, #tpu.memory_space<vmem>>)
      %add3A_204 = arith.addi %mul3A_2, %add3A_195 : i32
      %dma_wait3A_205 = arith.constant 1 : i32
      %dma_wait3A_206 = arith.constant 0 : i32
      %dma_wait3A_207 = tpu.memref_slice %arg3[%add3A_204, %dma_wait3A_205, %dma_wait3A_206] : memref<4096x2x80xi32, #tpu.memory_space<hbm>> -> memref<1x1x80xi32, #tpu.memory_space<hbm>>
      %dma_wait3A_208 = tpu.memref_squeeze %dma_wait3A_207 : memref<1x1x80xi32, #tpu.memory_space<hbm>> -> memref<80xi32, #tpu.memory_space<hbm>>
      %dma_wait3A_209 = arith.constant 0 : i32
      %dma_wait3A_210 = tpu.memref_slice %arg3[%add3A_204, %dma_wait3A_205, %dma_wait3A_209] : memref<4096x2x80xi32, #tpu.memory_space<hbm>> -> memref<1x1x80xi32, #tpu.memory_space<hbm>>
      %dma_wait3A_211 = tpu.memref_squeeze %dma_wait3A_210 : memref<1x1x80xi32, #tpu.memory_space<hbm>> -> memref<80xi32, #tpu.memory_space<hbm>>
      tpu.wait_dma2 semaphore(%arg19 : memref<!tpu.dma_semaphore, #tpu.memory_space<semaphore_mem>>) src(%dma_wait3A_211 : memref<80xi32, #tpu.memory_space<hbm>>) dst(%arg12 : memref<80xi32, #tpu.memory_space<vmem>>)
      %add3A_212 = arith.constant 1 : i32
      %add3A_213 = arith.addi %add3A_195, %add3A_212 : i32
      %lt3A_214 = arith.constant 128 : i32
      %lt3A_215 = arith.cmpi slt, %add3A_213, %lt3A_214 : i32
      %convert_element_type3A_216 = arith.extui %lt3A_215 : i1 to i32
      %cond3A_217 = arith.constant 0 : i32
      %cond3A_218 = arith.cmpi ne, %convert_element_type3A_216, %cond3A_217 : i32
      scf.if %cond3A_218 {
        %add3A_233 = arith.addi %mul3A_2, %add3A_195 : i32
        %add3A_234 = arith.constant 1 : i32
        %add3A_235 = arith.addi %add3A_233, %add3A_234 : i32
        %dma_start3A_236 = arith.constant 0 : i32
        %dma_start3A_237 = arith.constant 0 : i32
        %dma_start3A_238 = tpu.memref_slice %arg3[%add3A_235, %dma_start3A_236, %dma_start3A_237] : memref<4096x2x80xi32, #tpu.memory_space<hbm>> -> memref<1x1x80xi32, #tpu.memory_space<hbm>>
        %dma_start3A_239 = tpu.memref_squeeze %dma_start3A_238 : memref<1x1x80xi32, #tpu.memory_space<hbm>> -> memref<80xi32, #tpu.memory_space<hbm>>
        %dma_start3A_240 = arith.constant 0 : i32
        %dma_start3A_241 = tpu.memref_slice %arg3[%add3A_235, %dma_start3A_236, %dma_start3A_240] : memref<4096x2x80xi32, #tpu.memory_space<hbm>> -> memref<1x1x80xi32, #tpu.memory_space<hbm>>
        %dma_start3A_242 = tpu.memref_squeeze %dma_start3A_241 : memref<1x1x80xi32, #tpu.memory_space<hbm>> -> memref<80xi32, #tpu.memory_space<hbm>>
        tpu.enqueue_dma source(%dma_start3A_242 : memref<80xi32, #tpu.memory_space<hbm>>) target(%arg5 : memref<80xi32, #tpu.memory_space<vmem>>) target_semaphore(%arg19 : memref<!tpu.dma_semaphore, #tpu.memory_space<semaphore_mem>>)
        %add3A_243 = arith.addi %mul3A_2, %add3A_195 : i32
        %add3A_244 = arith.constant 1 : i32
        %add3A_245 = arith.addi %add3A_243, %add3A_244 : i32
        %dma_start3A_246 = arith.constant 1 : i32
        %dma_start3A_247 = arith.constant 0 : i32
        %dma_start3A_248 = tpu.memref_slice %arg3[%add3A_245, %dma_start3A_246, %dma_start3A_247] : memref<4096x2x80xi32, #tpu.memory_space<hbm>> -> memref<1x1x80xi32, #tpu.memory_space<hbm>>
        %dma_start3A_249 = tpu.memref_squeeze %dma_start3A_248 : memref<1x1x80xi32, #tpu.memory_space<hbm>> -> memref<80xi32, #tpu.memory_space<hbm>>
        %dma_start3A_250 = arith.constant 0 : i32
        %dma_start3A_251 = tpu.memref_slice %arg3[%add3A_245, %dma_start3A_246, %dma_start3A_250] : memref<4096x2x80xi32, #tpu.memory_space<hbm>> -> memref<1x1x80xi32, #tpu.memory_space<hbm>>
        %dma_start3A_252 = tpu.memref_squeeze %dma_start3A_251 : memref<1x1x80xi32, #tpu.memory_space<hbm>> -> memref<80xi32, #tpu.memory_space<hbm>>
        tpu.enqueue_dma source(%dma_start3A_252 : memref<80xi32, #tpu.memory_space<hbm>>) target(%arg9 : memref<80xi32, #tpu.memory_space<vmem>>) target_semaphore(%arg19 : memref<!tpu.dma_semaphore, #tpu.memory_space<semaphore_mem>>)
      } else {
      }
      %ge3A_219 = arith.constant 2 : i32
      %ge3A_220 = arith.cmpi sge, %add3A_195, %ge3A_219 : i32
      %convert_element_type3A_221 = arith.extui %ge3A_220 : i1 to i32
      %cond3A_222 = arith.constant 0 : i32
      %cond3A_223 = arith.cmpi ne, %convert_element_type3A_221, %cond3A_222 : i32
      scf.if %cond3A_223 {
        %dma_wait3A_233 = arith.constant 0 : i32
        %dma_wait3A_234 = arith.constant 0 : i32
        %dma_wait3A_235 = tpu.memref_slice %arg15[%dma_wait3A_233, %dma_wait3A_234] : memref<10240x128xf32, #tpu.memory_space<vmem_shared>> -> memref<10240x128xf32, #tpu.memory_space<vmem_shared>>
        tpu.wait_indirect_dma semaphore(%arg18 : memref<!tpu.dma_semaphore, #tpu.memory_space<semaphore_mem>>) src(%arg14 : memref<80x128xf32, #tpu.memory_space<vmem>>) dst(%dma_wait3A_235 : memref<10240x128xf32, #tpu.memory_space<vmem_shared>>)
      } else {
      }
      %dma_start3A_224 = arith.constant 0 : i32
      %dma_start3A_225 = arith.constant 0 : i32
      %dma_start3A_226 = tpu.memref_slice %arg2[%dma_start3A_224, %dma_start3A_225] : memref<10240x128xf32, #tpu.memory_space<hbm>> -> memref<10240x128xf32, #tpu.memory_space<hbm>>
      tpu.enqueue_indirect_dma source(%dma_start3A_226 : memref<10240x128xf32, #tpu.memory_space<hbm>>) target(%arg14 : memref<80x128xf32, #tpu.memory_space<vmem>>) offsets(%arg8 : memref<80xi32, #tpu.memory_space<vmem>>) semaphore(%arg16 : memref<!tpu.dma_semaphore, #tpu.memory_space<semaphore_mem>>)
      %dma_wait3A_227 = arith.constant 0 : i32
      %dma_wait3A_228 = arith.constant 0 : i32
      %dma_wait3A_229 = tpu.memref_slice %arg2[%dma_wait3A_227, %dma_wait3A_228] : memref<10240x128xf32, #tpu.memory_space<hbm>> -> memref<10240x128xf32, #tpu.memory_space<hbm>>
      tpu.wait_indirect_dma semaphore(%arg16 : memref<!tpu.dma_semaphore, #tpu.memory_space<semaphore_mem>>) src(%dma_wait3A_229 : memref<10240x128xf32, #tpu.memory_space<hbm>>) dst(%arg14 : memref<80x128xf32, #tpu.memory_space<vmem>>)
      %dma_start3A_230 = arith.constant 0 : i32
      %dma_start3A_231 = arith.constant 0 : i32
      %dma_start3A_232 = tpu.memref_slice %arg15[%dma_start3A_230, %dma_start3A_231] : memref<10240x128xf32, #tpu.memory_space<vmem_shared>> -> memref<10240x128xf32, #tpu.memory_space<vmem_shared>>
      tpu.enqueue_indirect_dma source(%arg14 : memref<80x128xf32, #tpu.memory_space<vmem>>) target(%dma_start3A_232 : memref<10240x128xf32, #tpu.memory_space<vmem_shared>>) offsets(%arg12 : memref<80xi32, #tpu.memory_space<vmem>>) semaphore(%arg18 : memref<!tpu.dma_semaphore, #tpu.memory_space<semaphore_mem>>) {add = true}
    }
    %scan3A_61 = arith.constant 32 : i32
    %dma_wait3A = arith.constant 0 : i32
    %dma_wait3A_62 = arith.constant 0 : i32
    %dma_wait3A_63 = tpu.memref_slice %arg15[%dma_wait3A, %dma_wait3A_62] : memref<10240x128xf32, #tpu.memory_space<vmem_shared>> -> memref<10240x128xf32, #tpu.memory_space<vmem_shared>>
    tpu.wait_indirect_dma semaphore(%arg17 : memref<!tpu.dma_semaphore, #tpu.memory_space<semaphore_mem>>) src(%arg13 : memref<80x128xf32, #tpu.memory_space<vmem>>) dst(%dma_wait3A_63 : memref<10240x128xf32, #tpu.memory_space<vmem_shared>>)
    %dma_wait3A_64 = arith.constant 0 : i32
    %dma_wait3A_65 = arith.constant 0 : i32
    %dma_wait3A_66 = tpu.memref_slice %arg15[%dma_wait3A_64, %dma_wait3A_65] : memref<10240x128xf32, #tpu.memory_space<vmem_shared>> -> memref<10240x128xf32, #tpu.memory_space<vmem_shared>>
    tpu.wait_indirect_dma semaphore(%arg18 : memref<!tpu.dma_semaphore, #tpu.memory_space<semaphore_mem>>) src(%arg14 : memref<80x128xf32, #tpu.memory_space<vmem>>) dst(%dma_wait3A_66 : memref<10240x128xf32, #tpu.memory_space<vmem_shared>>)
    "tpu.trace_stop"() : () -> ()
    "tpu.trace_start"() <{level = 10 : i32, message = "post_barrier"}> : () -> ()
    %barrier3A_67 = arith.constant 0 : index
    tpu.barrier barrier_id(%barrier3A_67)
    "tpu.trace_stop"() : () -> ()
    "tpu.trace_start"() <{level = 10 : i32, message = "writeout"}> : () -> ()
    %mul3A_68 = arith.constant 640 : i32
    %mul3A_69 = arith.muli %arg1, %mul3A_68 : i32
    %mul3A_70 = arith.constant 640 : i32
    %mul3A_71 = arith.muli %arg1, %mul3A_70 : i32
    "tpu.region"() ({
      %run_scoped3A = tpu.sem_alloc : memref<!tpu.dma_semaphore, #tpu.memory_space<semaphore_mem>>
      %dma_start3A_72 = arith.constant 0 : i32
      %dma_start3A_73 = tpu.memref_slice %arg4[%arg0, %mul3A_71, %dma_start3A_72] : memref<2x10240x128xf32, #tpu.memory_space<hbm>> -> memref<1x640x128xf32, #tpu.memory_space<hbm>>
      %dma_start3A_74 = tpu.memref_squeeze %dma_start3A_73 : memref<1x640x128xf32, #tpu.memory_space<hbm>> -> memref<640x128xf32, #tpu.memory_space<hbm>>
      %dma_start3A_75 = arith.constant 0 : i32
      %dma_start3A_76 = tpu.memref_slice %arg15[%mul3A_69, %dma_start3A_75] : memref<10240x128xf32, #tpu.memory_space<vmem_shared>> -> memref<640x128xf32, #tpu.memory_space<vmem_shared>>
      tpu.enqueue_dma source(%dma_start3A_76 : memref<640x128xf32, #tpu.memory_space<vmem_shared>>) target(%dma_start3A_74 : memref<640x128xf32, #tpu.memory_space<hbm>>) target_semaphore(%run_scoped3A : memref<!tpu.dma_semaphore, #tpu.memory_space<semaphore_mem>>)
      %dma_wait3A_77 = arith.constant 0 : i32
      %dma_wait3A_78 = tpu.memref_slice %arg4[%arg0, %mul3A_71, %dma_wait3A_77] : memref<2x10240x128xf32, #tpu.memory_space<hbm>> -> memref<1x640x128xf32, #tpu.memory_space<hbm>>
      %dma_wait3A_79 = tpu.memref_squeeze %dma_wait3A_78 : memref<1x640x128xf32, #tpu.memory_space<hbm>> -> memref<640x128xf32, #tpu.memory_space<hbm>>
      %dma_wait3A_80 = arith.constant 0 : i32
      %dma_wait3A_81 = tpu.memref_slice %arg15[%mul3A_69, %dma_wait3A_80] : memref<10240x128xf32, #tpu.memory_space<vmem_shared>> -> memref<640x128xf32, #tpu.memory_space<vmem_shared>>
      tpu.wait_dma2 semaphore(%run_scoped3A : memref<!tpu.dma_semaphore, #tpu.memory_space<semaphore_mem>>) src(%dma_wait3A_81 : memref<640x128xf32, #tpu.memory_space<vmem_shared>>) dst(%dma_wait3A_79 : memref<640x128xf32, #tpu.memory_space<hbm>>)
      tpu.yield
    }) : () -> ()
    "tpu.trace_stop"() : () -> ()
    return
  }
}

#map = affine_map<(d0, d1) -> (0, 0)>
#map1 = affine_map<(d0, d1) -> (0, 0, 0)>
module attributes {stable_mosaic.version = 14 : i64} {
  func.func @prop(%arg0: i32, %arg1: i32, %arg2: memref<10240x128xf32, #tpu.memory_space<hbm>>, %arg3: memref<4096x2x80xi32, #tpu.memory_space<hbm>>, %arg4: memref<2x10240x128xf32, #tpu.memory_space<hbm>>, %arg5: memref<80xi32, #tpu.memory_space<vmem>>, %arg6: memref<80xi32, #tpu.memory_space<vmem>>, %arg7: memref<80xi32, #tpu.memory_space<vmem>>, %arg8: memref<80xi32, #tpu.memory_space<vmem>>, %arg9: memref<80xi32, #tpu.memory_space<vmem>>, %arg10: memref<80xi32, #tpu.memory_space<vmem>>, %arg11: memref<80xi32, #tpu.memory_space<vmem>>, %arg12: memref<80xi32, #tpu.memory_space<vmem>>, %arg13: memref<80x128xf32, #tpu.memory_space<vmem>>, %arg14: memref<80x128xf32, #tpu.memory_space<vmem>>, %arg15: memref<10240x128xf32, #tpu.memory_space<vmem_shared>>, %arg16: memref<!tpu.dma_semaphore, #tpu.memory_space<semaphore_mem>>, %arg17: memref<!tpu.dma_semaphore, #tpu.memory_space<semaphore_mem>>, %arg18: memref<!tpu.dma_semaphore, #tpu.memory_space<semaphore_mem>>, %arg19: memref<!tpu.dma_semaphore, #tpu.memory_space<semaphore_mem>>) attributes {dimension_semantics = [#tpu.dimension_semantics<core_parallel>, #tpu.dimension_semantics<subcore_parallel>], iteration_bounds = array<i64: 2, 16>, scalar_prefetch = 0 : i64, scratch_operands = 15 : i64, tpu.core_type = #tpu.core_type<sc_vector_subcore>, window_params = [{transform_indices = #map}, {transform_indices = #map1}, {transform_indices = #map1}]} {
    %mul3A = arith.constant 16 : i32
    %mul3A_0 = arith.muli %arg0, %mul3A : i32
    %add3A = arith.addi %mul3A_0, %arg1 : i32
    %mul3A_1 = arith.constant 128 : i32
    %mul3A_2 = arith.muli %add3A, %mul3A_1 : i32
    %dma_start3A = arith.constant 0 : i32
    %dma_start3A_3 = arith.constant 0 : i32
    %dma_start3A_4 = tpu.memref_slice %arg3[%mul3A_2, %dma_start3A, %dma_start3A_3] : memref<4096x2x80xi32, #tpu.memory_space<hbm>> -> memref<1x1x80xi32, #tpu.memory_space<hbm>>
    %dma_start3A_5 = tpu.memref_squeeze %dma_start3A_4 : memref<1x1x80xi32, #tpu.memory_space<hbm>> -> memref<80xi32, #tpu.memory_space<hbm>>
    %dma_start3A_6 = arith.constant 0 : i32
    %dma_start3A_7 = tpu.memref_slice %arg3[%mul3A_2, %dma_start3A, %dma_start3A_6] : memref<4096x2x80xi32, #tpu.memory_space<hbm>> -> memref<1x1x80xi32, #tpu.memory_space<hbm>>
    %dma_start3A_8 = tpu.memref_squeeze %dma_start3A_7 : memref<1x1x80xi32, #tpu.memory_space<hbm>> -> memref<80xi32, #tpu.memory_space<hbm>>
    tpu.enqueue_dma source(%dma_start3A_8 : memref<80xi32, #tpu.memory_space<hbm>>) target(%arg5 : memref<80xi32, #tpu.memory_space<vmem>>) target_semaphore(%arg19 : memref<!tpu.dma_semaphore, #tpu.memory_space<semaphore_mem>>)
    %dma_start3A_9 = arith.constant 1 : i32
    %dma_start3A_10 = arith.constant 0 : i32
    %dma_start3A_11 = tpu.memref_slice %arg3[%mul3A_2, %dma_start3A_9, %dma_start3A_10] : memref<4096x2x80xi32, #tpu.memory_space<hbm>> -> memref<1x1x80xi32, #tpu.memory_space<hbm>>
    %dma_start3A_12 = tpu.memref_squeeze %dma_start3A_11 : memref<1x1x80xi32, #tpu.memory_space<hbm>> -> memref<80xi32, #tpu.memory_space<hbm>>
    %dma_start3A_13 = arith.constant 0 : i32
    %dma_start3A_14 = tpu.memref_slice %arg3[%mul3A_2, %dma_start3A_9, %dma_start3A_13] : memref<4096x2x80xi32, #tpu.memory_space<hbm>> -> memref<1x1x80xi32, #tpu.memory_space<hbm>>
    %dma_start3A_15 = tpu.memref_squeeze %dma_start3A_14 : memref<1x1x80xi32, #tpu.memory_space<hbm>> -> memref<80xi32, #tpu.memory_space<hbm>>
    tpu.enqueue_dma source(%dma_start3A_15 : memref<80xi32, #tpu.memory_space<hbm>>) target(%arg9 : memref<80xi32, #tpu.memory_space<vmem>>) target_semaphore(%arg19 : memref<!tpu.dma_semaphore, #tpu.memory_space<semaphore_mem>>)
    %broadcast_in_dim3A = arith.constant 0.000000e+00 : f32
    %broadcast_in_dim3A_16 = vector.broadcast %broadcast_in_dim3A : f32 to vector<16xf32>
    %broadcast_in_dim3A_17 = arith.constant 0.000000e+00 : f32
    %broadcast_in_dim3A_18 = vector.broadcast %broadcast_in_dim3A_17 : f32 to vector<16xf32>
    "tpu.trace_start"() <{level = 10 : i32, message = "acc_zero"}> : () -> ()
    %scan3A = arith.constant 0 : i32
    %scan3A_19 = arith.constant 0 : i32
    %scan3A_20 = arith.constant 80 : i32
    %scan3A_21 = arith.addi %scan3A_19, %scan3A_20 : i32
    %scan3A_22 = arith.constant 1 : i32
    scf.for %scan3A_72 = %scan3A_19 to %scan3A_21 step %scan3A_22  : i32 {
      %swap3A = arith.index_cast %scan3A_72 : i32 to index
      %swap3A_73 = arith.constant 0 : index
      %swap3A_74 = tpu.vector_load %arg13[%swap3A, %swap3A_73] {strides = array<i32>} : memref<80x128xf32, #tpu.memory_space<vmem>>, vector<1x16xf32>,
      %swap3A_75 = vector.shape_cast %swap3A_74 : vector<1x16xf32> to vector<16xf32>
      %swap3A_76 = vector.shape_cast %broadcast_in_dim3A_18 : vector<16xf32> to vector<1x16xf32>
      tpu.vector_store %arg13[%swap3A, %swap3A_73], %swap3A_76 {strides = array<i32>} : memref<80x128xf32, #tpu.memory_space<vmem>>, vector<1x16xf32>,
      %swap3A_77 = arith.index_cast %scan3A_72 : i32 to index
      %swap3A_78 = arith.constant 16 : index
      %swap3A_79 = tpu.vector_load %arg13[%swap3A_77, %swap3A_78] {strides = array<i32>} : memref<80x128xf32, #tpu.memory_space<vmem>>, vector<1x16xf32>,
      %swap3A_80 = vector.shape_cast %swap3A_79 : vector<1x16xf32> to vector<16xf32>
      %swap3A_81 = vector.shape_cast %broadcast_in_dim3A_18 : vector<16xf32> to vector<1x16xf32>
      tpu.vector_store %arg13[%swap3A_77, %swap3A_78], %swap3A_81 {strides = array<i32>} : memref<80x128xf32, #tpu.memory_space<vmem>>, vector<1x16xf32>,
      %swap3A_82 = arith.index_cast %scan3A_72 : i32 to index
      %swap3A_83 = arith.constant 32 : index
      %swap3A_84 = tpu.vector_load %arg13[%swap3A_82, %swap3A_83] {strides = array<i32>} : memref<80x128xf32, #tpu.memory_space<vmem>>, vector<1x16xf32>,
      %swap3A_85 = vector.shape_cast %swap3A_84 : vector<1x16xf32> to vector<16xf32>
      %swap3A_86 = vector.shape_cast %broadcast_in_dim3A_18 : vector<16xf32> to vector<1x16xf32>
      tpu.vector_store %arg13[%swap3A_82, %swap3A_83], %swap3A_86 {strides = array<i32>} : memref<80x128xf32, #tpu.memory_space<vmem>>, vector<1x16xf32>,
      %swap3A_87 = arith.index_cast %scan3A_72 : i32 to index
      %swap3A_88 = arith.constant 48 : index
      %swap3A_89 = tpu.vector_load %arg13[%swap3A_87, %swap3A_88] {strides = array<i32>} : memref<80x128xf32, #tpu.memory_space<vmem>>, vector<1x16xf32>,
      %swap3A_90 = vector.shape_cast %swap3A_89 : vector<1x16xf32> to vector<16xf32>
      %swap3A_91 = vector.shape_cast %broadcast_in_dim3A_18 : vector<16xf32> to vector<1x16xf32>
      tpu.vector_store %arg13[%swap3A_87, %swap3A_88], %swap3A_91 {strides = array<i32>} : memref<80x128xf32, #tpu.memory_space<vmem>>, vector<1x16xf32>,
      %swap3A_92 = arith.index_cast %scan3A_72 : i32 to index
      %swap3A_93 = arith.constant 64 : index
      %swap3A_94 = tpu.vector_load %arg13[%swap3A_92, %swap3A_93] {strides = array<i32>} : memref<80x128xf32, #tpu.memory_space<vmem>>, vector<1x16xf32>,
      %swap3A_95 = vector.shape_cast %swap3A_94 : vector<1x16xf32> to vector<16xf32>
      %swap3A_96 = vector.shape_cast %broadcast_in_dim3A_18 : vector<16xf32> to vector<1x16xf32>
      tpu.vector_store %arg13[%swap3A_92, %swap3A_93], %swap3A_96 {strides = array<i32>} : memref<80x128xf32, #tpu.memory_space<vmem>>, vector<1x16xf32>,
      %swap3A_97 = arith.index_cast %scan3A_72 : i32 to index
      %swap3A_98 = arith.constant 80 : index
      %swap3A_99 = tpu.vector_load %arg13[%swap3A_97, %swap3A_98] {strides = array<i32>} : memref<80x128xf32, #tpu.memory_space<vmem>>, vector<1x16xf32>,
      %swap3A_100 = vector.shape_cast %swap3A_99 : vector<1x16xf32> to vector<16xf32>
      %swap3A_101 = vector.shape_cast %broadcast_in_dim3A_18 : vector<16xf32> to vector<1x16xf32>
      tpu.vector_store %arg13[%swap3A_97, %swap3A_98], %swap3A_101 {strides = array<i32>} : memref<80x128xf32, #tpu.memory_space<vmem>>, vector<1x16xf32>,
      %swap3A_102 = arith.index_cast %scan3A_72 : i32 to index
      %swap3A_103 = arith.constant 96 : index
      %swap3A_104 = tpu.vector_load %arg13[%swap3A_102, %swap3A_103] {strides = array<i32>} : memref<80x128xf32, #tpu.memory_space<vmem>>, vector<1x16xf32>,
      %swap3A_105 = vector.shape_cast %swap3A_104 : vector<1x16xf32> to vector<16xf32>
      %swap3A_106 = vector.shape_cast %broadcast_in_dim3A_18 : vector<16xf32> to vector<1x16xf32>
      tpu.vector_store %arg13[%swap3A_102, %swap3A_103], %swap3A_106 {strides = array<i32>} : memref<80x128xf32, #tpu.memory_space<vmem>>, vector<1x16xf32>,
      %swap3A_107 = arith.index_cast %scan3A_72 : i32 to index
      %swap3A_108 = arith.constant 112 : index
      %swap3A_109 = tpu.vector_load %arg13[%swap3A_107, %swap3A_108] {strides = array<i32>} : memref<80x128xf32, #tpu.memory_space<vmem>>, vector<1x16xf32>,
      %swap3A_110 = vector.shape_cast %swap3A_109 : vector<1x16xf32> to vector<16xf32>
      %swap3A_111 = vector.shape_cast %broadcast_in_dim3A_18 : vector<16xf32> to vector<1x16xf32>
      tpu.vector_store %arg13[%swap3A_107, %swap3A_108], %swap3A_111 {strides = array<i32>} : memref<80x128xf32, #tpu.memory_space<vmem>>, vector<1x16xf32>,
    }
    %scan3A_23 = arith.constant 80 : i32
    %mul3A_24 = arith.constant 640 : i32
    %mul3A_25 = arith.muli %arg1, %mul3A_24 : i32
    %add3A_26 = arith.constant 0 : i32
    %add3A_27 = arith.addi %mul3A_25, %add3A_26 : i32
    "tpu.region"() ({
      %run_scoped3A = tpu.sem_alloc : memref<!tpu.dma_semaphore, #tpu.memory_space<semaphore_mem>>
      %dma_start3A_72 = arith.constant 0 : i32
      %dma_start3A_73 = tpu.memref_slice %arg15[%add3A_27, %dma_start3A_72] : memref<10240x128xf32, #tpu.memory_space<vmem_shared>> -> memref<80x128xf32, #tpu.memory_space<vmem_shared>>
      %dma_start3A_74 = arith.constant 0 : i32
      %dma_start3A_75 = tpu.memref_slice %arg15[%add3A_27, %dma_start3A_74] : memref<10240x128xf32, #tpu.memory_space<vmem_shared>> -> memref<80x128xf32, #tpu.memory_space<vmem_shared>>
      tpu.enqueue_dma source(%arg13 : memref<80x128xf32, #tpu.memory_space<vmem>>) target(%dma_start3A_75 : memref<80x128xf32, #tpu.memory_space<vmem_shared>>) target_semaphore(%run_scoped3A : memref<!tpu.dma_semaphore, #tpu.memory_space<semaphore_mem>>)
      %dma_wait3A_76 = arith.constant 0 : i32
      %dma_wait3A_77 = tpu.memref_slice %arg15[%add3A_27, %dma_wait3A_76] : memref<10240x128xf32, #tpu.memory_space<vmem_shared>> -> memref<80x128xf32, #tpu.memory_space<vmem_shared>>
      %dma_wait3A_78 = arith.constant 0 : i32
      %dma_wait3A_79 = tpu.memref_slice %arg15[%add3A_27, %dma_wait3A_78] : memref<10240x128xf32, #tpu.memory_space<vmem_shared>> -> memref<80x128xf32, #tpu.memory_space<vmem_shared>>
      tpu.wait_dma2 semaphore(%run_scoped3A : memref<!tpu.dma_semaphore, #tpu.memory_space<semaphore_mem>>) src(%arg13 : memref<80x128xf32, #tpu.memory_space<vmem>>) dst(%dma_wait3A_79 : memref<80x128xf32, #tpu.memory_space<vmem_shared>>)
      tpu.yield
    }) : () -> ()
    %mul3A_28 = arith.constant 640 : i32
    %mul3A_29 = arith.muli %arg1, %mul3A_28 : i32
    %add3A_30 = arith.constant 80 : i32
    %add3A_31 = arith.addi %mul3A_29, %add3A_30 : i32
    "tpu.region"() ({
      %run_scoped3A = tpu.sem_alloc : memref<!tpu.dma_semaphore, #tpu.memory_space<semaphore_mem>>
      %dma_start3A_72 = arith.constant 0 : i32
      %dma_start3A_73 = tpu.memref_slice %arg15[%add3A_31, %dma_start3A_72] : memref<10240x128xf32, #tpu.memory_space<vmem_shared>> -> memref<80x128xf32, #tpu.memory_space<vmem_shared>>
      %dma_start3A_74 = arith.constant 0 : i32
      %dma_start3A_75 = tpu.memref_slice %arg15[%add3A_31, %dma_start3A_74] : memref<10240x128xf32, #tpu.memory_space<vmem_shared>> -> memref<80x128xf32, #tpu.memory_space<vmem_shared>>
      tpu.enqueue_dma source(%arg13 : memref<80x128xf32, #tpu.memory_space<vmem>>) target(%dma_start3A_75 : memref<80x128xf32, #tpu.memory_space<vmem_shared>>) target_semaphore(%run_scoped3A : memref<!tpu.dma_semaphore, #tpu.memory_space<semaphore_mem>>)
      %dma_wait3A_76 = arith.constant 0 : i32
      %dma_wait3A_77 = tpu.memref_slice %arg15[%add3A_31, %dma_wait3A_76] : memref<10240x128xf32, #tpu.memory_space<vmem_shared>> -> memref<80x128xf32, #tpu.memory_space<vmem_shared>>
      %dma_wait3A_78 = arith.constant 0 : i32
      %dma_wait3A_79 = tpu.memref_slice %arg15[%add3A_31, %dma_wait3A_78] : memref<10240x128xf32, #tpu.memory_space<vmem_shared>> -> memref<80x128xf32, #tpu.memory_space<vmem_shared>>
      tpu.wait_dma2 semaphore(%run_scoped3A : memref<!tpu.dma_semaphore, #tpu.memory_space<semaphore_mem>>) src(%arg13 : memref<80x128xf32, #tpu.memory_space<vmem>>) dst(%dma_wait3A_79 : memref<80x128xf32, #tpu.memory_space<vmem_shared>>)
      tpu.yield
    }) : () -> ()
    %mul3A_32 = arith.constant 640 : i32
    %mul3A_33 = arith.muli %arg1, %mul3A_32 : i32
    %add3A_34 = arith.constant 160 : i32
    %add3A_35 = arith.addi %mul3A_33, %add3A_34 : i32
    "tpu.region"() ({
      %run_scoped3A = tpu.sem_alloc : memref<!tpu.dma_semaphore, #tpu.memory_space<semaphore_mem>>
      %dma_start3A_72 = arith.constant 0 : i32
      %dma_start3A_73 = tpu.memref_slice %arg15[%add3A_35, %dma_start3A_72] : memref<10240x128xf32, #tpu.memory_space<vmem_shared>> -> memref<80x128xf32, #tpu.memory_space<vmem_shared>>
      %dma_start3A_74 = arith.constant 0 : i32
      %dma_start3A_75 = tpu.memref_slice %arg15[%add3A_35, %dma_start3A_74] : memref<10240x128xf32, #tpu.memory_space<vmem_shared>> -> memref<80x128xf32, #tpu.memory_space<vmem_shared>>
      tpu.enqueue_dma source(%arg13 : memref<80x128xf32, #tpu.memory_space<vmem>>) target(%dma_start3A_75 : memref<80x128xf32, #tpu.memory_space<vmem_shared>>) target_semaphore(%run_scoped3A : memref<!tpu.dma_semaphore, #tpu.memory_space<semaphore_mem>>)
      %dma_wait3A_76 = arith.constant 0 : i32
      %dma_wait3A_77 = tpu.memref_slice %arg15[%add3A_35, %dma_wait3A_76] : memref<10240x128xf32, #tpu.memory_space<vmem_shared>> -> memref<80x128xf32, #tpu.memory_space<vmem_shared>>
      %dma_wait3A_78 = arith.constant 0 : i32
      %dma_wait3A_79 = tpu.memref_slice %arg15[%add3A_35, %dma_wait3A_78] : memref<10240x128xf32, #tpu.memory_space<vmem_shared>> -> memref<80x128xf32, #tpu.memory_space<vmem_shared>>
      tpu.wait_dma2 semaphore(%run_scoped3A : memref<!tpu.dma_semaphore, #tpu.memory_space<semaphore_mem>>) src(%arg13 : memref<80x128xf32, #tpu.memory_space<vmem>>) dst(%dma_wait3A_79 : memref<80x128xf32, #tpu.memory_space<vmem_shared>>)
      tpu.yield
    }) : () -> ()
    %mul3A_36 = arith.constant 640 : i32
    %mul3A_37 = arith.muli %arg1, %mul3A_36 : i32
    %add3A_38 = arith.constant 240 : i32
    %add3A_39 = arith.addi %mul3A_37, %add3A_38 : i32
    "tpu.region"() ({
      %run_scoped3A = tpu.sem_alloc : memref<!tpu.dma_semaphore, #tpu.memory_space<semaphore_mem>>
      %dma_start3A_72 = arith.constant 0 : i32
      %dma_start3A_73 = tpu.memref_slice %arg15[%add3A_39, %dma_start3A_72] : memref<10240x128xf32, #tpu.memory_space<vmem_shared>> -> memref<80x128xf32, #tpu.memory_space<vmem_shared>>
      %dma_start3A_74 = arith.constant 0 : i32
      %dma_start3A_75 = tpu.memref_slice %arg15[%add3A_39, %dma_start3A_74] : memref<10240x128xf32, #tpu.memory_space<vmem_shared>> -> memref<80x128xf32, #tpu.memory_space<vmem_shared>>
      tpu.enqueue_dma source(%arg13 : memref<80x128xf32, #tpu.memory_space<vmem>>) target(%dma_start3A_75 : memref<80x128xf32, #tpu.memory_space<vmem_shared>>) target_semaphore(%run_scoped3A : memref<!tpu.dma_semaphore, #tpu.memory_space<semaphore_mem>>)
      %dma_wait3A_76 = arith.constant 0 : i32
      %dma_wait3A_77 = tpu.memref_slice %arg15[%add3A_39, %dma_wait3A_76] : memref<10240x128xf32, #tpu.memory_space<vmem_shared>> -> memref<80x128xf32, #tpu.memory_space<vmem_shared>>
      %dma_wait3A_78 = arith.constant 0 : i32
      %dma_wait3A_79 = tpu.memref_slice %arg15[%add3A_39, %dma_wait3A_78] : memref<10240x128xf32, #tpu.memory_space<vmem_shared>> -> memref<80x128xf32, #tpu.memory_space<vmem_shared>>
      tpu.wait_dma2 semaphore(%run_scoped3A : memref<!tpu.dma_semaphore, #tpu.memory_space<semaphore_mem>>) src(%arg13 : memref<80x128xf32, #tpu.memory_space<vmem>>) dst(%dma_wait3A_79 : memref<80x128xf32, #tpu.memory_space<vmem_shared>>)
      tpu.yield
    }) : () -> ()
    %mul3A_40 = arith.constant 640 : i32
    %mul3A_41 = arith.muli %arg1, %mul3A_40 : i32
    %add3A_42 = arith.constant 320 : i32
    %add3A_43 = arith.addi %mul3A_41, %add3A_42 : i32
    "tpu.region"() ({
      %run_scoped3A = tpu.sem_alloc : memref<!tpu.dma_semaphore, #tpu.memory_space<semaphore_mem>>
      %dma_start3A_72 = arith.constant 0 : i32
      %dma_start3A_73 = tpu.memref_slice %arg15[%add3A_43, %dma_start3A_72] : memref<10240x128xf32, #tpu.memory_space<vmem_shared>> -> memref<80x128xf32, #tpu.memory_space<vmem_shared>>
      %dma_start3A_74 = arith.constant 0 : i32
      %dma_start3A_75 = tpu.memref_slice %arg15[%add3A_43, %dma_start3A_74] : memref<10240x128xf32, #tpu.memory_space<vmem_shared>> -> memref<80x128xf32, #tpu.memory_space<vmem_shared>>
      tpu.enqueue_dma source(%arg13 : memref<80x128xf32, #tpu.memory_space<vmem>>) target(%dma_start3A_75 : memref<80x128xf32, #tpu.memory_space<vmem_shared>>) target_semaphore(%run_scoped3A : memref<!tpu.dma_semaphore, #tpu.memory_space<semaphore_mem>>)
      %dma_wait3A_76 = arith.constant 0 : i32
      %dma_wait3A_77 = tpu.memref_slice %arg15[%add3A_43, %dma_wait3A_76] : memref<10240x128xf32, #tpu.memory_space<vmem_shared>> -> memref<80x128xf32, #tpu.memory_space<vmem_shared>>
      %dma_wait3A_78 = arith.constant 0 : i32
      %dma_wait3A_79 = tpu.memref_slice %arg15[%add3A_43, %dma_wait3A_78] : memref<10240x128xf32, #tpu.memory_space<vmem_shared>> -> memref<80x128xf32, #tpu.memory_space<vmem_shared>>
      tpu.wait_dma2 semaphore(%run_scoped3A : memref<!tpu.dma_semaphore, #tpu.memory_space<semaphore_mem>>) src(%arg13 : memref<80x128xf32, #tpu.memory_space<vmem>>) dst(%dma_wait3A_79 : memref<80x128xf32, #tpu.memory_space<vmem_shared>>)
      tpu.yield
    }) : () -> ()
    %mul3A_44 = arith.constant 640 : i32
    %mul3A_45 = arith.muli %arg1, %mul3A_44 : i32
    %add3A_46 = arith.constant 400 : i32
    %add3A_47 = arith.addi %mul3A_45, %add3A_46 : i32
    "tpu.region"() ({
      %run_scoped3A = tpu.sem_alloc : memref<!tpu.dma_semaphore, #tpu.memory_space<semaphore_mem>>
      %dma_start3A_72 = arith.constant 0 : i32
      %dma_start3A_73 = tpu.memref_slice %arg15[%add3A_47, %dma_start3A_72] : memref<10240x128xf32, #tpu.memory_space<vmem_shared>> -> memref<80x128xf32, #tpu.memory_space<vmem_shared>>
      %dma_start3A_74 = arith.constant 0 : i32
      %dma_start3A_75 = tpu.memref_slice %arg15[%add3A_47, %dma_start3A_74] : memref<10240x128xf32, #tpu.memory_space<vmem_shared>> -> memref<80x128xf32, #tpu.memory_space<vmem_shared>>
      tpu.enqueue_dma source(%arg13 : memref<80x128xf32, #tpu.memory_space<vmem>>) target(%dma_start3A_75 : memref<80x128xf32, #tpu.memory_space<vmem_shared>>) target_semaphore(%run_scoped3A : memref<!tpu.dma_semaphore, #tpu.memory_space<semaphore_mem>>)
      %dma_wait3A_76 = arith.constant 0 : i32
      %dma_wait3A_77 = tpu.memref_slice %arg15[%add3A_47, %dma_wait3A_76] : memref<10240x128xf32, #tpu.memory_space<vmem_shared>> -> memref<80x128xf32, #tpu.memory_space<vmem_shared>>
      %dma_wait3A_78 = arith.constant 0 : i32
      %dma_wait3A_79 = tpu.memref_slice %arg15[%add3A_47, %dma_wait3A_78] : memref<10240x128xf32, #tpu.memory_space<vmem_shared>> -> memref<80x128xf32, #tpu.memory_space<vmem_shared>>
      tpu.wait_dma2 semaphore(%run_scoped3A : memref<!tpu.dma_semaphore, #tpu.memory_space<semaphore_mem>>) src(%arg13 : memref<80x128xf32, #tpu.memory_space<vmem>>) dst(%dma_wait3A_79 : memref<80x128xf32, #tpu.memory_space<vmem_shared>>)
      tpu.yield
    }) : () -> ()
    %mul3A_48 = arith.constant 640 : i32
    %mul3A_49 = arith.muli %arg1, %mul3A_48 : i32
    %add3A_50 = arith.constant 480 : i32
    %add3A_51 = arith.addi %mul3A_49, %add3A_50 : i32
    "tpu.region"() ({
      %run_scoped3A = tpu.sem_alloc : memref<!tpu.dma_semaphore, #tpu.memory_space<semaphore_mem>>
      %dma_start3A_72 = arith.constant 0 : i32
      %dma_start3A_73 = tpu.memref_slice %arg15[%add3A_51, %dma_start3A_72] : memref<10240x128xf32, #tpu.memory_space<vmem_shared>> -> memref<80x128xf32, #tpu.memory_space<vmem_shared>>
      %dma_start3A_74 = arith.constant 0 : i32
      %dma_start3A_75 = tpu.memref_slice %arg15[%add3A_51, %dma_start3A_74] : memref<10240x128xf32, #tpu.memory_space<vmem_shared>> -> memref<80x128xf32, #tpu.memory_space<vmem_shared>>
      tpu.enqueue_dma source(%arg13 : memref<80x128xf32, #tpu.memory_space<vmem>>) target(%dma_start3A_75 : memref<80x128xf32, #tpu.memory_space<vmem_shared>>) target_semaphore(%run_scoped3A : memref<!tpu.dma_semaphore, #tpu.memory_space<semaphore_mem>>)
      %dma_wait3A_76 = arith.constant 0 : i32
      %dma_wait3A_77 = tpu.memref_slice %arg15[%add3A_51, %dma_wait3A_76] : memref<10240x128xf32, #tpu.memory_space<vmem_shared>> -> memref<80x128xf32, #tpu.memory_space<vmem_shared>>
      %dma_wait3A_78 = arith.constant 0 : i32
      %dma_wait3A_79 = tpu.memref_slice %arg15[%add3A_51, %dma_wait3A_78] : memref<10240x128xf32, #tpu.memory_space<vmem_shared>> -> memref<80x128xf32, #tpu.memory_space<vmem_shared>>
      tpu.wait_dma2 semaphore(%run_scoped3A : memref<!tpu.dma_semaphore, #tpu.memory_space<semaphore_mem>>) src(%arg13 : memref<80x128xf32, #tpu.memory_space<vmem>>) dst(%dma_wait3A_79 : memref<80x128xf32, #tpu.memory_space<vmem_shared>>)
      tpu.yield
    }) : () -> ()
    %mul3A_52 = arith.constant 640 : i32
    %mul3A_53 = arith.muli %arg1, %mul3A_52 : i32
    %add3A_54 = arith.constant 560 : i32
    %add3A_55 = arith.addi %mul3A_53, %add3A_54 : i32
    "tpu.region"() ({
      %run_scoped3A = tpu.sem_alloc : memref<!tpu.dma_semaphore, #tpu.memory_space<semaphore_mem>>
      %dma_start3A_72 = arith.constant 0 : i32
      %dma_start3A_73 = tpu.memref_slice %arg15[%add3A_55, %dma_start3A_72] : memref<10240x128xf32, #tpu.memory_space<vmem_shared>> -> memref<80x128xf32, #tpu.memory_space<vmem_shared>>
      %dma_start3A_74 = arith.constant 0 : i32
      %dma_start3A_75 = tpu.memref_slice %arg15[%add3A_55, %dma_start3A_74] : memref<10240x128xf32, #tpu.memory_space<vmem_shared>> -> memref<80x128xf32, #tpu.memory_space<vmem_shared>>
      tpu.enqueue_dma source(%arg13 : memref<80x128xf32, #tpu.memory_space<vmem>>) target(%dma_start3A_75 : memref<80x128xf32, #tpu.memory_space<vmem_shared>>) target_semaphore(%run_scoped3A : memref<!tpu.dma_semaphore, #tpu.memory_space<semaphore_mem>>)
      %dma_wait3A_76 = arith.constant 0 : i32
      %dma_wait3A_77 = tpu.memref_slice %arg15[%add3A_55, %dma_wait3A_76] : memref<10240x128xf32, #tpu.memory_space<vmem_shared>> -> memref<80x128xf32, #tpu.memory_space<vmem_shared>>
      %dma_wait3A_78 = arith.constant 0 : i32
      %dma_wait3A_79 = tpu.memref_slice %arg15[%add3A_55, %dma_wait3A_78] : memref<10240x128xf32, #tpu.memory_space<vmem_shared>> -> memref<80x128xf32, #tpu.memory_space<vmem_shared>>
      tpu.wait_dma2 semaphore(%run_scoped3A : memref<!tpu.dma_semaphore, #tpu.memory_space<semaphore_mem>>) src(%arg13 : memref<80x128xf32, #tpu.memory_space<vmem>>) dst(%dma_wait3A_79 : memref<80x128xf32, #tpu.memory_space<vmem_shared>>)
      tpu.yield
    }) : () -> ()
    %barrier3A = arith.constant 0 : index
    tpu.barrier barrier_id(%barrier3A)
    "tpu.trace_stop"() : () -> ()
    "tpu.trace_start"() <{level = 10 : i32, message = "edge_loop"}> : () -> ()
    %scan3A_56 = arith.constant 0 : i32
    %scan3A_57 = arith.constant 0 : i32
    %scan3A_58 = arith.constant 32 : i32
    %scan3A_59 = arith.addi %scan3A_57, %scan3A_58 : i32
    %scan3A_60 = arith.constant 1 : i32
    scf.for %scan3A_72 = %scan3A_57 to %scan3A_59 step %scan3A_60  : i32 {
      %mul3A_73 = arith.constant 4 : i32
      %mul3A_74 = arith.muli %scan3A_72, %mul3A_73 : i32
      %add3A_75 = arith.constant 0 : i32
      %add3A_76 = arith.addi %mul3A_74, %add3A_75 : i32
      %add3A_77 = arith.addi %mul3A_2, %add3A_76 : i32
      %dma_wait3A_78 = arith.constant 0 : i32
      %dma_wait3A_79 = arith.constant 0 : i32
      %dma_wait3A_80 = tpu.memref_slice %arg3[%add3A_77, %dma_wait3A_78, %dma_wait3A_79] : memref<4096x2x80xi32, #tpu.memory_space<hbm>> -> memref<1x1x80xi32, #tpu.memory_space<hbm>>
      %dma_wait3A_81 = tpu.memref_squeeze %dma_wait3A_80 : memref<1x1x80xi32, #tpu.memory_space<hbm>> -> memref<80xi32, #tpu.memory_space<hbm>>
      %dma_wait3A_82 = arith.constant 0 : i32
      %dma_wait3A_83 = tpu.memref_slice %arg3[%add3A_77, %dma_wait3A_78, %dma_wait3A_82] : memref<4096x2x80xi32, #tpu.memory_space<hbm>> -> memref<1x1x80xi32, #tpu.memory_space<hbm>>
      %dma_wait3A_84 = tpu.memref_squeeze %dma_wait3A_83 : memref<1x1x80xi32, #tpu.memory_space<hbm>> -> memref<80xi32, #tpu.memory_space<hbm>>
      tpu.wait_dma2 semaphore(%arg19 : memref<!tpu.dma_semaphore, #tpu.memory_space<semaphore_mem>>) src(%dma_wait3A_84 : memref<80xi32, #tpu.memory_space<hbm>>) dst(%arg5 : memref<80xi32, #tpu.memory_space<vmem>>)
      %add3A_85 = arith.addi %mul3A_2, %add3A_76 : i32
      %dma_wait3A_86 = arith.constant 1 : i32
      %dma_wait3A_87 = arith.constant 0 : i32
      %dma_wait3A_88 = tpu.memref_slice %arg3[%add3A_85, %dma_wait3A_86, %dma_wait3A_87] : memref<4096x2x80xi32, #tpu.memory_space<hbm>> -> memref<1x1x80xi32, #tpu.memory_space<hbm>>
      %dma_wait3A_89 = tpu.memref_squeeze %dma_wait3A_88 : memref<1x1x80xi32, #tpu.memory_space<hbm>> -> memref<80xi32, #tpu.memory_space<hbm>>
      %dma_wait3A_90 = arith.constant 0 : i32
      %dma_wait3A_91 = tpu.memref_slice %arg3[%add3A_85, %dma_wait3A_86, %dma_wait3A_90] : memref<4096x2x80xi32, #tpu.memory_space<hbm>> -> memref<1x1x80xi32, #tpu.memory_space<hbm>>
      %dma_wait3A_92 = tpu.memref_squeeze %dma_wait3A_91 : memref<1x1x80xi32, #tpu.memory_space<hbm>> -> memref<80xi32, #tpu.memory_space<hbm>>
      tpu.wait_dma2 semaphore(%arg19 : memref<!tpu.dma_semaphore, #tpu.memory_space<semaphore_mem>>) src(%dma_wait3A_92 : memref<80xi32, #tpu.memory_space<hbm>>) dst(%arg9 : memref<80xi32, #tpu.memory_space<vmem>>)
      %add3A_93 = arith.constant 1 : i32
      %add3A_94 = arith.addi %add3A_76, %add3A_93 : i32
      %lt3A = arith.constant 128 : i32
      %lt3A_95 = arith.cmpi slt, %add3A_94, %lt3A : i32
      %convert_element_type3A = arith.extui %lt3A_95 : i1 to i32
      %cond3A = arith.constant 0 : i32
      %cond3A_96 = arith.cmpi ne, %convert_element_type3A, %cond3A : i32
      scf.if %cond3A_96 {
        %add3A_233 = arith.addi %mul3A_2, %add3A_76 : i32
        %add3A_234 = arith.constant 1 : i32
        %add3A_235 = arith.addi %add3A_233, %add3A_234 : i32
        %dma_start3A_236 = arith.constant 0 : i32
        %dma_start3A_237 = arith.constant 0 : i32
        %dma_start3A_238 = tpu.memref_slice %arg3[%add3A_235, %dma_start3A_236, %dma_start3A_237] : memref<4096x2x80xi32, #tpu.memory_space<hbm>> -> memref<1x1x80xi32, #tpu.memory_space<hbm>>
        %dma_start3A_239 = tpu.memref_squeeze %dma_start3A_238 : memref<1x1x80xi32, #tpu.memory_space<hbm>> -> memref<80xi32, #tpu.memory_space<hbm>>
        %dma_start3A_240 = arith.constant 0 : i32
        %dma_start3A_241 = tpu.memref_slice %arg3[%add3A_235, %dma_start3A_236, %dma_start3A_240] : memref<4096x2x80xi32, #tpu.memory_space<hbm>> -> memref<1x1x80xi32, #tpu.memory_space<hbm>>
        %dma_start3A_242 = tpu.memref_squeeze %dma_start3A_241 : memref<1x1x80xi32, #tpu.memory_space<hbm>> -> memref<80xi32, #tpu.memory_space<hbm>>
        tpu.enqueue_dma source(%dma_start3A_242 : memref<80xi32, #tpu.memory_space<hbm>>) target(%arg6 : memref<80xi32, #tpu.memory_space<vmem>>) target_semaphore(%arg19 : memref<!tpu.dma_semaphore, #tpu.memory_space<semaphore_mem>>)
        %add3A_243 = arith.addi %mul3A_2, %add3A_76 : i32
        %add3A_244 = arith.constant 1 : i32
        %add3A_245 = arith.addi %add3A_243, %add3A_244 : i32
        %dma_start3A_246 = arith.constant 1 : i32
        %dma_start3A_247 = arith.constant 0 : i32
        %dma_start3A_248 = tpu.memref_slice %arg3[%add3A_245, %dma_start3A_246, %dma_start3A_247] : memref<4096x2x80xi32, #tpu.memory_space<hbm>> -> memref<1x1x80xi32, #tpu.memory_space<hbm>>
        %dma_start3A_249 = tpu.memref_squeeze %dma_start3A_248 : memref<1x1x80xi32, #tpu.memory_space<hbm>> -> memref<80xi32, #tpu.memory_space<hbm>>
        %dma_start3A_250 = arith.constant 0 : i32
        %dma_start3A_251 = tpu.memref_slice %arg3[%add3A_245, %dma_start3A_246, %dma_start3A_250] : memref<4096x2x80xi32, #tpu.memory_space<hbm>> -> memref<1x1x80xi32, #tpu.memory_space<hbm>>
        %dma_start3A_252 = tpu.memref_squeeze %dma_start3A_251 : memref<1x1x80xi32, #tpu.memory_space<hbm>> -> memref<80xi32, #tpu.memory_space<hbm>>
        tpu.enqueue_dma source(%dma_start3A_252 : memref<80xi32, #tpu.memory_space<hbm>>) target(%arg10 : memref<80xi32, #tpu.memory_space<vmem>>) target_semaphore(%arg19 : memref<!tpu.dma_semaphore, #tpu.memory_space<semaphore_mem>>)
      } else {
      }
      %ge3A = arith.constant 2 : i32
      %ge3A_97 = arith.cmpi sge, %add3A_76, %ge3A : i32
      %convert_element_type3A_98 = arith.extui %ge3A_97 : i1 to i32
      %cond3A_99 = arith.constant 0 : i32
      %cond3A_100 = arith.cmpi ne, %convert_element_type3A_98, %cond3A_99 : i32
      scf.if %cond3A_100 {
        %dma_wait3A_233 = arith.constant 0 : i32
        %dma_wait3A_234 = arith.constant 0 : i32
        %dma_wait3A_235 = tpu.memref_slice %arg15[%dma_wait3A_233, %dma_wait3A_234] : memref<10240x128xf32, #tpu.memory_space<vmem_shared>> -> memref<10240x128xf32, #tpu.memory_space<vmem_shared>>
        tpu.wait_indirect_dma semaphore(%arg17 : memref<!tpu.dma_semaphore, #tpu.memory_space<semaphore_mem>>) src(%arg13 : memref<80x128xf32, #tpu.memory_space<vmem>>) dst(%dma_wait3A_235 : memref<10240x128xf32, #tpu.memory_space<vmem_shared>>)
      } else {
      }
      %dma_start3A_101 = arith.constant 0 : i32
      %dma_start3A_102 = arith.constant 0 : i32
      %dma_start3A_103 = tpu.memref_slice %arg2[%dma_start3A_101, %dma_start3A_102] : memref<10240x128xf32, #tpu.memory_space<hbm>> -> memref<10240x128xf32, #tpu.memory_space<hbm>>
      tpu.enqueue_indirect_dma source(%dma_start3A_103 : memref<10240x128xf32, #tpu.memory_space<hbm>>) target(%arg13 : memref<80x128xf32, #tpu.memory_space<vmem>>) offsets(%arg5 : memref<80xi32, #tpu.memory_space<vmem>>) semaphore(%arg16 : memref<!tpu.dma_semaphore, #tpu.memory_space<semaphore_mem>>)
      %dma_wait3A_104 = arith.constant 0 : i32
      %dma_wait3A_105 = arith.constant 0 : i32
      %dma_wait3A_106 = tpu.memref_slice %arg2[%dma_wait3A_104, %dma_wait3A_105] : memref<10240x128xf32, #tpu.memory_space<hbm>> -> memref<10240x128xf32, #tpu.memory_space<hbm>>
      tpu.wait_indirect_dma semaphore(%arg16 : memref<!tpu.dma_semaphore, #tpu.memory_space<semaphore_mem>>) src(%dma_wait3A_106 : memref<10240x128xf32, #tpu.memory_space<hbm>>) dst(%arg13 : memref<80x128xf32, #tpu.memory_space<vmem>>)
      %dma_start3A_107 = arith.constant 0 : i32
      %dma_start3A_108 = arith.constant 0 : i32
      %dma_start3A_109 = tpu.memref_slice %arg15[%dma_start3A_107, %dma_start3A_108] : memref<10240x128xf32, #tpu.memory_space<vmem_shared>> -> memref<10240x128xf32, #tpu.memory_space<vmem_shared>>
      tpu.enqueue_indirect_dma source(%arg13 : memref<80x128xf32, #tpu.memory_space<vmem>>) target(%dma_start3A_109 : memref<10240x128xf32, #tpu.memory_space<vmem_shared>>) offsets(%arg9 : memref<80xi32, #tpu.memory_space<vmem>>) semaphore(%arg17 : memref<!tpu.dma_semaphore, #tpu.memory_space<semaphore_mem>>) {add = true}
      %mul3A_110 = arith.constant 4 : i32
      %mul3A_111 = arith.muli %scan3A_72, %mul3A_110 : i32
      %add3A_112 = arith.constant 1 : i32
      %add3A_113 = arith.addi %mul3A_111, %add3A_112 : i32
      %add3A_114 = arith.addi %mul3A_2, %add3A_113 : i32
      %dma_wait3A_115 = arith.constant 0 : i32
      %dma_wait3A_116 = arith.constant 0 : i32
      %dma_wait3A_117 = tpu.memref_slice %arg3[%add3A_114, %dma_wait3A_115, %dma_wait3A_116] : memref<4096x2x80xi32, #tpu.memory_space<hbm>> -> memref<1x1x80xi32, #tpu.memory_space<hbm>>
      %dma_wait3A_118 = tpu.memref_squeeze %dma_wait3A_117 : memref<1x1x80xi32, #tpu.memory_space<hbm>> -> memref<80xi32, #tpu.memory_space<hbm>>
      %dma_wait3A_119 = arith.constant 0 : i32
      %dma_wait3A_120 = tpu.memref_slice %arg3[%add3A_114, %dma_wait3A_115, %dma_wait3A_119] : memref<4096x2x80xi32, #tpu.memory_space<hbm>> -> memref<1x1x80xi32, #tpu.memory_space<hbm>>
      %dma_wait3A_121 = tpu.memref_squeeze %dma_wait3A_120 : memref<1x1x80xi32, #tpu.memory_space<hbm>> -> memref<80xi32, #tpu.memory_space<hbm>>
      tpu.wait_dma2 semaphore(%arg19 : memref<!tpu.dma_semaphore, #tpu.memory_space<semaphore_mem>>) src(%dma_wait3A_121 : memref<80xi32, #tpu.memory_space<hbm>>) dst(%arg6 : memref<80xi32, #tpu.memory_space<vmem>>)
      %add3A_122 = arith.addi %mul3A_2, %add3A_113 : i32
      %dma_wait3A_123 = arith.constant 1 : i32
      %dma_wait3A_124 = arith.constant 0 : i32
      %dma_wait3A_125 = tpu.memref_slice %arg3[%add3A_122, %dma_wait3A_123, %dma_wait3A_124] : memref<4096x2x80xi32, #tpu.memory_space<hbm>> -> memref<1x1x80xi32, #tpu.memory_space<hbm>>
      %dma_wait3A_126 = tpu.memref_squeeze %dma_wait3A_125 : memref<1x1x80xi32, #tpu.memory_space<hbm>> -> memref<80xi32, #tpu.memory_space<hbm>>
      %dma_wait3A_127 = arith.constant 0 : i32
      %dma_wait3A_128 = tpu.memref_slice %arg3[%add3A_122, %dma_wait3A_123, %dma_wait3A_127] : memref<4096x2x80xi32, #tpu.memory_space<hbm>> -> memref<1x1x80xi32, #tpu.memory_space<hbm>>
      %dma_wait3A_129 = tpu.memref_squeeze %dma_wait3A_128 : memref<1x1x80xi32, #tpu.memory_space<hbm>> -> memref<80xi32, #tpu.memory_space<hbm>>
      tpu.wait_dma2 semaphore(%arg19 : memref<!tpu.dma_semaphore, #tpu.memory_space<semaphore_mem>>) src(%dma_wait3A_129 : memref<80xi32, #tpu.memory_space<hbm>>) dst(%arg10 : memref<80xi32, #tpu.memory_space<vmem>>)
      %add3A_130 = arith.constant 1 : i32
      %add3A_131 = arith.addi %add3A_113, %add3A_130 : i32
      %lt3A_132 = arith.constant 128 : i32
      %lt3A_133 = arith.cmpi slt, %add3A_131, %lt3A_132 : i32
      %convert_element_type3A_134 = arith.extui %lt3A_133 : i1 to i32
      %cond3A_135 = arith.constant 0 : i32
      %cond3A_136 = arith.cmpi ne, %convert_element_type3A_134, %cond3A_135 : i32
      scf.if %cond3A_136 {
        %add3A_233 = arith.addi %mul3A_2, %add3A_113 : i32
        %add3A_234 = arith.constant 1 : i32
        %add3A_235 = arith.addi %add3A_233, %add3A_234 : i32
        %dma_start3A_236 = arith.constant 0 : i32
        %dma_start3A_237 = arith.constant 0 : i32
        %dma_start3A_238 = tpu.memref_slice %arg3[%add3A_235, %dma_start3A_236, %dma_start3A_237] : memref<4096x2x80xi32, #tpu.memory_space<hbm>> -> memref<1x1x80xi32, #tpu.memory_space<hbm>>
        %dma_start3A_239 = tpu.memref_squeeze %dma_start3A_238 : memref<1x1x80xi32, #tpu.memory_space<hbm>> -> memref<80xi32, #tpu.memory_space<hbm>>
        %dma_start3A_240 = arith.constant 0 : i32
        %dma_start3A_241 = tpu.memref_slice %arg3[%add3A_235, %dma_start3A_236, %dma_start3A_240] : memref<4096x2x80xi32, #tpu.memory_space<hbm>> -> memref<1x1x80xi32, #tpu.memory_space<hbm>>
        %dma_start3A_242 = tpu.memref_squeeze %dma_start3A_241 : memref<1x1x80xi32, #tpu.memory_space<hbm>> -> memref<80xi32, #tpu.memory_space<hbm>>
        tpu.enqueue_dma source(%dma_start3A_242 : memref<80xi32, #tpu.memory_space<hbm>>) target(%arg7 : memref<80xi32, #tpu.memory_space<vmem>>) target_semaphore(%arg19 : memref<!tpu.dma_semaphore, #tpu.memory_space<semaphore_mem>>)
        %add3A_243 = arith.addi %mul3A_2, %add3A_113 : i32
        %add3A_244 = arith.constant 1 : i32
        %add3A_245 = arith.addi %add3A_243, %add3A_244 : i32
        %dma_start3A_246 = arith.constant 1 : i32
        %dma_start3A_247 = arith.constant 0 : i32
        %dma_start3A_248 = tpu.memref_slice %arg3[%add3A_245, %dma_start3A_246, %dma_start3A_247] : memref<4096x2x80xi32, #tpu.memory_space<hbm>> -> memref<1x1x80xi32, #tpu.memory_space<hbm>>
        %dma_start3A_249 = tpu.memref_squeeze %dma_start3A_248 : memref<1x1x80xi32, #tpu.memory_space<hbm>> -> memref<80xi32, #tpu.memory_space<hbm>>
        %dma_start3A_250 = arith.constant 0 : i32
        %dma_start3A_251 = tpu.memref_slice %arg3[%add3A_245, %dma_start3A_246, %dma_start3A_250] : memref<4096x2x80xi32, #tpu.memory_space<hbm>> -> memref<1x1x80xi32, #tpu.memory_space<hbm>>
        %dma_start3A_252 = tpu.memref_squeeze %dma_start3A_251 : memref<1x1x80xi32, #tpu.memory_space<hbm>> -> memref<80xi32, #tpu.memory_space<hbm>>
        tpu.enqueue_dma source(%dma_start3A_252 : memref<80xi32, #tpu.memory_space<hbm>>) target(%arg11 : memref<80xi32, #tpu.memory_space<vmem>>) target_semaphore(%arg19 : memref<!tpu.dma_semaphore, #tpu.memory_space<semaphore_mem>>)
      } else {
      }
      %ge3A_137 = arith.constant 2 : i32
      %ge3A_138 = arith.cmpi sge, %add3A_113, %ge3A_137 : i32
      %convert_element_type3A_139 = arith.extui %ge3A_138 : i1 to i32
      %cond3A_140 = arith.constant 0 : i32
      %cond3A_141 = arith.cmpi ne, %convert_element_type3A_139, %cond3A_140 : i32
      scf.if %cond3A_141 {
        %dma_wait3A_233 = arith.constant 0 : i32
        %dma_wait3A_234 = arith.constant 0 : i32
        %dma_wait3A_235 = tpu.memref_slice %arg15[%dma_wait3A_233, %dma_wait3A_234] : memref<10240x128xf32, #tpu.memory_space<vmem_shared>> -> memref<10240x128xf32, #tpu.memory_space<vmem_shared>>
        tpu.wait_indirect_dma semaphore(%arg18 : memref<!tpu.dma_semaphore, #tpu.memory_space<semaphore_mem>>) src(%arg14 : memref<80x128xf32, #tpu.memory_space<vmem>>) dst(%dma_wait3A_235 : memref<10240x128xf32, #tpu.memory_space<vmem_shared>>)
      } else {
      }
      %dma_start3A_142 = arith.constant 0 : i32
      %dma_start3A_143 = arith.constant 0 : i32
      %dma_start3A_144 = tpu.memref_slice %arg2[%dma_start3A_142, %dma_start3A_143] : memref<10240x128xf32, #tpu.memory_space<hbm>> -> memref<10240x128xf32, #tpu.memory_space<hbm>>
      tpu.enqueue_indirect_dma source(%dma_start3A_144 : memref<10240x128xf32, #tpu.memory_space<hbm>>) target(%arg14 : memref<80x128xf32, #tpu.memory_space<vmem>>) offsets(%arg6 : memref<80xi32, #tpu.memory_space<vmem>>) semaphore(%arg16 : memref<!tpu.dma_semaphore, #tpu.memory_space<semaphore_mem>>)
      %dma_wait3A_145 = arith.constant 0 : i32
      %dma_wait3A_146 = arith.constant 0 : i32
      %dma_wait3A_147 = tpu.memref_slice %arg2[%dma_wait3A_145, %dma_wait3A_146] : memref<10240x128xf32, #tpu.memory_space<hbm>> -> memref<10240x128xf32, #tpu.memory_space<hbm>>
      tpu.wait_indirect_dma semaphore(%arg16 : memref<!tpu.dma_semaphore, #tpu.memory_space<semaphore_mem>>) src(%dma_wait3A_147 : memref<10240x128xf32, #tpu.memory_space<hbm>>) dst(%arg14 : memref<80x128xf32, #tpu.memory_space<vmem>>)
      %dma_start3A_148 = arith.constant 0 : i32
      %dma_start3A_149 = arith.constant 0 : i32
      %dma_start3A_150 = tpu.memref_slice %arg15[%dma_start3A_148, %dma_start3A_149] : memref<10240x128xf32, #tpu.memory_space<vmem_shared>> -> memref<10240x128xf32, #tpu.memory_space<vmem_shared>>
      tpu.enqueue_indirect_dma source(%arg14 : memref<80x128xf32, #tpu.memory_space<vmem>>) target(%dma_start3A_150 : memref<10240x128xf32, #tpu.memory_space<vmem_shared>>) offsets(%arg10 : memref<80xi32, #tpu.memory_space<vmem>>) semaphore(%arg18 : memref<!tpu.dma_semaphore, #tpu.memory_space<semaphore_mem>>) {add = true}
      %mul3A_151 = arith.constant 4 : i32
      %mul3A_152 = arith.muli %scan3A_72, %mul3A_151 : i32
      %add3A_153 = arith.constant 2 : i32
      %add3A_154 = arith.addi %mul3A_152, %add3A_153 : i32
      %add3A_155 = arith.addi %mul3A_2, %add3A_154 : i32
      %dma_wait3A_156 = arith.constant 0 : i32
      %dma_wait3A_157 = arith.constant 0 : i32
      %dma_wait3A_158 = tpu.memref_slice %arg3[%add3A_155, %dma_wait3A_156, %dma_wait3A_157] : memref<4096x2x80xi32, #tpu.memory_space<hbm>> -> memref<1x1x80xi32, #tpu.memory_space<hbm>>
      %dma_wait3A_159 = tpu.memref_squeeze %dma_wait3A_158 : memref<1x1x80xi32, #tpu.memory_space<hbm>> -> memref<80xi32, #tpu.memory_space<hbm>>
      %dma_wait3A_160 = arith.constant 0 : i32
      %dma_wait3A_161 = tpu.memref_slice %arg3[%add3A_155, %dma_wait3A_156, %dma_wait3A_160] : memref<4096x2x80xi32, #tpu.memory_space<hbm>> -> memref<1x1x80xi32, #tpu.memory_space<hbm>>
      %dma_wait3A_162 = tpu.memref_squeeze %dma_wait3A_161 : memref<1x1x80xi32, #tpu.memory_space<hbm>> -> memref<80xi32, #tpu.memory_space<hbm>>
      tpu.wait_dma2 semaphore(%arg19 : memref<!tpu.dma_semaphore, #tpu.memory_space<semaphore_mem>>) src(%dma_wait3A_162 : memref<80xi32, #tpu.memory_space<hbm>>) dst(%arg7 : memref<80xi32, #tpu.memory_space<vmem>>)
      %add3A_163 = arith.addi %mul3A_2, %add3A_154 : i32
      %dma_wait3A_164 = arith.constant 1 : i32
      %dma_wait3A_165 = arith.constant 0 : i32
      %dma_wait3A_166 = tpu.memref_slice %arg3[%add3A_163, %dma_wait3A_164, %dma_wait3A_165] : memref<4096x2x80xi32, #tpu.memory_space<hbm>> -> memref<1x1x80xi32, #tpu.memory_space<hbm>>
      %dma_wait3A_167 = tpu.memref_squeeze %dma_wait3A_166 : memref<1x1x80xi32, #tpu.memory_space<hbm>> -> memref<80xi32, #tpu.memory_space<hbm>>
      %dma_wait3A_168 = arith.constant 0 : i32
      %dma_wait3A_169 = tpu.memref_slice %arg3[%add3A_163, %dma_wait3A_164, %dma_wait3A_168] : memref<4096x2x80xi32, #tpu.memory_space<hbm>> -> memref<1x1x80xi32, #tpu.memory_space<hbm>>
      %dma_wait3A_170 = tpu.memref_squeeze %dma_wait3A_169 : memref<1x1x80xi32, #tpu.memory_space<hbm>> -> memref<80xi32, #tpu.memory_space<hbm>>
      tpu.wait_dma2 semaphore(%arg19 : memref<!tpu.dma_semaphore, #tpu.memory_space<semaphore_mem>>) src(%dma_wait3A_170 : memref<80xi32, #tpu.memory_space<hbm>>) dst(%arg11 : memref<80xi32, #tpu.memory_space<vmem>>)
      %add3A_171 = arith.constant 1 : i32
      %add3A_172 = arith.addi %add3A_154, %add3A_171 : i32
      %lt3A_173 = arith.constant 128 : i32
      %lt3A_174 = arith.cmpi slt, %add3A_172, %lt3A_173 : i32
      %convert_element_type3A_175 = arith.extui %lt3A_174 : i1 to i32
      %cond3A_176 = arith.constant 0 : i32
      %cond3A_177 = arith.cmpi ne, %convert_element_type3A_175, %cond3A_176 : i32
      scf.if %cond3A_177 {
        %add3A_233 = arith.addi %mul3A_2, %add3A_154 : i32
        %add3A_234 = arith.constant 1 : i32
        %add3A_235 = arith.addi %add3A_233, %add3A_234 : i32
        %dma_start3A_236 = arith.constant 0 : i32
        %dma_start3A_237 = arith.constant 0 : i32
        %dma_start3A_238 = tpu.memref_slice %arg3[%add3A_235, %dma_start3A_236, %dma_start3A_237] : memref<4096x2x80xi32, #tpu.memory_space<hbm>> -> memref<1x1x80xi32, #tpu.memory_space<hbm>>
        %dma_start3A_239 = tpu.memref_squeeze %dma_start3A_238 : memref<1x1x80xi32, #tpu.memory_space<hbm>> -> memref<80xi32, #tpu.memory_space<hbm>>
        %dma_start3A_240 = arith.constant 0 : i32
        %dma_start3A_241 = tpu.memref_slice %arg3[%add3A_235, %dma_start3A_236, %dma_start3A_240] : memref<4096x2x80xi32, #tpu.memory_space<hbm>> -> memref<1x1x80xi32, #tpu.memory_space<hbm>>
        %dma_start3A_242 = tpu.memref_squeeze %dma_start3A_241 : memref<1x1x80xi32, #tpu.memory_space<hbm>> -> memref<80xi32, #tpu.memory_space<hbm>>
        tpu.enqueue_dma source(%dma_start3A_242 : memref<80xi32, #tpu.memory_space<hbm>>) target(%arg8 : memref<80xi32, #tpu.memory_space<vmem>>) target_semaphore(%arg19 : memref<!tpu.dma_semaphore, #tpu.memory_space<semaphore_mem>>)
        %add3A_243 = arith.addi %mul3A_2, %add3A_154 : i32
        %add3A_244 = arith.constant 1 : i32
        %add3A_245 = arith.addi %add3A_243, %add3A_244 : i32
        %dma_start3A_246 = arith.constant 1 : i32
        %dma_start3A_247 = arith.constant 0 : i32
        %dma_start3A_248 = tpu.memref_slice %arg3[%add3A_245, %dma_start3A_246, %dma_start3A_247] : memref<4096x2x80xi32, #tpu.memory_space<hbm>> -> memref<1x1x80xi32, #tpu.memory_space<hbm>>
        %dma_start3A_249 = tpu.memref_squeeze %dma_start3A_248 : memref<1x1x80xi32, #tpu.memory_space<hbm>> -> memref<80xi32, #tpu.memory_space<hbm>>
        %dma_start3A_250 = arith.constant 0 : i32
        %dma_start3A_251 = tpu.memref_slice %arg3[%add3A_245, %dma_start3A_246, %dma_start3A_250] : memref<4096x2x80xi32, #tpu.memory_space<hbm>> -> memref<1x1x80xi32, #tpu.memory_space<hbm>>
        %dma_start3A_252 = tpu.memref_squeeze %dma_start3A_251 : memref<1x1x80xi32, #tpu.memory_space<hbm>> -> memref<80xi32, #tpu.memory_space<hbm>>
        tpu.enqueue_dma source(%dma_start3A_252 : memref<80xi32, #tpu.memory_space<hbm>>) target(%arg12 : memref<80xi32, #tpu.memory_space<vmem>>) target_semaphore(%arg19 : memref<!tpu.dma_semaphore, #tpu.memory_space<semaphore_mem>>)
      } else {
      }
      %ge3A_178 = arith.constant 2 : i32
      %ge3A_179 = arith.cmpi sge, %add3A_154, %ge3A_178 : i32
      %convert_element_type3A_180 = arith.extui %ge3A_179 : i1 to i32
      %cond3A_181 = arith.constant 0 : i32
      %cond3A_182 = arith.cmpi ne, %convert_element_type3A_180, %cond3A_181 : i32
      scf.if %cond3A_182 {
        %dma_wait3A_233 = arith.constant 0 : i32
        %dma_wait3A_234 = arith.constant 0 : i32
        %dma_wait3A_235 = tpu.memref_slice %arg15[%dma_wait3A_233, %dma_wait3A_234] : memref<10240x128xf32, #tpu.memory_space<vmem_shared>> -> memref<10240x128xf32, #tpu.memory_space<vmem_shared>>
        tpu.wait_indirect_dma semaphore(%arg17 : memref<!tpu.dma_semaphore, #tpu.memory_space<semaphore_mem>>) src(%arg13 : memref<80x128xf32, #tpu.memory_space<vmem>>) dst(%dma_wait3A_235 : memref<10240x128xf32, #tpu.memory_space<vmem_shared>>)
      } else {
      }
      %dma_start3A_183 = arith.constant 0 : i32
      %dma_start3A_184 = arith.constant 0 : i32
      %dma_start3A_185 = tpu.memref_slice %arg2[%dma_start3A_183, %dma_start3A_184] : memref<10240x128xf32, #tpu.memory_space<hbm>> -> memref<10240x128xf32, #tpu.memory_space<hbm>>
      tpu.enqueue_indirect_dma source(%dma_start3A_185 : memref<10240x128xf32, #tpu.memory_space<hbm>>) target(%arg13 : memref<80x128xf32, #tpu.memory_space<vmem>>) offsets(%arg7 : memref<80xi32, #tpu.memory_space<vmem>>) semaphore(%arg16 : memref<!tpu.dma_semaphore, #tpu.memory_space<semaphore_mem>>)
      %dma_wait3A_186 = arith.constant 0 : i32
      %dma_wait3A_187 = arith.constant 0 : i32
      %dma_wait3A_188 = tpu.memref_slice %arg2[%dma_wait3A_186, %dma_wait3A_187] : memref<10240x128xf32, #tpu.memory_space<hbm>> -> memref<10240x128xf32, #tpu.memory_space<hbm>>
      tpu.wait_indirect_dma semaphore(%arg16 : memref<!tpu.dma_semaphore, #tpu.memory_space<semaphore_mem>>) src(%dma_wait3A_188 : memref<10240x128xf32, #tpu.memory_space<hbm>>) dst(%arg13 : memref<80x128xf32, #tpu.memory_space<vmem>>)
      %dma_start3A_189 = arith.constant 0 : i32
      %dma_start3A_190 = arith.constant 0 : i32
      %dma_start3A_191 = tpu.memref_slice %arg15[%dma_start3A_189, %dma_start3A_190] : memref<10240x128xf32, #tpu.memory_space<vmem_shared>> -> memref<10240x128xf32, #tpu.memory_space<vmem_shared>>
      tpu.enqueue_indirect_dma source(%arg13 : memref<80x128xf32, #tpu.memory_space<vmem>>) target(%dma_start3A_191 : memref<10240x128xf32, #tpu.memory_space<vmem_shared>>) offsets(%arg11 : memref<80xi32, #tpu.memory_space<vmem>>) semaphore(%arg17 : memref<!tpu.dma_semaphore, #tpu.memory_space<semaphore_mem>>) {add = true}
      %mul3A_192 = arith.constant 4 : i32
      %mul3A_193 = arith.muli %scan3A_72, %mul3A_192 : i32
      %add3A_194 = arith.constant 3 : i32
      %add3A_195 = arith.addi %mul3A_193, %add3A_194 : i32
      %add3A_196 = arith.addi %mul3A_2, %add3A_195 : i32
      %dma_wait3A_197 = arith.constant 0 : i32
      %dma_wait3A_198 = arith.constant 0 : i32
      %dma_wait3A_199 = tpu.memref_slice %arg3[%add3A_196, %dma_wait3A_197, %dma_wait3A_198] : memref<4096x2x80xi32, #tpu.memory_space<hbm>> -> memref<1x1x80xi32, #tpu.memory_space<hbm>>
      %dma_wait3A_200 = tpu.memref_squeeze %dma_wait3A_199 : memref<1x1x80xi32, #tpu.memory_space<hbm>> -> memref<80xi32, #tpu.memory_space<hbm>>
      %dma_wait3A_201 = arith.constant 0 : i32
      %dma_wait3A_202 = tpu.memref_slice %arg3[%add3A_196, %dma_wait3A_197, %dma_wait3A_201] : memref<4096x2x80xi32, #tpu.memory_space<hbm>> -> memref<1x1x80xi32, #tpu.memory_space<hbm>>
      %dma_wait3A_203 = tpu.memref_squeeze %dma_wait3A_202 : memref<1x1x80xi32, #tpu.memory_space<hbm>> -> memref<80xi32, #tpu.memory_space<hbm>>
      tpu.wait_dma2 semaphore(%arg19 : memref<!tpu.dma_semaphore, #tpu.memory_space<semaphore_mem>>) src(%dma_wait3A_203 : memref<80xi32, #tpu.memory_space<hbm>>) dst(%arg8 : memref<80xi32, #tpu.memory_space<vmem>>)
      %add3A_204 = arith.addi %mul3A_2, %add3A_195 : i32
      %dma_wait3A_205 = arith.constant 1 : i32
      %dma_wait3A_206 = arith.constant 0 : i32
      %dma_wait3A_207 = tpu.memref_slice %arg3[%add3A_204, %dma_wait3A_205, %dma_wait3A_206] : memref<4096x2x80xi32, #tpu.memory_space<hbm>> -> memref<1x1x80xi32, #tpu.memory_space<hbm>>
      %dma_wait3A_208 = tpu.memref_squeeze %dma_wait3A_207 : memref<1x1x80xi32, #tpu.memory_space<hbm>> -> memref<80xi32, #tpu.memory_space<hbm>>
      %dma_wait3A_209 = arith.constant 0 : i32
      %dma_wait3A_210 = tpu.memref_slice %arg3[%add3A_204, %dma_wait3A_205, %dma_wait3A_209] : memref<4096x2x80xi32, #tpu.memory_space<hbm>> -> memref<1x1x80xi32, #tpu.memory_space<hbm>>
      %dma_wait3A_211 = tpu.memref_squeeze %dma_wait3A_210 : memref<1x1x80xi32, #tpu.memory_space<hbm>> -> memref<80xi32, #tpu.memory_space<hbm>>
      tpu.wait_dma2 semaphore(%arg19 : memref<!tpu.dma_semaphore, #tpu.memory_space<semaphore_mem>>) src(%dma_wait3A_211 : memref<80xi32, #tpu.memory_space<hbm>>) dst(%arg12 : memref<80xi32, #tpu.memory_space<vmem>>)
      %add3A_212 = arith.constant 1 : i32
      %add3A_213 = arith.addi %add3A_195, %add3A_212 : i32
      %lt3A_214 = arith.constant 128 : i32
      %lt3A_215 = arith.cmpi slt, %add3A_213, %lt3A_214 : i32
      %convert_element_type3A_216 = arith.extui %lt3A_215 : i1 to i32
      %cond3A_217 = arith.constant 0 : i32
      %cond3A_218 = arith.cmpi ne, %convert_element_type3A_216, %cond3A_217 : i32
      scf.if %cond3A_218 {
        %add3A_233 = arith.addi %mul3A_2, %add3A_195 : i32
        %add3A_234 = arith.constant 1 : i32
        %add3A_235 = arith.addi %add3A_233, %add3A_234 : i32
        %dma_start3A_236 = arith.constant 0 : i32
        %dma_start3A_237 = arith.constant 0 : i32
        %dma_start3A_238 = tpu.memref_slice %arg3[%add3A_235, %dma_start3A_236, %dma_start3A_237] : memref<4096x2x80xi32, #tpu.memory_space<hbm>> -> memref<1x1x80xi32, #tpu.memory_space<hbm>>
        %dma_start3A_239 = tpu.memref_squeeze %dma_start3A_238 : memref<1x1x80xi32, #tpu.memory_space<hbm>> -> memref<80xi32, #tpu.memory_space<hbm>>
        %dma_start3A_240 = arith.constant 0 : i32
        %dma_start3A_241 = tpu.memref_slice %arg3[%add3A_235, %dma_start3A_236, %dma_start3A_240] : memref<4096x2x80xi32, #tpu.memory_space<hbm>> -> memref<1x1x80xi32, #tpu.memory_space<hbm>>
        %dma_start3A_242 = tpu.memref_squeeze %dma_start3A_241 : memref<1x1x80xi32, #tpu.memory_space<hbm>> -> memref<80xi32, #tpu.memory_space<hbm>>
        tpu.enqueue_dma source(%dma_start3A_242 : memref<80xi32, #tpu.memory_space<hbm>>) target(%arg5 : memref<80xi32, #tpu.memory_space<vmem>>) target_semaphore(%arg19 : memref<!tpu.dma_semaphore, #tpu.memory_space<semaphore_mem>>)
        %add3A_243 = arith.addi %mul3A_2, %add3A_195 : i32
        %add3A_244 = arith.constant 1 : i32
        %add3A_245 = arith.addi %add3A_243, %add3A_244 : i32
        %dma_start3A_246 = arith.constant 1 : i32
        %dma_start3A_247 = arith.constant 0 : i32
        %dma_start3A_248 = tpu.memref_slice %arg3[%add3A_245, %dma_start3A_246, %dma_start3A_247] : memref<4096x2x80xi32, #tpu.memory_space<hbm>> -> memref<1x1x80xi32, #tpu.memory_space<hbm>>
        %dma_start3A_249 = tpu.memref_squeeze %dma_start3A_248 : memref<1x1x80xi32, #tpu.memory_space<hbm>> -> memref<80xi32, #tpu.memory_space<hbm>>
        %dma_start3A_250 = arith.constant 0 : i32
        %dma_start3A_251 = tpu.memref_slice %arg3[%add3A_245, %dma_start3A_246, %dma_start3A_250] : memref<4096x2x80xi32, #tpu.memory_space<hbm>> -> memref<1x1x80xi32, #tpu.memory_space<hbm>>
        %dma_start3A_252 = tpu.memref_squeeze %dma_start3A_251 : memref<1x1x80xi32, #tpu.memory_space<hbm>> -> memref<80xi32, #tpu.memory_space<hbm>>
        tpu.enqueue_dma source(%dma_start3A_252 : memref<80xi32, #tpu.memory_space<hbm>>) target(%arg9 : memref<80xi32, #tpu.memory_space<vmem>>) target_semaphore(%arg19 : memref<!tpu.dma_semaphore, #tpu.memory_space<semaphore_mem>>)
      } else {
      }
      %ge3A_219 = arith.constant 2 : i32
      %ge3A_220 = arith.cmpi sge, %add3A_195, %ge3A_219 : i32
      %convert_element_type3A_221 = arith.extui %ge3A_220 : i1 to i32
      %cond3A_222 = arith.constant 0 : i32
      %cond3A_223 = arith.cmpi ne, %convert_element_type3A_221, %cond3A_222 : i32
      scf.if %cond3A_223 {
        %dma_wait3A_233 = arith.constant 0 : i32
        %dma_wait3A_234 = arith.constant 0 : i32
        %dma_wait3A_235 = tpu.memref_slice %arg15[%dma_wait3A_233, %dma_wait3A_234] : memref<10240x128xf32, #tpu.memory_space<vmem_shared>> -> memref<10240x128xf32, #tpu.memory_space<vmem_shared>>
        tpu.wait_indirect_dma semaphore(%arg18 : memref<!tpu.dma_semaphore, #tpu.memory_space<semaphore_mem>>) src(%arg14 : memref<80x128xf32, #tpu.memory_space<vmem>>) dst(%dma_wait3A_235 : memref<10240x128xf32, #tpu.memory_space<vmem_shared>>)
      } else {
      }
      %dma_start3A_224 = arith.constant 0 : i32
      %dma_start3A_225 = arith.constant 0 : i32
      %dma_start3A_226 = tpu.memref_slice %arg2[%dma_start3A_224, %dma_start3A_225] : memref<10240x128xf32, #tpu.memory_space<hbm>> -> memref<10240x128xf32, #tpu.memory_space<hbm>>
      tpu.enqueue_indirect_dma source(%dma_start3A_226 : memref<10240x128xf32, #tpu.memory_space<hbm>>) target(%arg14 : memref<80x128xf32, #tpu.memory_space<vmem>>) offsets(%arg8 : memref<80xi32, #tpu.memory_space<vmem>>) semaphore(%arg16 : memref<!tpu.dma_semaphore, #tpu.memory_space<semaphore_mem>>)
      %dma_wait3A_227 = arith.constant 0 : i32
      %dma_wait3A_228 = arith.constant 0 : i32
      %dma_wait3A_229 = tpu.memref_slice %arg2[%dma_wait3A_227, %dma_wait3A_228] : memref<10240x128xf32, #tpu.memory_space<hbm>> -> memref<10240x128xf32, #tpu.memory_space<hbm>>
      tpu.wait_indirect_dma semaphore(%arg16 : memref<!tpu.dma_semaphore, #tpu.memory_space<semaphore_mem>>) src(%dma_wait3A_229 : memref<10240x128xf32, #tpu.memory_space<hbm>>) dst(%arg14 : memref<80x128xf32, #tpu.memory_space<vmem>>)
      %dma_start3A_230 = arith.constant 0 : i32
      %dma_start3A_231 = arith.constant 0 : i32
      %dma_start3A_232 = tpu.memref_slice %arg15[%dma_start3A_230, %dma_start3A_231] : memref<10240x128xf32, #tpu.memory_space<vmem_shared>> -> memref<10240x128xf32, #tpu.memory_space<vmem_shared>>
      tpu.enqueue_indirect_dma source(%arg14 : memref<80x128xf32, #tpu.memory_space<vmem>>) target(%dma_start3A_232 : memref<10240x128xf32, #tpu.memory_space<vmem_shared>>) offsets(%arg12 : memref<80xi32, #tpu.memory_space<vmem>>) semaphore(%arg18 : memref<!tpu.dma_semaphore, #tpu.memory_space<semaphore_mem>>) {add = true}
    }
    %scan3A_61 = arith.constant 32 : i32
    %dma_wait3A = arith.constant 0 : i32
    %dma_wait3A_62 = arith.constant 0 : i32
    %dma_wait3A_63 = tpu.memref_slice %arg15[%dma_wait3A, %dma_wait3A_62] : memref<10240x128xf32, #tpu.memory_space<vmem_shared>> -> memref<10240x128xf32, #tpu.memory_space<vmem_shared>>
    tpu.wait_indirect_dma semaphore(%arg17 : memref<!tpu.dma_semaphore, #tpu.memory_space<semaphore_mem>>) src(%arg13 : memref<80x128xf32, #tpu.memory_space<vmem>>) dst(%dma_wait3A_63 : memref<10240x128xf32, #tpu.memory_space<vmem_shared>>)
    %dma_wait3A_64 = arith.constant 0 : i32
    %dma_wait3A_65 = arith.constant 0 : i32
    %dma_wait3A_66 = tpu.memref_slice %arg15[%dma_wait3A_64, %dma_wait3A_65] : memref<10240x128xf32, #tpu.memory_space<vmem_shared>> -> memref<10240x128xf32, #tpu.memory_space<vmem_shared>>
    tpu.wait_indirect_dma semaphore(%arg18 : memref<!tpu.dma_semaphore, #tpu.memory_space<semaphore_mem>>) src(%arg14 : memref<80x128xf32, #tpu.memory_space<vmem>>) dst(%dma_wait3A_66 : memref<10240x128xf32, #tpu.memory_space<vmem_shared>>)
    "tpu.trace_stop"() : () -> ()
    "tpu.trace_start"() <{level = 10 : i32, message = "post_barrier"}> : () -> ()
    %barrier3A_67 = arith.constant 0 : index
    tpu.barrier barrier_id(%barrier3A_67)
    "tpu.trace_stop"() : () -> ()
    "tpu.trace_start"() <{level = 10 : i32, message = "writeout"}> : () -> ()
    %mul3A_68 = arith.constant 640 : i32
    %mul3A_69 = arith.muli %arg1, %mul3A_68 : i32
    %mul3A_70 = arith.constant 640 : i32
    %mul3A_71 = arith.muli %arg1, %mul3A_70 : i32
    "tpu.region"() ({
      %run_scoped3A = tpu.sem_alloc : memref<!tpu.dma_semaphore, #tpu.memory_space<semaphore_mem>>
      %dma_start3A_72 = arith.constant 0 : i32
      %dma_start3A_73 = tpu.memref_slice %arg4[%arg0, %mul3A_71, %dma_start3A_72] : memref<2x10240x128xf32, #tpu.memory_space<hbm>> -> memref<1x640x128xf32, #tpu.memory_space<hbm>>
      %dma_start3A_74 = tpu.memref_squeeze %dma_start3A_73 : memref<1x640x128xf32, #tpu.memory_space<hbm>> -> memref<640x128xf32, #tpu.memory_space<hbm>>
      %dma_start3A_75 = arith.constant 0 : i32
      %dma_start3A_76 = tpu.memref_slice %arg15[%mul3A_69, %dma_start3A_75] : memref<10240x128xf32, #tpu.memory_space<vmem_shared>> -> memref<640x128xf32, #tpu.memory_space<vmem_shared>>
      tpu.enqueue_dma source(%dma_start3A_76 : memref<640x128xf32, #tpu.memory_space<vmem_shared>>) target(%dma_start3A_74 : memref<640x128xf32, #tpu.memory_space<hbm>>) target_semaphore(%run_scoped3A : memref<!tpu.dma_semaphore, #tpu.memory_space<semaphore_mem>>)
      %dma_wait3A_77 = arith.constant 0 : i32
      %dma_wait3A_78 = tpu.memref_slice %arg4[%arg0, %mul3A_71, %dma_wait3A_77] : memref<2x10240x128xf32, #tpu.memory_space<hbm>> -> memref<1x640x128xf32, #tpu.memory_space<hbm>>
      %dma_wait3A_79 = tpu.memref_squeeze %dma_wait3A_78 : memref<1x640x128xf32, #tpu.memory_space<hbm>> -> memref<640x128xf32, #tpu.memory_space<hbm>>
      %dma_wait3A_80 = arith.constant 0 : i32
      %dma_wait3A_81 = tpu.memref_slice %arg15[%mul3A_69, %dma_wait3A_80] : memref<10240x128xf32, #tpu.memory_space<vmem_shared>> -> memref<640x128xf32, #tpu.memory_space<vmem_shared>>
      tpu.wait_dma2 semaphore(%run_scoped3A : memref<!tpu.dma_semaphore, #tpu.memory_space<semaphore_mem>>) src(%dma_wait3A_81 : memref<640x128xf32, #tpu.memory_space<vmem_shared>>) dst(%dma_wait3A_79 : memref<640x128xf32, #tpu.memory_space<hbm>>)
      tpu.yield
    }) : () -> ()
    "tpu.trace_stop"() : () -> ()
    return
  }
}

#map = affine_map<(d0, d1) -> (0, 0)>
#map1 = affine_map<(d0, d1) -> (0, 0, 0)>
module attributes {stable_mosaic.version = 14 : i64} {
  func.func @prop(%arg0: i32, %arg1: i32, %arg2: memref<10240x128xf32, #tpu.memory_space<hbm>>, %arg3: memref<4096x2x80xi32, #tpu.memory_space<hbm>>, %arg4: memref<2x10240x128xf32, #tpu.memory_space<hbm>>, %arg5: memref<80xi32, #tpu.memory_space<vmem>>, %arg6: memref<80xi32, #tpu.memory_space<vmem>>, %arg7: memref<80xi32, #tpu.memory_space<vmem>>, %arg8: memref<80xi32, #tpu.memory_space<vmem>>, %arg9: memref<80xi32, #tpu.memory_space<vmem>>, %arg10: memref<80xi32, #tpu.memory_space<vmem>>, %arg11: memref<80xi32, #tpu.memory_space<vmem>>, %arg12: memref<80xi32, #tpu.memory_space<vmem>>, %arg13: memref<80x128xf32, #tpu.memory_space<vmem>>, %arg14: memref<80x128xf32, #tpu.memory_space<vmem>>, %arg15: memref<10240x128xf32, #tpu.memory_space<vmem_shared>>, %arg16: memref<!tpu.dma_semaphore, #tpu.memory_space<semaphore_mem>>, %arg17: memref<!tpu.dma_semaphore, #tpu.memory_space<semaphore_mem>>, %arg18: memref<!tpu.dma_semaphore, #tpu.memory_space<semaphore_mem>>, %arg19: memref<!tpu.dma_semaphore, #tpu.memory_space<semaphore_mem>>) attributes {dimension_semantics = [#tpu.dimension_semantics<core_parallel>, #tpu.dimension_semantics<subcore_parallel>], iteration_bounds = array<i64: 2, 16>, scalar_prefetch = 0 : i64, scratch_operands = 15 : i64, tpu.core_type = #tpu.core_type<sc_vector_subcore>, window_params = [{transform_indices = #map}, {transform_indices = #map1}, {transform_indices = #map1}]} {
    %mul3A = arith.constant 16 : i32
    %mul3A_0 = arith.muli %arg0, %mul3A : i32
    %add3A = arith.addi %mul3A_0, %arg1 : i32
    %mul3A_1 = arith.constant 128 : i32
    %mul3A_2 = arith.muli %add3A, %mul3A_1 : i32
    %dma_start3A = arith.constant 0 : i32
    %dma_start3A_3 = arith.constant 0 : i32
    %dma_start3A_4 = tpu.memref_slice %arg3[%mul3A_2, %dma_start3A, %dma_start3A_3] : memref<4096x2x80xi32, #tpu.memory_space<hbm>> -> memref<1x1x80xi32, #tpu.memory_space<hbm>>
    %dma_start3A_5 = tpu.memref_squeeze %dma_start3A_4 : memref<1x1x80xi32, #tpu.memory_space<hbm>> -> memref<80xi32, #tpu.memory_space<hbm>>
    %dma_start3A_6 = arith.constant 0 : i32
    %dma_start3A_7 = tpu.memref_slice %arg3[%mul3A_2, %dma_start3A, %dma_start3A_6] : memref<4096x2x80xi32, #tpu.memory_space<hbm>> -> memref<1x1x80xi32, #tpu.memory_space<hbm>>
    %dma_start3A_8 = tpu.memref_squeeze %dma_start3A_7 : memref<1x1x80xi32, #tpu.memory_space<hbm>> -> memref<80xi32, #tpu.memory_space<hbm>>
    tpu.enqueue_dma source(%dma_start3A_8 : memref<80xi32, #tpu.memory_space<hbm>>) target(%arg5 : memref<80xi32, #tpu.memory_space<vmem>>) target_semaphore(%arg19 : memref<!tpu.dma_semaphore, #tpu.memory_space<semaphore_mem>>)
    %dma_start3A_9 = arith.constant 1 : i32
    %dma_start3A_10 = arith.constant 0 : i32
    %dma_start3A_11 = tpu.memref_slice %arg3[%mul3A_2, %dma_start3A_9, %dma_start3A_10] : memref<4096x2x80xi32, #tpu.memory_space<hbm>> -> memref<1x1x80xi32, #tpu.memory_space<hbm>>
    %dma_start3A_12 = tpu.memref_squeeze %dma_start3A_11 : memref<1x1x80xi32, #tpu.memory_space<hbm>> -> memref<80xi32, #tpu.memory_space<hbm>>
    %dma_start3A_13 = arith.constant 0 : i32
    %dma_start3A_14 = tpu.memref_slice %arg3[%mul3A_2, %dma_start3A_9, %dma_start3A_13] : memref<4096x2x80xi32, #tpu.memory_space<hbm>> -> memref<1x1x80xi32, #tpu.memory_space<hbm>>
    %dma_start3A_15 = tpu.memref_squeeze %dma_start3A_14 : memref<1x1x80xi32, #tpu.memory_space<hbm>> -> memref<80xi32, #tpu.memory_space<hbm>>
    tpu.enqueue_dma source(%dma_start3A_15 : memref<80xi32, #tpu.memory_space<hbm>>) target(%arg9 : memref<80xi32, #tpu.memory_space<vmem>>) target_semaphore(%arg19 : memref<!tpu.dma_semaphore, #tpu.memory_space<semaphore_mem>>)
    %broadcast_in_dim3A = arith.constant 0.000000e+00 : f32
    %broadcast_in_dim3A_16 = vector.broadcast %broadcast_in_dim3A : f32 to vector<16xf32>
    %broadcast_in_dim3A_17 = arith.constant 0.000000e+00 : f32
    %broadcast_in_dim3A_18 = vector.broadcast %broadcast_in_dim3A_17 : f32 to vector<16xf32>
    "tpu.trace_start"() <{level = 10 : i32, message = "acc_zero"}> : () -> ()
    %scan3A = arith.constant 0 : i32
    %scan3A_19 = arith.constant 0 : i32
    %scan3A_20 = arith.constant 80 : i32
    %scan3A_21 = arith.addi %scan3A_19, %scan3A_20 : i32
    %scan3A_22 = arith.constant 1 : i32
    scf.for %scan3A_72 = %scan3A_19 to %scan3A_21 step %scan3A_22  : i32 {
      %swap3A = arith.index_cast %scan3A_72 : i32 to index
      %swap3A_73 = arith.constant 0 : index
      %swap3A_74 = tpu.vector_load %arg13[%swap3A, %swap3A_73] {strides = array<i32>} : memref<80x128xf32, #tpu.memory_space<vmem>>, vector<1x16xf32>,
      %swap3A_75 = vector.shape_cast %swap3A_74 : vector<1x16xf32> to vector<16xf32>
      %swap3A_76 = vector.shape_cast %broadcast_in_dim3A_18 : vector<16xf32> to vector<1x16xf32>
      tpu.vector_store %arg13[%swap3A, %swap3A_73], %swap3A_76 {strides = array<i32>} : memref<80x128xf32, #tpu.memory_space<vmem>>, vector<1x16xf32>,
      %swap3A_77 = arith.index_cast %scan3A_72 : i32 to index
      %swap3A_78 = arith.constant 16 : index
      %swap3A_79 = tpu.vector_load %arg13[%swap3A_77, %swap3A_78] {strides = array<i32>} : memref<80x128xf32, #tpu.memory_space<vmem>>, vector<1x16xf32>,
      %swap3A_80 = vector.shape_cast %swap3A_79 : vector<1x16xf32> to vector<16xf32>
      %swap3A_81 = vector.shape_cast %broadcast_in_dim3A_18 : vector<16xf32> to vector<1x16xf32>
      tpu.vector_store %arg13[%swap3A_77, %swap3A_78], %swap3A_81 {strides = array<i32>} : memref<80x128xf32, #tpu.memory_space<vmem>>, vector<1x16xf32>,
      %swap3A_82 = arith.index_cast %scan3A_72 : i32 to index
      %swap3A_83 = arith.constant 32 : index
      %swap3A_84 = tpu.vector_load %arg13[%swap3A_82, %swap3A_83] {strides = array<i32>} : memref<80x128xf32, #tpu.memory_space<vmem>>, vector<1x16xf32>,
      %swap3A_85 = vector.shape_cast %swap3A_84 : vector<1x16xf32> to vector<16xf32>
      %swap3A_86 = vector.shape_cast %broadcast_in_dim3A_18 : vector<16xf32> to vector<1x16xf32>
      tpu.vector_store %arg13[%swap3A_82, %swap3A_83], %swap3A_86 {strides = array<i32>} : memref<80x128xf32, #tpu.memory_space<vmem>>, vector<1x16xf32>,
      %swap3A_87 = arith.index_cast %scan3A_72 : i32 to index
      %swap3A_88 = arith.constant 48 : index
      %swap3A_89 = tpu.vector_load %arg13[%swap3A_87, %swap3A_88] {strides = array<i32>} : memref<80x128xf32, #tpu.memory_space<vmem>>, vector<1x16xf32>,
      %swap3A_90 = vector.shape_cast %swap3A_89 : vector<1x16xf32> to vector<16xf32>
      %swap3A_91 = vector.shape_cast %broadcast_in_dim3A_18 : vector<16xf32> to vector<1x16xf32>
      tpu.vector_store %arg13[%swap3A_87, %swap3A_88], %swap3A_91 {strides = array<i32>} : memref<80x128xf32, #tpu.memory_space<vmem>>, vector<1x16xf32>,
      %swap3A_92 = arith.index_cast %scan3A_72 : i32 to index
      %swap3A_93 = arith.constant 64 : index
      %swap3A_94 = tpu.vector_load %arg13[%swap3A_92, %swap3A_93] {strides = array<i32>} : memref<80x128xf32, #tpu.memory_space<vmem>>, vector<1x16xf32>,
      %swap3A_95 = vector.shape_cast %swap3A_94 : vector<1x16xf32> to vector<16xf32>
      %swap3A_96 = vector.shape_cast %broadcast_in_dim3A_18 : vector<16xf32> to vector<1x16xf32>
      tpu.vector_store %arg13[%swap3A_92, %swap3A_93], %swap3A_96 {strides = array<i32>} : memref<80x128xf32, #tpu.memory_space<vmem>>, vector<1x16xf32>,
      %swap3A_97 = arith.index_cast %scan3A_72 : i32 to index
      %swap3A_98 = arith.constant 80 : index
      %swap3A_99 = tpu.vector_load %arg13[%swap3A_97, %swap3A_98] {strides = array<i32>} : memref<80x128xf32, #tpu.memory_space<vmem>>, vector<1x16xf32>,
      %swap3A_100 = vector.shape_cast %swap3A_99 : vector<1x16xf32> to vector<16xf32>
      %swap3A_101 = vector.shape_cast %broadcast_in_dim3A_18 : vector<16xf32> to vector<1x16xf32>
      tpu.vector_store %arg13[%swap3A_97, %swap3A_98], %swap3A_101 {strides = array<i32>} : memref<80x128xf32, #tpu.memory_space<vmem>>, vector<1x16xf32>,
      %swap3A_102 = arith.index_cast %scan3A_72 : i32 to index
      %swap3A_103 = arith.constant 96 : index
      %swap3A_104 = tpu.vector_load %arg13[%swap3A_102, %swap3A_103] {strides = array<i32>} : memref<80x128xf32, #tpu.memory_space<vmem>>, vector<1x16xf32>,
      %swap3A_105 = vector.shape_cast %swap3A_104 : vector<1x16xf32> to vector<16xf32>
      %swap3A_106 = vector.shape_cast %broadcast_in_dim3A_18 : vector<16xf32> to vector<1x16xf32>
      tpu.vector_store %arg13[%swap3A_102, %swap3A_103], %swap3A_106 {strides = array<i32>} : memref<80x128xf32, #tpu.memory_space<vmem>>, vector<1x16xf32>,
      %swap3A_107 = arith.index_cast %scan3A_72 : i32 to index
      %swap3A_108 = arith.constant 112 : index
      %swap3A_109 = tpu.vector_load %arg13[%swap3A_107, %swap3A_108] {strides = array<i32>} : memref<80x128xf32, #tpu.memory_space<vmem>>, vector<1x16xf32>,
      %swap3A_110 = vector.shape_cast %swap3A_109 : vector<1x16xf32> to vector<16xf32>
      %swap3A_111 = vector.shape_cast %broadcast_in_dim3A_18 : vector<16xf32> to vector<1x16xf32>
      tpu.vector_store %arg13[%swap3A_107, %swap3A_108], %swap3A_111 {strides = array<i32>} : memref<80x128xf32, #tpu.memory_space<vmem>>, vector<1x16xf32>,
    }
    %scan3A_23 = arith.constant 80 : i32
    %mul3A_24 = arith.constant 640 : i32
    %mul3A_25 = arith.muli %arg1, %mul3A_24 : i32
    %add3A_26 = arith.constant 0 : i32
    %add3A_27 = arith.addi %mul3A_25, %add3A_26 : i32
    "tpu.region"() ({
      %run_scoped3A = tpu.sem_alloc : memref<!tpu.dma_semaphore, #tpu.memory_space<semaphore_mem>>
      %dma_start3A_72 = arith.constant 0 : i32
      %dma_start3A_73 = tpu.memref_slice %arg15[%add3A_27, %dma_start3A_72] : memref<10240x128xf32, #tpu.memory_space<vmem_shared>> -> memref<80x128xf32, #tpu.memory_space<vmem_shared>>
      %dma_start3A_74 = arith.constant 0 : i32
      %dma_start3A_75 = tpu.memref_slice %arg15[%add3A_27, %dma_start3A_74] : memref<10240x128xf32, #tpu.memory_space<vmem_shared>> -> memref<80x128xf32, #tpu.memory_space<vmem_shared>>
      tpu.enqueue_dma source(%arg13 : memref<80x128xf32, #tpu.memory_space<vmem>>) target(%dma_start3A_75 : memref<80x128xf32, #tpu.memory_space<vmem_shared>>) target_semaphore(%run_scoped3A : memref<!tpu.dma_semaphore, #tpu.memory_space<semaphore_mem>>)
      %dma_wait3A_76 = arith.constant 0 : i32
      %dma_wait3A_77 = tpu.memref_slice %arg15[%add3A_27, %dma_wait3A_76] : memref<10240x128xf32, #tpu.memory_space<vmem_shared>> -> memref<80x128xf32, #tpu.memory_space<vmem_shared>>
      %dma_wait3A_78 = arith.constant 0 : i32
      %dma_wait3A_79 = tpu.memref_slice %arg15[%add3A_27, %dma_wait3A_78] : memref<10240x128xf32, #tpu.memory_space<vmem_shared>> -> memref<80x128xf32, #tpu.memory_space<vmem_shared>>
      tpu.wait_dma2 semaphore(%run_scoped3A : memref<!tpu.dma_semaphore, #tpu.memory_space<semaphore_mem>>) src(%arg13 : memref<80x128xf32, #tpu.memory_space<vmem>>) dst(%dma_wait3A_79 : memref<80x128xf32, #tpu.memory_space<vmem_shared>>)
      tpu.yield
    }) : () -> ()
    %mul3A_28 = arith.constant 640 : i32
    %mul3A_29 = arith.muli %arg1, %mul3A_28 : i32
    %add3A_30 = arith.constant 80 : i32
    %add3A_31 = arith.addi %mul3A_29, %add3A_30 : i32
    "tpu.region"() ({
      %run_scoped3A = tpu.sem_alloc : memref<!tpu.dma_semaphore, #tpu.memory_space<semaphore_mem>>
      %dma_start3A_72 = arith.constant 0 : i32
      %dma_start3A_73 = tpu.memref_slice %arg15[%add3A_31, %dma_start3A_72] : memref<10240x128xf32, #tpu.memory_space<vmem_shared>> -> memref<80x128xf32, #tpu.memory_space<vmem_shared>>
      %dma_start3A_74 = arith.constant 0 : i32
      %dma_start3A_75 = tpu.memref_slice %arg15[%add3A_31, %dma_start3A_74] : memref<10240x128xf32, #tpu.memory_space<vmem_shared>> -> memref<80x128xf32, #tpu.memory_space<vmem_shared>>
      tpu.enqueue_dma source(%arg13 : memref<80x128xf32, #tpu.memory_space<vmem>>) target(%dma_start3A_75 : memref<80x128xf32, #tpu.memory_space<vmem_shared>>) target_semaphore(%run_scoped3A : memref<!tpu.dma_semaphore, #tpu.memory_space<semaphore_mem>>)
      %dma_wait3A_76 = arith.constant 0 : i32
      %dma_wait3A_77 = tpu.memref_slice %arg15[%add3A_31, %dma_wait3A_76] : memref<10240x128xf32, #tpu.memory_space<vmem_shared>> -> memref<80x128xf32, #tpu.memory_space<vmem_shared>>
      %dma_wait3A_78 = arith.constant 0 : i32
      %dma_wait3A_79 = tpu.memref_slice %arg15[%add3A_31, %dma_wait3A_78] : memref<10240x128xf32, #tpu.memory_space<vmem_shared>> -> memref<80x128xf32, #tpu.memory_space<vmem_shared>>
      tpu.wait_dma2 semaphore(%run_scoped3A : memref<!tpu.dma_semaphore, #tpu.memory_space<semaphore_mem>>) src(%arg13 : memref<80x128xf32, #tpu.memory_space<vmem>>) dst(%dma_wait3A_79 : memref<80x128xf32, #tpu.memory_space<vmem_shared>>)
      tpu.yield
    }) : () -> ()
    %mul3A_32 = arith.constant 640 : i32
    %mul3A_33 = arith.muli %arg1, %mul3A_32 : i32
    %add3A_34 = arith.constant 160 : i32
    %add3A_35 = arith.addi %mul3A_33, %add3A_34 : i32
    "tpu.region"() ({
      %run_scoped3A = tpu.sem_alloc : memref<!tpu.dma_semaphore, #tpu.memory_space<semaphore_mem>>
      %dma_start3A_72 = arith.constant 0 : i32
      %dma_start3A_73 = tpu.memref_slice %arg15[%add3A_35, %dma_start3A_72] : memref<10240x128xf32, #tpu.memory_space<vmem_shared>> -> memref<80x128xf32, #tpu.memory_space<vmem_shared>>
      %dma_start3A_74 = arith.constant 0 : i32
      %dma_start3A_75 = tpu.memref_slice %arg15[%add3A_35, %dma_start3A_74] : memref<10240x128xf32, #tpu.memory_space<vmem_shared>> -> memref<80x128xf32, #tpu.memory_space<vmem_shared>>
      tpu.enqueue_dma source(%arg13 : memref<80x128xf32, #tpu.memory_space<vmem>>) target(%dma_start3A_75 : memref<80x128xf32, #tpu.memory_space<vmem_shared>>) target_semaphore(%run_scoped3A : memref<!tpu.dma_semaphore, #tpu.memory_space<semaphore_mem>>)
      %dma_wait3A_76 = arith.constant 0 : i32
      %dma_wait3A_77 = tpu.memref_slice %arg15[%add3A_35, %dma_wait3A_76] : memref<10240x128xf32, #tpu.memory_space<vmem_shared>> -> memref<80x128xf32, #tpu.memory_space<vmem_shared>>
      %dma_wait3A_78 = arith.constant 0 : i32
      %dma_wait3A_79 = tpu.memref_slice %arg15[%add3A_35, %dma_wait3A_78] : memref<10240x128xf32, #tpu.memory_space<vmem_shared>> -> memref<80x128xf32, #tpu.memory_space<vmem_shared>>
      tpu.wait_dma2 semaphore(%run_scoped3A : memref<!tpu.dma_semaphore, #tpu.memory_space<semaphore_mem>>) src(%arg13 : memref<80x128xf32, #tpu.memory_space<vmem>>) dst(%dma_wait3A_79 : memref<80x128xf32, #tpu.memory_space<vmem_shared>>)
      tpu.yield
    }) : () -> ()
    %mul3A_36 = arith.constant 640 : i32
    %mul3A_37 = arith.muli %arg1, %mul3A_36 : i32
    %add3A_38 = arith.constant 240 : i32
    %add3A_39 = arith.addi %mul3A_37, %add3A_38 : i32
    "tpu.region"() ({
      %run_scoped3A = tpu.sem_alloc : memref<!tpu.dma_semaphore, #tpu.memory_space<semaphore_mem>>
      %dma_start3A_72 = arith.constant 0 : i32
      %dma_start3A_73 = tpu.memref_slice %arg15[%add3A_39, %dma_start3A_72] : memref<10240x128xf32, #tpu.memory_space<vmem_shared>> -> memref<80x128xf32, #tpu.memory_space<vmem_shared>>
      %dma_start3A_74 = arith.constant 0 : i32
      %dma_start3A_75 = tpu.memref_slice %arg15[%add3A_39, %dma_start3A_74] : memref<10240x128xf32, #tpu.memory_space<vmem_shared>> -> memref<80x128xf32, #tpu.memory_space<vmem_shared>>
      tpu.enqueue_dma source(%arg13 : memref<80x128xf32, #tpu.memory_space<vmem>>) target(%dma_start3A_75 : memref<80x128xf32, #tpu.memory_space<vmem_shared>>) target_semaphore(%run_scoped3A : memref<!tpu.dma_semaphore, #tpu.memory_space<semaphore_mem>>)
      %dma_wait3A_76 = arith.constant 0 : i32
      %dma_wait3A_77 = tpu.memref_slice %arg15[%add3A_39, %dma_wait3A_76] : memref<10240x128xf32, #tpu.memory_space<vmem_shared>> -> memref<80x128xf32, #tpu.memory_space<vmem_shared>>
      %dma_wait3A_78 = arith.constant 0 : i32
      %dma_wait3A_79 = tpu.memref_slice %arg15[%add3A_39, %dma_wait3A_78] : memref<10240x128xf32, #tpu.memory_space<vmem_shared>> -> memref<80x128xf32, #tpu.memory_space<vmem_shared>>
      tpu.wait_dma2 semaphore(%run_scoped3A : memref<!tpu.dma_semaphore, #tpu.memory_space<semaphore_mem>>) src(%arg13 : memref<80x128xf32, #tpu.memory_space<vmem>>) dst(%dma_wait3A_79 : memref<80x128xf32, #tpu.memory_space<vmem_shared>>)
      tpu.yield
    }) : () -> ()
    %mul3A_40 = arith.constant 640 : i32
    %mul3A_41 = arith.muli %arg1, %mul3A_40 : i32
    %add3A_42 = arith.constant 320 : i32
    %add3A_43 = arith.addi %mul3A_41, %add3A_42 : i32
    "tpu.region"() ({
      %run_scoped3A = tpu.sem_alloc : memref<!tpu.dma_semaphore, #tpu.memory_space<semaphore_mem>>
      %dma_start3A_72 = arith.constant 0 : i32
      %dma_start3A_73 = tpu.memref_slice %arg15[%add3A_43, %dma_start3A_72] : memref<10240x128xf32, #tpu.memory_space<vmem_shared>> -> memref<80x128xf32, #tpu.memory_space<vmem_shared>>
      %dma_start3A_74 = arith.constant 0 : i32
      %dma_start3A_75 = tpu.memref_slice %arg15[%add3A_43, %dma_start3A_74] : memref<10240x128xf32, #tpu.memory_space<vmem_shared>> -> memref<80x128xf32, #tpu.memory_space<vmem_shared>>
      tpu.enqueue_dma source(%arg13 : memref<80x128xf32, #tpu.memory_space<vmem>>) target(%dma_start3A_75 : memref<80x128xf32, #tpu.memory_space<vmem_shared>>) target_semaphore(%run_scoped3A : memref<!tpu.dma_semaphore, #tpu.memory_space<semaphore_mem>>)
      %dma_wait3A_76 = arith.constant 0 : i32
      %dma_wait3A_77 = tpu.memref_slice %arg15[%add3A_43, %dma_wait3A_76] : memref<10240x128xf32, #tpu.memory_space<vmem_shared>> -> memref<80x128xf32, #tpu.memory_space<vmem_shared>>
      %dma_wait3A_78 = arith.constant 0 : i32
      %dma_wait3A_79 = tpu.memref_slice %arg15[%add3A_43, %dma_wait3A_78] : memref<10240x128xf32, #tpu.memory_space<vmem_shared>> -> memref<80x128xf32, #tpu.memory_space<vmem_shared>>
      tpu.wait_dma2 semaphore(%run_scoped3A : memref<!tpu.dma_semaphore, #tpu.memory_space<semaphore_mem>>) src(%arg13 : memref<80x128xf32, #tpu.memory_space<vmem>>) dst(%dma_wait3A_79 : memref<80x128xf32, #tpu.memory_space<vmem_shared>>)
      tpu.yield
    }) : () -> ()
    %mul3A_44 = arith.constant 640 : i32
    %mul3A_45 = arith.muli %arg1, %mul3A_44 : i32
    %add3A_46 = arith.constant 400 : i32
    %add3A_47 = arith.addi %mul3A_45, %add3A_46 : i32
    "tpu.region"() ({
      %run_scoped3A = tpu.sem_alloc : memref<!tpu.dma_semaphore, #tpu.memory_space<semaphore_mem>>
      %dma_start3A_72 = arith.constant 0 : i32
      %dma_start3A_73 = tpu.memref_slice %arg15[%add3A_47, %dma_start3A_72] : memref<10240x128xf32, #tpu.memory_space<vmem_shared>> -> memref<80x128xf32, #tpu.memory_space<vmem_shared>>
      %dma_start3A_74 = arith.constant 0 : i32
      %dma_start3A_75 = tpu.memref_slice %arg15[%add3A_47, %dma_start3A_74] : memref<10240x128xf32, #tpu.memory_space<vmem_shared>> -> memref<80x128xf32, #tpu.memory_space<vmem_shared>>
      tpu.enqueue_dma source(%arg13 : memref<80x128xf32, #tpu.memory_space<vmem>>) target(%dma_start3A_75 : memref<80x128xf32, #tpu.memory_space<vmem_shared>>) target_semaphore(%run_scoped3A : memref<!tpu.dma_semaphore, #tpu.memory_space<semaphore_mem>>)
      %dma_wait3A_76 = arith.constant 0 : i32
      %dma_wait3A_77 = tpu.memref_slice %arg15[%add3A_47, %dma_wait3A_76] : memref<10240x128xf32, #tpu.memory_space<vmem_shared>> -> memref<80x128xf32, #tpu.memory_space<vmem_shared>>
      %dma_wait3A_78 = arith.constant 0 : i32
      %dma_wait3A_79 = tpu.memref_slice %arg15[%add3A_47, %dma_wait3A_78] : memref<10240x128xf32, #tpu.memory_space<vmem_shared>> -> memref<80x128xf32, #tpu.memory_space<vmem_shared>>
      tpu.wait_dma2 semaphore(%run_scoped3A : memref<!tpu.dma_semaphore, #tpu.memory_space<semaphore_mem>>) src(%arg13 : memref<80x128xf32, #tpu.memory_space<vmem>>) dst(%dma_wait3A_79 : memref<80x128xf32, #tpu.memory_space<vmem_shared>>)
      tpu.yield
    }) : () -> ()
    %mul3A_48 = arith.constant 640 : i32
    %mul3A_49 = arith.muli %arg1, %mul3A_48 : i32
    %add3A_50 = arith.constant 480 : i32
    %add3A_51 = arith.addi %mul3A_49, %add3A_50 : i32
    "tpu.region"() ({
      %run_scoped3A = tpu.sem_alloc : memref<!tpu.dma_semaphore, #tpu.memory_space<semaphore_mem>>
      %dma_start3A_72 = arith.constant 0 : i32
      %dma_start3A_73 = tpu.memref_slice %arg15[%add3A_51, %dma_start3A_72] : memref<10240x128xf32, #tpu.memory_space<vmem_shared>> -> memref<80x128xf32, #tpu.memory_space<vmem_shared>>
      %dma_start3A_74 = arith.constant 0 : i32
      %dma_start3A_75 = tpu.memref_slice %arg15[%add3A_51, %dma_start3A_74] : memref<10240x128xf32, #tpu.memory_space<vmem_shared>> -> memref<80x128xf32, #tpu.memory_space<vmem_shared>>
      tpu.enqueue_dma source(%arg13 : memref<80x128xf32, #tpu.memory_space<vmem>>) target(%dma_start3A_75 : memref<80x128xf32, #tpu.memory_space<vmem_shared>>) target_semaphore(%run_scoped3A : memref<!tpu.dma_semaphore, #tpu.memory_space<semaphore_mem>>)
      %dma_wait3A_76 = arith.constant 0 : i32
      %dma_wait3A_77 = tpu.memref_slice %arg15[%add3A_51, %dma_wait3A_76] : memref<10240x128xf32, #tpu.memory_space<vmem_shared>> -> memref<80x128xf32, #tpu.memory_space<vmem_shared>>
      %dma_wait3A_78 = arith.constant 0 : i32
      %dma_wait3A_79 = tpu.memref_slice %arg15[%add3A_51, %dma_wait3A_78] : memref<10240x128xf32, #tpu.memory_space<vmem_shared>> -> memref<80x128xf32, #tpu.memory_space<vmem_shared>>
      tpu.wait_dma2 semaphore(%run_scoped3A : memref<!tpu.dma_semaphore, #tpu.memory_space<semaphore_mem>>) src(%arg13 : memref<80x128xf32, #tpu.memory_space<vmem>>) dst(%dma_wait3A_79 : memref<80x128xf32, #tpu.memory_space<vmem_shared>>)
      tpu.yield
    }) : () -> ()
    %mul3A_52 = arith.constant 640 : i32
    %mul3A_53 = arith.muli %arg1, %mul3A_52 : i32
    %add3A_54 = arith.constant 560 : i32
    %add3A_55 = arith.addi %mul3A_53, %add3A_54 : i32
    "tpu.region"() ({
      %run_scoped3A = tpu.sem_alloc : memref<!tpu.dma_semaphore, #tpu.memory_space<semaphore_mem>>
      %dma_start3A_72 = arith.constant 0 : i32
      %dma_start3A_73 = tpu.memref_slice %arg15[%add3A_55, %dma_start3A_72] : memref<10240x128xf32, #tpu.memory_space<vmem_shared>> -> memref<80x128xf32, #tpu.memory_space<vmem_shared>>
      %dma_start3A_74 = arith.constant 0 : i32
      %dma_start3A_75 = tpu.memref_slice %arg15[%add3A_55, %dma_start3A_74] : memref<10240x128xf32, #tpu.memory_space<vmem_shared>> -> memref<80x128xf32, #tpu.memory_space<vmem_shared>>
      tpu.enqueue_dma source(%arg13 : memref<80x128xf32, #tpu.memory_space<vmem>>) target(%dma_start3A_75 : memref<80x128xf32, #tpu.memory_space<vmem_shared>>) target_semaphore(%run_scoped3A : memref<!tpu.dma_semaphore, #tpu.memory_space<semaphore_mem>>)
      %dma_wait3A_76 = arith.constant 0 : i32
      %dma_wait3A_77 = tpu.memref_slice %arg15[%add3A_55, %dma_wait3A_76] : memref<10240x128xf32, #tpu.memory_space<vmem_shared>> -> memref<80x128xf32, #tpu.memory_space<vmem_shared>>
      %dma_wait3A_78 = arith.constant 0 : i32
      %dma_wait3A_79 = tpu.memref_slice %arg15[%add3A_55, %dma_wait3A_78] : memref<10240x128xf32, #tpu.memory_space<vmem_shared>> -> memref<80x128xf32, #tpu.memory_space<vmem_shared>>
      tpu.wait_dma2 semaphore(%run_scoped3A : memref<!tpu.dma_semaphore, #tpu.memory_space<semaphore_mem>>) src(%arg13 : memref<80x128xf32, #tpu.memory_space<vmem>>) dst(%dma_wait3A_79 : memref<80x128xf32, #tpu.memory_space<vmem_shared>>)
      tpu.yield
    }) : () -> ()
    %barrier3A = arith.constant 0 : index
    tpu.barrier barrier_id(%barrier3A)
    "tpu.trace_stop"() : () -> ()
    "tpu.trace_start"() <{level = 10 : i32, message = "edge_loop"}> : () -> ()
    %scan3A_56 = arith.constant 0 : i32
    %scan3A_57 = arith.constant 0 : i32
    %scan3A_58 = arith.constant 32 : i32
    %scan3A_59 = arith.addi %scan3A_57, %scan3A_58 : i32
    %scan3A_60 = arith.constant 1 : i32
    scf.for %scan3A_72 = %scan3A_57 to %scan3A_59 step %scan3A_60  : i32 {
      %mul3A_73 = arith.constant 4 : i32
      %mul3A_74 = arith.muli %scan3A_72, %mul3A_73 : i32
      %add3A_75 = arith.constant 0 : i32
      %add3A_76 = arith.addi %mul3A_74, %add3A_75 : i32
      %add3A_77 = arith.addi %mul3A_2, %add3A_76 : i32
      %dma_wait3A_78 = arith.constant 0 : i32
      %dma_wait3A_79 = arith.constant 0 : i32
      %dma_wait3A_80 = tpu.memref_slice %arg3[%add3A_77, %dma_wait3A_78, %dma_wait3A_79] : memref<4096x2x80xi32, #tpu.memory_space<hbm>> -> memref<1x1x80xi32, #tpu.memory_space<hbm>>
      %dma_wait3A_81 = tpu.memref_squeeze %dma_wait3A_80 : memref<1x1x80xi32, #tpu.memory_space<hbm>> -> memref<80xi32, #tpu.memory_space<hbm>>
      %dma_wait3A_82 = arith.constant 0 : i32
      %dma_wait3A_83 = tpu.memref_slice %arg3[%add3A_77, %dma_wait3A_78, %dma_wait3A_82] : memref<4096x2x80xi32, #tpu.memory_space<hbm>> -> memref<1x1x80xi32, #tpu.memory_space<hbm>>
      %dma_wait3A_84 = tpu.memref_squeeze %dma_wait3A_83 : memref<1x1x80xi32, #tpu.memory_space<hbm>> -> memref<80xi32, #tpu.memory_space<hbm>>
      tpu.wait_dma2 semaphore(%arg19 : memref<!tpu.dma_semaphore, #tpu.memory_space<semaphore_mem>>) src(%dma_wait3A_84 : memref<80xi32, #tpu.memory_space<hbm>>) dst(%arg5 : memref<80xi32, #tpu.memory_space<vmem>>)
      %add3A_85 = arith.addi %mul3A_2, %add3A_76 : i32
      %dma_wait3A_86 = arith.constant 1 : i32
      %dma_wait3A_87 = arith.constant 0 : i32
      %dma_wait3A_88 = tpu.memref_slice %arg3[%add3A_85, %dma_wait3A_86, %dma_wait3A_87] : memref<4096x2x80xi32, #tpu.memory_space<hbm>> -> memref<1x1x80xi32, #tpu.memory_space<hbm>>
      %dma_wait3A_89 = tpu.memref_squeeze %dma_wait3A_88 : memref<1x1x80xi32, #tpu.memory_space<hbm>> -> memref<80xi32, #tpu.memory_space<hbm>>
      %dma_wait3A_90 = arith.constant 0 : i32
      %dma_wait3A_91 = tpu.memref_slice %arg3[%add3A_85, %dma_wait3A_86, %dma_wait3A_90] : memref<4096x2x80xi32, #tpu.memory_space<hbm>> -> memref<1x1x80xi32, #tpu.memory_space<hbm>>
      %dma_wait3A_92 = tpu.memref_squeeze %dma_wait3A_91 : memref<1x1x80xi32, #tpu.memory_space<hbm>> -> memref<80xi32, #tpu.memory_space<hbm>>
      tpu.wait_dma2 semaphore(%arg19 : memref<!tpu.dma_semaphore, #tpu.memory_space<semaphore_mem>>) src(%dma_wait3A_92 : memref<80xi32, #tpu.memory_space<hbm>>) dst(%arg9 : memref<80xi32, #tpu.memory_space<vmem>>)
      %add3A_93 = arith.constant 1 : i32
      %add3A_94 = arith.addi %add3A_76, %add3A_93 : i32
      %lt3A = arith.constant 128 : i32
      %lt3A_95 = arith.cmpi slt, %add3A_94, %lt3A : i32
      %convert_element_type3A = arith.extui %lt3A_95 : i1 to i32
      %cond3A = arith.constant 0 : i32
      %cond3A_96 = arith.cmpi ne, %convert_element_type3A, %cond3A : i32
      scf.if %cond3A_96 {
        %add3A_233 = arith.addi %mul3A_2, %add3A_76 : i32
        %add3A_234 = arith.constant 1 : i32
        %add3A_235 = arith.addi %add3A_233, %add3A_234 : i32
        %dma_start3A_236 = arith.constant 0 : i32
        %dma_start3A_237 = arith.constant 0 : i32
        %dma_start3A_238 = tpu.memref_slice %arg3[%add3A_235, %dma_start3A_236, %dma_start3A_237] : memref<4096x2x80xi32, #tpu.memory_space<hbm>> -> memref<1x1x80xi32, #tpu.memory_space<hbm>>
        %dma_start3A_239 = tpu.memref_squeeze %dma_start3A_238 : memref<1x1x80xi32, #tpu.memory_space<hbm>> -> memref<80xi32, #tpu.memory_space<hbm>>
        %dma_start3A_240 = arith.constant 0 : i32
        %dma_start3A_241 = tpu.memref_slice %arg3[%add3A_235, %dma_start3A_236, %dma_start3A_240] : memref<4096x2x80xi32, #tpu.memory_space<hbm>> -> memref<1x1x80xi32, #tpu.memory_space<hbm>>
        %dma_start3A_242 = tpu.memref_squeeze %dma_start3A_241 : memref<1x1x80xi32, #tpu.memory_space<hbm>> -> memref<80xi32, #tpu.memory_space<hbm>>
        tpu.enqueue_dma source(%dma_start3A_242 : memref<80xi32, #tpu.memory_space<hbm>>) target(%arg6 : memref<80xi32, #tpu.memory_space<vmem>>) target_semaphore(%arg19 : memref<!tpu.dma_semaphore, #tpu.memory_space<semaphore_mem>>)
        %add3A_243 = arith.addi %mul3A_2, %add3A_76 : i32
        %add3A_244 = arith.constant 1 : i32
        %add3A_245 = arith.addi %add3A_243, %add3A_244 : i32
        %dma_start3A_246 = arith.constant 1 : i32
        %dma_start3A_247 = arith.constant 0 : i32
        %dma_start3A_248 = tpu.memref_slice %arg3[%add3A_245, %dma_start3A_246, %dma_start3A_247] : memref<4096x2x80xi32, #tpu.memory_space<hbm>> -> memref<1x1x80xi32, #tpu.memory_space<hbm>>
        %dma_start3A_249 = tpu.memref_squeeze %dma_start3A_248 : memref<1x1x80xi32, #tpu.memory_space<hbm>> -> memref<80xi32, #tpu.memory_space<hbm>>
        %dma_start3A_250 = arith.constant 0 : i32
        %dma_start3A_251 = tpu.memref_slice %arg3[%add3A_245, %dma_start3A_246, %dma_start3A_250] : memref<4096x2x80xi32, #tpu.memory_space<hbm>> -> memref<1x1x80xi32, #tpu.memory_space<hbm>>
        %dma_start3A_252 = tpu.memref_squeeze %dma_start3A_251 : memref<1x1x80xi32, #tpu.memory_space<hbm>> -> memref<80xi32, #tpu.memory_space<hbm>>
        tpu.enqueue_dma source(%dma_start3A_252 : memref<80xi32, #tpu.memory_space<hbm>>) target(%arg10 : memref<80xi32, #tpu.memory_space<vmem>>) target_semaphore(%arg19 : memref<!tpu.dma_semaphore, #tpu.memory_space<semaphore_mem>>)
      } else {
      }
      %ge3A = arith.constant 2 : i32
      %ge3A_97 = arith.cmpi sge, %add3A_76, %ge3A : i32
      %convert_element_type3A_98 = arith.extui %ge3A_97 : i1 to i32
      %cond3A_99 = arith.constant 0 : i32
      %cond3A_100 = arith.cmpi ne, %convert_element_type3A_98, %cond3A_99 : i32
      scf.if %cond3A_100 {
        %dma_wait3A_233 = arith.constant 0 : i32
        %dma_wait3A_234 = arith.constant 0 : i32
        %dma_wait3A_235 = tpu.memref_slice %arg15[%dma_wait3A_233, %dma_wait3A_234] : memref<10240x128xf32, #tpu.memory_space<vmem_shared>> -> memref<10240x128xf32, #tpu.memory_space<vmem_shared>>
        tpu.wait_indirect_dma semaphore(%arg17 : memref<!tpu.dma_semaphore, #tpu.memory_space<semaphore_mem>>) src(%arg13 : memref<80x128xf32, #tpu.memory_space<vmem>>) dst(%dma_wait3A_235 : memref<10240x128xf32, #tpu.memory_space<vmem_shared>>)
      } else {
      }
      %dma_start3A_101 = arith.constant 0 : i32
      %dma_start3A_102 = arith.constant 0 : i32
      %dma_start3A_103 = tpu.memref_slice %arg2[%dma_start3A_101, %dma_start3A_102] : memref<10240x128xf32, #tpu.memory_space<hbm>> -> memref<10240x128xf32, #tpu.memory_space<hbm>>
      tpu.enqueue_indirect_dma source(%dma_start3A_103 : memref<10240x128xf32, #tpu.memory_space<hbm>>) target(%arg13 : memref<80x128xf32, #tpu.memory_space<vmem>>) offsets(%arg5 : memref<80xi32, #tpu.memory_space<vmem>>) semaphore(%arg16 : memref<!tpu.dma_semaphore, #tpu.memory_space<semaphore_mem>>)
      %dma_wait3A_104 = arith.constant 0 : i32
      %dma_wait3A_105 = arith.constant 0 : i32
      %dma_wait3A_106 = tpu.memref_slice %arg2[%dma_wait3A_104, %dma_wait3A_105] : memref<10240x128xf32, #tpu.memory_space<hbm>> -> memref<10240x128xf32, #tpu.memory_space<hbm>>
      tpu.wait_indirect_dma semaphore(%arg16 : memref<!tpu.dma_semaphore, #tpu.memory_space<semaphore_mem>>) src(%dma_wait3A_106 : memref<10240x128xf32, #tpu.memory_space<hbm>>) dst(%arg13 : memref<80x128xf32, #tpu.memory_space<vmem>>)
      %dma_start3A_107 = arith.constant 0 : i32
      %dma_start3A_108 = arith.constant 0 : i32
      %dma_start3A_109 = tpu.memref_slice %arg15[%dma_start3A_107, %dma_start3A_108] : memref<10240x128xf32, #tpu.memory_space<vmem_shared>> -> memref<10240x128xf32, #tpu.memory_space<vmem_shared>>
      tpu.enqueue_indirect_dma source(%arg13 : memref<80x128xf32, #tpu.memory_space<vmem>>) target(%dma_start3A_109 : memref<10240x128xf32, #tpu.memory_space<vmem_shared>>) offsets(%arg9 : memref<80xi32, #tpu.memory_space<vmem>>) semaphore(%arg17 : memref<!tpu.dma_semaphore, #tpu.memory_space<semaphore_mem>>) {add = true}
      %mul3A_110 = arith.constant 4 : i32
      %mul3A_111 = arith.muli %scan3A_72, %mul3A_110 : i32
      %add3A_112 = arith.constant 1 : i32
      %add3A_113 = arith.addi %mul3A_111, %add3A_112 : i32
      %add3A_114 = arith.addi %mul3A_2, %add3A_113 : i32
      %dma_wait3A_115 = arith.constant 0 : i32
      %dma_wait3A_116 = arith.constant 0 : i32
      %dma_wait3A_117 = tpu.memref_slice %arg3[%add3A_114, %dma_wait3A_115, %dma_wait3A_116] : memref<4096x2x80xi32, #tpu.memory_space<hbm>> -> memref<1x1x80xi32, #tpu.memory_space<hbm>>
      %dma_wait3A_118 = tpu.memref_squeeze %dma_wait3A_117 : memref<1x1x80xi32, #tpu.memory_space<hbm>> -> memref<80xi32, #tpu.memory_space<hbm>>
      %dma_wait3A_119 = arith.constant 0 : i32
      %dma_wait3A_120 = tpu.memref_slice %arg3[%add3A_114, %dma_wait3A_115, %dma_wait3A_119] : memref<4096x2x80xi32, #tpu.memory_space<hbm>> -> memref<1x1x80xi32, #tpu.memory_space<hbm>>
      %dma_wait3A_121 = tpu.memref_squeeze %dma_wait3A_120 : memref<1x1x80xi32, #tpu.memory_space<hbm>> -> memref<80xi32, #tpu.memory_space<hbm>>
      tpu.wait_dma2 semaphore(%arg19 : memref<!tpu.dma_semaphore, #tpu.memory_space<semaphore_mem>>) src(%dma_wait3A_121 : memref<80xi32, #tpu.memory_space<hbm>>) dst(%arg6 : memref<80xi32, #tpu.memory_space<vmem>>)
      %add3A_122 = arith.addi %mul3A_2, %add3A_113 : i32
      %dma_wait3A_123 = arith.constant 1 : i32
      %dma_wait3A_124 = arith.constant 0 : i32
      %dma_wait3A_125 = tpu.memref_slice %arg3[%add3A_122, %dma_wait3A_123, %dma_wait3A_124] : memref<4096x2x80xi32, #tpu.memory_space<hbm>> -> memref<1x1x80xi32, #tpu.memory_space<hbm>>
      %dma_wait3A_126 = tpu.memref_squeeze %dma_wait3A_125 : memref<1x1x80xi32, #tpu.memory_space<hbm>> -> memref<80xi32, #tpu.memory_space<hbm>>
      %dma_wait3A_127 = arith.constant 0 : i32
      %dma_wait3A_128 = tpu.memref_slice %arg3[%add3A_122, %dma_wait3A_123, %dma_wait3A_127] : memref<4096x2x80xi32, #tpu.memory_space<hbm>> -> memref<1x1x80xi32, #tpu.memory_space<hbm>>
      %dma_wait3A_129 = tpu.memref_squeeze %dma_wait3A_128 : memref<1x1x80xi32, #tpu.memory_space<hbm>> -> memref<80xi32, #tpu.memory_space<hbm>>
      tpu.wait_dma2 semaphore(%arg19 : memref<!tpu.dma_semaphore, #tpu.memory_space<semaphore_mem>>) src(%dma_wait3A_129 : memref<80xi32, #tpu.memory_space<hbm>>) dst(%arg10 : memref<80xi32, #tpu.memory_space<vmem>>)
      %add3A_130 = arith.constant 1 : i32
      %add3A_131 = arith.addi %add3A_113, %add3A_130 : i32
      %lt3A_132 = arith.constant 128 : i32
      %lt3A_133 = arith.cmpi slt, %add3A_131, %lt3A_132 : i32
      %convert_element_type3A_134 = arith.extui %lt3A_133 : i1 to i32
      %cond3A_135 = arith.constant 0 : i32
      %cond3A_136 = arith.cmpi ne, %convert_element_type3A_134, %cond3A_135 : i32
      scf.if %cond3A_136 {
        %add3A_233 = arith.addi %mul3A_2, %add3A_113 : i32
        %add3A_234 = arith.constant 1 : i32
        %add3A_235 = arith.addi %add3A_233, %add3A_234 : i32
        %dma_start3A_236 = arith.constant 0 : i32
        %dma_start3A_237 = arith.constant 0 : i32
        %dma_start3A_238 = tpu.memref_slice %arg3[%add3A_235, %dma_start3A_236, %dma_start3A_237] : memref<4096x2x80xi32, #tpu.memory_space<hbm>> -> memref<1x1x80xi32, #tpu.memory_space<hbm>>
        %dma_start3A_239 = tpu.memref_squeeze %dma_start3A_238 : memref<1x1x80xi32, #tpu.memory_space<hbm>> -> memref<80xi32, #tpu.memory_space<hbm>>
        %dma_start3A_240 = arith.constant 0 : i32
        %dma_start3A_241 = tpu.memref_slice %arg3[%add3A_235, %dma_start3A_236, %dma_start3A_240] : memref<4096x2x80xi32, #tpu.memory_space<hbm>> -> memref<1x1x80xi32, #tpu.memory_space<hbm>>
        %dma_start3A_242 = tpu.memref_squeeze %dma_start3A_241 : memref<1x1x80xi32, #tpu.memory_space<hbm>> -> memref<80xi32, #tpu.memory_space<hbm>>
        tpu.enqueue_dma source(%dma_start3A_242 : memref<80xi32, #tpu.memory_space<hbm>>) target(%arg7 : memref<80xi32, #tpu.memory_space<vmem>>) target_semaphore(%arg19 : memref<!tpu.dma_semaphore, #tpu.memory_space<semaphore_mem>>)
        %add3A_243 = arith.addi %mul3A_2, %add3A_113 : i32
        %add3A_244 = arith.constant 1 : i32
        %add3A_245 = arith.addi %add3A_243, %add3A_244 : i32
        %dma_start3A_246 = arith.constant 1 : i32
        %dma_start3A_247 = arith.constant 0 : i32
        %dma_start3A_248 = tpu.memref_slice %arg3[%add3A_245, %dma_start3A_246, %dma_start3A_247] : memref<4096x2x80xi32, #tpu.memory_space<hbm>> -> memref<1x1x80xi32, #tpu.memory_space<hbm>>
        %dma_start3A_249 = tpu.memref_squeeze %dma_start3A_248 : memref<1x1x80xi32, #tpu.memory_space<hbm>> -> memref<80xi32, #tpu.memory_space<hbm>>
        %dma_start3A_250 = arith.constant 0 : i32
        %dma_start3A_251 = tpu.memref_slice %arg3[%add3A_245, %dma_start3A_246, %dma_start3A_250] : memref<4096x2x80xi32, #tpu.memory_space<hbm>> -> memref<1x1x80xi32, #tpu.memory_space<hbm>>
        %dma_start3A_252 = tpu.memref_squeeze %dma_start3A_251 : memref<1x1x80xi32, #tpu.memory_space<hbm>> -> memref<80xi32, #tpu.memory_space<hbm>>
        tpu.enqueue_dma source(%dma_start3A_252 : memref<80xi32, #tpu.memory_space<hbm>>) target(%arg11 : memref<80xi32, #tpu.memory_space<vmem>>) target_semaphore(%arg19 : memref<!tpu.dma_semaphore, #tpu.memory_space<semaphore_mem>>)
      } else {
      }
      %ge3A_137 = arith.constant 2 : i32
      %ge3A_138 = arith.cmpi sge, %add3A_113, %ge3A_137 : i32
      %convert_element_type3A_139 = arith.extui %ge3A_138 : i1 to i32
      %cond3A_140 = arith.constant 0 : i32
      %cond3A_141 = arith.cmpi ne, %convert_element_type3A_139, %cond3A_140 : i32
      scf.if %cond3A_141 {
        %dma_wait3A_233 = arith.constant 0 : i32
        %dma_wait3A_234 = arith.constant 0 : i32
        %dma_wait3A_235 = tpu.memref_slice %arg15[%dma_wait3A_233, %dma_wait3A_234] : memref<10240x128xf32, #tpu.memory_space<vmem_shared>> -> memref<10240x128xf32, #tpu.memory_space<vmem_shared>>
        tpu.wait_indirect_dma semaphore(%arg18 : memref<!tpu.dma_semaphore, #tpu.memory_space<semaphore_mem>>) src(%arg14 : memref<80x128xf32, #tpu.memory_space<vmem>>) dst(%dma_wait3A_235 : memref<10240x128xf32, #tpu.memory_space<vmem_shared>>)
      } else {
      }
      %dma_start3A_142 = arith.constant 0 : i32
      %dma_start3A_143 = arith.constant 0 : i32
      %dma_start3A_144 = tpu.memref_slice %arg2[%dma_start3A_142, %dma_start3A_143] : memref<10240x128xf32, #tpu.memory_space<hbm>> -> memref<10240x128xf32, #tpu.memory_space<hbm>>
      tpu.enqueue_indirect_dma source(%dma_start3A_144 : memref<10240x128xf32, #tpu.memory_space<hbm>>) target(%arg14 : memref<80x128xf32, #tpu.memory_space<vmem>>) offsets(%arg6 : memref<80xi32, #tpu.memory_space<vmem>>) semaphore(%arg16 : memref<!tpu.dma_semaphore, #tpu.memory_space<semaphore_mem>>)
      %dma_wait3A_145 = arith.constant 0 : i32
      %dma_wait3A_146 = arith.constant 0 : i32
      %dma_wait3A_147 = tpu.memref_slice %arg2[%dma_wait3A_145, %dma_wait3A_146] : memref<10240x128xf32, #tpu.memory_space<hbm>> -> memref<10240x128xf32, #tpu.memory_space<hbm>>
      tpu.wait_indirect_dma semaphore(%arg16 : memref<!tpu.dma_semaphore, #tpu.memory_space<semaphore_mem>>) src(%dma_wait3A_147 : memref<10240x128xf32, #tpu.memory_space<hbm>>) dst(%arg14 : memref<80x128xf32, #tpu.memory_space<vmem>>)
      %dma_start3A_148 = arith.constant 0 : i32
      %dma_start3A_149 = arith.constant 0 : i32
      %dma_start3A_150 = tpu.memref_slice %arg15[%dma_start3A_148, %dma_start3A_149] : memref<10240x128xf32, #tpu.memory_space<vmem_shared>> -> memref<10240x128xf32, #tpu.memory_space<vmem_shared>>
      tpu.enqueue_indirect_dma source(%arg14 : memref<80x128xf32, #tpu.memory_space<vmem>>) target(%dma_start3A_150 : memref<10240x128xf32, #tpu.memory_space<vmem_shared>>) offsets(%arg10 : memref<80xi32, #tpu.memory_space<vmem>>) semaphore(%arg18 : memref<!tpu.dma_semaphore, #tpu.memory_space<semaphore_mem>>) {add = true}
      %mul3A_151 = arith.constant 4 : i32
      %mul3A_152 = arith.muli %scan3A_72, %mul3A_151 : i32
      %add3A_153 = arith.constant 2 : i32
      %add3A_154 = arith.addi %mul3A_152, %add3A_153 : i32
      %add3A_155 = arith.addi %mul3A_2, %add3A_154 : i32
      %dma_wait3A_156 = arith.constant 0 : i32
      %dma_wait3A_157 = arith.constant 0 : i32
      %dma_wait3A_158 = tpu.memref_slice %arg3[%add3A_155, %dma_wait3A_156, %dma_wait3A_157] : memref<4096x2x80xi32, #tpu.memory_space<hbm>> -> memref<1x1x80xi32, #tpu.memory_space<hbm>>
      %dma_wait3A_159 = tpu.memref_squeeze %dma_wait3A_158 : memref<1x1x80xi32, #tpu.memory_space<hbm>> -> memref<80xi32, #tpu.memory_space<hbm>>
      %dma_wait3A_160 = arith.constant 0 : i32
      %dma_wait3A_161 = tpu.memref_slice %arg3[%add3A_155, %dma_wait3A_156, %dma_wait3A_160] : memref<4096x2x80xi32, #tpu.memory_space<hbm>> -> memref<1x1x80xi32, #tpu.memory_space<hbm>>
      %dma_wait3A_162 = tpu.memref_squeeze %dma_wait3A_161 : memref<1x1x80xi32, #tpu.memory_space<hbm>> -> memref<80xi32, #tpu.memory_space<hbm>>
      tpu.wait_dma2 semaphore(%arg19 : memref<!tpu.dma_semaphore, #tpu.memory_space<semaphore_mem>>) src(%dma_wait3A_162 : memref<80xi32, #tpu.memory_space<hbm>>) dst(%arg7 : memref<80xi32, #tpu.memory_space<vmem>>)
      %add3A_163 = arith.addi %mul3A_2, %add3A_154 : i32
      %dma_wait3A_164 = arith.constant 1 : i32
      %dma_wait3A_165 = arith.constant 0 : i32
      %dma_wait3A_166 = tpu.memref_slice %arg3[%add3A_163, %dma_wait3A_164, %dma_wait3A_165] : memref<4096x2x80xi32, #tpu.memory_space<hbm>> -> memref<1x1x80xi32, #tpu.memory_space<hbm>>
      %dma_wait3A_167 = tpu.memref_squeeze %dma_wait3A_166 : memref<1x1x80xi32, #tpu.memory_space<hbm>> -> memref<80xi32, #tpu.memory_space<hbm>>
      %dma_wait3A_168 = arith.constant 0 : i32
      %dma_wait3A_169 = tpu.memref_slice %arg3[%add3A_163, %dma_wait3A_164, %dma_wait3A_168] : memref<4096x2x80xi32, #tpu.memory_space<hbm>> -> memref<1x1x80xi32, #tpu.memory_space<hbm>>
      %dma_wait3A_170 = tpu.memref_squeeze %dma_wait3A_169 : memref<1x1x80xi32, #tpu.memory_space<hbm>> -> memref<80xi32, #tpu.memory_space<hbm>>
      tpu.wait_dma2 semaphore(%arg19 : memref<!tpu.dma_semaphore, #tpu.memory_space<semaphore_mem>>) src(%dma_wait3A_170 : memref<80xi32, #tpu.memory_space<hbm>>) dst(%arg11 : memref<80xi32, #tpu.memory_space<vmem>>)
      %add3A_171 = arith.constant 1 : i32
      %add3A_172 = arith.addi %add3A_154, %add3A_171 : i32
      %lt3A_173 = arith.constant 128 : i32
      %lt3A_174 = arith.cmpi slt, %add3A_172, %lt3A_173 : i32
      %convert_element_type3A_175 = arith.extui %lt3A_174 : i1 to i32
      %cond3A_176 = arith.constant 0 : i32
      %cond3A_177 = arith.cmpi ne, %convert_element_type3A_175, %cond3A_176 : i32
      scf.if %cond3A_177 {
        %add3A_233 = arith.addi %mul3A_2, %add3A_154 : i32
        %add3A_234 = arith.constant 1 : i32
        %add3A_235 = arith.addi %add3A_233, %add3A_234 : i32
        %dma_start3A_236 = arith.constant 0 : i32
        %dma_start3A_237 = arith.constant 0 : i32
        %dma_start3A_238 = tpu.memref_slice %arg3[%add3A_235, %dma_start3A_236, %dma_start3A_237] : memref<4096x2x80xi32, #tpu.memory_space<hbm>> -> memref<1x1x80xi32, #tpu.memory_space<hbm>>
        %dma_start3A_239 = tpu.memref_squeeze %dma_start3A_238 : memref<1x1x80xi32, #tpu.memory_space<hbm>> -> memref<80xi32, #tpu.memory_space<hbm>>
        %dma_start3A_240 = arith.constant 0 : i32
        %dma_start3A_241 = tpu.memref_slice %arg3[%add3A_235, %dma_start3A_236, %dma_start3A_240] : memref<4096x2x80xi32, #tpu.memory_space<hbm>> -> memref<1x1x80xi32, #tpu.memory_space<hbm>>
        %dma_start3A_242 = tpu.memref_squeeze %dma_start3A_241 : memref<1x1x80xi32, #tpu.memory_space<hbm>> -> memref<80xi32, #tpu.memory_space<hbm>>
        tpu.enqueue_dma source(%dma_start3A_242 : memref<80xi32, #tpu.memory_space<hbm>>) target(%arg8 : memref<80xi32, #tpu.memory_space<vmem>>) target_semaphore(%arg19 : memref<!tpu.dma_semaphore, #tpu.memory_space<semaphore_mem>>)
        %add3A_243 = arith.addi %mul3A_2, %add3A_154 : i32
        %add3A_244 = arith.constant 1 : i32
        %add3A_245 = arith.addi %add3A_243, %add3A_244 : i32
        %dma_start3A_246 = arith.constant 1 : i32
        %dma_start3A_247 = arith.constant 0 : i32
        %dma_start3A_248 = tpu.memref_slice %arg3[%add3A_245, %dma_start3A_246, %dma_start3A_247] : memref<4096x2x80xi32, #tpu.memory_space<hbm>> -> memref<1x1x80xi32, #tpu.memory_space<hbm>>
        %dma_start3A_249 = tpu.memref_squeeze %dma_start3A_248 : memref<1x1x80xi32, #tpu.memory_space<hbm>> -> memref<80xi32, #tpu.memory_space<hbm>>
        %dma_start3A_250 = arith.constant 0 : i32
        %dma_start3A_251 = tpu.memref_slice %arg3[%add3A_245, %dma_start3A_246, %dma_start3A_250] : memref<4096x2x80xi32, #tpu.memory_space<hbm>> -> memref<1x1x80xi32, #tpu.memory_space<hbm>>
        %dma_start3A_252 = tpu.memref_squeeze %dma_start3A_251 : memref<1x1x80xi32, #tpu.memory_space<hbm>> -> memref<80xi32, #tpu.memory_space<hbm>>
        tpu.enqueue_dma source(%dma_start3A_252 : memref<80xi32, #tpu.memory_space<hbm>>) target(%arg12 : memref<80xi32, #tpu.memory_space<vmem>>) target_semaphore(%arg19 : memref<!tpu.dma_semaphore, #tpu.memory_space<semaphore_mem>>)
      } else {
      }
      %ge3A_178 = arith.constant 2 : i32
      %ge3A_179 = arith.cmpi sge, %add3A_154, %ge3A_178 : i32
      %convert_element_type3A_180 = arith.extui %ge3A_179 : i1 to i32
      %cond3A_181 = arith.constant 0 : i32
      %cond3A_182 = arith.cmpi ne, %convert_element_type3A_180, %cond3A_181 : i32
      scf.if %cond3A_182 {
        %dma_wait3A_233 = arith.constant 0 : i32
        %dma_wait3A_234 = arith.constant 0 : i32
        %dma_wait3A_235 = tpu.memref_slice %arg15[%dma_wait3A_233, %dma_wait3A_234] : memref<10240x128xf32, #tpu.memory_space<vmem_shared>> -> memref<10240x128xf32, #tpu.memory_space<vmem_shared>>
        tpu.wait_indirect_dma semaphore(%arg17 : memref<!tpu.dma_semaphore, #tpu.memory_space<semaphore_mem>>) src(%arg13 : memref<80x128xf32, #tpu.memory_space<vmem>>) dst(%dma_wait3A_235 : memref<10240x128xf32, #tpu.memory_space<vmem_shared>>)
      } else {
      }
      %dma_start3A_183 = arith.constant 0 : i32
      %dma_start3A_184 = arith.constant 0 : i32
      %dma_start3A_185 = tpu.memref_slice %arg2[%dma_start3A_183, %dma_start3A_184] : memref<10240x128xf32, #tpu.memory_space<hbm>> -> memref<10240x128xf32, #tpu.memory_space<hbm>>
      tpu.enqueue_indirect_dma source(%dma_start3A_185 : memref<10240x128xf32, #tpu.memory_space<hbm>>) target(%arg13 : memref<80x128xf32, #tpu.memory_space<vmem>>) offsets(%arg7 : memref<80xi32, #tpu.memory_space<vmem>>) semaphore(%arg16 : memref<!tpu.dma_semaphore, #tpu.memory_space<semaphore_mem>>)
      %dma_wait3A_186 = arith.constant 0 : i32
      %dma_wait3A_187 = arith.constant 0 : i32
      %dma_wait3A_188 = tpu.memref_slice %arg2[%dma_wait3A_186, %dma_wait3A_187] : memref<10240x128xf32, #tpu.memory_space<hbm>> -> memref<10240x128xf32, #tpu.memory_space<hbm>>
      tpu.wait_indirect_dma semaphore(%arg16 : memref<!tpu.dma_semaphore, #tpu.memory_space<semaphore_mem>>) src(%dma_wait3A_188 : memref<10240x128xf32, #tpu.memory_space<hbm>>) dst(%arg13 : memref<80x128xf32, #tpu.memory_space<vmem>>)
      %dma_start3A_189 = arith.constant 0 : i32
      %dma_start3A_190 = arith.constant 0 : i32
      %dma_start3A_191 = tpu.memref_slice %arg15[%dma_start3A_189, %dma_start3A_190] : memref<10240x128xf32, #tpu.memory_space<vmem_shared>> -> memref<10240x128xf32, #tpu.memory_space<vmem_shared>>
      tpu.enqueue_indirect_dma source(%arg13 : memref<80x128xf32, #tpu.memory_space<vmem>>) target(%dma_start3A_191 : memref<10240x128xf32, #tpu.memory_space<vmem_shared>>) offsets(%arg11 : memref<80xi32, #tpu.memory_space<vmem>>) semaphore(%arg17 : memref<!tpu.dma_semaphore, #tpu.memory_space<semaphore_mem>>) {add = true}
      %mul3A_192 = arith.constant 4 : i32
      %mul3A_193 = arith.muli %scan3A_72, %mul3A_192 : i32
      %add3A_194 = arith.constant 3 : i32
      %add3A_195 = arith.addi %mul3A_193, %add3A_194 : i32
      %add3A_196 = arith.addi %mul3A_2, %add3A_195 : i32
      %dma_wait3A_197 = arith.constant 0 : i32
      %dma_wait3A_198 = arith.constant 0 : i32
      %dma_wait3A_199 = tpu.memref_slice %arg3[%add3A_196, %dma_wait3A_197, %dma_wait3A_198] : memref<4096x2x80xi32, #tpu.memory_space<hbm>> -> memref<1x1x80xi32, #tpu.memory_space<hbm>>
      %dma_wait3A_200 = tpu.memref_squeeze %dma_wait3A_199 : memref<1x1x80xi32, #tpu.memory_space<hbm>> -> memref<80xi32, #tpu.memory_space<hbm>>
      %dma_wait3A_201 = arith.constant 0 : i32
      %dma_wait3A_202 = tpu.memref_slice %arg3[%add3A_196, %dma_wait3A_197, %dma_wait3A_201] : memref<4096x2x80xi32, #tpu.memory_space<hbm>> -> memref<1x1x80xi32, #tpu.memory_space<hbm>>
      %dma_wait3A_203 = tpu.memref_squeeze %dma_wait3A_202 : memref<1x1x80xi32, #tpu.memory_space<hbm>> -> memref<80xi32, #tpu.memory_space<hbm>>
      tpu.wait_dma2 semaphore(%arg19 : memref<!tpu.dma_semaphore, #tpu.memory_space<semaphore_mem>>) src(%dma_wait3A_203 : memref<80xi32, #tpu.memory_space<hbm>>) dst(%arg8 : memref<80xi32, #tpu.memory_space<vmem>>)
      %add3A_204 = arith.addi %mul3A_2, %add3A_195 : i32
      %dma_wait3A_205 = arith.constant 1 : i32
      %dma_wait3A_206 = arith.constant 0 : i32
      %dma_wait3A_207 = tpu.memref_slice %arg3[%add3A_204, %dma_wait3A_205, %dma_wait3A_206] : memref<4096x2x80xi32, #tpu.memory_space<hbm>> -> memref<1x1x80xi32, #tpu.memory_space<hbm>>
      %dma_wait3A_208 = tpu.memref_squeeze %dma_wait3A_207 : memref<1x1x80xi32, #tpu.memory_space<hbm>> -> memref<80xi32, #tpu.memory_space<hbm>>
      %dma_wait3A_209 = arith.constant 0 : i32
      %dma_wait3A_210 = tpu.memref_slice %arg3[%add3A_204, %dma_wait3A_205, %dma_wait3A_209] : memref<4096x2x80xi32, #tpu.memory_space<hbm>> -> memref<1x1x80xi32, #tpu.memory_space<hbm>>
      %dma_wait3A_211 = tpu.memref_squeeze %dma_wait3A_210 : memref<1x1x80xi32, #tpu.memory_space<hbm>> -> memref<80xi32, #tpu.memory_space<hbm>>
      tpu.wait_dma2 semaphore(%arg19 : memref<!tpu.dma_semaphore, #tpu.memory_space<semaphore_mem>>) src(%dma_wait3A_211 : memref<80xi32, #tpu.memory_space<hbm>>) dst(%arg12 : memref<80xi32, #tpu.memory_space<vmem>>)
      %add3A_212 = arith.constant 1 : i32
      %add3A_213 = arith.addi %add3A_195, %add3A_212 : i32
      %lt3A_214 = arith.constant 128 : i32
      %lt3A_215 = arith.cmpi slt, %add3A_213, %lt3A_214 : i32
      %convert_element_type3A_216 = arith.extui %lt3A_215 : i1 to i32
      %cond3A_217 = arith.constant 0 : i32
      %cond3A_218 = arith.cmpi ne, %convert_element_type3A_216, %cond3A_217 : i32
      scf.if %cond3A_218 {
        %add3A_233 = arith.addi %mul3A_2, %add3A_195 : i32
        %add3A_234 = arith.constant 1 : i32
        %add3A_235 = arith.addi %add3A_233, %add3A_234 : i32
        %dma_start3A_236 = arith.constant 0 : i32
        %dma_start3A_237 = arith.constant 0 : i32
        %dma_start3A_238 = tpu.memref_slice %arg3[%add3A_235, %dma_start3A_236, %dma_start3A_237] : memref<4096x2x80xi32, #tpu.memory_space<hbm>> -> memref<1x1x80xi32, #tpu.memory_space<hbm>>
        %dma_start3A_239 = tpu.memref_squeeze %dma_start3A_238 : memref<1x1x80xi32, #tpu.memory_space<hbm>> -> memref<80xi32, #tpu.memory_space<hbm>>
        %dma_start3A_240 = arith.constant 0 : i32
        %dma_start3A_241 = tpu.memref_slice %arg3[%add3A_235, %dma_start3A_236, %dma_start3A_240] : memref<4096x2x80xi32, #tpu.memory_space<hbm>> -> memref<1x1x80xi32, #tpu.memory_space<hbm>>
        %dma_start3A_242 = tpu.memref_squeeze %dma_start3A_241 : memref<1x1x80xi32, #tpu.memory_space<hbm>> -> memref<80xi32, #tpu.memory_space<hbm>>
        tpu.enqueue_dma source(%dma_start3A_242 : memref<80xi32, #tpu.memory_space<hbm>>) target(%arg5 : memref<80xi32, #tpu.memory_space<vmem>>) target_semaphore(%arg19 : memref<!tpu.dma_semaphore, #tpu.memory_space<semaphore_mem>>)
        %add3A_243 = arith.addi %mul3A_2, %add3A_195 : i32
        %add3A_244 = arith.constant 1 : i32
        %add3A_245 = arith.addi %add3A_243, %add3A_244 : i32
        %dma_start3A_246 = arith.constant 1 : i32
        %dma_start3A_247 = arith.constant 0 : i32
        %dma_start3A_248 = tpu.memref_slice %arg3[%add3A_245, %dma_start3A_246, %dma_start3A_247] : memref<4096x2x80xi32, #tpu.memory_space<hbm>> -> memref<1x1x80xi32, #tpu.memory_space<hbm>>
        %dma_start3A_249 = tpu.memref_squeeze %dma_start3A_248 : memref<1x1x80xi32, #tpu.memory_space<hbm>> -> memref<80xi32, #tpu.memory_space<hbm>>
        %dma_start3A_250 = arith.constant 0 : i32
        %dma_start3A_251 = tpu.memref_slice %arg3[%add3A_245, %dma_start3A_246, %dma_start3A_250] : memref<4096x2x80xi32, #tpu.memory_space<hbm>> -> memref<1x1x80xi32, #tpu.memory_space<hbm>>
        %dma_start3A_252 = tpu.memref_squeeze %dma_start3A_251 : memref<1x1x80xi32, #tpu.memory_space<hbm>> -> memref<80xi32, #tpu.memory_space<hbm>>
        tpu.enqueue_dma source(%dma_start3A_252 : memref<80xi32, #tpu.memory_space<hbm>>) target(%arg9 : memref<80xi32, #tpu.memory_space<vmem>>) target_semaphore(%arg19 : memref<!tpu.dma_semaphore, #tpu.memory_space<semaphore_mem>>)
      } else {
      }
      %ge3A_219 = arith.constant 2 : i32
      %ge3A_220 = arith.cmpi sge, %add3A_195, %ge3A_219 : i32
      %convert_element_type3A_221 = arith.extui %ge3A_220 : i1 to i32
      %cond3A_222 = arith.constant 0 : i32
      %cond3A_223 = arith.cmpi ne, %convert_element_type3A_221, %cond3A_222 : i32
      scf.if %cond3A_223 {
        %dma_wait3A_233 = arith.constant 0 : i32
        %dma_wait3A_234 = arith.constant 0 : i32
        %dma_wait3A_235 = tpu.memref_slice %arg15[%dma_wait3A_233, %dma_wait3A_234] : memref<10240x128xf32, #tpu.memory_space<vmem_shared>> -> memref<10240x128xf32, #tpu.memory_space<vmem_shared>>
        tpu.wait_indirect_dma semaphore(%arg18 : memref<!tpu.dma_semaphore, #tpu.memory_space<semaphore_mem>>) src(%arg14 : memref<80x128xf32, #tpu.memory_space<vmem>>) dst(%dma_wait3A_235 : memref<10240x128xf32, #tpu.memory_space<vmem_shared>>)
      } else {
      }
      %dma_start3A_224 = arith.constant 0 : i32
      %dma_start3A_225 = arith.constant 0 : i32
      %dma_start3A_226 = tpu.memref_slice %arg2[%dma_start3A_224, %dma_start3A_225] : memref<10240x128xf32, #tpu.memory_space<hbm>> -> memref<10240x128xf32, #tpu.memory_space<hbm>>
      tpu.enqueue_indirect_dma source(%dma_start3A_226 : memref<10240x128xf32, #tpu.memory_space<hbm>>) target(%arg14 : memref<80x128xf32, #tpu.memory_space<vmem>>) offsets(%arg8 : memref<80xi32, #tpu.memory_space<vmem>>) semaphore(%arg16 : memref<!tpu.dma_semaphore, #tpu.memory_space<semaphore_mem>>)
      %dma_wait3A_227 = arith.constant 0 : i32
      %dma_wait3A_228 = arith.constant 0 : i32
      %dma_wait3A_229 = tpu.memref_slice %arg2[%dma_wait3A_227, %dma_wait3A_228] : memref<10240x128xf32, #tpu.memory_space<hbm>> -> memref<10240x128xf32, #tpu.memory_space<hbm>>
      tpu.wait_indirect_dma semaphore(%arg16 : memref<!tpu.dma_semaphore, #tpu.memory_space<semaphore_mem>>) src(%dma_wait3A_229 : memref<10240x128xf32, #tpu.memory_space<hbm>>) dst(%arg14 : memref<80x128xf32, #tpu.memory_space<vmem>>)
      %dma_start3A_230 = arith.constant 0 : i32
      %dma_start3A_231 = arith.constant 0 : i32
      %dma_start3A_232 = tpu.memref_slice %arg15[%dma_start3A_230, %dma_start3A_231] : memref<10240x128xf32, #tpu.memory_space<vmem_shared>> -> memref<10240x128xf32, #tpu.memory_space<vmem_shared>>
      tpu.enqueue_indirect_dma source(%arg14 : memref<80x128xf32, #tpu.memory_space<vmem>>) target(%dma_start3A_232 : memref<10240x128xf32, #tpu.memory_space<vmem_shared>>) offsets(%arg12 : memref<80xi32, #tpu.memory_space<vmem>>) semaphore(%arg18 : memref<!tpu.dma_semaphore, #tpu.memory_space<semaphore_mem>>) {add = true}
    }
    %scan3A_61 = arith.constant 32 : i32
    %dma_wait3A = arith.constant 0 : i32
    %dma_wait3A_62 = arith.constant 0 : i32
    %dma_wait3A_63 = tpu.memref_slice %arg15[%dma_wait3A, %dma_wait3A_62] : memref<10240x128xf32, #tpu.memory_space<vmem_shared>> -> memref<10240x128xf32, #tpu.memory_space<vmem_shared>>
    tpu.wait_indirect_dma semaphore(%arg17 : memref<!tpu.dma_semaphore, #tpu.memory_space<semaphore_mem>>) src(%arg13 : memref<80x128xf32, #tpu.memory_space<vmem>>) dst(%dma_wait3A_63 : memref<10240x128xf32, #tpu.memory_space<vmem_shared>>)
    %dma_wait3A_64 = arith.constant 0 : i32
    %dma_wait3A_65 = arith.constant 0 : i32
    %dma_wait3A_66 = tpu.memref_slice %arg15[%dma_wait3A_64, %dma_wait3A_65] : memref<10240x128xf32, #tpu.memory_space<vmem_shared>> -> memref<10240x128xf32, #tpu.memory_space<vmem_shared>>
    tpu.wait_indirect_dma semaphore(%arg18 : memref<!tpu.dma_semaphore, #tpu.memory_space<semaphore_mem>>) src(%arg14 : memref<80x128xf32, #tpu.memory_space<vmem>>) dst(%dma_wait3A_66 : memref<10240x128xf32, #tpu.memory_space<vmem_shared>>)
    "tpu.trace_stop"() : () -> ()
    "tpu.trace_start"() <{level = 10 : i32, message = "post_barrier"}> : () -> ()
    %barrier3A_67 = arith.constant 0 : index
    tpu.barrier barrier_id(%barrier3A_67)
    "tpu.trace_stop"() : () -> ()
    "tpu.trace_start"() <{level = 10 : i32, message = "writeout"}> : () -> ()
    %mul3A_68 = arith.constant 640 : i32
    %mul3A_69 = arith.muli %arg1, %mul3A_68 : i32
    %mul3A_70 = arith.constant 640 : i32
    %mul3A_71 = arith.muli %arg1, %mul3A_70 : i32
    "tpu.region"() ({
      %run_scoped3A = tpu.sem_alloc : memref<!tpu.dma_semaphore, #tpu.memory_space<semaphore_mem>>
      %dma_start3A_72 = arith.constant 0 : i32
      %dma_start3A_73 = tpu.memref_slice %arg4[%arg0, %mul3A_71, %dma_start3A_72] : memref<2x10240x128xf32, #tpu.memory_space<hbm>> -> memref<1x640x128xf32, #tpu.memory_space<hbm>>
      %dma_start3A_74 = tpu.memref_squeeze %dma_start3A_73 : memref<1x640x128xf32, #tpu.memory_space<hbm>> -> memref<640x128xf32, #tpu.memory_space<hbm>>
      %dma_start3A_75 = arith.constant 0 : i32
      %dma_start3A_76 = tpu.memref_slice %arg15[%mul3A_69, %dma_start3A_75] : memref<10240x128xf32, #tpu.memory_space<vmem_shared>> -> memref<640x128xf32, #tpu.memory_space<vmem_shared>>
      tpu.enqueue_dma source(%dma_start3A_76 : memref<640x128xf32, #tpu.memory_space<vmem_shared>>) target(%dma_start3A_74 : memref<640x128xf32, #tpu.memory_space<hbm>>) target_semaphore(%run_scoped3A : memref<!tpu.dma_semaphore, #tpu.memory_space<semaphore_mem>>)
      %dma_wait3A_77 = arith.constant 0 : i32
      %dma_wait3A_78 = tpu.memref_slice %arg4[%arg0, %mul3A_71, %dma_wait3A_77] : memref<2x10240x128xf32, #tpu.memory_space<hbm>> -> memref<1x640x128xf32, #tpu.memory_space<hbm>>
      %dma_wait3A_79 = tpu.memref_squeeze %dma_wait3A_78 : memref<1x640x128xf32, #tpu.memory_space<hbm>> -> memref<640x128xf32, #tpu.memory_space<hbm>>
      %dma_wait3A_80 = arith.constant 0 : i32
      %dma_wait3A_81 = tpu.memref_slice %arg15[%mul3A_69, %dma_wait3A_80] : memref<10240x128xf32, #tpu.memory_space<vmem_shared>> -> memref<640x128xf32, #tpu.memory_space<vmem_shared>>
      tpu.wait_dma2 semaphore(%run_scoped3A : memref<!tpu.dma_semaphore, #tpu.memory_space<semaphore_mem>>) src(%dma_wait3A_81 : memref<640x128xf32, #tpu.memory_space<vmem_shared>>) dst(%dma_wait3A_79 : memref<640x128xf32, #tpu.memory_space<hbm>>)
      tpu.yield
    }) : () -> ()
    "tpu.trace_stop"() : () -> ()
    return
  }
}

module attributes {stable_mosaic.version = 14 : i64} {
  func.func @body(%arg0: i32, %arg1: memref<1280x128xf32, #tpu.memory_space<vmem>>, %arg2: memref<128x128xf32, #tpu.memory_space<vmem>>, %arg3: memref<1280x128xf32, #tpu.memory_space<vmem>>) attributes {dimension_semantics = [#tpu.dimension_semantics<arbitrary>], iteration_bounds = array<i64: 8>, scalar_prefetch = 0 : i64, scratch_operands = 0 : i64, tpu.core_type = #tpu.core_type<tc>, window_params = [{transform_indices = @transform_0, window_bounds = array<i64: 1280, 128>}, {pipeline_mode = #tpu.pipeline_mode<synchronous>, transform_indices = @transform_1, window_bounds = array<i64: 128, 128>}, {transform_indices = @transform_2, window_bounds = array<i64: 1280, 128>}]} {
    %get3A = arith.constant 0 : index
    %get3A_0 = arith.constant 0 : index
    %get3A_1 = vector.load %arg1[%get3A, %get3A_0] : memref<1280x128xf32, #tpu.memory_space<vmem>>, vector<1280x128xf32>
    %get3A_2 = arith.constant 0 : index
    %get3A_3 = arith.constant 0 : index
    %get3A_4 = vector.load %arg2[%get3A_2, %get3A_3] : memref<128x128xf32, #tpu.memory_space<vmem>>, vector<128x128xf32>
    %dot_general3A = arith.constant dense<0.000000e+00> : vector<1280x128xf32>
    %dot_general3A_5 = tpu.matmul %get3A_1, %get3A_4, %dot_general3A {dimension_numbers = #tpu.dot_dimension_numbers<[1], [0], [0], [1], [0, 0, 1, 1], [], []>, transpose_lhs_hint = false} : vector<1280x128xf32>, vector<128x128xf32>, vector<1280x128xf32> -> vector<1280x128xf32>
    %swap3A = arith.constant 0 : index
    %swap3A_6 = arith.constant 0 : index
    %swap3A_7 = vector.load %arg3[%swap3A, %swap3A_6] : memref<1280x128xf32, #tpu.memory_space<vmem>>, vector<1280x128xf32>
    tpu.vector_store %arg3[%swap3A, %swap3A_6], %dot_general3A_5 {strides = array<i32>} : memref<1280x128xf32, #tpu.memory_space<vmem>>, vector<1280x128xf32>,
    return
  }
  func.func @transform_0(%arg0: i32) -> (i32, i32) {
    %c0_i32 = arith.constant 0 : i32
    %c0_i32_0 = arith.constant 0 : i32
    return %arg0, %c0_i32 : i32, i32
  }
  func.func @transform_1(%arg0: i32) -> (i32, i32) {
    %c0_i32 = arith.constant 0 : i32
    %c0_i32_0 = arith.constant 0 : i32
    %c0_i32_1 = arith.constant 0 : i32
    return %c0_i32, %c0_i32_0 : i32, i32
  }
  func.func @transform_2(%arg0: i32) -> (i32, i32) {
    %c0_i32 = arith.constant 0 : i32
    %c0_i32_0 = arith.constant 0 : i32
    return %arg0, %c0_i32 : i32, i32
  }
}

module attributes {stable_mosaic.version = 14 : i64} {
  func.func @body(%arg0: i32, %arg1: memref<2x1280x128xf32, #tpu.memory_space<vmem>>, %arg2: memref<1280x128xf32, #tpu.memory_space<vmem>>, %arg3: memref<1280x128xf32, #tpu.memory_space<vmem>>, %arg4: memref<1280x128xf32, #tpu.memory_space<vmem>>) attributes {dimension_semantics = [#tpu.dimension_semantics<arbitrary>], iteration_bounds = array<i64: 8>, scalar_prefetch = 0 : i64, scratch_operands = 0 : i64, tpu.core_type = #tpu.core_type<tc>, window_params = [{transform_indices = @transform_0, window_bounds = array<i64: 2, 1280, 128>}, {transform_indices = @transform_1, window_bounds = array<i64: 1280, 128>}, {transform_indices = @transform_2, window_bounds = array<i64: 1280, 128>}, {transform_indices = @transform_3, window_bounds = array<i64: 1280, 128>}]} {
    %get3A = arith.constant 0 : index
    %get3A_0 = arith.constant 0 : index
    %get3A_1 = arith.constant 0 : index
    %get3A_2 = vector.load %arg1[%get3A, %get3A_0, %get3A_1] : memref<2x1280x128xf32, #tpu.memory_space<vmem>>, vector<1x1280x128xf32>
    %get3A_3 = vector.shape_cast %get3A_2 : vector<1x1280x128xf32> to vector<1280x128xf32>
    %add3A = arith.constant 1.000000e+00 : f32
    %add3A_4 = vector.broadcast %add3A : f32 to vector<1280x128xf32>
    %add3A_5 = arith.addf %add3A_4, %get3A_3 : vector<1280x128xf32>
    %get3A_6 = arith.constant 1 : index
    %get3A_7 = arith.constant 0 : index
    %get3A_8 = arith.constant 0 : index
    %get3A_9 = vector.load %arg1[%get3A_6, %get3A_7, %get3A_8] : memref<2x1280x128xf32, #tpu.memory_space<vmem>>, vector<1x1280x128xf32>
    %get3A_10 = vector.shape_cast %get3A_9 : vector<1x1280x128xf32> to vector<1280x128xf32>
    %add3A_11 = arith.addf %add3A_5, %get3A_10 : vector<1280x128xf32>
    %rsqrt3A = math.rsqrt %add3A_11 : vector<1280x128xf32>
    %mul3A = arith.constant 1280 : i32
    %mul3A_12 = arith.muli %arg0, %mul3A : i32
    %iota3A = tpu.iota {dimensions = array<i32: 0>} : vector<1280x128xi32>
    %add3A_13 = vector.broadcast %mul3A_12 : i32 to vector<1280x128xi32>
    %add3A_14 = arith.addi %add3A_13, %iota3A : vector<1280x128xi32>
    %lt3A = arith.constant 10000 : i32
    %lt3A_15 = vector.broadcast %lt3A : i32 to vector<1280x128xi32>
    %lt3A_16 = arith.cmpi slt, %add3A_14, %lt3A_15 : vector<1280x128xi32>
    %jit3A = arith.constant 0.000000e+00 : f32
    %broadcast_in_dim3A = vector.broadcast %jit3A : f32 to vector<1280x128xf32>
    %select_n3A = arith.select %lt3A_16, %rsqrt3A, %broadcast_in_dim3A : vector<1280x128xi1>, vector<1280x128xf32>
    %swap3A = arith.constant 0 : index
    %swap3A_17 = arith.constant 0 : index
    %swap3A_18 = vector.load %arg3[%swap3A, %swap3A_17] : memref<1280x128xf32, #tpu.memory_space<vmem>>, vector<1280x128xf32>
    tpu.vector_store %arg3[%swap3A, %swap3A_17], %select_n3A {strides = array<i32>} : memref<1280x128xf32, #tpu.memory_space<vmem>>, vector<1280x128xf32>,
    %get3A_19 = arith.constant 0 : index
    %get3A_20 = arith.constant 0 : index
    %get3A_21 = vector.load %arg2[%get3A_19, %get3A_20] : memref<1280x128xf32, #tpu.memory_space<vmem>>, vector<1280x128xf32>
    %mul3A_22 = arith.mulf %select_n3A, %get3A_21 : vector<1280x128xf32>
    %swap3A_23 = arith.constant 0 : index
    %swap3A_24 = arith.constant 0 : index
    %swap3A_25 = vector.load %arg4[%swap3A_23, %swap3A_24] : memref<1280x128xf32, #tpu.memory_space<vmem>>, vector<1280x128xf32>
    tpu.vector_store %arg4[%swap3A_23, %swap3A_24], %mul3A_22 {strides = array<i32>} : memref<1280x128xf32, #tpu.memory_space<vmem>>, vector<1280x128xf32>,
    return
  }
  func.func @transform_0(%arg0: i32) -> (i32, i32, i32) {
    %c0_i32 = arith.constant 0 : i32
    %c0_i32_0 = arith.constant 0 : i32
    %c0_i32_1 = arith.constant 0 : i32
    return %c0_i32, %arg0, %c0_i32_0 : i32, i32, i32
  }
  func.func @transform_1(%arg0: i32) -> (i32, i32) {
    %c0_i32 = arith.constant 0 : i32
    %c0_i32_0 = arith.constant 0 : i32
    return %arg0, %c0_i32 : i32, i32
  }
  func.func @transform_2(%arg0: i32) -> (i32, i32) {
    %c0_i32 = arith.constant 0 : i32
    %c0_i32_0 = arith.constant 0 : i32
    return %arg0, %c0_i32 : i32, i32
  }
  func.func @transform_3(%arg0: i32) -> (i32, i32) {
    %c0_i32 = arith.constant 0 : i32
    %c0_i32_0 = arith.constant 0 : i32
    return %arg0, %c0_i32 : i32, i32
  }
}

module attributes {stable_mosaic.version = 14 : i64} {
  func.func @body(%arg0: i32, %arg1: memref<2x1280x128xf32, #tpu.memory_space<vmem>>, %arg2: memref<1280x128xf32, #tpu.memory_space<vmem>>, %arg3: memref<1280x128xf32, #tpu.memory_space<vmem>>, %arg4: memref<1x128xf32, #tpu.memory_space<vmem>>, %arg5: memref<1x128xf32, #tpu.memory_space<vmem>>, %arg6: memref<1x128xf32, #tpu.memory_space<vmem>>, %arg7: memref<128x128xf32, #tpu.memory_space<vmem>>, %arg8: memref<1280x128xf32, #tpu.memory_space<vmem>>) attributes {dimension_semantics = [#tpu.dimension_semantics<arbitrary>], iteration_bounds = array<i64: 8>, scalar_prefetch = 0 : i64, scratch_operands = 0 : i64, tpu.core_type = #tpu.core_type<tc>, window_params = [{transform_indices = @transform_0, window_bounds = array<i64: 2, 1280, 128>}, {transform_indices = @transform_1, window_bounds = array<i64: 1280, 128>}, {transform_indices = @transform_2, window_bounds = array<i64: 1280, 128>}, {pipeline_mode = #tpu.pipeline_mode<synchronous>, transform_indices = @transform_3, window_bounds = array<i64: 1, 128>}, {pipeline_mode = #tpu.pipeline_mode<synchronous>, transform_indices = @transform_4, window_bounds = array<i64: 1, 128>}, {pipeline_mode = #tpu.pipeline_mode<synchronous>, transform_indices = @transform_5, window_bounds = array<i64: 1, 128>}, {pipeline_mode = #tpu.pipeline_mode<synchronous>, transform_indices = @transform_6, window_bounds = array<i64: 128, 128>}, {transform_indices = @transform_7, window_bounds = array<i64: 1280, 128>}]} {
    %get3A = arith.constant 0 : index
    %get3A_0 = arith.constant 0 : index
    %get3A_1 = vector.load %arg3[%get3A, %get3A_0] : memref<1280x128xf32, #tpu.memory_space<vmem>>, vector<1280x128xf32>
    %get3A_2 = arith.constant 0 : index
    %get3A_3 = arith.constant 0 : index
    %get3A_4 = arith.constant 0 : index
    %get3A_5 = vector.load %arg1[%get3A_2, %get3A_3, %get3A_4] : memref<2x1280x128xf32, #tpu.memory_space<vmem>>, vector<1x1280x128xf32>
    %get3A_6 = vector.shape_cast %get3A_5 : vector<1x1280x128xf32> to vector<1280x128xf32>
    %get3A_7 = arith.constant 1 : index
    %get3A_8 = arith.constant 0 : index
    %get3A_9 = arith.constant 0 : index
    %get3A_10 = vector.load %arg1[%get3A_7, %get3A_8, %get3A_9] : memref<2x1280x128xf32, #tpu.memory_space<vmem>>, vector<1x1280x128xf32>
    %get3A_11 = vector.shape_cast %get3A_10 : vector<1x1280x128xf32> to vector<1280x128xf32>
    %add3A = arith.addf %get3A_6, %get3A_11 : vector<1280x128xf32>
    %get3A_12 = arith.constant 0 : index
    %get3A_13 = arith.constant 0 : index
    %get3A_14 = vector.load %arg2[%get3A_12, %get3A_13] : memref<1280x128xf32, #tpu.memory_space<vmem>>, vector<1280x128xf32>
    %add3A_15 = arith.addf %add3A, %get3A_14 : vector<1280x128xf32>
    %mul3A = arith.mulf %get3A_1, %add3A_15 : vector<1280x128xf32>
    %get3A_16 = arith.constant 0 : index
    %get3A_17 = arith.constant 0 : index
    %get3A_18 = vector.load %arg4[%get3A_16, %get3A_17] : memref<1x128xf32, #tpu.memory_space<vmem>>, vector<1x128xf32>
    %add3A_19 = vector.broadcast %get3A_18 : vector<1x128xf32> to vector<1280x128xf32>
    %add3A_20 = arith.addf %mul3A, %add3A_19 : vector<1280x128xf32>
    %max3A = arith.constant 0.000000e+00 : f32
    %max3A_21 = vector.broadcast %max3A : f32 to vector<1280x128xf32>
    %max3A_22 = arith.maximumf %add3A_20, %max3A_21 : vector<1280x128xf32>
    %get3A_23 = arith.constant 0 : index
    %get3A_24 = arith.constant 0 : index
    %get3A_25 = vector.load %arg5[%get3A_23, %get3A_24] : memref<1x128xf32, #tpu.memory_space<vmem>>, vector<1x128xf32>
    %mul3A_26 = arith.constant 0.999994993 : f32
    %mul3A_27 = vector.broadcast %mul3A_26 : f32 to vector<1x128xf32>
    %mul3A_28 = arith.mulf %get3A_25, %mul3A_27 : vector<1x128xf32>
    %mul3A_29 = vector.broadcast %mul3A_28 : vector<1x128xf32> to vector<1280x128xf32>
    %mul3A_30 = arith.mulf %max3A_22, %mul3A_29 : vector<1280x128xf32>
    %get3A_31 = arith.constant 0 : index
    %get3A_32 = arith.constant 0 : index
    %get3A_33 = vector.load %arg6[%get3A_31, %get3A_32] : memref<1x128xf32, #tpu.memory_space<vmem>>, vector<1x128xf32>
    %add3A_34 = vector.broadcast %get3A_33 : vector<1x128xf32> to vector<1280x128xf32>
    %add3A_35 = arith.addf %mul3A_30, %add3A_34 : vector<1280x128xf32>
    %get3A_36 = arith.constant 0 : index
    %get3A_37 = arith.constant 0 : index
    %get3A_38 = vector.load %arg3[%get3A_36, %get3A_37] : memref<1280x128xf32, #tpu.memory_space<vmem>>, vector<1280x128xf32>
    %get3A_39 = arith.constant 0 : index
    %get3A_40 = arith.constant 0 : index
    %get3A_41 = vector.load %arg7[%get3A_39, %get3A_40] : memref<128x128xf32, #tpu.memory_space<vmem>>, vector<128x128xf32>
    %dot_general3A = arith.constant dense<0.000000e+00> : vector<1280x128xf32>
    %dot_general3A_42 = tpu.matmul %add3A_35, %get3A_41, %dot_general3A {dimension_numbers = #tpu.dot_dimension_numbers<[1], [0], [0], [1], [0, 0, 1, 1], [], []>, transpose_lhs_hint = false} : vector<1280x128xf32>, vector<128x128xf32>, vector<1280x128xf32> -> vector<1280x128xf32>
    %mul3A_43 = arith.mulf %get3A_38, %dot_general3A_42 : vector<1280x128xf32>
    %swap3A = arith.constant 0 : index
    %swap3A_44 = arith.constant 0 : index
    %swap3A_45 = vector.load %arg8[%swap3A, %swap3A_44] : memref<1280x128xf32, #tpu.memory_space<vmem>>, vector<1280x128xf32>
    tpu.vector_store %arg8[%swap3A, %swap3A_44], %mul3A_43 {strides = array<i32>} : memref<1280x128xf32, #tpu.memory_space<vmem>>, vector<1280x128xf32>,
    return
  }
  func.func @transform_0(%arg0: i32) -> (i32, i32, i32) {
    %c0_i32 = arith.constant 0 : i32
    %c0_i32_0 = arith.constant 0 : i32
    %c0_i32_1 = arith.constant 0 : i32
    return %c0_i32, %arg0, %c0_i32_0 : i32, i32, i32
  }
  func.func @transform_1(%arg0: i32) -> (i32, i32) {
    %c0_i32 = arith.constant 0 : i32
    %c0_i32_0 = arith.constant 0 : i32
    return %arg0, %c0_i32 : i32, i32
  }
  func.func @transform_2(%arg0: i32) -> (i32, i32) {
    %c0_i32 = arith.constant 0 : i32
    %c0_i32_0 = arith.constant 0 : i32
    return %arg0, %c0_i32 : i32, i32
  }
  func.func @transform_3(%arg0: i32) -> (i32, i32) {
    %c0_i32 = arith.constant 0 : i32
    %c0_i32_0 = arith.constant 0 : i32
    %c0_i32_1 = arith.constant 0 : i32
    return %c0_i32, %c0_i32_0 : i32, i32
  }
  func.func @transform_4(%arg0: i32) -> (i32, i32) {
    %c0_i32 = arith.constant 0 : i32
    %c0_i32_0 = arith.constant 0 : i32
    %c0_i32_1 = arith.constant 0 : i32
    return %c0_i32, %c0_i32_0 : i32, i32
  }
  func.func @transform_5(%arg0: i32) -> (i32, i32) {
    %c0_i32 = arith.constant 0 : i32
    %c0_i32_0 = arith.constant 0 : i32
    %c0_i32_1 = arith.constant 0 : i32
    return %c0_i32, %c0_i32_0 : i32, i32
  }
  func.func @transform_6(%arg0: i32) -> (i32, i32) {
    %c0_i32 = arith.constant 0 : i32
    %c0_i32_0 = arith.constant 0 : i32
    %c0_i32_1 = arith.constant 0 : i32
    return %c0_i32, %c0_i32_0 : i32, i32
  }
  func.func @transform_7(%arg0: i32) -> (i32, i32) {
    %c0_i32 = arith.constant 0 : i32
    %c0_i32_0 = arith.constant 0 : i32
    return %arg0, %c0_i32 : i32, i32
  }
}

module attributes {stable_mosaic.version = 14 : i64} {
  func.func @body(%arg0: i32, %arg1: memref<2x1280x128xf32, #tpu.memory_space<vmem>>, %arg2: memref<1280x128xf32, #tpu.memory_space<vmem>>, %arg3: memref<1280x128xf32, #tpu.memory_space<vmem>>, %arg4: memref<1x128xf32, #tpu.memory_space<vmem>>, %arg5: memref<1x128xf32, #tpu.memory_space<vmem>>) attributes {dimension_semantics = [#tpu.dimension_semantics<arbitrary>], iteration_bounds = array<i64: 8>, scalar_prefetch = 0 : i64, scratch_operands = 0 : i64, tpu.core_type = #tpu.core_type<tc>, window_params = [{transform_indices = @transform_0, window_bounds = array<i64: 2, 1280, 128>}, {transform_indices = @transform_1, window_bounds = array<i64: 1280, 128>}, {transform_indices = @transform_2, window_bounds = array<i64: 1280, 128>}, {pipeline_mode = #tpu.pipeline_mode<synchronous>, transform_indices = @transform_3, window_bounds = array<i64: 1, 128>}, {pipeline_mode = #tpu.pipeline_mode<synchronous>, transform_indices = @transform_4, window_bounds = array<i64: 1, 128>}]} {
    %get3A = arith.constant 0 : index
    %get3A_0 = arith.constant 0 : index
    %get3A_1 = vector.load %arg3[%get3A, %get3A_0] : memref<1280x128xf32, #tpu.memory_space<vmem>>, vector<1280x128xf32>
    %get3A_2 = arith.constant 0 : index
    %get3A_3 = arith.constant 0 : index
    %get3A_4 = arith.constant 0 : index
    %get3A_5 = vector.load %arg1[%get3A_2, %get3A_3, %get3A_4] : memref<2x1280x128xf32, #tpu.memory_space<vmem>>, vector<1x1280x128xf32>
    %get3A_6 = vector.shape_cast %get3A_5 : vector<1x1280x128xf32> to vector<1280x128xf32>
    %get3A_7 = arith.constant 1 : index
    %get3A_8 = arith.constant 0 : index
    %get3A_9 = arith.constant 0 : index
    %get3A_10 = vector.load %arg1[%get3A_7, %get3A_8, %get3A_9] : memref<2x1280x128xf32, #tpu.memory_space<vmem>>, vector<1x1280x128xf32>
    %get3A_11 = vector.shape_cast %get3A_10 : vector<1x1280x128xf32> to vector<1280x128xf32>
    %add3A = arith.addf %get3A_6, %get3A_11 : vector<1280x128xf32>
    %get3A_12 = arith.constant 0 : index
    %get3A_13 = arith.constant 0 : index
    %get3A_14 = vector.load %arg2[%get3A_12, %get3A_13] : memref<1280x128xf32, #tpu.memory_space<vmem>>, vector<1280x128xf32>
    %add3A_15 = arith.addf %add3A, %get3A_14 : vector<1280x128xf32>
    %mul3A = arith.mulf %get3A_1, %add3A_15 : vector<1280x128xf32>
    %mul3A_16 = arith.constant 1280 : i32
    %mul3A_17 = arith.muli %arg0, %mul3A_16 : i32
    %iota3A = tpu.iota {dimensions = array<i32: 0>} : vector<1280x128xi32>
    %add3A_18 = vector.broadcast %mul3A_17 : i32 to vector<1280x128xi32>
    %add3A_19 = arith.addi %add3A_18, %iota3A : vector<1280x128xi32>
    %lt3A = arith.constant 10000 : i32
    %lt3A_20 = vector.broadcast %lt3A : i32 to vector<1280x128xi32>
    %lt3A_21 = arith.cmpi slt, %add3A_19, %lt3A_20 : vector<1280x128xi32>
    %jit3A = arith.constant 0.000000e+00 : f32
    %broadcast_in_dim3A = vector.broadcast %jit3A : f32 to vector<1280x128xf32>
    %select_n3A = arith.select %lt3A_21, %mul3A, %broadcast_in_dim3A : vector<1280x128xi1>, vector<1280x128xf32>
    %reduce_sum3A = arith.constant dense<0.000000e+00> : vector<128xf32>
    %reduce_sum3A_22 = vector.multi_reduction <add>, %select_n3A, %reduce_sum3A [0] : vector<1280x128xf32> to vector<128xf32>
    %broadcast_in_dim3A_23 = vector.shape_cast %reduce_sum3A_22 : vector<128xf32> to vector<1x128xf32>
    %eq3A = arith.constant 0 : i32
    %eq3A_24 = arith.cmpi eq, %arg0, %eq3A : i32
    %convert_element_type3A = arith.extui %eq3A_24 : i1 to i32
    %cond3A = arith.constant 0 : i32
    %cond3A_25 = arith.cmpi ne, %convert_element_type3A, %cond3A : i32
    scf.if %cond3A_25 {
      %broadcast_in_dim3A_37 = arith.constant 0.000000e+00 : f32
      %broadcast_in_dim3A_38 = vector.broadcast %broadcast_in_dim3A_37 : f32 to vector<1x128xf32>
      %swap3A_39 = arith.constant 0 : index
      %swap3A_40 = arith.constant 0 : index
      %swap3A_41 = vector.load %arg5[%swap3A_39, %swap3A_40] : memref<1x128xf32, #tpu.memory_space<vmem>>, vector<1x128xf32>
      tpu.vector_store %arg5[%swap3A_39, %swap3A_40], %broadcast_in_dim3A_38 {strides = array<i32>} : memref<1x128xf32, #tpu.memory_space<vmem>>, vector<1x128xf32>,
    } else {
    }
    %get3A_26 = arith.constant 0 : index
    %get3A_27 = arith.constant 0 : index
    %get3A_28 = vector.load %arg5[%get3A_26, %get3A_27] : memref<1x128xf32, #tpu.memory_space<vmem>>, vector<1x128xf32>
    %add3A_29 = arith.addf %get3A_28, %broadcast_in_dim3A_23 : vector<1x128xf32>
    %swap3A = arith.constant 0 : index
    %swap3A_30 = arith.constant 0 : index
    %swap3A_31 = vector.load %arg5[%swap3A, %swap3A_30] : memref<1x128xf32, #tpu.memory_space<vmem>>, vector<1x128xf32>
    tpu.vector_store %arg5[%swap3A, %swap3A_30], %add3A_29 {strides = array<i32>} : memref<1x128xf32, #tpu.memory_space<vmem>>, vector<1x128xf32>,
    %eq3A_32 = arith.constant 7 : i32
    %eq3A_33 = arith.cmpi eq, %arg0, %eq3A_32 : i32
    %convert_element_type3A_34 = arith.extui %eq3A_33 : i1 to i32
    %cond3A_35 = arith.constant 0 : i32
    %cond3A_36 = arith.cmpi ne, %convert_element_type3A_34, %cond3A_35 : i32
    scf.if %cond3A_36 {
      %get3A_37 = arith.constant 0 : index
      %get3A_38 = arith.constant 0 : index
      %get3A_39 = vector.load %arg5[%get3A_37, %get3A_38] : memref<1x128xf32, #tpu.memory_space<vmem>>, vector<1x128xf32>
      %mul3A_40 = arith.constant 9.99999974E-5 : f32
      %mul3A_41 = vector.broadcast %mul3A_40 : f32 to vector<1x128xf32>
      %mul3A_42 = arith.mulf %get3A_39, %mul3A_41 : vector<1x128xf32>
      %get3A_43 = arith.constant 0 : index
      %get3A_44 = arith.constant 0 : index
      %get3A_45 = vector.load %arg4[%get3A_43, %get3A_44] : memref<1x128xf32, #tpu.memory_space<vmem>>, vector<1x128xf32>
      %add3A_46 = arith.addf %mul3A_42, %get3A_45 : vector<1x128xf32>
      %swap3A_47 = arith.constant 0 : index
      %swap3A_48 = arith.constant 0 : index
      %swap3A_49 = vector.load %arg5[%swap3A_47, %swap3A_48] : memref<1x128xf32, #tpu.memory_space<vmem>>, vector<1x128xf32>
      tpu.vector_store %arg5[%swap3A_47, %swap3A_48], %add3A_46 {strides = array<i32>} : memref<1x128xf32, #tpu.memory_space<vmem>>, vector<1x128xf32>,
    } else {
    }
    return
  }
  func.func @transform_0(%arg0: i32) -> (i32, i32, i32) {
    %c0_i32 = arith.constant 0 : i32
    %c0_i32_0 = arith.constant 0 : i32
    %c0_i32_1 = arith.constant 0 : i32
    return %c0_i32, %arg0, %c0_i32_0 : i32, i32, i32
  }
  func.func @transform_1(%arg0: i32) -> (i32, i32) {
    %c0_i32 = arith.constant 0 : i32
    %c0_i32_0 = arith.constant 0 : i32
    return %arg0, %c0_i32 : i32, i32
  }
  func.func @transform_2(%arg0: i32) -> (i32, i32) {
    %c0_i32 = arith.constant 0 : i32
    %c0_i32_0 = arith.constant 0 : i32
    return %arg0, %c0_i32 : i32, i32
  }
  func.func @transform_3(%arg0: i32) -> (i32, i32) {
    %c0_i32 = arith.constant 0 : i32
    %c0_i32_0 = arith.constant 0 : i32
    %c0_i32_1 = arith.constant 0 : i32
    return %c0_i32, %c0_i32_0 : i32, i32
  }
  func.func @transform_4(%arg0: i32) -> (i32, i32) {
    %c0_i32 = arith.constant 0 : i32
    %c0_i32_0 = arith.constant 0 : i32
    %c0_i32_1 = arith.constant 0 : i32
    return %c0_i32, %c0_i32_0 : i32, i32
  }
}

</mosaic_0001>

<sc_bundles>
// kernel: _run.13.cloned.1.call-start
scs
__scs_entry_jumppad:
0x0: {  	(pc) =	sbr.rel $0x88, $3  }
0x1: {  	(tag) =	ssettag $0x0;
	lr =	simm.s32 $0x1  }
0x2: {  	[smem:$0x3F91] =	sst lr;
	_ =	strace $0xD0000000  }
0x3: {  	_ = 	snop  }
0x4: {  	_ = 	snop  }
0x5: {  	_ = 	snop  }
0x6: {  	_ = 	snop  }
0x7: {  	_ = 	snop  }
__scs_overlays_trampoline_lowered:
0x8: {  	[smem:$0x3FA0] =	sst s0  }
0x9: {  	[smem:$0x3FA1] =	sst s1  }
0xa: {  	[smem:$0x3FA2] =	sst s2  }
0xb: {  	[smem:$0x3FA3] =	sst s3  }
0xc: {  	[smem:$0x3FA4] =	sst s4  }
0xd: {  	[smem:$0x3FA5] =	sst s5  }
0xe: {  	[smem:$0x3FA6] =	sst s6  }
0xf: {  	[smem:$0x3FA7] =	sst s7  }
0x10: {  	[smem:$0x3FA8] =	sst s8  }
0x11: {  	[smem:$0x3FA9] =	sst s9;
	s0 =	simm.s32 @!p0 $0x0  }
0x12: {  	s1 =	sld [smem:$0x3F8F];
	s0 =	simm.s32 @p0 $0x1  }
0x13: {  	[smem:$0x3FAA] =	sst s0;
	s0 =	simm.s32 @!p1 $0x0  }
0x14: {  	s2 =	sld [smem:$0x3F8E];
	s0 =	simm.s32 @p1 $0x1  }
0x15: {  	[smem:$0x3FAB] =	sst s0;
	s0 =	simm.s32 @!p2 $0x0  }
0x16: {  	s3 =	sld [smem:$0x3FDB];
	s0 =	simm.s32 @p2 $0x1  }
0x17: {  	s4 =	simm.s32 $0x1BF5;
	[smem:$0x3FAD] =	sst s0  }
0x18: {  	s0 =	sld [smem:$0x3F90];
	_ =	swait.ge [sflag:s4], $0x0  }
0x19: {  	s7 =	sld [smem:$0x3F91]  }
0x1a: {  	s8 =	sadd.s32 $0xFFFFE003, lr  }
0x1b: {  	s9 =	sadd.s32 $0xFFFFFEF7, lr;
	s5 =	simm.s32 $0xFFFFFFFF;
	p2 =	slt.u32 s8, $0xFFFFF086  }
0x1c: {  	p1 =	slt.u32 s9, $0xF7A;
	s5 =	simm.s32 @!p2 $0x0  }
0x1d: {  	s5 =	simm.s32 @p1 $0x1;
	p0 =	seq.s32 s7, s2  }
0x1e: {  	s7 =	smul.u32 @!p0 $0xF7A, s2;
	p2 =	seq.s32 @!p0 s5, $0x0  }
0x1f: {  	s9 =	smul.u32 $0xF7A, s1;
	s8 =	simm.s32 @!p0 $0x1BF5;
	p2 =	por !p2, p0  }
0x20: {  	[sflag:s8] =	ssyncset.s32 @!p0 $0xFFFFF086;
	s6 =	sadd.s32 @!p0 s3, s7;
	s7 =	simm.s32 @!p0 $0x108  }
0x21: {  	s3 =	sadd.s32 s3, s9;
	s6 =	sadd.s32 @!p0 $0x88, s6;
	s7 =	simm.s32 @p2 $0x1082  }
0x22: {  	[simem:s7], [sflag:s8] =	dma.local @!p0 [hbm:s6], $0xF7A  }
0x23: {  	s9 =	sor.u32 $0xD0000000, s2;
	s6 =	simm.s32 $0x108;
	_ =	swait.ge @!p0 [sflag:s8], $0x0  }
0x24: {  	s3 =	sadd.s32 $0x88, s3;
	s6 =	simm.s32 @!p1 $0x1082;
	[sflag:s4] =	ssyncset.s32 $0xFFFFF086  }
0x25: {  	[simem:s6], [sflag:s4] =	dma.local [hbm:s3], $0xF7A  }
0x26: {  	[smem:$0x3F91] =	sst s1;
	(tag) =	ssettag s2;
	_ =	strace s9  }
0x27: {  	s1 =	sld [smem:$0x3FA1]  }
0x28: {  	s2 =	sld [smem:$0x3FA2]  }
0x29: {  	s4 =	sld [smem:$0x3FA4]  }
0x2a: {  	p0 =	seq.s32 s5, $0x0;
	s5 =	sld [smem:$0x3FA5]  }
0x2b: {  	s6 =	sld [smem:$0x3FA6]  }
0x2c: {  	s7 =	sld [smem:$0x3FA7]  }
0x2d: {  	s3 =	simm.s32 $0x108;
	s8 =	sld [smem:$0x3FA8]  }
0x2e: {  	s3 =	simm.s32 @!p0 $0x1082;
	s9 =	sld [smem:$0x3FA9]  }
0x2f: {  	lr =	sadd.s32 s0, s3;
	s0 =	sld [smem:$0x3FA0]  }
0x30: {  	s3 =	sld [smem:$0x3FA3]  }
0x31: {  	[smem:$0x3FAC] =	sst s10  }
0x32: {  	s10 =	sld [smem:$0x3FAA];
	_ =	sdelay $0x3  }
0x33: {  	p0 =	seq.s32 s10, $0x1;
	s10 =	sld [smem:$0x3FAC];
	_ =	sdelay $0x3  }
0x34: {  	[smem:$0x3FAC] =	sst s10  }
0x35: {  	s10 =	sld [smem:$0x3FAB];
	_ =	sdelay $0x3  }
0x36: {  	p1 =	seq.s32 s10, $0x1;
	s10 =	sld [smem:$0x3FAC];
	_ =	sdelay $0x3  }
0x37: {  	[smem:$0x3FAC] =	sst s10  }
0x38: {  	s10 =	sld [smem:$0x3FAD]  }
0x39: {  	_ = 	snop;
	(pc) =	sbr.ind lr, $3  }
0x3a: {  	_ = 	snop  }
0x3b: {  	_ = 	snop  }
0x3c: {  	p2 =	seq.s32 s10, $0x1;
	s10 =	sld [smem:$0x3FAC]  }
0x3d: {  	_ =	shalt  }
0x3e: {  	_ =	shalt  }
0x3f: {  	_ =	shalt  }
0x40: {  	_ =	shalt  }
0x41: {  	_ =	shalt  }
0x42: {  	_ =	shalt  }
0x43: {  	_ =	shalt  }
0x44: {  	_ =	shalt  }
0x45: {  	_ =	shalt  }
0x46: {  	_ =	shalt  }
0x47: {  	_ =	shalt  }
0x48: {  	_ =	shalt  }
0x49: {  	_ =	shalt  }
0x4a: {  	_ =	shalt  }
0x4b: {  	_ =	shalt  }
0x4c: {  	_ =	shalt  }
0x4d: {  	_ =	shalt  }
0x4e: {  	_ =	shalt  }
0x4f: {  	_ =	shalt  }
0x50: {  	_ =	shalt  }
0x51: {  	_ =	shalt  }
0x52: {  	_ =	shalt  }
0x53: {  	_ =	shalt  }
0x54: {  	_ =	shalt  }
0x55: {  	_ =	shalt  }
0x56: {  	_ =	shalt  }
0x57: {  	_ =	shalt  }
0x58: {  	_ =	shalt  }
0x59: {  	_ =	shalt  }
0x5a: {  	_ =	shalt  }
0x5b: {  	_ =	shalt  }
0x5c: {  	_ =	shalt  }
0x5d: {  	_ =	shalt  }
0x5e: {  	_ =	shalt  }
0x5f: {  	_ =	shalt  }
0x60: {  	_ =	shalt  }
0x61: {  	_ =	shalt  }
0x62: {  	_ =	shalt  }
0x63: {  	_ =	shalt  }
0x64: {  	_ =	shalt  }
0x65: {  	_ =	shalt  }
0x66: {  	_ =	shalt  }
0x67: {  	_ =	shalt  }
0x68: {  	_ =	shalt  }
0x69: {  	_ =	shalt  }
0x6a: {  	_ =	shalt  }
0x6b: {  	_ =	shalt  }
0x6c: {  	_ =	shalt  }
0x6d: {  	_ =	shalt  }
0x6e: {  	_ =	shalt  }
0x6f: {  	_ =	shalt  }
0x70: {  	_ =	shalt  }
0x71: {  	_ =	shalt  }
0x72: {  	_ =	shalt  }
0x73: {  	_ =	shalt  }
0x74: {  	_ =	shalt  }
0x75: {  	_ =	shalt  }
0x76: {  	_ =	shalt  }
0x77: {  	_ =	shalt  }
0x78: {  	_ =	shalt  }
0x79: {  	_ =	shalt  }
0x7a: {  	_ =	shalt  }
0x7b: {  	_ =	shalt  }
0x7c: {  	_ =	shalt  }
0x7d: {  	_ =	shalt  }
0x7e: {  	_ =	shalt  }
0x7f: {  	_ =	shalt  }
0x80: {  	_ =	shalt  }
0x81: {  	_ =	shalt  }
0x82: {  	_ =	shalt  }
0x83: {  	_ =	shalt  }
0x84: {  	_ =	shalt  }
0x85: {  	_ =	shalt  }
0x86: {  	_ =	shalt  }
0x87: {  	_ =	shalt  }
.Lfunc_end0:
.L_simem_size_0:
called_computation_lowered:
.L_overlay_start_0:
0x88: {  	s2 =	sld [smem:$0x3FD9]  }
0x89: {  	s3 =	sld [smem:$0x3FFE];
	_ =	sdelay $0x1  }
0x8a: {  	s1 =	srdreg.scid  }
0x8b: {  	s0 =	sand.u32 $0x1, s1  }
0x8c: {  	s16 =	sshll.u32 s0, $0xA;
	s2 =	sadd.s32 s3, s2  }
0x8d: {  	s2 =	sadd.s32 s2, s16  }
0x8e: {  	[smem:$0x3FB8] =	sst s2  }
0x8f: {  	_ = 	snop  }
0x90: {  	(tm) =	ssettm $0x1  }
0x91: {  	s17 =	sld [smem:$0x3FFB];
	_ =	sdelay $0x3  }
0x92: {  	_ =	strace s17  }
0x93: {  	s2 =	sld [smem:$0x3FFC];
	_ =	sdelay $0x3  }
0x94: {  	_ =	strace s2  }
0x95: {  	s2 =	sld [smem:$0x3FFD];
	_ =	sdelay $0x3  }
0x96: {  	_ =	strace s2  }
0x97: {  	_ =	strace $0x8FFFFFFF  }
0x98: {  	s18 =	sld [smem:$0x3FDB];
	_ =	sdelay $0x1  }
0x99: {  	s19 =	simm.s32 $_scs_section_size  }
0x9a: {  	s4 =	simm.s32 $_size__tile_overlayer_lowered;
	s5 =	simm.s32 $_tile_overlayer_lowered  }
0x9b: {  	s22 =	simm.s32 $0x1BFF;
	s21 =	sshll.u32 s5, $0x1;
	s2 =	sadd.s32 s19, s18  }
0x9c: {  	s6 =	simm.s32 $0x0;
	s20 =	sshll.u32 s4, $0x1;
	s4 =	sadd.s32 s21, s2  }
0x9d: {  	[timem:s6], [sflag:s22] =	dma.local [hbm:s4], s20  }
0x9e: {  	_ =	swait.ge [sflag:s22], s20  }
0x9f: {  	s3 =	ssub.s32 $0x0, s20;
	[sflag:s22] =	ssyncset.done $0x0  }
0xa0: {  	[sflag:s22] =	ssyncadd.s32 s3;
	_ =	sdelay $0x1  }
0xa1: {  	s23 =	simm.s32 $0x1B8B  }
0xa2: {  	_ =	swait.ge [sflag:s23], $0x1  }
0xa3: {  	[sflag:s23] =	ssyncset.done $0x0  }
0xa4: {  	s25 =	simm.s32 $0x1B8E;
	s24 =	sld [smem:$0x3FFE];
	[sflag:s23] =	ssyncadd.s32 $0xFFFFFFFF  }
0xa5: {  	s26 =	simm.s32 $execute0_lowered;
	[smem:$0x3FD2] =	sst s25  }
0xa6: {  	s4 =	sshll.u32 s26, $0x1;
	_ =	strace $0x80000046;
	[dreg:$0x1] =	wrdreg $0xFFFFFFFF  }
0xa7: {  	s28 =	simm.s32 $_size_execute0_lowered;
	s2 =	sadd.s32 s2, s4;
	[dreg:$0x0] =	wrdreg $0x0  }
0xa8: {  	s4 =	sshll.u32 s28, $0x1;
	[dreg:$0x2] =	wrdreg s2  }
0xa9: {  	[dreg:$0x3] =	wrdreg s4  }
0xaa: {  	[dreg:$0x4] =	wrdreg $0xC0  }
0xab: {  	_ =	task [dreg:s6], $0x5FFFF  }
0xac: {  	[dreg:$0x1] =	wrdreg $0xFFFFFFFF  }
0xad: {  	[dreg:$0x0] =	wrdreg $0x60  }
0xae: {  	[dreg:$0x2] =	wrdreg s24  }
0xaf: {  	[dreg:$0x3] =	wrdreg $0x54000  }
0xb0: {  	[dreg:$0x4] =	wrdreg $0x9  }
0xb1: {  	_ =	task.clear_ibuf [dreg:s6], $0x5FFFF;
	_ =	strace $0x90000046  }
0xb2: {  	s29 =	simm.s32 $0x9;
	_ =	strace $0x8000004C  }
0xb3: {  	_ =	swait.ge [sflag:s29], $0x1  }
0xb4: {  	[sflag:s29] =	ssyncadd.s32 $0xFFFFFFFF  }
0xb5: {  	_ =	strace $0x9000004C  }
0xb6: {  	_ =	sfence  }
0xb7: {  	s30 =	sld [smem:$0x0];
	_ =	sdelay $0x2  }
0xb8: {  	s31 =	sshll.u32 s1, $0xD;
	s1 =	sshrl.u32 s1, $0x2  }
0xb9: {  	s3 =	sand.u32 $0x4000, s31;
	s1 =	sadd.s32 s1, s30  }
0xba: {  	s0 =	sor.u32 s3, s0;
	s1 =	sshll.u32 s1, $0x11  }
0xbb: {  	s0 =	sor.u32 s1, s0  }
0xbc: {  	s0 =	sadd.s32 $0x8F2B, s0  }
0xbd: {  	[sflag:s0] =	ssyncadd.remote.s32 $0x1  }
0xbe: {  	_ =	sfence.sel $0xFFFF  }
0xbf: {  	[dreg:$0x0] =	wrdreg $0xFFFFFFFF;
	(pc) =	sbr.abs _section_cstart, $3  }
0xc0: {  	[dreg:$0x1] =	wrdreg $0xFFFFFFFF  }
0xc1: {  	_ =	task.clear_ibuf [dreg:s6], $0x2FFFF;
	_ =	strace $0x9FFFFFFF  }
0xc2: {  	(tm) =	ssettm $0x7FFFFFFF  }
0xc3: {  	_ =	shalt  }
tec
execute0_lowered:
.L_overlay_start_1:
0x0: {  	(tag) =	ssettag $0x1  }
0x1: {  	s0 =	srdreg.scid;
	s1 =	rddreg [dreg:$0x0]  }
0x2: {  	s11 =	stileid.u32;
	s2 =	rddreg [dreg:$0x1]  }
0x3: {  	s3 =	simm.s32 $0x0;
	s28 =	simm.s32 $0x2C00;
	s29 =	simm.s32 $0x180  }
0x4: {  	s30 =	simm.s32 $0x380;
	s31 =	simm.s32 $0x1;
	s5 =	smul.u32 $0x14000, s11  }
0x5: {  	s0 =	sand.u32 $0x1, s0;
	[smem:$0x7FF] =	sst s3;
	s6 =	smul.u32 $0x50000, s11  }
0x6: {  	s8 =	sshll.u32 s11, $0xC;
	s19 =	sshll.u32 s11, $0xF;
	s4 =	smul.u32 $0x140000, s0  }
0x7: {  	_ =	strace $0x80000047;
	s7 =	sshll.u32 s0, $0x10;
	s9 =	ssub.s32 $0x2, s0  }
0x8: {  	s0 =	sshll.u32 s0, $0x13;
	s16 =	sor.u32 s8, s7;
	s10 =	sshrl.u32 s9, $0x1  }
0x9: {  	s6 =	sshrl.u32 s6, $0x2;
	s0 =	sor.u32 s19, s0;
	s19 =	simm.s32 $0x400  }
0xa: {  	s4 =	sadd.s32 s5, s4;
	s5 =	sadd.s32 $0x4E00, s1;
	s15 =	ssub.s32 s9, s10  }
0xb: {  	s6 =	sadd.s32 s6, s2;
	s14 =	sor.u32 $0x400, s0;
	s25 =	sor.u32 $0x480, s0  }
0xc: {  	s0 =	sshrl.u32 s0, $0x3;
	s4 =	sshrl.u32 s4, $0x3;
	s18 =	sadd.s32 $0x2800, s6  }
0xd: {  	s20 =	sadd.s32 $0x5000, s6;
	s21 =	sadd.s32 $0x7800, s6;
	s22 =	sadd.s32 $0xA000, s6  }
0xe: {  	s23 =	sadd.s32 $0xC800, s6;
	s12 =	sadd.s32 $0xF000, s6;
	[dreg:$0x6] =	wrdreg s18  }
0xf: {  	s13 =	sadd.s32 $0x11800, s6;
	s15 =	smax.u32 s15, $0x1;
	[dreg:$0x7] =	wrdreg s20  }
0x10: {  	s26 =	sshrl.u32 s25, $0x3;
	s7 =	sadd.s32 s7, s5;
	[dreg:$0x8] =	wrdreg s21  }
0x11: {  	s25 =	simm.s32 $0x100;
	s1 =	sadd.s32 s4, s1;
	[dreg:$0x9] =	wrdreg s22  }
0x12: {  	s4 =	sadd.s32 s5, s16;
	[dreg:$0xa] =	wrdreg s23;
	s16 =	sshrl.u32 s14, $0x3  }
0x13: {  	s18 =	simm.s32 $0x200;
	s20 =	simm.s32 $0x4;
	s21 =	simm.s32 $0x3  }
0x14: {  	s22 =	simm.s32 $0x80;
	s23 =	simm.s32 $0x280;
	s17 =	sadd.s32 $0x10, s4  }
0x15: {  	s14 =	sadd.s32 $0x4CE00, s1;
	s24 =	sadd.s32 s16, s5;
	[dreg:$0x5] =	wrdreg s17  }
0x16: {  	s1 =	sadd.s32 s26, s5;
	s16 =	sadd.s32 s0, s5;
	[dreg:$0x3] =	wrdreg s24  }
0x17: {  	s26 =	simm.s32 $0x300;
	s0 =	simm.s32 $0x0;
	[dreg:$0x4] =	wrdreg s1  }
0x18: {  	v0 =	vimm.f32 $0.0e+00;
	v1 =	vimm.f32 $1.000000000e+00;
	s17 =	sadd.s32 s8, s7;
	s24 =	simm.s32 $0x50;
	s1 =	simm.s32 $0x2  }
.LBB2_1:
0x19: {  	[tilespmem:s3], [sflag:$0x3] =	stream.linear.gather [hbm4b:s4+s3], $0x80, $0x38;
	[tilespmem:$0x19400] =	vst v63  }
0x1a: {  	s5 =	rddreg [dreg:$0x5]  }
0x1b: {  	[tilespmem:s18], [sflag:$0x3] =	stream.linear.gather [hbm4b:s5+s3], $0x80, $0x38;
	[tilespmem:$0x19400] =	vst v63  }
0x1c: {  	s7 =	simm.s32 $0x200;
	s5 =	simm.s32 $0x0;
	_ =	strace $0x80000048  }
.LBB2_2:
0x1d: {  	p0 =	sne.s32 s7, $0x9E00;
	[tilespmem:s5+$0x470] =	vst v0  }
0x1e: {  	[tilespmem:s5+$0x400] =	vst v0  }
0x1f: {  	[tilespmem:s5+$0x410] =	vst v0  }
.Ltmp0:
0x20: {  	[tilespmem:s5+$0x420] =	vst v0;
	(pc) =	sbr.rel @p0 .LBB2_2-.Ltmp0, $4  }
0x21: {  	[tilespmem:s5+$0x430] =	vst v0  }
0x22: {  	[tilespmem:s5+$0x440] =	vst v0  }
0x23: {  	[tilespmem:s5+$0x450] =	vst v0  }
0x24: {  	[tilespmem:s5+$0x460] =	vst v0;
	s5 =	sshra.s32 s7, $0x2;
	s7 =	sadd.s32 $0x200, s7  }
0x25: {  	[tilespmem:s5+$0x470] =	vst v0  }
0x26: {  	[tilespmem:s5+$0x400] =	vst v0  }
0x27: {  	[tilespmem:s5+$0x410] =	vst v0  }
0x28: {  	[tilespmem:s5+$0x420] =	vst v0  }
0x29: {  	[tilespmem:s5+$0x430] =	vst v0  }
0x2a: {  	[tilespmem:s5+$0x440] =	vst v0  }
0x2b: {  	[tilespmem:s5+$0x450] =	vst v0  }
0x2c: {  	[tilespmem:s5+$0x460] =	vst v0  }
0x2d: {  	[spmem:s6] =	stream.linear.scatter [tilespmem:s19], [sflag:$0x4], $0x2800, $0x200038;
	[tilespmem:$0x19400] =	vst v63  }
0x2e: {  	_ =	swait.ge [sflag:s20], $0x2800  }
0x2f: {  	[sflag:s20] =	ssyncset.done $0x0  }
0x30: {  	s7 =	rddreg [dreg:$0x6];
	[sflag:s20] =	ssyncadd.s32 $0xFFFFD800  }
0x31: {  	[spmem:s7] =	stream.linear.scatter [tilespmem:s19], [sflag:$0x4], $0x2800, $0x200038;
	[tilespmem:$0x19400] =	vst v63  }
0x32: {  	_ =	swait.ge [sflag:s20], $0x2800  }
0x33: {  	[sflag:s20] =	ssyncset.done $0x0  }
0x34: {  	s8 =	rddreg [dreg:$0x7];
	[sflag:s20] =	ssyncadd.s32 $0xFFFFD800  }
0x35: {  	[spmem:s8] =	stream.linear.scatter [tilespmem:s19], [sflag:$0x4], $0x2800, $0x200038;
	[tilespmem:$0x19400] =	vst v63  }
0x36: {  	_ =	swait.ge [sflag:s20], $0x2800  }
0x37: {  	[sflag:s20] =	ssyncset.done $0x0  }
0x38: {  	s9 =	rddreg [dreg:$0x8];
	[sflag:s20] =	ssyncadd.s32 $0xFFFFD800  }
0x39: {  	[spmem:s9] =	stream.linear.scatter [tilespmem:s19], [sflag:$0x4], $0x2800, $0x200038;
	[tilespmem:$0x19400] =	vst v63  }
0x3a: {  	_ =	swait.ge [sflag:s20], $0x2800  }
0x3b: {  	[sflag:s20] =	ssyncset.done $0x0  }
0x3c: {  	s10 =	rddreg [dreg:$0x9];
	[sflag:s20] =	ssyncadd.s32 $0xFFFFD800  }
0x3d: {  	[spmem:s10] =	stream.linear.scatter [tilespmem:s19], [sflag:$0x4], $0x2800, $0x200038;
	[tilespmem:$0x19400] =	vst v63  }
0x3e: {  	_ =	swait.ge [sflag:s20], $0x2800  }
0x3f: {  	[sflag:s20] =	ssyncset.done $0x0  }
0x40: {  	s11 =	rddreg [dreg:$0xa];
	[sflag:s20] =	ssyncadd.s32 $0xFFFFD800  }
0x41: {  	[spmem:s11] =	stream.linear.scatter [tilespmem:s19], [sflag:$0x4], $0x2800, $0x200038;
	[tilespmem:$0x19400] =	vst v63  }
0x42: {  	_ =	swait.ge [sflag:s20], $0x2800  }
0x43: {  	[sflag:s20] =	ssyncset.done $0x0  }
0x44: {  	[sflag:s20] =	ssyncadd.s32 $0xFFFFD800  }
0x45: {  	[spmem:s12] =	stream.linear.scatter [tilespmem:s19], [sflag:$0x4], $0x2800, $0x200038;
	[tilespmem:$0x19400] =	vst v63  }
0x46: {  	_ =	swait.ge [sflag:s20], $0x2800  }
0x47: {  	[sflag:s20] =	ssyncset.done $0x0  }
0x48: {  	[sflag:s20] =	ssyncadd.s32 $0xFFFFD800  }
0x49: {  	[spmem:s13] =	stream.linear.scatter [tilespmem:s19], [sflag:$0x4], $0x2800, $0x200038;
	[tilespmem:$0x19400] =	vst v63  }
0x4a: {  	_ =	swait.ge [sflag:s20], $0x2800  }
0x4b: {  	[sflag:s20] =	ssyncset.done $0x0  }
0x4c: {  	s5 =	simm.s32 $0x0;
	s7 =	simm.s32 $0x200;
	[sflag:s20] =	ssyncadd.s32 $0xFFFFD800  }
.LBB2_4:
0x4d: {  	p0 =	sne.s32 s7, $0x9E00;
	[tilespmem:s5+$0x2C70] =	vst v1  }
0x4e: {  	[tilespmem:s5+$0x400] =	vst v1  }
0x4f: {  	[tilespmem:s5+$0x2C00] =	vst v1  }
0x50: {  	[tilespmem:s5+$0x410] =	vst v1  }
0x51: {  	[tilespmem:s5+$0x2C10] =	vst v1  }
0x52: {  	[tilespmem:s5+$0x420] =	vst v1  }
0x53: {  	[tilespmem:s5+$0x2C20] =	vst v1  }
0x54: {  	[tilespmem:s5+$0x430] =	vst v1  }
0x55: {  	[tilespmem:s5+$0x2C30] =	vst v1  }
0x56: {  	[tilespmem:s5+$0x440] =	vst v1  }
0x57: {  	[tilespmem:s5+$0x2C40] =	vst v1  }
.Ltmp1:
0x58: {  	[tilespmem:s5+$0x450] =	vst v1;
	(pc) =	sbr.rel @p0 .LBB2_4-.Ltmp1, $4  }
0x59: {  	[tilespmem:s5+$0x2C50] =	vst v1  }
0x5a: {  	[tilespmem:s5+$0x460] =	vst v1  }
0x5b: {  	[tilespmem:s5+$0x2C60] =	vst v1  }
0x5c: {  	[tilespmem:s5+$0x470] =	vst v1;
	s5 =	sshra.s32 s7, $0x2;
	s7 =	sadd.s32 $0x200, s7  }
0x5d: {  	[tilespmem:s5+$0x2C70] =	vst v1  }
0x5e: {  	[tilespmem:s5+$0x400] =	vst v1  }
0x5f: {  	[tilespmem:s5+$0x2C00] =	vst v1  }
0x60: {  	[tilespmem:s5+$0x410] =	vst v1  }
0x61: {  	[tilespmem:s5+$0x2C10] =	vst v1  }
0x62: {  	[tilespmem:s5+$0x420] =	vst v1  }
0x63: {  	[tilespmem:s5+$0x2C20] =	vst v1  }
0x64: {  	[tilespmem:s5+$0x430] =	vst v1  }
0x65: {  	[tilespmem:s5+$0x2C30] =	vst v1  }
0x66: {  	[tilespmem:s5+$0x440] =	vst v1  }
0x67: {  	[tilespmem:s5+$0x2C40] =	vst v1  }
0x68: {  	[tilespmem:s5+$0x450] =	vst v1  }
0x69: {  	[tilespmem:s5+$0x2C50] =	vst v1  }
0x6a: {  	[tilespmem:s5+$0x460] =	vst v1  }
0x6b: {  	[tilespmem:s5+$0x2C60] =	vst v1  }
0x6c: {  	[tilespmem:s5+$0x470] =	vst v1  }
0x6d: {  	[bflag:$0x0] =	sbarrier.arrive $0xFFFF  }
0x6e: {  	_ =	strace $0x90000048  }
0x6f: {  	_ =	strace $0x80000049  }
0x70: {  	_ =	swait.ge [sflag:s21], $0x80  }
0x71: {  	[sflag:s21] =	ssyncset.done $0x0  }
0x72: {  	[sflag:s21] =	ssyncadd.s32 $0xFFFFFF80  }
0x73: {  	_ =	swait.ge [sflag:s21], $0x80  }
0x74: {  	s5 =	sadd.s32 $0x0, s17;
	[sflag:s21] =	ssyncset.done $0x0  }
0x75: {  	p0 =	por $0x1, $0x1;
	s7 =	sadd.s32 $0x20, s5;
	[sflag:s21] =	ssyncadd.s32 $0xFFFFFF80  }
0x76: {  	[tilespmem:s22], [sflag:$0x3] =	stream.linear.gather [hbm4b:s7+s3], $0x80, $0x200038;
	[tilespmem:$0x19400] =	vst v63  }
0x77: {  	s9 =	sadd.s32 $0x30, s5;
	s7 =	simm.s32 @!p0 $0x1  }
0x78: {  	[tilespmem:s23], [sflag:$0x3] =	stream.linear.gather [hbm4b:s9+s3], $0x80, $0x200038;
	[tilespmem:$0x19400] =	vst v63  }
0x79: {  	_ =	swait.ge @!p0 [sflag:s7], $0x2800  }
0x7a: {  	[sflag:s7] =	ssyncset.done @!p0 $0x0  }
0x7b: {  	[sflag:s7] =	ssyncadd.s32 @!p0 $0xFFFFD800  }
0x7c: {  	[spmem:s2] =	stream.indirect.scatter.add.f32 [tilespmem:s19], [sflag:$0x1], $0x80, s18, s24, $0x2000b8;
	[tilespmem:$0x19400] =	vst v63  }
0x7d: {  	_ =	swait.ge [sflag:s21], $0x80  }
0x7e: {  	[sflag:s21] =	ssyncset.done $0x0  }
0x7f: {  	[sflag:s21] =	ssyncadd.s32 $0xFFFFFF80  }
0x80: {  	_ =	swait.ge [sflag:s21], $0x80  }
0x81: {  	s10 =	sadd.s32 $0x0, s16;
	[sflag:s21] =	ssyncset.done $0x0  }
0x82: {  	s8 =	sadd.s32 $0x40, s10;
	[sflag:s21] =	ssyncadd.s32 $0xFFFFFF80  }
0x83: {  	[tilespmem:s25], [sflag:$0x3] =	stream.linear.gather [hbm4b:s8+s3], $0x80, $0x200038;
	[tilespmem:$0x19400] =	vst v63  }
0x84: {  	s7 =	sadd.s32 $0x50, s10;
	s8 =	simm.s32 @!p0 $0x2  }
0x85: {  	[tilespmem:s26], [sflag:$0x3] =	stream.linear.gather [hbm4b:s7+s3], $0x80, $0x200038;
	[tilespmem:$0x19400] =	vst v63  }
0x86: {  	_ =	swait.ge @!p0 [sflag:s8], $0x2800  }
0x87: {  	[sflag:s8] =	ssyncset.done @!p0 $0x0  }
0x88: {  	[sflag:s8] =	ssyncadd.s32 @!p0 $0xFFFFD800  }
0x89: {  	[spmem:s2] =	stream.indirect.scatter.add.f32 [tilespmem:s28], [sflag:$0x2], $0x80, s23, s24, $0x2000b8;
	[tilespmem:$0x19400] =	vst v63  }
0x8a: {  	_ =	swait.ge [sflag:s21], $0x80  }
0x8b: {  	[sflag:s21] =	ssyncset.done $0x0  }
0x8c: {  	[sflag:s21] =	ssyncadd.s32 $0xFFFFFF80  }
0x8d: {  	_ =	swait.ge [sflag:s21], $0x80  }
0x8e: {  	[sflag:s21] =	ssyncset.done $0x0  }
0x8f: {  	s11 =	sadd.s32 $0x60, s5;
	[sflag:s21] =	ssyncadd.s32 $0xFFFFFF80  }
0x90: {  	[tilespmem:s29], [sflag:$0x3] =	stream.linear.gather [hbm4b:s11+s3], $0x80, $0x200038;
	[tilespmem:$0x19400] =	vst v63  }
0x91: {  	s5 =	sadd.s32 $0x70, s5  }
0x92: {  	[tilespmem:s30], [sflag:$0x3] =	stream.linear.gather [hbm4b:s5+s3], $0x80, $0x200038;
	[tilespmem:$0x19400] =	vst v63  }
0x93: {  	_ =	swait.ge [sflag:s31], $0x2800  }
0x94: {  	[sflag:s31] =	ssyncset.done $0x0  }
0x95: {  	[sflag:s31] =	ssyncadd.s32 $0xFFFFD800  }
0x96: {  	[spmem:s2] =	stream.indirect.scatter.add.f32 [tilespmem:s19], [sflag:$0x1], $0x80, s26, s24, $0x2000b8;
	[tilespmem:$0x19400] =	vst v63  }
0x97: {  	_ =	swait.ge [sflag:s21], $0x80  }
0x98: {  	[sflag:s21] =	ssyncset.done $0x0  }
0x99: {  	[sflag:s21] =	ssyncadd.s32 $0xFFFFFF80  }
0x9a: {  	p0 =	por $0x0, $0x0;
	_ =	swait.ge [sflag:s21], $0x80  }
0x9b: {  	s8 =	simm.s32 @!p0 $0x0;
	s5 =	rddreg [dreg:$0x3];
	[sflag:s21] =	ssyncset.done $0x0  }
0x9c: {  	s7 =	rddreg [dreg:$0x4];
	[sflag:s21] =	ssyncadd.s32 $0xFFFFFF80;
	s5 =	sadd.s32 @!p0 $0x0, s5  }
0x9d: {  	[tilespmem:s8], [sflag:$0x3] =	stream.linear.gather @!p0 [hbm4b:s5+s8], $0x80, $0x200038;
	[tilespmem:$0x19400] =	vst v63  }
0x9e: {  	s7 =	sadd.s32 @!p0 $0x0, s7;
	s5 =	simm.s32 @!p0 $0x200  }
0x9f: {  	[tilespmem:s5], [sflag:$0x3] =	stream.linear.gather @!p0 [hbm4b:s7+s8], $0x80, $0x200038;
	[tilespmem:$0x19400] =	vst v63  }
0xa0: {  	_ =	swait.ge [sflag:s1], $0x2800  }
0xa1: {  	s5 =	simm.s32 $0x80;
	[sflag:s1] =	ssyncset.done $0x0  }
.LBB2_6:
0xa2: {  	[sflag:s1] =	ssyncadd.s32 $0xFFFFD800  }
0xa3: {  	[spmem:s2] =	stream.indirect.scatter.add.f32 [tilespmem:s28], [sflag:$0x2], $0x80, s30, s24, $0x2000b8;
	[tilespmem:$0x19400] =	vst v63  }
0xa4: {  	_ =	swait.ge [sflag:s21], $0x80  }
0xa5: {  	[sflag:s21] =	ssyncset.done $0x0  }
0xa6: {  	[sflag:s21] =	ssyncadd.s32 $0xFFFFFF80  }
0xa7: {  	s7 =	smov.u32 s5;
	_ =	swait.ge [sflag:s21], $0x80  }
0xa8: {  	s8 =	sadd.s32 s7, s17;
	[sflag:s21] =	ssyncset.done $0x0  }
0xa9: {  	p1 =	seq.s32 s7, $0x0;
	s9 =	sadd.s32 $0x20, s8;
	[sflag:s21] =	ssyncadd.s32 $0xFFFFFF80  }
0xaa: {  	[tilespmem:s22], [sflag:$0x3] =	stream.linear.gather [hbm4b:s9+s3], $0x80, $0x200038;
	[tilespmem:$0x19400] =	vst v63  }
0xab: {  	s10 =	sadd.s32 $0x30, s8;
	s9 =	simm.s32 @!p1 $0x1  }
0xac: {  	[tilespmem:s23], [sflag:$0x3] =	stream.linear.gather [hbm4b:s10+s3], $0x80, $0x200038;
	[tilespmem:$0x19400] =	vst v63  }
0xad: {  	_ =	swait.ge @!p1 [sflag:s9], $0x2800  }
0xae: {  	[sflag:s9] =	ssyncset.done @!p1 $0x0  }
0xaf: {  	[sflag:s9] =	ssyncadd.s32 @!p1 $0xFFFFD800  }
0xb0: {  	[spmem:s2] =	stream.indirect.scatter.add.f32 [tilespmem:s19], [sflag:$0x1], $0x80, s18, s24, $0x2000b8;
	[tilespmem:$0x19400] =	vst v63  }
0xb1: {  	_ =	swait.ge [sflag:s21], $0x80  }
0xb2: {  	[sflag:s21] =	ssyncset.done $0x0  }
0xb3: {  	[sflag:s21] =	ssyncadd.s32 $0xFFFFFF80  }
0xb4: {  	_ =	swait.ge [sflag:s21], $0x80  }
0xb5: {  	s11 =	sadd.s32 s7, s16;
	[sflag:s21] =	ssyncset.done $0x0  }
0xb6: {  	s10 =	sadd.s32 $0x40, s11;
	[sflag:s21] =	ssyncadd.s32 $0xFFFFFF80  }
0xb7: {  	[tilespmem:s25], [sflag:$0x3] =	stream.linear.gather [hbm4b:s10+s3], $0x80, $0x200038;
	[tilespmem:$0x19400] =	vst v63  }
0xb8: {  	s9 =	sadd.s32 $0x50, s11;
	s10 =	simm.s32 @!p1 $0x2  }
0xb9: {  	[tilespmem:s26], [sflag:$0x3] =	stream.linear.gather [hbm4b:s9+s3], $0x80, $0x200038;
	[tilespmem:$0x19400] =	vst v63  }
0xba: {  	_ =	swait.ge @!p1 [sflag:s10], $0x2800  }
0xbb: {  	[sflag:s10] =	ssyncset.done @!p1 $0x0  }
0xbc: {  	[sflag:s10] =	ssyncadd.s32 @!p1 $0xFFFFD800  }
0xbd: {  	[spmem:s2] =	stream.indirect.scatter.add.f32 [tilespmem:s28], [sflag:$0x2], $0x80, s23, s24, $0x2000b8;
	[tilespmem:$0x19400] =	vst v63  }
0xbe: {  	_ =	swait.ge [sflag:s21], $0x80  }
0xbf: {  	[sflag:s21] =	ssyncset.done $0x0  }
0xc0: {  	[sflag:s21] =	ssyncadd.s32 $0xFFFFFF80  }
0xc1: {  	_ =	swait.ge [sflag:s21], $0x80  }
0xc2: {  	[sflag:s21] =	ssyncset.done $0x0  }
0xc3: {  	s11 =	sadd.s32 $0x60, s8;
	[sflag:s21] =	ssyncadd.s32 $0xFFFFFF80  }
0xc4: {  	[tilespmem:s29], [sflag:$0x3] =	stream.linear.gather [hbm4b:s11+s3], $0x80, $0x200038;
	[tilespmem:$0x19400] =	vst v63  }
0xc5: {  	s8 =	sadd.s32 $0x70, s8  }
0xc6: {  	[tilespmem:s30], [sflag:$0x3] =	stream.linear.gather [hbm4b:s8+s3], $0x80, $0x200038;
	[tilespmem:$0x19400] =	vst v63  }
0xc7: {  	_ =	swait.ge [sflag:s31], $0x2800  }
0xc8: {  	[sflag:s31] =	ssyncset.done $0x0  }
0xc9: {  	[sflag:s31] =	ssyncadd.s32 $0xFFFFD800  }
0xca: {  	[spmem:s2] =	stream.indirect.scatter.add.f32 [tilespmem:s19], [sflag:$0x1], $0x80, s26, s24, $0x2000b8;
	[tilespmem:$0x19400] =	vst v63  }
0xcb: {  	_ =	swait.ge [sflag:s21], $0x80  }
0xcc: {  	[sflag:s21] =	ssyncset.done $0x0  }
0xcd: {  	s5 =	sadd.s32 $0x80, s5;
	[sflag:s21] =	ssyncadd.s32 $0xFFFFFF80  }
0xce: {  	p0 =	sne.s32 s5, $0x1000;
	_ =	swait.ge [sflag:s21], $0x80  }
0xcf: {  	p1 =	seq.s32 s7, $0xF80;
	s8 =	rddreg [dreg:$0x3];
	[sflag:s21] =	ssyncset.done $0x0  }
0xd0: {  	s10 =	simm.s32 @!p1 $0x0;
	[sflag:s21] =	ssyncadd.s32 $0xFFFFFF80;
	s8 =	sadd.s32 @!p1 s7, s8  }
0xd1: {  	[tilespmem:s10], [sflag:$0x3] =	stream.linear.gather @!p1 [hbm4b:s8+s10], $0x80, $0x200038;
	[tilespmem:$0x19400] =	vst v63  }
.Ltmp2:
0xd2: {  	s9 =	rddreg [dreg:$0x4];
	(pc) =	sbr.rel @p0 .LBB2_6-.Ltmp2, $4  }
0xd3: {  	s11 =	simm.s32 @!p1 $0x200;
	s7 =	sadd.s32 @!p1 s7, s9  }
0xd4: {  	[tilespmem:s11], [sflag:$0x3] =	stream.linear.gather @!p1 [hbm4b:s7+s10], $0x80, $0x200038;
	[tilespmem:$0x19400] =	vst v63  }
0xd5: {  	_ =	swait.ge [sflag:s1], $0x2800  }
0xd6: {  	[sflag:s1] =	ssyncset.done $0x0  }
0xd7: {  	[sflag:s1] =	ssyncadd.s32 $0xFFFFD800  }
0xd8: {  	[spmem:s2] =	stream.indirect.scatter.add.f32 [tilespmem:s28], [sflag:$0x2], $0x80, s30, s24, $0x2000b8;
	[tilespmem:$0x19400] =	vst v63  }
0xd9: {  	_ =	swait.ge [sflag:s31], $0x2800  }
0xda: {  	[sflag:s31] =	ssyncset.done $0x0  }
0xdb: {  	[sflag:s31] =	ssyncadd.s32 $0xFFFFD800  }
0xdc: {  	_ =	swait.ge [sflag:s1], $0x2800  }
0xdd: {  	[sflag:s1] =	ssyncset.done $0x0  }
0xde: {  	[sflag:s1] =	ssyncadd.s32 $0xFFFFD800  }
0xdf: {  	_ =	strace $0x90000049  }
0xe0: {  	_ =	strace $0x8000004A  }
0xe1: {  	s5 =	stileid.u32;
	s7 =	sshrl.u32 s6, $0x3;
	[bflag:$0x0] =	sbarrier.arrive $0xFFFF  }
0xe2: {  	s0 =	sadd.s32 $0x1, s0;
	s5 =	sshll.u32 s5, $0x6;
	_ =	strace $0x9000004A  }
0xe3: {  	p0 =	sne.s32 s0, s15;
	s5 =	sor.u32 $0x1C04, s5;
	_ =	strace $0x8000004B  }
0xe4: {  	[hbm:s14], [sflag:s5] =	dma.local [spmem:s7], $0x2800  }
.Ltmp3:
0xe5: {  	_ = 	snop;
	(pc) =	sbr.rel @p0 .LBB2_1-.Ltmp3, $4  }
0xe6: {  	_ =	swait.ge [sflag:s20], $0x2800  }
0xe7: {  	[sflag:s20] =	ssyncset.done $0x0  }
0xe8: {  	[sflag:s20] =	ssyncadd.s32 $0xFFFFD800  }
0xe9: {  	_ =	strace $0x9000004B  }
0xea: {  	_ =	sfence.sel $0x180000  }
0xeb: {  	[bflag:$0x0] =	sbarrier.arrive $0xFFFF  }
0xec: {  	_ =	strace $0x90000047  }
0xed: {  	s0 =	stileid.u32;
	[bflag:$0x2] =	sbarrier.arrive $0xFFFF  }
0xee: {  	p0 =	sne.s32 s0, $0x0;
	s0 =	rddreg [dreg:$0x2]  }
0xef: {  	s0 =	sadd.s32 @!p0 $0x100000, s0  }
0xf0: {  	[sflag:s0] =	ssyncadd.tile.s32 @!p0 $0x1;
	_ =	shalt  }
.Lfunc_end2:
_tile_overlayer_lowered:
.L_overlay_start_2:
0xf1: {  	(tag) =	ssettag $0x2  }
0xf2: {  	s0 =	rddreg [dreg:$0x0];
	s2 =	stileid.u32  }
0xf3: {  	s1 =	rddreg [dreg:$0x1];
	p0 =	sne.s32 s2, $0x0  }
0xf4: {  	s3 =	rddreg [dreg:$0x2];
	[bflag:$0x3] =	sbarrier.arrive $0xFFFF;
	s2 =	simm.s32 @!p0 $0x1C04  }
0xf5: {  	[timem:s3], [sflag:s2] =	dma.local @!p0 [hbm:s0], s1  }
0xf6: {  	s0 =	simm.s32 @!p0 $0x4  }
0xf7: {  	_ =	swait.ge @!p0 [sflag:s0], s1  }
0xf8: {  	s1 =	ssub.s32 @!p0 $0x0, s1;
	[sflag:s0] =	ssyncset.done @!p0 $0x0  }
0xf9: {  	[sflag:s0] =	ssyncadd.s32 @!p0 s1  }
0xfa: {  	[bflag:$0x3] =	sbarrier.arrive $0xFFFF  }
0xfb: {  	_ =	shalt  }

// kernel: _run.16.cloned.1.call-start
scs
__scs_entry_jumppad:
0x0: {  	(pc) =	sbr.rel $0x88, $3  }
0x1: {  	(tag) =	ssettag $0x0;
	lr =	simm.s32 $0x1  }
0x2: {  	[smem:$0x3F91] =	sst lr;
	_ =	strace $0xD0000000  }
0x3: {  	_ = 	snop  }
0x4: {  	_ = 	snop  }
0x5: {  	_ = 	snop  }
0x6: {  	_ = 	snop  }
0x7: {  	_ = 	snop  }
__scs_overlays_trampoline_lowered:
0x8: {  	[smem:$0x3FA0] =	sst s0  }
0x9: {  	[smem:$0x3FA1] =	sst s1  }
0xa: {  	[smem:$0x3FA2] =	sst s2  }
0xb: {  	[smem:$0x3FA3] =	sst s3  }
0xc: {  	[smem:$0x3FA4] =	sst s4  }
0xd: {  	[smem:$0x3FA5] =	sst s5  }
0xe: {  	[smem:$0x3FA6] =	sst s6  }
0xf: {  	[smem:$0x3FA7] =	sst s7  }
0x10: {  	[smem:$0x3FA8] =	sst s8  }
0x11: {  	[smem:$0x3FA9] =	sst s9;
	s0 =	simm.s32 @!p0 $0x0  }
0x12: {  	s1 =	sld [smem:$0x3F8F];
	s0 =	simm.s32 @p0 $0x1  }
0x13: {  	[smem:$0x3FAA] =	sst s0;
	s0 =	simm.s32 @!p1 $0x0  }
0x14: {  	s2 =	sld [smem:$0x3F8E];
	s0 =	simm.s32 @p1 $0x1  }
0x15: {  	[smem:$0x3FAB] =	sst s0;
	s0 =	simm.s32 @!p2 $0x0  }
0x16: {  	s3 =	sld [smem:$0x3FDB];
	s0 =	simm.s32 @p2 $0x1  }
0x17: {  	s4 =	simm.s32 $0x1BF5;
	[smem:$0x3FAD] =	sst s0  }
0x18: {  	s0 =	sld [smem:$0x3F90];
	_ =	swait.ge [sflag:s4], $0x0  }
0x19: {  	s7 =	sld [smem:$0x3F91]  }
0x1a: {  	s8 =	sadd.s32 $0xFFFFE003, lr  }
0x1b: {  	s9 =	sadd.s32 $0xFFFFFEF7, lr;
	s5 =	simm.s32 $0xFFFFFFFF;
	p2 =	slt.u32 s8, $0xFFFFF086  }
0x1c: {  	p1 =	slt.u32 s9, $0xF7A;
	s5 =	simm.s32 @!p2 $0x0  }
0x1d: {  	s5 =	simm.s32 @p1 $0x1;
	p0 =	seq.s32 s7, s2  }
0x1e: {  	s7 =	smul.u32 @!p0 $0xF7A, s2;
	p2 =	seq.s32 @!p0 s5, $0x0  }
0x1f: {  	s9 =	smul.u32 $0xF7A, s1;
	s8 =	simm.s32 @!p0 $0x1BF5;
	p2 =	por !p2, p0  }
0x20: {  	[sflag:s8] =	ssyncset.s32 @!p0 $0xFFFFF086;
	s6 =	sadd.s32 @!p0 s3, s7;
	s7 =	simm.s32 @!p0 $0x108  }
0x21: {  	s3 =	sadd.s32 s3, s9;
	s6 =	sadd.s32 @!p0 $0x88, s6;
	s7 =	simm.s32 @p2 $0x1082  }
0x22: {  	[simem:s7], [sflag:s8] =	dma.local @!p0 [hbm:s6], $0xF7A  }
0x23: {  	s9 =	sor.u32 $0xD0000000, s2;
	s6 =	simm.s32 $0x108;
	_ =	swait.ge @!p0 [sflag:s8], $0x0  }
0x24: {  	s3 =	sadd.s32 $0x88, s3;
	s6 =	simm.s32 @!p1 $0x1082;
	[sflag:s4] =	ssyncset.s32 $0xFFFFF086  }
0x25: {  	[simem:s6], [sflag:s4] =	dma.local [hbm:s3], $0xF7A  }
0x26: {  	[smem:$0x3F91] =	sst s1;
	(tag) =	ssettag s2;
	_ =	strace s9  }
0x27: {  	s1 =	sld [smem:$0x3FA1]  }
0x28: {  	s2 =	sld [smem:$0x3FA2]  }
0x29: {  	s4 =	sld [smem:$0x3FA4]  }
0x2a: {  	p0 =	seq.s32 s5, $0x0;
	s5 =	sld [smem:$0x3FA5]  }
0x2b: {  	s6 =	sld [smem:$0x3FA6]  }
0x2c: {  	s7 =	sld [smem:$0x3FA7]  }
0x2d: {  	s3 =	simm.s32 $0x108;
	s8 =	sld [smem:$0x3FA8]  }
0x2e: {  	s3 =	simm.s32 @!p0 $0x1082;
	s9 =	sld [smem:$0x3FA9]  }
0x2f: {  	lr =	sadd.s32 s0, s3;
	s0 =	sld [smem:$0x3FA0]  }
0x30: {  	s3 =	sld [smem:$0x3FA3]  }
0x31: {  	[smem:$0x3FAC] =	sst s10  }
0x32: {  	s10 =	sld [smem:$0x3FAA];
	_ =	sdelay $0x3  }
0x33: {  	p0 =	seq.s32 s10, $0x1;
	s10 =	sld [smem:$0x3FAC];
	_ =	sdelay $0x3  }
0x34: {  	[smem:$0x3FAC] =	sst s10  }
0x35: {  	s10 =	sld [smem:$0x3FAB];
	_ =	sdelay $0x3  }
0x36: {  	p1 =	seq.s32 s10, $0x1;
	s10 =	sld [smem:$0x3FAC];
	_ =	sdelay $0x3  }
0x37: {  	[smem:$0x3FAC] =	sst s10  }
0x38: {  	s10 =	sld [smem:$0x3FAD]  }
0x39: {  	_ = 	snop;
	(pc) =	sbr.ind lr, $3  }
0x3a: {  	_ = 	snop  }
0x3b: {  	_ = 	snop  }
0x3c: {  	p2 =	seq.s32 s10, $0x1;
	s10 =	sld [smem:$0x3FAC]  }
0x3d: {  	_ =	shalt  }
0x3e: {  	_ =	shalt  }
0x3f: {  	_ =	shalt  }
0x40: {  	_ =	shalt  }
0x41: {  	_ =	shalt  }
0x42: {  	_ =	shalt  }
0x43: {  	_ =	shalt  }
0x44: {  	_ =	shalt  }
0x45: {  	_ =	shalt  }
0x46: {  	_ =	shalt  }
0x47: {  	_ =	shalt  }
0x48: {  	_ =	shalt  }
0x49: {  	_ =	shalt  }
0x4a: {  	_ =	shalt  }
0x4b: {  	_ =	shalt  }
0x4c: {  	_ =	shalt  }
0x4d: {  	_ =	shalt  }
0x4e: {  	_ =	shalt  }
0x4f: {  	_ =	shalt  }
0x50: {  	_ =	shalt  }
0x51: {  	_ =	shalt  }
0x52: {  	_ =	shalt  }
0x53: {  	_ =	shalt  }
0x54: {  	_ =	shalt  }
0x55: {  	_ =	shalt  }
0x56: {  	_ =	shalt  }
0x57: {  	_ =	shalt  }
0x58: {  	_ =	shalt  }
0x59: {  	_ =	shalt  }
0x5a: {  	_ =	shalt  }
0x5b: {  	_ =	shalt  }
0x5c: {  	_ =	shalt  }
0x5d: {  	_ =	shalt  }
0x5e: {  	_ =	shalt  }
0x5f: {  	_ =	shalt  }
0x60: {  	_ =	shalt  }
0x61: {  	_ =	shalt  }
0x62: {  	_ =	shalt  }
0x63: {  	_ =	shalt  }
0x64: {  	_ =	shalt  }
0x65: {  	_ =	shalt  }
0x66: {  	_ =	shalt  }
0x67: {  	_ =	shalt  }
0x68: {  	_ =	shalt  }
0x69: {  	_ =	shalt  }
0x6a: {  	_ =	shalt  }
0x6b: {  	_ =	shalt  }
0x6c: {  	_ =	shalt  }
0x6d: {  	_ =	shalt  }
0x6e: {  	_ =	shalt  }
0x6f: {  	_ =	shalt  }
0x70: {  	_ =	shalt  }
0x71: {  	_ =	shalt  }
0x72: {  	_ =	shalt  }
0x73: {  	_ =	shalt  }
0x74: {  	_ =	shalt  }
0x75: {  	_ =	shalt  }
0x76: {  	_ =	shalt  }
0x77: {  	_ =	shalt  }
0x78: {  	_ =	shalt  }
0x79: {  	_ =	shalt  }
0x7a: {  	_ =	shalt  }
0x7b: {  	_ =	shalt  }
0x7c: {  	_ =	shalt  }
0x7d: {  	_ =	shalt  }
0x7e: {  	_ =	shalt  }
0x7f: {  	_ =	shalt  }
0x80: {  	_ =	shalt  }
0x81: {  	_ =	shalt  }
0x82: {  	_ =	shalt  }
0x83: {  	_ =	shalt  }
0x84: {  	_ =	shalt  }
0x85: {  	_ =	shalt  }
0x86: {  	_ =	shalt  }
0x87: {  	_ =	shalt  }
.Lfunc_end0:
.L_simem_size_0:
called_computation.1_lowered:
.L_overlay_start_0:
0x88: {  	s2 =	sld [smem:$0x3FD9]  }
0x89: {  	s3 =	sld [smem:$0x3FFE];
	_ =	sdelay $0x1  }
0x8a: {  	s1 =	srdreg.scid  }
0x8b: {  	s0 =	sand.u32 $0x1, s1  }
0x8c: {  	s16 =	sshll.u32 s0, $0xA;
	s2 =	sadd.s32 s3, s2  }
0x8d: {  	s2 =	sadd.s32 s2, s16  }
0x8e: {  	[smem:$0x3FB8] =	sst s2  }
0x8f: {  	_ = 	snop  }
0x90: {  	(tm) =	ssettm $0x1  }
0x91: {  	s17 =	sld [smem:$0x3FFB];
	_ =	sdelay $0x3  }
0x92: {  	_ =	strace s17  }
0x93: {  	s2 =	sld [smem:$0x3FFC];
	_ =	sdelay $0x3  }
0x94: {  	_ =	strace s2  }
0x95: {  	s2 =	sld [smem:$0x3FFD];
	_ =	sdelay $0x3  }
0x96: {  	_ =	strace s2  }
0x97: {  	_ =	strace $0x8FFFFFFF  }
0x98: {  	s18 =	sld [smem:$0x3FDB];
	_ =	sdelay $0x1  }
0x99: {  	s19 =	simm.s32 $_scs_section_size  }
0x9a: {  	s4 =	simm.s32 $_size__tile_overlayer_lowered;
	s5 =	simm.s32 $_tile_overlayer_lowered  }
0x9b: {  	s22 =	simm.s32 $0x1BFF;
	s21 =	sshll.u32 s5, $0x1;
	s2 =	sadd.s32 s19, s18  }
0x9c: {  	s6 =	simm.s32 $0x0;
	s20 =	sshll.u32 s4, $0x1;
	s4 =	sadd.s32 s21, s2  }
0x9d: {  	[timem:s6], [sflag:s22] =	dma.local [hbm:s4], s20  }
0x9e: {  	_ =	swait.ge [sflag:s22], s20  }
0x9f: {  	s3 =	ssub.s32 $0x0, s20;
	[sflag:s22] =	ssyncset.done $0x0  }
0xa0: {  	[sflag:s22] =	ssyncadd.s32 s3;
	_ =	sdelay $0x1  }
0xa1: {  	s23 =	simm.s32 $0x1B8B  }
0xa2: {  	_ =	swait.ge [sflag:s23], $0x1  }
0xa3: {  	[sflag:s23] =	ssyncset.done $0x0  }
0xa4: {  	s25 =	simm.s32 $0x1B8E;
	s24 =	sld [smem:$0x3FFE];
	[sflag:s23] =	ssyncadd.s32 $0xFFFFFFFF  }
0xa5: {  	s26 =	simm.s32 $execute0_lowered;
	[smem:$0x3FD2] =	sst s25  }
0xa6: {  	s4 =	sshll.u32 s26, $0x1;
	_ =	strace $0x8000004D;
	[dreg:$0x1] =	wrdreg $0xFFFFFFFF  }
0xa7: {  	s28 =	simm.s32 $_size_execute0_lowered;
	s2 =	sadd.s32 s2, s4;
	[dreg:$0x0] =	wrdreg $0x0  }
0xa8: {  	s4 =	sshll.u32 s28, $0x1;
	[dreg:$0x2] =	wrdreg s2  }
0xa9: {  	[dreg:$0x3] =	wrdreg s4  }
0xaa: {  	[dreg:$0x4] =	wrdreg $0xC0  }
0xab: {  	_ =	task [dreg:s6], $0x5FFFF  }
0xac: {  	[dreg:$0x1] =	wrdreg $0xFFFFFFFF  }
0xad: {  	[dreg:$0x0] =	wrdreg $0x60  }
0xae: {  	[dreg:$0x2] =	wrdreg s24  }
0xaf: {  	[dreg:$0x3] =	wrdreg $0x54000  }
0xb0: {  	[dreg:$0x4] =	wrdreg $0x9  }
0xb1: {  	_ =	task.clear_ibuf [dreg:s6], $0x5FFFF;
	_ =	strace $0x9000004D  }
0xb2: {  	s29 =	simm.s32 $0x9;
	_ =	strace $0x80000053  }
0xb3: {  	_ =	swait.ge [sflag:s29], $0x1  }
0xb4: {  	[sflag:s29] =	ssyncadd.s32 $0xFFFFFFFF  }
0xb5: {  	_ =	strace $0x90000053  }
0xb6: {  	_ =	sfence  }
0xb7: {  	s30 =	sld [smem:$0x0];
	_ =	sdelay $0x2  }
0xb8: {  	s31 =	sshll.u32 s1, $0xD;
	s1 =	sshrl.u32 s1, $0x2  }
0xb9: {  	s3 =	sand.u32 $0x4000, s31;
	s1 =	sadd.s32 s1, s30  }
0xba: {  	s0 =	sor.u32 s3, s0;
	s1 =	sshll.u32 s1, $0x11  }
0xbb: {  	s0 =	sor.u32 s1, s0  }
0xbc: {  	s0 =	sadd.s32 $0x8F2B, s0  }
0xbd: {  	[sflag:s0] =	ssyncadd.remote.s32 $0x1  }
0xbe: {  	_ =	sfence.sel $0xFFFF  }
0xbf: {  	[dreg:$0x0] =	wrdreg $0xFFFFFFFF;
	(pc) =	sbr.abs _section_cstart, $3  }
0xc0: {  	[dreg:$0x1] =	wrdreg $0xFFFFFFFF  }
0xc1: {  	_ =	task.clear_ibuf [dreg:s6], $0x2FFFF;
	_ =	strace $0x9FFFFFFF  }
0xc2: {  	(tm) =	ssettm $0x7FFFFFFF  }
0xc3: {  	_ =	shalt  }
tec
execute0_lowered:
.L_overlay_start_1:
0x0: {  	(tag) =	ssettag $0x1  }
0x1: {  	s0 =	rddreg [dreg:$0x0];
	s1 =	srdreg.scid  }
0x2: {  	s2 =	rddreg [dreg:$0x1];
	s12 =	stileid.u32;
	s3 =	simm.s32 $0x0  }
0x3: {  	s28 =	simm.s32 $0x2C00;
	s29 =	simm.s32 $0x180;
	s30 =	simm.s32 $0x380  }
0x4: {  	s31 =	simm.s32 $0x2;
	s1 =	sand.u32 $0x1, s1;
	s5 =	smul.u32 $0x14000, s12  }
0x5: {  	[smem:$0x7FF] =	sst s3;
	s6 =	sadd.s32 $0x4E00, s0;
	s7 =	smul.u32 $0x50000, s12  }
0x6: {  	s9 =	sshll.u32 s12, $0xC;
	s20 =	sshll.u32 s12, $0xF;
	s4 =	smul.u32 $0x140000, s1  }
0x7: {  	_ =	strace $0x8000004E;
	s8 =	sshll.u32 s1, $0x10;
	s10 =	ssub.s32 $0x2, s1  }
0x8: {  	s1 =	sshll.u32 s1, $0x13;
	s17 =	sor.u32 s9, s8;
	s11 =	sshrl.u32 s10, $0x1  }
0x9: {  	s7 =	sshrl.u32 s7, $0x2;
	s1 =	sor.u32 s20, s1;
	s20 =	simm.s32 $0x4  }
0xa: {  	s5 =	sadd.s32 s5, s4;
	s4 =	sadd.s32 $0x24E00, s0;
	s16 =	ssub.s32 s10, s11  }
0xb: {  	s7 =	sadd.s32 s7, s2;
	s14 =	sor.u32 $0x400, s1;
	s5 =	sshrl.u32 s5, $0x3  }
0xc: {  	s19 =	sadd.s32 $0x2800, s7;
	s21 =	sadd.s32 $0x5000, s7;
	s22 =	sadd.s32 $0x7800, s7  }
0xd: {  	s23 =	sadd.s32 $0xA000, s7;
	s24 =	sadd.s32 $0xC800, s7;
	[dreg:$0x8] =	wrdreg s19  }
0xe: {  	s13 =	sadd.s32 $0xF000, s7;
	s15 =	sshrl.u32 s14, $0x3;
	[dreg:$0x9] =	wrdreg s21  }
0xf: {  	s14 =	sadd.s32 $0x11800, s7;
	s16 =	smax.u32 s16, $0x1;
	[dreg:$0xa] =	wrdreg s22  }
0x10: {  	s0 =	sadd.s32 s5, s0;
	s5 =	sadd.s32 s6, s17;
	[dreg:$0xb] =	wrdreg s23  }
0x11: {  	[dreg:$0xc] =	wrdreg s24;
	s17 =	sor.u32 $0x480, s1;
	s15 =	sadd.s32 s15, s6  }
0x12: {  	s1 =	sshrl.u32 s1, $0x3;
	s19 =	simm.s32 $0x5;
	s21 =	simm.s32 $0x80  }
0x13: {  	s22 =	simm.s32 $0x280;
	s23 =	simm.s32 $0x50;
	s24 =	simm.s32 $0x1  }
0x14: {  	s18 =	sadd.s32 $0x10, s5;
	s17 =	sshrl.u32 s17, $0x3;
	[dreg:$0x3] =	wrdreg s15  }
0x15: {  	s1 =	sadd.s32 s1, s6;
	s15 =	sadd.s32 $0x4CE00, s0;
	s0 =	simm.s32 $0x3  }
0x16: {  	[dreg:$0x7] =	wrdreg s18;
	s25 =	sadd.s32 s17, s6;
	s6 =	sadd.s32 s8, s6  }
0x17: {  	[dreg:$0x5] =	wrdreg s1;
	s17 =	simm.s32 $0x200;
	s18 =	simm.s32 $0x400  }
0x18: {  	s1 =	simm.s32 $0x0;
	[dreg:$0x4] =	wrdreg s25;
	s26 =	sadd.s32 s9, s6  }
0x19: {  	v0 =	vimm.f32 $0.0e+00;
	s25 =	simm.s32 $0x100;
	[dreg:$0x6] =	wrdreg s26;
	s26 =	simm.s32 $0x300  }
.LBB2_1:
0x1a: {  	[tilespmem:s3], [sflag:$0x4] =	stream.linear.gather [hbm4b:s5+s3], $0x80, $0x38;
	[tilespmem:$0x19400] =	vst v63  }
0x1b: {  	s6 =	rddreg [dreg:$0x7]  }
0x1c: {  	[tilespmem:s17], [sflag:$0x4] =	stream.linear.gather [hbm4b:s6+s3], $0x80, $0x38;
	[tilespmem:$0x19400] =	vst v63  }
0x1d: {  	s8 =	simm.s32 $0x200;
	s6 =	simm.s32 $0x0;
	_ =	strace $0x8000004F  }
.LBB2_2:
0x1e: {  	p0 =	sne.s32 s8, $0x9E00;
	[tilespmem:s6+$0x470] =	vst v0  }
0x1f: {  	[tilespmem:s6+$0x400] =	vst v0  }
0x20: {  	[tilespmem:s6+$0x410] =	vst v0  }
.Ltmp0:
0x21: {  	[tilespmem:s6+$0x420] =	vst v0;
	(pc) =	sbr.rel @p0 .LBB2_2-.Ltmp0, $4  }
0x22: {  	[tilespmem:s6+$0x430] =	vst v0  }
0x23: {  	[tilespmem:s6+$0x440] =	vst v0  }
0x24: {  	[tilespmem:s6+$0x450] =	vst v0  }
0x25: {  	[tilespmem:s6+$0x460] =	vst v0;
	s6 =	sshra.s32 s8, $0x2;
	s8 =	sadd.s32 $0x200, s8  }
0x26: {  	[tilespmem:s6+$0x470] =	vst v0  }
0x27: {  	[tilespmem:s6+$0x400] =	vst v0  }
0x28: {  	[tilespmem:s6+$0x410] =	vst v0  }
0x29: {  	[tilespmem:s6+$0x420] =	vst v0  }
0x2a: {  	[tilespmem:s6+$0x430] =	vst v0  }
0x2b: {  	[tilespmem:s6+$0x440] =	vst v0  }
0x2c: {  	[tilespmem:s6+$0x450] =	vst v0  }
0x2d: {  	[tilespmem:s6+$0x460] =	vst v0  }
0x2e: {  	[spmem:s7] =	stream.linear.scatter [tilespmem:s18], [sflag:$0x5], $0x2800, $0x200038;
	[tilespmem:$0x19400] =	vst v63  }
0x2f: {  	_ =	swait.ge [sflag:s19], $0x2800  }
0x30: {  	[sflag:s19] =	ssyncset.done $0x0  }
0x31: {  	s9 =	rddreg [dreg:$0x8];
	[sflag:s19] =	ssyncadd.s32 $0xFFFFD800  }
0x32: {  	[spmem:s9] =	stream.linear.scatter [tilespmem:s18], [sflag:$0x5], $0x2800, $0x200038;
	[tilespmem:$0x19400] =	vst v63  }
0x33: {  	_ =	swait.ge [sflag:s19], $0x2800  }
0x34: {  	[sflag:s19] =	ssyncset.done $0x0  }
0x35: {  	s10 =	rddreg [dreg:$0x9];
	[sflag:s19] =	ssyncadd.s32 $0xFFFFD800  }
0x36: {  	[spmem:s10] =	stream.linear.scatter [tilespmem:s18], [sflag:$0x5], $0x2800, $0x200038;
	[tilespmem:$0x19400] =	vst v63  }
0x37: {  	_ =	swait.ge [sflag:s19], $0x2800  }
0x38: {  	[sflag:s19] =	ssyncset.done $0x0  }
0x39: {  	s11 =	rddreg [dreg:$0xa];
	[sflag:s19] =	ssyncadd.s32 $0xFFFFD800  }
0x3a: {  	[spmem:s11] =	stream.linear.scatter [tilespmem:s18], [sflag:$0x5], $0x2800, $0x200038;
	[tilespmem:$0x19400] =	vst v63  }
0x3b: {  	_ =	swait.ge [sflag:s19], $0x2800  }
0x3c: {  	[sflag:s19] =	ssyncset.done $0x0  }
0x3d: {  	s12 =	rddreg [dreg:$0xb];
	[sflag:s19] =	ssyncadd.s32 $0xFFFFD800  }
0x3e: {  	[spmem:s12] =	stream.linear.scatter [tilespmem:s18], [sflag:$0x5], $0x2800, $0x200038;
	[tilespmem:$0x19400] =	vst v63  }
0x3f: {  	_ =	swait.ge [sflag:s19], $0x2800  }
0x40: {  	[sflag:s19] =	ssyncset.done $0x0  }
0x41: {  	s8 =	rddreg [dreg:$0xc];
	[sflag:s19] =	ssyncadd.s32 $0xFFFFD800  }
0x42: {  	[spmem:s8] =	stream.linear.scatter [tilespmem:s18], [sflag:$0x5], $0x2800, $0x200038;
	[tilespmem:$0x19400] =	vst v63  }
0x43: {  	_ =	swait.ge [sflag:s19], $0x2800  }
0x44: {  	[sflag:s19] =	ssyncset.done $0x0  }
0x45: {  	[sflag:s19] =	ssyncadd.s32 $0xFFFFD800  }
0x46: {  	[spmem:s13] =	stream.linear.scatter [tilespmem:s18], [sflag:$0x5], $0x2800, $0x200038;
	[tilespmem:$0x19400] =	vst v63  }
0x47: {  	_ =	swait.ge [sflag:s19], $0x2800  }
0x48: {  	[sflag:s19] =	ssyncset.done $0x0  }
0x49: {  	[sflag:s19] =	ssyncadd.s32 $0xFFFFD800  }
0x4a: {  	[spmem:s14] =	stream.linear.scatter [tilespmem:s18], [sflag:$0x5], $0x2800, $0x200038;
	[tilespmem:$0x19400] =	vst v63  }
0x4b: {  	_ =	swait.ge [sflag:s19], $0x2800  }
0x4c: {  	[sflag:s19] =	ssyncset.done $0x0  }
0x4d: {  	[sflag:s19] =	ssyncadd.s32 $0xFFFFD800  }
0x4e: {  	[bflag:$0x0] =	sbarrier.arrive $0xFFFF  }
0x4f: {  	_ =	strace $0x9000004F  }
0x50: {  	_ =	strace $0x80000050  }
0x51: {  	_ =	swait.ge [sflag:s20], $0x80  }
0x52: {  	[sflag:s20] =	ssyncset.done $0x0  }
0x53: {  	[sflag:s20] =	ssyncadd.s32 $0xFFFFFF80  }
0x54: {  	_ =	swait.ge [sflag:s20], $0x80  }
0x55: {  	s9 =	rddreg [dreg:$0x6]  }
0x56: {  	[sflag:s20] =	ssyncset.done $0x0;
	s6 =	sadd.s32 $0x0, s9  }
0x57: {  	p0 =	por $0x1, $0x1;
	[sflag:s20] =	ssyncadd.s32 $0xFFFFFF80;
	s8 =	sadd.s32 $0x20, s6  }
0x58: {  	[tilespmem:s21], [sflag:$0x4] =	stream.linear.gather [hbm4b:s8+s3], $0x80, $0x200038;
	[tilespmem:$0x19400] =	vst v63  }
0x59: {  	s10 =	sadd.s32 $0x30, s6;
	s8 =	simm.s32 @!p0 $0x2  }
0x5a: {  	[tilespmem:s22], [sflag:$0x4] =	stream.linear.gather [hbm4b:s10+s3], $0x80, $0x200038;
	[tilespmem:$0x19400] =	vst v63  }
0x5b: {  	_ =	swait.ge @!p0 [sflag:s8], $0x2800  }
0x5c: {  	[sflag:s8] =	ssyncset.done @!p0 $0x0  }
0x5d: {  	[sflag:s8] =	ssyncadd.s32 @!p0 $0xFFFFD800  }
0x5e: {  	[tilespmem:s18], [sflag:$0x1] =	stream.indirect.gather [hbm4b:s4+s23], $0x80, s3, s23, $0x2000b8;
	[tilespmem:$0x19400] =	vst v63  }
0x5f: {  	_ =	swait.ge [sflag:s24], $0x2800  }
0x60: {  	[sflag:s24] =	ssyncset.done $0x0  }
0x61: {  	[sflag:s24] =	ssyncadd.s32 $0xFFFFD800  }
0x62: {  	[spmem:s2] =	stream.indirect.scatter.add.f32 [tilespmem:s18], [sflag:$0x2], $0x80, s17, s23, $0x2000b8;
	[tilespmem:$0x19400] =	vst v63  }
0x63: {  	_ =	swait.ge [sflag:s20], $0x80  }
0x64: {  	[sflag:s20] =	ssyncset.done $0x0  }
0x65: {  	[sflag:s20] =	ssyncadd.s32 $0xFFFFFF80  }
0x66: {  	_ =	swait.ge [sflag:s20], $0x80  }
0x67: {  	s11 =	rddreg [dreg:$0x5]  }
0x68: {  	[sflag:s20] =	ssyncset.done $0x0;
	s8 =	sadd.s32 $0x0, s11  }
0x69: {  	[sflag:s20] =	ssyncadd.s32 $0xFFFFFF80;
	s9 =	sadd.s32 $0x40, s8  }
0x6a: {  	[tilespmem:s25], [sflag:$0x4] =	stream.linear.gather [hbm4b:s9+s3], $0x80, $0x200038;
	[tilespmem:$0x19400] =	vst v63  }
0x6b: {  	s8 =	sadd.s32 $0x50, s8;
	s9 =	simm.s32 @!p0 $0x3  }
0x6c: {  	[tilespmem:s26], [sflag:$0x4] =	stream.linear.gather [hbm4b:s8+s3], $0x80, $0x200038;
	[tilespmem:$0x19400] =	vst v63  }
0x6d: {  	_ =	swait.ge @!p0 [sflag:s9], $0x2800  }
0x6e: {  	[sflag:s9] =	ssyncset.done @!p0 $0x0  }
0x6f: {  	[sflag:s9] =	ssyncadd.s32 @!p0 $0xFFFFD800  }
0x70: {  	[tilespmem:s28], [sflag:$0x1] =	stream.indirect.gather [hbm4b:s4+s23], $0x80, s21, s23, $0x2000b8;
	[tilespmem:$0x19400] =	vst v63  }
0x71: {  	_ =	swait.ge [sflag:s24], $0x2800  }
0x72: {  	[sflag:s24] =	ssyncset.done $0x0  }
0x73: {  	[sflag:s24] =	ssyncadd.s32 $0xFFFFD800  }
0x74: {  	[spmem:s2] =	stream.indirect.scatter.add.f32 [tilespmem:s28], [sflag:$0x3], $0x80, s22, s23, $0x2000b8;
	[tilespmem:$0x19400] =	vst v63  }
0x75: {  	_ =	swait.ge [sflag:s20], $0x80  }
0x76: {  	[sflag:s20] =	ssyncset.done $0x0  }
0x77: {  	[sflag:s20] =	ssyncadd.s32 $0xFFFFFF80  }
0x78: {  	_ =	swait.ge [sflag:s20], $0x80  }
0x79: {  	[sflag:s20] =	ssyncset.done $0x0  }
0x7a: {  	s12 =	sadd.s32 $0x60, s6;
	[sflag:s20] =	ssyncadd.s32 $0xFFFFFF80  }
0x7b: {  	[tilespmem:s29], [sflag:$0x4] =	stream.linear.gather [hbm4b:s12+s3], $0x80, $0x200038;
	[tilespmem:$0x19400] =	vst v63  }
0x7c: {  	s6 =	sadd.s32 $0x70, s6  }
0x7d: {  	[tilespmem:s30], [sflag:$0x4] =	stream.linear.gather [hbm4b:s6+s3], $0x80, $0x200038;
	[tilespmem:$0x19400] =	vst v63  }
0x7e: {  	_ =	swait.ge [sflag:s31], $0x2800  }
0x7f: {  	[sflag:s31] =	ssyncset.done $0x0  }
0x80: {  	[sflag:s31] =	ssyncadd.s32 $0xFFFFD800  }
0x81: {  	[tilespmem:s18], [sflag:$0x1] =	stream.indirect.gather [hbm4b:s4+s23], $0x80, s25, s23, $0x2000b8;
	[tilespmem:$0x19400] =	vst v63  }
0x82: {  	_ =	swait.ge [sflag:s24], $0x2800  }
0x83: {  	[sflag:s24] =	ssyncset.done $0x0  }
0x84: {  	[sflag:s24] =	ssyncadd.s32 $0xFFFFD800  }
0x85: {  	[spmem:s2] =	stream.indirect.scatter.add.f32 [tilespmem:s18], [sflag:$0x2], $0x80, s26, s23, $0x2000b8;
	[tilespmem:$0x19400] =	vst v63  }
0x86: {  	_ =	swait.ge [sflag:s20], $0x80  }
0x87: {  	[sflag:s20] =	ssyncset.done $0x0  }
0x88: {  	[sflag:s20] =	ssyncadd.s32 $0xFFFFFF80  }
0x89: {  	p0 =	por $0x0, $0x0;
	_ =	swait.ge [sflag:s20], $0x80  }
0x8a: {  	s9 =	simm.s32 @!p0 $0x0;
	s6 =	rddreg [dreg:$0x3];
	[sflag:s20] =	ssyncset.done $0x0  }
0x8b: {  	s8 =	rddreg [dreg:$0x4];
	[sflag:s20] =	ssyncadd.s32 $0xFFFFFF80;
	s6 =	sadd.s32 @!p0 $0x0, s6  }
0x8c: {  	[tilespmem:s9], [sflag:$0x4] =	stream.linear.gather @!p0 [hbm4b:s6+s9], $0x80, $0x200038;
	[tilespmem:$0x19400] =	vst v63  }
0x8d: {  	s8 =	sadd.s32 @!p0 $0x0, s8;
	s6 =	simm.s32 @!p0 $0x200  }
0x8e: {  	[tilespmem:s6], [sflag:$0x4] =	stream.linear.gather @!p0 [hbm4b:s8+s9], $0x80, $0x200038;
	[tilespmem:$0x19400] =	vst v63  }
0x8f: {  	_ =	swait.ge [sflag:s0], $0x2800  }
0x90: {  	[sflag:s0] =	ssyncset.done $0x0  }
0x91: {  	[sflag:s0] =	ssyncadd.s32 $0xFFFFD800  }
0x92: {  	[tilespmem:s28], [sflag:$0x1] =	stream.indirect.gather [hbm4b:s4+s23], $0x80, s29, s23, $0x2000b8;
	[tilespmem:$0x19400] =	vst v63  }
0x93: {  	_ =	swait.ge [sflag:s24], $0x2800  }
0x94: {  	s6 =	simm.s32 $0x80;
	[sflag:s24] =	ssyncset.done $0x0  }
.LBB2_4:
0x95: {  	[sflag:s24] =	ssyncadd.s32 $0xFFFFD800  }
0x96: {  	[spmem:s2] =	stream.indirect.scatter.add.f32 [tilespmem:s28], [sflag:$0x3], $0x80, s30, s23, $0x2000b8;
	[tilespmem:$0x19400] =	vst v63  }
0x97: {  	_ =	swait.ge [sflag:s20], $0x80  }
0x98: {  	[sflag:s20] =	ssyncset.done $0x0  }
0x99: {  	[sflag:s20] =	ssyncadd.s32 $0xFFFFFF80  }
0x9a: {  	_ =	swait.ge [sflag:s20], $0x80  }
0x9b: {  	s8 =	smov.u32 s6;
	s9 =	rddreg [dreg:$0x6]  }
0x9c: {  	[sflag:s20] =	ssyncset.done $0x0;
	s9 =	sadd.s32 s8, s9  }
0x9d: {  	p1 =	seq.s32 s8, $0x0;
	[sflag:s20] =	ssyncadd.s32 $0xFFFFFF80;
	s10 =	sadd.s32 $0x20, s9  }
0x9e: {  	[tilespmem:s21], [sflag:$0x4] =	stream.linear.gather [hbm4b:s10+s3], $0x80, $0x200038;
	[tilespmem:$0x19400] =	vst v63  }
0x9f: {  	s12 =	sadd.s32 $0x30, s9;
	s10 =	simm.s32 @!p1 $0x2  }
0xa0: {  	[tilespmem:s22], [sflag:$0x4] =	stream.linear.gather [hbm4b:s12+s3], $0x80, $0x200038;
	[tilespmem:$0x19400] =	vst v63  }
0xa1: {  	_ =	swait.ge @!p1 [sflag:s10], $0x2800  }
0xa2: {  	[sflag:s10] =	ssyncset.done @!p1 $0x0  }
0xa3: {  	[sflag:s10] =	ssyncadd.s32 @!p1 $0xFFFFD800  }
0xa4: {  	[tilespmem:s18], [sflag:$0x1] =	stream.indirect.gather [hbm4b:s4+s23], $0x80, s3, s23, $0x2000b8;
	[tilespmem:$0x19400] =	vst v63  }
0xa5: {  	_ =	swait.ge [sflag:s24], $0x2800  }
0xa6: {  	[sflag:s24] =	ssyncset.done $0x0  }
0xa7: {  	[sflag:s24] =	ssyncadd.s32 $0xFFFFD800  }
0xa8: {  	[spmem:s2] =	stream.indirect.scatter.add.f32 [tilespmem:s18], [sflag:$0x2], $0x80, s17, s23, $0x2000b8;
	[tilespmem:$0x19400] =	vst v63  }
0xa9: {  	_ =	swait.ge [sflag:s20], $0x80  }
0xaa: {  	[sflag:s20] =	ssyncset.done $0x0  }
0xab: {  	[sflag:s20] =	ssyncadd.s32 $0xFFFFFF80  }
0xac: {  	_ =	swait.ge [sflag:s20], $0x80  }
0xad: {  	s11 =	rddreg [dreg:$0x5]  }
0xae: {  	[sflag:s20] =	ssyncset.done $0x0;
	s10 =	sadd.s32 s8, s11  }
0xaf: {  	[sflag:s20] =	ssyncadd.s32 $0xFFFFFF80;
	s11 =	sadd.s32 $0x40, s10  }
0xb0: {  	[tilespmem:s25], [sflag:$0x4] =	stream.linear.gather [hbm4b:s11+s3], $0x80, $0x200038;
	[tilespmem:$0x19400] =	vst v63  }
0xb1: {  	s10 =	sadd.s32 $0x50, s10;
	s11 =	simm.s32 @!p1 $0x3  }
0xb2: {  	[tilespmem:s26], [sflag:$0x4] =	stream.linear.gather [hbm4b:s10+s3], $0x80, $0x200038;
	[tilespmem:$0x19400] =	vst v63  }
0xb3: {  	_ =	swait.ge @!p1 [sflag:s11], $0x2800  }
0xb4: {  	[sflag:s11] =	ssyncset.done @!p1 $0x0  }
0xb5: {  	[sflag:s11] =	ssyncadd.s32 @!p1 $0xFFFFD800  }
0xb6: {  	[tilespmem:s28], [sflag:$0x1] =	stream.indirect.gather [hbm4b:s4+s23], $0x80, s21, s23, $0x2000b8;
	[tilespmem:$0x19400] =	vst v63  }
0xb7: {  	_ =	swait.ge [sflag:s24], $0x2800  }
0xb8: {  	[sflag:s24] =	ssyncset.done $0x0  }
0xb9: {  	[sflag:s24] =	ssyncadd.s32 $0xFFFFD800  }
0xba: {  	[spmem:s2] =	stream.indirect.scatter.add.f32 [tilespmem:s28], [sflag:$0x3], $0x80, s22, s23, $0x2000b8;
	[tilespmem:$0x19400] =	vst v63  }
0xbb: {  	_ =	swait.ge [sflag:s20], $0x80  }
0xbc: {  	[sflag:s20] =	ssyncset.done $0x0  }
0xbd: {  	[sflag:s20] =	ssyncadd.s32 $0xFFFFFF80  }
0xbe: {  	_ =	swait.ge [sflag:s20], $0x80  }
0xbf: {  	[sflag:s20] =	ssyncset.done $0x0  }
0xc0: {  	s12 =	sadd.s32 $0x60, s9;
	[sflag:s20] =	ssyncadd.s32 $0xFFFFFF80  }
0xc1: {  	[tilespmem:s29], [sflag:$0x4] =	stream.linear.gather [hbm4b:s12+s3], $0x80, $0x200038;
	[tilespmem:$0x19400] =	vst v63  }
0xc2: {  	s9 =	sadd.s32 $0x70, s9  }
0xc3: {  	[tilespmem:s30], [sflag:$0x4] =	stream.linear.gather [hbm4b:s9+s3], $0x80, $0x200038;
	[tilespmem:$0x19400] =	vst v63  }
0xc4: {  	_ =	swait.ge [sflag:s31], $0x2800  }
0xc5: {  	[sflag:s31] =	ssyncset.done $0x0  }
0xc6: {  	[sflag:s31] =	ssyncadd.s32 $0xFFFFD800  }
0xc7: {  	[tilespmem:s18], [sflag:$0x1] =	stream.indirect.gather [hbm4b:s4+s23], $0x80, s25, s23, $0x2000b8;
	[tilespmem:$0x19400] =	vst v63  }
0xc8: {  	_ =	swait.ge [sflag:s24], $0x2800  }
0xc9: {  	[sflag:s24] =	ssyncset.done $0x0  }
0xca: {  	[sflag:s24] =	ssyncadd.s32 $0xFFFFD800  }
0xcb: {  	[spmem:s2] =	stream.indirect.scatter.add.f32 [tilespmem:s18], [sflag:$0x2], $0x80, s26, s23, $0x2000b8;
	[tilespmem:$0x19400] =	vst v63  }
0xcc: {  	_ =	swait.ge [sflag:s20], $0x80  }
0xcd: {  	[sflag:s20] =	ssyncset.done $0x0  }
0xce: {  	[sflag:s20] =	ssyncadd.s32 $0xFFFFFF80  }
0xcf: {  	p1 =	seq.s32 s8, $0xF80;
	_ =	swait.ge [sflag:s20], $0x80  }
0xd0: {  	s11 =	simm.s32 @!p1 $0x0;
	s9 =	rddreg [dreg:$0x3];
	[sflag:s20] =	ssyncset.done $0x0  }
0xd1: {  	s10 =	rddreg [dreg:$0x4];
	[sflag:s20] =	ssyncadd.s32 $0xFFFFFF80;
	s9 =	sadd.s32 @!p1 s8, s9  }
0xd2: {  	[tilespmem:s11], [sflag:$0x4] =	stream.linear.gather @!p1 [hbm4b:s9+s11], $0x80, $0x200038;
	[tilespmem:$0x19400] =	vst v63  }
0xd3: {  	s6 =	sadd.s32 $0x80, s6;
	s12 =	simm.s32 @!p1 $0x200;
	s8 =	sadd.s32 @!p1 s8, s10  }
0xd4: {  	[tilespmem:s12], [sflag:$0x4] =	stream.linear.gather @!p1 [hbm4b:s8+s11], $0x80, $0x200038;
	[tilespmem:$0x19400] =	vst v63  }
0xd5: {  	p0 =	sne.s32 s6, $0x1000;
	_ =	swait.ge [sflag:s0], $0x2800  }
.Ltmp1:
0xd6: {  	[sflag:s0] =	ssyncset.done $0x0;
	(pc) =	sbr.rel @p0 .LBB2_4-.Ltmp1, $4  }
0xd7: {  	[sflag:s0] =	ssyncadd.s32 $0xFFFFD800  }
0xd8: {  	[tilespmem:s28], [sflag:$0x1] =	stream.indirect.gather [hbm4b:s4+s23], $0x80, s29, s23, $0x2000b8;
	[tilespmem:$0x19400] =	vst v63  }
0xd9: {  	_ =	swait.ge [sflag:s24], $0x2800  }
0xda: {  	[sflag:s24] =	ssyncset.done $0x0  }
0xdb: {  	[sflag:s24] =	ssyncadd.s32 $0xFFFFD800  }
0xdc: {  	[spmem:s2] =	stream.indirect.scatter.add.f32 [tilespmem:s28], [sflag:$0x3], $0x80, s30, s23, $0x2000b8;
	[tilespmem:$0x19400] =	vst v63  }
0xdd: {  	_ =	swait.ge [sflag:s31], $0x2800  }
0xde: {  	[sflag:s31] =	ssyncset.done $0x0  }
0xdf: {  	[sflag:s31] =	ssyncadd.s32 $0xFFFFD800  }
0xe0: {  	_ =	swait.ge [sflag:s0], $0x2800  }
0xe1: {  	[sflag:s0] =	ssyncset.done $0x0  }
0xe2: {  	[sflag:s0] =	ssyncadd.s32 $0xFFFFD800  }
0xe3: {  	_ =	strace $0x90000050  }
0xe4: {  	_ =	strace $0x80000051  }
0xe5: {  	s6 =	stileid.u32;
	s8 =	sshrl.u32 s7, $0x3;
	[bflag:$0x0] =	sbarrier.arrive $0xFFFF  }
0xe6: {  	s1 =	sadd.s32 $0x1, s1;
	s6 =	sshll.u32 s6, $0x6;
	_ =	strace $0x90000051  }
0xe7: {  	p0 =	sne.s32 s1, s16;
	s6 =	sor.u32 $0x1C05, s6;
	_ =	strace $0x80000052  }
0xe8: {  	[hbm:s15], [sflag:s6] =	dma.local [spmem:s8], $0x2800  }
.Ltmp2:
0xe9: {  	_ = 	snop;
	(pc) =	sbr.rel @p0 .LBB2_1-.Ltmp2, $4  }
0xea: {  	_ =	swait.ge [sflag:s19], $0x2800  }
0xeb: {  	[sflag:s19] =	ssyncset.done $0x0  }
0xec: {  	[sflag:s19] =	ssyncadd.s32 $0xFFFFD800  }
0xed: {  	_ =	strace $0x90000052  }
0xee: {  	_ =	sfence.sel $0x180000  }
0xef: {  	[bflag:$0x0] =	sbarrier.arrive $0xFFFF  }
0xf0: {  	_ =	strace $0x9000004E  }
0xf1: {  	s0 =	stileid.u32;
	[bflag:$0x2] =	sbarrier.arrive $0xFFFF  }
0xf2: {  	p0 =	sne.s32 s0, $0x0;
	s0 =	rddreg [dreg:$0x2]  }
0xf3: {  	s0 =	sadd.s32 @!p0 $0x100000, s0  }
0xf4: {  	[sflag:s0] =	ssyncadd.tile.s32 @!p0 $0x1;
	_ =	shalt  }
.Lfunc_end2:
_tile_overlayer_lowered:
.L_overlay_start_2:
0xf5: {  	(tag) =	ssettag $0x2  }
0xf6: {  	s0 =	rddreg [dreg:$0x0];
	s2 =	stileid.u32  }
0xf7: {  	s1 =	rddreg [dreg:$0x1];
	p0 =	sne.s32 s2, $0x0  }
0xf8: {  	s3 =	rddreg [dreg:$0x2];
	[bflag:$0x3] =	sbarrier.arrive $0xFFFF;
	s2 =	simm.s32 @!p0 $0x1C05  }
0xf9: {  	[timem:s3], [sflag:s2] =	dma.local @!p0 [hbm:s0], s1  }
0xfa: {  	s0 =	simm.s32 @!p0 $0x5  }
0xfb: {  	_ =	swait.ge @!p0 [sflag:s0], s1  }
0xfc: {  	s1 =	ssub.s32 @!p0 $0x0, s1;
	[sflag:s0] =	ssyncset.done @!p0 $0x0  }
0xfd: {  	[sflag:s0] =	ssyncadd.s32 @!p0 s1  }
0xfe: {  	[bflag:$0x3] =	sbarrier.arrive $0xFFFF  }
0xff: {  	_ =	shalt  }

// kernel: _run.19.cloned.1.call-start
scs
__scs_entry_jumppad:
0x0: {  	(pc) =	sbr.rel $0x88, $3  }
0x1: {  	(tag) =	ssettag $0x0;
	lr =	simm.s32 $0x1  }
0x2: {  	[smem:$0x3F91] =	sst lr;
	_ =	strace $0xD0000000  }
0x3: {  	_ = 	snop  }
0x4: {  	_ = 	snop  }
0x5: {  	_ = 	snop  }
0x6: {  	_ = 	snop  }
0x7: {  	_ = 	snop  }
__scs_overlays_trampoline_lowered:
0x8: {  	[smem:$0x3FA0] =	sst s0  }
0x9: {  	[smem:$0x3FA1] =	sst s1  }
0xa: {  	[smem:$0x3FA2] =	sst s2  }
0xb: {  	[smem:$0x3FA3] =	sst s3  }
0xc: {  	[smem:$0x3FA4] =	sst s4  }
0xd: {  	[smem:$0x3FA5] =	sst s5  }
0xe: {  	[smem:$0x3FA6] =	sst s6  }
0xf: {  	[smem:$0x3FA7] =	sst s7  }
0x10: {  	[smem:$0x3FA8] =	sst s8  }
0x11: {  	[smem:$0x3FA9] =	sst s9;
	s0 =	simm.s32 @!p0 $0x0  }
0x12: {  	s1 =	sld [smem:$0x3F8F];
	s0 =	simm.s32 @p0 $0x1  }
0x13: {  	[smem:$0x3FAA] =	sst s0;
	s0 =	simm.s32 @!p1 $0x0  }
0x14: {  	s2 =	sld [smem:$0x3F8E];
	s0 =	simm.s32 @p1 $0x1  }
0x15: {  	[smem:$0x3FAB] =	sst s0;
	s0 =	simm.s32 @!p2 $0x0  }
0x16: {  	s3 =	sld [smem:$0x3FDB];
	s0 =	simm.s32 @p2 $0x1  }
0x17: {  	s4 =	simm.s32 $0x1BF5;
	[smem:$0x3FAD] =	sst s0  }
0x18: {  	s0 =	sld [smem:$0x3F90];
	_ =	swait.ge [sflag:s4], $0x0  }
0x19: {  	s7 =	sld [smem:$0x3F91]  }
0x1a: {  	s8 =	sadd.s32 $0xFFFFE003, lr  }
0x1b: {  	s9 =	sadd.s32 $0xFFFFFEF7, lr;
	s5 =	simm.s32 $0xFFFFFFFF;
	p2 =	slt.u32 s8, $0xFFFFF086  }
0x1c: {  	p1 =	slt.u32 s9, $0xF7A;
	s5 =	simm.s32 @!p2 $0x0  }
0x1d: {  	s5 =	simm.s32 @p1 $0x1;
	p0 =	seq.s32 s7, s2  }
0x1e: {  	s7 =	smul.u32 @!p0 $0xF7A, s2;
	p2 =	seq.s32 @!p0 s5, $0x0  }
0x1f: {  	s9 =	smul.u32 $0xF7A, s1;
	s8 =	simm.s32 @!p0 $0x1BF5;
	p2 =	por !p2, p0  }
0x20: {  	[sflag:s8] =	ssyncset.s32 @!p0 $0xFFFFF086;
	s6 =	sadd.s32 @!p0 s3, s7;
	s7 =	simm.s32 @!p0 $0x108  }
0x21: {  	s3 =	sadd.s32 s3, s9;
	s6 =	sadd.s32 @!p0 $0x88, s6;
	s7 =	simm.s32 @p2 $0x1082  }
0x22: {  	[simem:s7], [sflag:s8] =	dma.local @!p0 [hbm:s6], $0xF7A  }
0x23: {  	s9 =	sor.u32 $0xD0000000, s2;
	s6 =	simm.s32 $0x108;
	_ =	swait.ge @!p0 [sflag:s8], $0x0  }
0x24: {  	s3 =	sadd.s32 $0x88, s3;
	s6 =	simm.s32 @!p1 $0x1082;
	[sflag:s4] =	ssyncset.s32 $0xFFFFF086  }
0x25: {  	[simem:s6], [sflag:s4] =	dma.local [hbm:s3], $0xF7A  }
0x26: {  	[smem:$0x3F91] =	sst s1;
	(tag) =	ssettag s2;
	_ =	strace s9  }
0x27: {  	s1 =	sld [smem:$0x3FA1]  }
0x28: {  	s2 =	sld [smem:$0x3FA2]  }
0x29: {  	s4 =	sld [smem:$0x3FA4]  }
0x2a: {  	p0 =	seq.s32 s5, $0x0;
	s5 =	sld [smem:$0x3FA5]  }
0x2b: {  	s6 =	sld [smem:$0x3FA6]  }
0x2c: {  	s7 =	sld [smem:$0x3FA7]  }
0x2d: {  	s3 =	simm.s32 $0x108;
	s8 =	sld [smem:$0x3FA8]  }
0x2e: {  	s3 =	simm.s32 @!p0 $0x1082;
	s9 =	sld [smem:$0x3FA9]  }
0x2f: {  	lr =	sadd.s32 s0, s3;
	s0 =	sld [smem:$0x3FA0]  }
0x30: {  	s3 =	sld [smem:$0x3FA3]  }
0x31: {  	[smem:$0x3FAC] =	sst s10  }
0x32: {  	s10 =	sld [smem:$0x3FAA];
	_ =	sdelay $0x3  }
0x33: {  	p0 =	seq.s32 s10, $0x1;
	s10 =	sld [smem:$0x3FAC];
	_ =	sdelay $0x3  }
0x34: {  	[smem:$0x3FAC] =	sst s10  }
0x35: {  	s10 =	sld [smem:$0x3FAB];
	_ =	sdelay $0x3  }
0x36: {  	p1 =	seq.s32 s10, $0x1;
	s10 =	sld [smem:$0x3FAC];
	_ =	sdelay $0x3  }
0x37: {  	[smem:$0x3FAC] =	sst s10  }
0x38: {  	s10 =	sld [smem:$0x3FAD]  }
0x39: {  	_ = 	snop;
	(pc) =	sbr.ind lr, $3  }
0x3a: {  	_ = 	snop  }
0x3b: {  	_ = 	snop  }
0x3c: {  	p2 =	seq.s32 s10, $0x1;
	s10 =	sld [smem:$0x3FAC]  }
0x3d: {  	_ =	shalt  }
0x3e: {  	_ =	shalt  }
0x3f: {  	_ =	shalt  }
0x40: {  	_ =	shalt  }
0x41: {  	_ =	shalt  }
0x42: {  	_ =	shalt  }
0x43: {  	_ =	shalt  }
0x44: {  	_ =	shalt  }
0x45: {  	_ =	shalt  }
0x46: {  	_ =	shalt  }
0x47: {  	_ =	shalt  }
0x48: {  	_ =	shalt  }
0x49: {  	_ =	shalt  }
0x4a: {  	_ =	shalt  }
0x4b: {  	_ =	shalt  }
0x4c: {  	_ =	shalt  }
0x4d: {  	_ =	shalt  }
0x4e: {  	_ =	shalt  }
0x4f: {  	_ =	shalt  }
0x50: {  	_ =	shalt  }
0x51: {  	_ =	shalt  }
0x52: {  	_ =	shalt  }
0x53: {  	_ =	shalt  }
0x54: {  	_ =	shalt  }
0x55: {  	_ =	shalt  }
0x56: {  	_ =	shalt  }
0x57: {  	_ =	shalt  }
0x58: {  	_ =	shalt  }
0x59: {  	_ =	shalt  }
0x5a: {  	_ =	shalt  }
0x5b: {  	_ =	shalt  }
0x5c: {  	_ =	shalt  }
0x5d: {  	_ =	shalt  }
0x5e: {  	_ =	shalt  }
0x5f: {  	_ =	shalt  }
0x60: {  	_ =	shalt  }
0x61: {  	_ =	shalt  }
0x62: {  	_ =	shalt  }
0x63: {  	_ =	shalt  }
0x64: {  	_ =	shalt  }
0x65: {  	_ =	shalt  }
0x66: {  	_ =	shalt  }
0x67: {  	_ =	shalt  }
0x68: {  	_ =	shalt  }
0x69: {  	_ =	shalt  }
0x6a: {  	_ =	shalt  }
0x6b: {  	_ =	shalt  }
0x6c: {  	_ =	shalt  }
0x6d: {  	_ =	shalt  }
0x6e: {  	_ =	shalt  }
0x6f: {  	_ =	shalt  }
0x70: {  	_ =	shalt  }
0x71: {  	_ =	shalt  }
0x72: {  	_ =	shalt  }
0x73: {  	_ =	shalt  }
0x74: {  	_ =	shalt  }
0x75: {  	_ =	shalt  }
0x76: {  	_ =	shalt  }
0x77: {  	_ =	shalt  }
0x78: {  	_ =	shalt  }
0x79: {  	_ =	shalt  }
0x7a: {  	_ =	shalt  }
0x7b: {  	_ =	shalt  }
0x7c: {  	_ =	shalt  }
0x7d: {  	_ =	shalt  }
0x7e: {  	_ =	shalt  }
0x7f: {  	_ =	shalt  }
0x80: {  	_ =	shalt  }
0x81: {  	_ =	shalt  }
0x82: {  	_ =	shalt  }
0x83: {  	_ =	shalt  }
0x84: {  	_ =	shalt  }
0x85: {  	_ =	shalt  }
0x86: {  	_ =	shalt  }
0x87: {  	_ =	shalt  }
.Lfunc_end0:
.L_simem_size_0:
called_computation.2_lowered:
.L_overlay_start_0:
0x88: {  	s2 =	sld [smem:$0x3FD9]  }
0x89: {  	s3 =	sld [smem:$0x3FFE];
	_ =	sdelay $0x1  }
0x8a: {  	s1 =	srdreg.scid  }
0x8b: {  	s0 =	sand.u32 $0x1, s1  }
0x8c: {  	s16 =	sshll.u32 s0, $0xA;
	s2 =	sadd.s32 s3, s2  }
0x8d: {  	s2 =	sadd.s32 s2, s16  }
0x8e: {  	[smem:$0x3FB8] =	sst s2  }
0x8f: {  	_ = 	snop  }
0x90: {  	(tm) =	ssettm $0x1  }
0x91: {  	s17 =	sld [smem:$0x3FFB];
	_ =	sdelay $0x3  }
0x92: {  	_ =	strace s17  }
0x93: {  	s2 =	sld [smem:$0x3FFC];
	_ =	sdelay $0x3  }
0x94: {  	_ =	strace s2  }
0x95: {  	s2 =	sld [smem:$0x3FFD];
	_ =	sdelay $0x3  }
0x96: {  	_ =	strace s2  }
0x97: {  	_ =	strace $0x8FFFFFFF  }
0x98: {  	s18 =	sld [smem:$0x3FDB];
	_ =	sdelay $0x1  }
0x99: {  	s19 =	simm.s32 $_scs_section_size  }
0x9a: {  	s4 =	simm.s32 $_size__tile_overlayer_lowered;
	s5 =	simm.s32 $_tile_overlayer_lowered  }
0x9b: {  	s22 =	simm.s32 $0x1BFF;
	s21 =	sshll.u32 s5, $0x1;
	s2 =	sadd.s32 s19, s18  }
0x9c: {  	s6 =	simm.s32 $0x0;
	s20 =	sshll.u32 s4, $0x1;
	s4 =	sadd.s32 s21, s2  }
0x9d: {  	[timem:s6], [sflag:s22] =	dma.local [hbm:s4], s20  }
0x9e: {  	_ =	swait.ge [sflag:s22], s20  }
0x9f: {  	s3 =	ssub.s32 $0x0, s20;
	[sflag:s22] =	ssyncset.done $0x0  }
0xa0: {  	[sflag:s22] =	ssyncadd.s32 s3;
	_ =	sdelay $0x1  }
0xa1: {  	s23 =	simm.s32 $0x1B8B  }
0xa2: {  	_ =	swait.ge [sflag:s23], $0x1  }
0xa3: {  	[sflag:s23] =	ssyncset.done $0x0  }
0xa4: {  	s25 =	simm.s32 $0x1B8E;
	s24 =	sld [smem:$0x3FFE];
	[sflag:s23] =	ssyncadd.s32 $0xFFFFFFFF  }
0xa5: {  	s26 =	simm.s32 $execute0_lowered;
	[smem:$0x3FD2] =	sst s25  }
0xa6: {  	s4 =	sshll.u32 s26, $0x1;
	_ =	strace $0x80000054;
	[dreg:$0x1] =	wrdreg $0xFFFFFFFF  }
0xa7: {  	s28 =	simm.s32 $_size_execute0_lowered;
	s2 =	sadd.s32 s2, s4;
	[dreg:$0x0] =	wrdreg $0x0  }
0xa8: {  	s4 =	sshll.u32 s28, $0x1;
	[dreg:$0x2] =	wrdreg s2  }
0xa9: {  	[dreg:$0x3] =	wrdreg s4  }
0xaa: {  	[dreg:$0x4] =	wrdreg $0xC0  }
0xab: {  	_ =	task [dreg:s6], $0x5FFFF  }
0xac: {  	[dreg:$0x1] =	wrdreg $0xFFFFFFFF  }
0xad: {  	[dreg:$0x0] =	wrdreg $0x60  }
0xae: {  	[dreg:$0x2] =	wrdreg s24  }
0xaf: {  	[dreg:$0x3] =	wrdreg $0x54000  }
0xb0: {  	[dreg:$0x4] =	wrdreg $0x9  }
0xb1: {  	_ =	task.clear_ibuf [dreg:s6], $0x5FFFF;
	_ =	strace $0x90000054  }
0xb2: {  	s29 =	simm.s32 $0x9;
	_ =	strace $0x8000005A  }
0xb3: {  	_ =	swait.ge [sflag:s29], $0x1  }
0xb4: {  	[sflag:s29] =	ssyncadd.s32 $0xFFFFFFFF  }
0xb5: {  	_ =	strace $0x9000005A  }
0xb6: {  	_ =	sfence  }
0xb7: {  	s30 =	sld [smem:$0x0];
	_ =	sdelay $0x2  }
0xb8: {  	s31 =	sshll.u32 s1, $0xD;
	s1 =	sshrl.u32 s1, $0x2  }
0xb9: {  	s3 =	sand.u32 $0x4000, s31;
	s1 =	sadd.s32 s1, s30  }
0xba: {  	s0 =	sor.u32 s3, s0;
	s1 =	sshll.u32 s1, $0x11  }
0xbb: {  	s0 =	sor.u32 s1, s0  }
0xbc: {  	s0 =	sadd.s32 $0x8F2B, s0  }
0xbd: {  	[sflag:s0] =	ssyncadd.remote.s32 $0x1  }
0xbe: {  	_ =	sfence.sel $0xFFFF  }
0xbf: {  	[dreg:$0x0] =	wrdreg $0xFFFFFFFF;
	(pc) =	sbr.abs _section_cstart, $3  }
0xc0: {  	[dreg:$0x1] =	wrdreg $0xFFFFFFFF  }
0xc1: {  	_ =	task.clear_ibuf [dreg:s6], $0x2FFFF;
	_ =	strace $0x9FFFFFFF  }
0xc2: {  	(tm) =	ssettm $0x7FFFFFFF  }
0xc3: {  	_ =	shalt  }
tec
execute0_lowered:
.L_overlay_start_1:
0x0: {  	(tag) =	ssettag $0x1  }
0x1: {  	s0 =	rddreg [dreg:$0x0];
	s1 =	srdreg.scid  }
0x2: {  	s2 =	rddreg [dreg:$0x1];
	s12 =	stileid.u32;
	s3 =	simm.s32 $0x0  }
0x3: {  	s28 =	simm.s32 $0x2C00;
	s29 =	simm.s32 $0x180;
	s30 =	simm.s32 $0x380  }
0x4: {  	s31 =	simm.s32 $0x2;
	s1 =	sand.u32 $0x1, s1;
	s5 =	smul.u32 $0x14000, s12  }
0x5: {  	[smem:$0x7FF] =	sst s3;
	s6 =	sadd.s32 $0x4E00, s0;
	s7 =	smul.u32 $0x50000, s12  }
0x6: {  	s9 =	sshll.u32 s12, $0xC;
	s20 =	sshll.u32 s12, $0xF;
	s4 =	smul.u32 $0x140000, s1  }
0x7: {  	_ =	strace $0x80000055;
	s8 =	sshll.u32 s1, $0x10;
	s10 =	ssub.s32 $0x2, s1  }
0x8: {  	s1 =	sshll.u32 s1, $0x13;
	s17 =	sor.u32 s9, s8;
	s11 =	sshrl.u32 s10, $0x1  }
0x9: {  	s7 =	sshrl.u32 s7, $0x2;
	s1 =	sor.u32 s20, s1;
	s20 =	simm.s32 $0x4  }
0xa: {  	s5 =	sadd.s32 s5, s4;
	s4 =	sadd.s32 $0x24E00, s0;
	s16 =	ssub.s32 s10, s11  }
0xb: {  	s7 =	sadd.s32 s7, s2;
	s14 =	sor.u32 $0x400, s1;
	s5 =	sshrl.u32 s5, $0x3  }
0xc: {  	s19 =	sadd.s32 $0x2800, s7;
	s21 =	sadd.s32 $0x5000, s7;
	s22 =	sadd.s32 $0x7800, s7  }
0xd: {  	s23 =	sadd.s32 $0xA000, s7;
	s24 =	sadd.s32 $0xC800, s7;
	[dreg:$0x8] =	wrdreg s19  }
0xe: {  	s13 =	sadd.s32 $0xF000, s7;
	s15 =	sshrl.u32 s14, $0x3;
	[dreg:$0x9] =	wrdreg s21  }
0xf: {  	s14 =	sadd.s32 $0x11800, s7;
	s16 =	smax.u32 s16, $0x1;
	[dreg:$0xa] =	wrdreg s22  }
0x10: {  	s0 =	sadd.s32 s5, s0;
	s5 =	sadd.s32 s6, s17;
	[dreg:$0xb] =	wrdreg s23  }
0x11: {  	[dreg:$0xc] =	wrdreg s24;
	s17 =	sor.u32 $0x480, s1;
	s15 =	sadd.s32 s15, s6  }
0x12: {  	s1 =	sshrl.u32 s1, $0x3;
	s19 =	simm.s32 $0x5;
	s21 =	simm.s32 $0x80  }
0x13: {  	s22 =	simm.s32 $0x280;
	s23 =	simm.s32 $0x50;
	s24 =	simm.s32 $0x1  }
0x14: {  	s18 =	sadd.s32 $0x10, s5;
	s17 =	sshrl.u32 s17, $0x3;
	[dreg:$0x3] =	wrdreg s15  }
0x15: {  	s1 =	sadd.s32 s1, s6;
	s15 =	sadd.s32 $0x4CE00, s0;
	s0 =	simm.s32 $0x3  }
0x16: {  	[dreg:$0x7] =	wrdreg s18;
	s25 =	sadd.s32 s17, s6;
	s6 =	sadd.s32 s8, s6  }
0x17: {  	[dreg:$0x5] =	wrdreg s1;
	s17 =	simm.s32 $0x200;
	s18 =	simm.s32 $0x400  }
0x18: {  	s1 =	simm.s32 $0x0;
	[dreg:$0x4] =	wrdreg s25;
	s26 =	sadd.s32 s9, s6  }
0x19: {  	v0 =	vimm.f32 $0.0e+00;
	s25 =	simm.s32 $0x100;
	[dreg:$0x6] =	wrdreg s26;
	s26 =	simm.s32 $0x300  }
.LBB2_1:
0x1a: {  	[tilespmem:s3], [sflag:$0x4] =	stream.linear.gather [hbm4b:s5+s3], $0x80, $0x38;
	[tilespmem:$0x19400] =	vst v63  }
0x1b: {  	s6 =	rddreg [dreg:$0x7]  }
0x1c: {  	[tilespmem:s17], [sflag:$0x4] =	stream.linear.gather [hbm4b:s6+s3], $0x80, $0x38;
	[tilespmem:$0x19400] =	vst v63  }
0x1d: {  	s8 =	simm.s32 $0x200;
	s6 =	simm.s32 $0x0;
	_ =	strace $0x80000056  }
.LBB2_2:
0x1e: {  	p0 =	sne.s32 s8, $0x9E00;
	[tilespmem:s6+$0x470] =	vst v0  }
0x1f: {  	[tilespmem:s6+$0x400] =	vst v0  }
0x20: {  	[tilespmem:s6+$0x410] =	vst v0  }
.Ltmp0:
0x21: {  	[tilespmem:s6+$0x420] =	vst v0;
	(pc) =	sbr.rel @p0 .LBB2_2-.Ltmp0, $4  }
0x22: {  	[tilespmem:s6+$0x430] =	vst v0  }
0x23: {  	[tilespmem:s6+$0x440] =	vst v0  }
0x24: {  	[tilespmem:s6+$0x450] =	vst v0  }
0x25: {  	[tilespmem:s6+$0x460] =	vst v0;
	s6 =	sshra.s32 s8, $0x2;
	s8 =	sadd.s32 $0x200, s8  }
0x26: {  	[tilespmem:s6+$0x470] =	vst v0  }
0x27: {  	[tilespmem:s6+$0x400] =	vst v0  }
0x28: {  	[tilespmem:s6+$0x410] =	vst v0  }
0x29: {  	[tilespmem:s6+$0x420] =	vst v0  }
0x2a: {  	[tilespmem:s6+$0x430] =	vst v0  }
0x2b: {  	[tilespmem:s6+$0x440] =	vst v0  }
0x2c: {  	[tilespmem:s6+$0x450] =	vst v0  }
0x2d: {  	[tilespmem:s6+$0x460] =	vst v0  }
0x2e: {  	[spmem:s7] =	stream.linear.scatter [tilespmem:s18], [sflag:$0x5], $0x2800, $0x200038;
	[tilespmem:$0x19400] =	vst v63  }
0x2f: {  	_ =	swait.ge [sflag:s19], $0x2800  }
0x30: {  	[sflag:s19] =	ssyncset.done $0x0  }
0x31: {  	s9 =	rddreg [dreg:$0x8];
	[sflag:s19] =	ssyncadd.s32 $0xFFFFD800  }
0x32: {  	[spmem:s9] =	stream.linear.scatter [tilespmem:s18], [sflag:$0x5], $0x2800, $0x200038;
	[tilespmem:$0x19400] =	vst v63  }
0x33: {  	_ =	swait.ge [sflag:s19], $0x2800  }
0x34: {  	[sflag:s19] =	ssyncset.done $0x0  }
0x35: {  	s10 =	rddreg [dreg:$0x9];
	[sflag:s19] =	ssyncadd.s32 $0xFFFFD800  }
0x36: {  	[spmem:s10] =	stream.linear.scatter [tilespmem:s18], [sflag:$0x5], $0x2800, $0x200038;
	[tilespmem:$0x19400] =	vst v63  }
0x37: {  	_ =	swait.ge [sflag:s19], $0x2800  }
0x38: {  	[sflag:s19] =	ssyncset.done $0x0  }
0x39: {  	s11 =	rddreg [dreg:$0xa];
	[sflag:s19] =	ssyncadd.s32 $0xFFFFD800  }
0x3a: {  	[spmem:s11] =	stream.linear.scatter [tilespmem:s18], [sflag:$0x5], $0x2800, $0x200038;
	[tilespmem:$0x19400] =	vst v63  }
0x3b: {  	_ =	swait.ge [sflag:s19], $0x2800  }
0x3c: {  	[sflag:s19] =	ssyncset.done $0x0  }
0x3d: {  	s12 =	rddreg [dreg:$0xb];
	[sflag:s19] =	ssyncadd.s32 $0xFFFFD800  }
0x3e: {  	[spmem:s12] =	stream.linear.scatter [tilespmem:s18], [sflag:$0x5], $0x2800, $0x200038;
	[tilespmem:$0x19400] =	vst v63  }
0x3f: {  	_ =	swait.ge [sflag:s19], $0x2800  }
0x40: {  	[sflag:s19] =	ssyncset.done $0x0  }
0x41: {  	s8 =	rddreg [dreg:$0xc];
	[sflag:s19] =	ssyncadd.s32 $0xFFFFD800  }
0x42: {  	[spmem:s8] =	stream.linear.scatter [tilespmem:s18], [sflag:$0x5], $0x2800, $0x200038;
	[tilespmem:$0x19400] =	vst v63  }
0x43: {  	_ =	swait.ge [sflag:s19], $0x2800  }
0x44: {  	[sflag:s19] =	ssyncset.done $0x0  }
0x45: {  	[sflag:s19] =	ssyncadd.s32 $0xFFFFD800  }
0x46: {  	[spmem:s13] =	stream.linear.scatter [tilespmem:s18], [sflag:$0x5], $0x2800, $0x200038;
	[tilespmem:$0x19400] =	vst v63  }
0x47: {  	_ =	swait.ge [sflag:s19], $0x2800  }
0x48: {  	[sflag:s19] =	ssyncset.done $0x0  }
0x49: {  	[sflag:s19] =	ssyncadd.s32 $0xFFFFD800  }
0x4a: {  	[spmem:s14] =	stream.linear.scatter [tilespmem:s18], [sflag:$0x5], $0x2800, $0x200038;
	[tilespmem:$0x19400] =	vst v63  }
0x4b: {  	_ =	swait.ge [sflag:s19], $0x2800  }
0x4c: {  	[sflag:s19] =	ssyncset.done $0x0  }
0x4d: {  	[sflag:s19] =	ssyncadd.s32 $0xFFFFD800  }
0x4e: {  	[bflag:$0x0] =	sbarrier.arrive $0xFFFF  }
0x4f: {  	_ =	strace $0x90000056  }
0x50: {  	_ =	strace $0x80000057  }
0x51: {  	_ =	swait.ge [sflag:s20], $0x80  }
0x52: {  	[sflag:s20] =	ssyncset.done $0x0  }
0x53: {  	[sflag:s20] =	ssyncadd.s32 $0xFFFFFF80  }
0x54: {  	_ =	swait.ge [sflag:s20], $0x80  }
0x55: {  	s9 =	rddreg [dreg:$0x6]  }
0x56: {  	[sflag:s20] =	ssyncset.done $0x0;
	s6 =	sadd.s32 $0x0, s9  }
0x57: {  	p0 =	por $0x1, $0x1;
	[sflag:s20] =	ssyncadd.s32 $0xFFFFFF80;
	s8 =	sadd.s32 $0x20, s6  }
0x58: {  	[tilespmem:s21], [sflag:$0x4] =	stream.linear.gather [hbm4b:s8+s3], $0x80, $0x200038;
	[tilespmem:$0x19400] =	vst v63  }
0x59: {  	s10 =	sadd.s32 $0x30, s6;
	s8 =	simm.s32 @!p0 $0x2  }
0x5a: {  	[tilespmem:s22], [sflag:$0x4] =	stream.linear.gather [hbm4b:s10+s3], $0x80, $0x200038;
	[tilespmem:$0x19400] =	vst v63  }
0x5b: {  	_ =	swait.ge @!p0 [sflag:s8], $0x2800  }
0x5c: {  	[sflag:s8] =	ssyncset.done @!p0 $0x0  }
0x5d: {  	[sflag:s8] =	ssyncadd.s32 @!p0 $0xFFFFD800  }
0x5e: {  	[tilespmem:s18], [sflag:$0x1] =	stream.indirect.gather [hbm4b:s4+s23], $0x80, s3, s23, $0x2000b8;
	[tilespmem:$0x19400] =	vst v63  }
0x5f: {  	_ =	swait.ge [sflag:s24], $0x2800  }
0x60: {  	[sflag:s24] =	ssyncset.done $0x0  }
0x61: {  	[sflag:s24] =	ssyncadd.s32 $0xFFFFD800  }
0x62: {  	[spmem:s2] =	stream.indirect.scatter.add.f32 [tilespmem:s18], [sflag:$0x2], $0x80, s17, s23, $0x2000b8;
	[tilespmem:$0x19400] =	vst v63  }
0x63: {  	_ =	swait.ge [sflag:s20], $0x80  }
0x64: {  	[sflag:s20] =	ssyncset.done $0x0  }
0x65: {  	[sflag:s20] =	ssyncadd.s32 $0xFFFFFF80  }
0x66: {  	_ =	swait.ge [sflag:s20], $0x80  }
0x67: {  	s11 =	rddreg [dreg:$0x5]  }
0x68: {  	[sflag:s20] =	ssyncset.done $0x0;
	s8 =	sadd.s32 $0x0, s11  }
0x69: {  	[sflag:s20] =	ssyncadd.s32 $0xFFFFFF80;
	s9 =	sadd.s32 $0x40, s8  }
0x6a: {  	[tilespmem:s25], [sflag:$0x4] =	stream.linear.gather [hbm4b:s9+s3], $0x80, $0x200038;
	[tilespmem:$0x19400] =	vst v63  }
0x6b: {  	s8 =	sadd.s32 $0x50, s8;
	s9 =	simm.s32 @!p0 $0x3  }
0x6c: {  	[tilespmem:s26], [sflag:$0x4] =	stream.linear.gather [hbm4b:s8+s3], $0x80, $0x200038;
	[tilespmem:$0x19400] =	vst v63  }
0x6d: {  	_ =	swait.ge @!p0 [sflag:s9], $0x2800  }
0x6e: {  	[sflag:s9] =	ssyncset.done @!p0 $0x0  }
0x6f: {  	[sflag:s9] =	ssyncadd.s32 @!p0 $0xFFFFD800  }
0x70: {  	[tilespmem:s28], [sflag:$0x1] =	stream.indirect.gather [hbm4b:s4+s23], $0x80, s21, s23, $0x2000b8;
	[tilespmem:$0x19400] =	vst v63  }
0x71: {  	_ =	swait.ge [sflag:s24], $0x2800  }
0x72: {  	[sflag:s24] =	ssyncset.done $0x0  }
0x73: {  	[sflag:s24] =	ssyncadd.s32 $0xFFFFD800  }
0x74: {  	[spmem:s2] =	stream.indirect.scatter.add.f32 [tilespmem:s28], [sflag:$0x3], $0x80, s22, s23, $0x2000b8;
	[tilespmem:$0x19400] =	vst v63  }
0x75: {  	_ =	swait.ge [sflag:s20], $0x80  }
0x76: {  	[sflag:s20] =	ssyncset.done $0x0  }
0x77: {  	[sflag:s20] =	ssyncadd.s32 $0xFFFFFF80  }
0x78: {  	_ =	swait.ge [sflag:s20], $0x80  }
0x79: {  	[sflag:s20] =	ssyncset.done $0x0  }
0x7a: {  	s12 =	sadd.s32 $0x60, s6;
	[sflag:s20] =	ssyncadd.s32 $0xFFFFFF80  }
0x7b: {  	[tilespmem:s29], [sflag:$0x4] =	stream.linear.gather [hbm4b:s12+s3], $0x80, $0x200038;
	[tilespmem:$0x19400] =	vst v63  }
0x7c: {  	s6 =	sadd.s32 $0x70, s6  }
0x7d: {  	[tilespmem:s30], [sflag:$0x4] =	stream.linear.gather [hbm4b:s6+s3], $0x80, $0x200038;
	[tilespmem:$0x19400] =	vst v63  }
0x7e: {  	_ =	swait.ge [sflag:s31], $0x2800  }
0x7f: {  	[sflag:s31] =	ssyncset.done $0x0  }
0x80: {  	[sflag:s31] =	ssyncadd.s32 $0xFFFFD800  }
0x81: {  	[tilespmem:s18], [sflag:$0x1] =	stream.indirect.gather [hbm4b:s4+s23], $0x80, s25, s23, $0x2000b8;
	[tilespmem:$0x19400] =	vst v63  }
0x82: {  	_ =	swait.ge [sflag:s24], $0x2800  }
0x83: {  	[sflag:s24] =	ssyncset.done $0x0  }
0x84: {  	[sflag:s24] =	ssyncadd.s32 $0xFFFFD800  }
0x85: {  	[spmem:s2] =	stream.indirect.scatter.add.f32 [tilespmem:s18], [sflag:$0x2], $0x80, s26, s23, $0x2000b8;
	[tilespmem:$0x19400] =	vst v63  }
0x86: {  	_ =	swait.ge [sflag:s20], $0x80  }
0x87: {  	[sflag:s20] =	ssyncset.done $0x0  }
0x88: {  	[sflag:s20] =	ssyncadd.s32 $0xFFFFFF80  }
0x89: {  	p0 =	por $0x0, $0x0;
	_ =	swait.ge [sflag:s20], $0x80  }
0x8a: {  	s9 =	simm.s32 @!p0 $0x0;
	s6 =	rddreg [dreg:$0x3];
	[sflag:s20] =	ssyncset.done $0x0  }
0x8b: {  	s8 =	rddreg [dreg:$0x4];
	[sflag:s20] =	ssyncadd.s32 $0xFFFFFF80;
	s6 =	sadd.s32 @!p0 $0x0, s6  }
0x8c: {  	[tilespmem:s9], [sflag:$0x4] =	stream.linear.gather @!p0 [hbm4b:s6+s9], $0x80, $0x200038;
	[tilespmem:$0x19400] =	vst v63  }
0x8d: {  	s8 =	sadd.s32 @!p0 $0x0, s8;
	s6 =	simm.s32 @!p0 $0x200  }
0x8e: {  	[tilespmem:s6], [sflag:$0x4] =	stream.linear.gather @!p0 [hbm4b:s8+s9], $0x80, $0x200038;
	[tilespmem:$0x19400] =	vst v63  }
0x8f: {  	_ =	swait.ge [sflag:s0], $0x2800  }
0x90: {  	[sflag:s0] =	ssyncset.done $0x0  }
0x91: {  	[sflag:s0] =	ssyncadd.s32 $0xFFFFD800  }
0x92: {  	[tilespmem:s28], [sflag:$0x1] =	stream.indirect.gather [hbm4b:s4+s23], $0x80, s29, s23, $0x2000b8;
	[tilespmem:$0x19400] =	vst v63  }
0x93: {  	_ =	swait.ge [sflag:s24], $0x2800  }
0x94: {  	s6 =	simm.s32 $0x80;
	[sflag:s24] =	ssyncset.done $0x0  }
.LBB2_4:
0x95: {  	[sflag:s24] =	ssyncadd.s32 $0xFFFFD800  }
0x96: {  	[spmem:s2] =	stream.indirect.scatter.add.f32 [tilespmem:s28], [sflag:$0x3], $0x80, s30, s23, $0x2000b8;
	[tilespmem:$0x19400] =	vst v63  }
0x97: {  	_ =	swait.ge [sflag:s20], $0x80  }
0x98: {  	[sflag:s20] =	ssyncset.done $0x0  }
0x99: {  	[sflag:s20] =	ssyncadd.s32 $0xFFFFFF80  }
0x9a: {  	_ =	swait.ge [sflag:s20], $0x80  }
0x9b: {  	s8 =	smov.u32 s6;
	s9 =	rddreg [dreg:$0x6]  }
0x9c: {  	[sflag:s20] =	ssyncset.done $0x0;
	s9 =	sadd.s32 s8, s9  }
0x9d: {  	p1 =	seq.s32 s8, $0x0;
	[sflag:s20] =	ssyncadd.s32 $0xFFFFFF80;
	s10 =	sadd.s32 $0x20, s9  }
0x9e: {  	[tilespmem:s21], [sflag:$0x4] =	stream.linear.gather [hbm4b:s10+s3], $0x80, $0x200038;
	[tilespmem:$0x19400] =	vst v63  }
0x9f: {  	s12 =	sadd.s32 $0x30, s9;
	s10 =	simm.s32 @!p1 $0x2  }
0xa0: {  	[tilespmem:s22], [sflag:$0x4] =	stream.linear.gather [hbm4b:s12+s3], $0x80, $0x200038;
	[tilespmem:$0x19400] =	vst v63  }
0xa1: {  	_ =	swait.ge @!p1 [sflag:s10], $0x2800  }
0xa2: {  	[sflag:s10] =	ssyncset.done @!p1 $0x0  }
0xa3: {  	[sflag:s10] =	ssyncadd.s32 @!p1 $0xFFFFD800  }
0xa4: {  	[tilespmem:s18], [sflag:$0x1] =	stream.indirect.gather [hbm4b:s4+s23], $0x80, s3, s23, $0x2000b8;
	[tilespmem:$0x19400] =	vst v63  }
0xa5: {  	_ =	swait.ge [sflag:s24], $0x2800  }
0xa6: {  	[sflag:s24] =	ssyncset.done $0x0  }
0xa7: {  	[sflag:s24] =	ssyncadd.s32 $0xFFFFD800  }
0xa8: {  	[spmem:s2] =	stream.indirect.scatter.add.f32 [tilespmem:s18], [sflag:$0x2], $0x80, s17, s23, $0x2000b8;
	[tilespmem:$0x19400] =	vst v63  }
0xa9: {  	_ =	swait.ge [sflag:s20], $0x80  }
0xaa: {  	[sflag:s20] =	ssyncset.done $0x0  }
0xab: {  	[sflag:s20] =	ssyncadd.s32 $0xFFFFFF80  }
0xac: {  	_ =	swait.ge [sflag:s20], $0x80  }
0xad: {  	s11 =	rddreg [dreg:$0x5]  }
0xae: {  	[sflag:s20] =	ssyncset.done $0x0;
	s10 =	sadd.s32 s8, s11  }
0xaf: {  	[sflag:s20] =	ssyncadd.s32 $0xFFFFFF80;
	s11 =	sadd.s32 $0x40, s10  }
0xb0: {  	[tilespmem:s25], [sflag:$0x4] =	stream.linear.gather [hbm4b:s11+s3], $0x80, $0x200038;
	[tilespmem:$0x19400] =	vst v63  }
0xb1: {  	s10 =	sadd.s32 $0x50, s10;
	s11 =	simm.s32 @!p1 $0x3  }
0xb2: {  	[tilespmem:s26], [sflag:$0x4] =	stream.linear.gather [hbm4b:s10+s3], $0x80, $0x200038;
	[tilespmem:$0x19400] =	vst v63  }
0xb3: {  	_ =	swait.ge @!p1 [sflag:s11], $0x2800  }
0xb4: {  	[sflag:s11] =	ssyncset.done @!p1 $0x0  }
0xb5: {  	[sflag:s11] =	ssyncadd.s32 @!p1 $0xFFFFD800  }
0xb6: {  	[tilespmem:s28], [sflag:$0x1] =	stream.indirect.gather [hbm4b:s4+s23], $0x80, s21, s23, $0x2000b8;
	[tilespmem:$0x19400] =	vst v63  }
0xb7: {  	_ =	swait.ge [sflag:s24], $0x2800  }
0xb8: {  	[sflag:s24] =	ssyncset.done $0x0  }
0xb9: {  	[sflag:s24] =	ssyncadd.s32 $0xFFFFD800  }
0xba: {  	[spmem:s2] =	stream.indirect.scatter.add.f32 [tilespmem:s28], [sflag:$0x3], $0x80, s22, s23, $0x2000b8;
	[tilespmem:$0x19400] =	vst v63  }
0xbb: {  	_ =	swait.ge [sflag:s20], $0x80  }
0xbc: {  	[sflag:s20] =	ssyncset.done $0x0  }
0xbd: {  	[sflag:s20] =	ssyncadd.s32 $0xFFFFFF80  }
0xbe: {  	_ =	swait.ge [sflag:s20], $0x80  }
0xbf: {  	[sflag:s20] =	ssyncset.done $0x0  }
0xc0: {  	s12 =	sadd.s32 $0x60, s9;
	[sflag:s20] =	ssyncadd.s32 $0xFFFFFF80  }
0xc1: {  	[tilespmem:s29], [sflag:$0x4] =	stream.linear.gather [hbm4b:s12+s3], $0x80, $0x200038;
	[tilespmem:$0x19400] =	vst v63  }
0xc2: {  	s9 =	sadd.s32 $0x70, s9  }
0xc3: {  	[tilespmem:s30], [sflag:$0x4] =	stream.linear.gather [hbm4b:s9+s3], $0x80, $0x200038;
	[tilespmem:$0x19400] =	vst v63  }
0xc4: {  	_ =	swait.ge [sflag:s31], $0x2800  }
0xc5: {  	[sflag:s31] =	ssyncset.done $0x0  }
0xc6: {  	[sflag:s31] =	ssyncadd.s32 $0xFFFFD800  }
0xc7: {  	[tilespmem:s18], [sflag:$0x1] =	stream.indirect.gather [hbm4b:s4+s23], $0x80, s25, s23, $0x2000b8;
	[tilespmem:$0x19400] =	vst v63  }
0xc8: {  	_ =	swait.ge [sflag:s24], $0x2800  }
0xc9: {  	[sflag:s24] =	ssyncset.done $0x0  }
0xca: {  	[sflag:s24] =	ssyncadd.s32 $0xFFFFD800  }
0xcb: {  	[spmem:s2] =	stream.indirect.scatter.add.f32 [tilespmem:s18], [sflag:$0x2], $0x80, s26, s23, $0x2000b8;
	[tilespmem:$0x19400] =	vst v63  }
0xcc: {  	_ =	swait.ge [sflag:s20], $0x80  }
0xcd: {  	[sflag:s20] =	ssyncset.done $0x0  }
0xce: {  	[sflag:s20] =	ssyncadd.s32 $0xFFFFFF80  }
0xcf: {  	p1 =	seq.s32 s8, $0xF80;
	_ =	swait.ge [sflag:s20], $0x80  }
0xd0: {  	s11 =	simm.s32 @!p1 $0x0;
	s9 =	rddreg [dreg:$0x3];
	[sflag:s20] =	ssyncset.done $0x0  }
0xd1: {  	s10 =	rddreg [dreg:$0x4];
	[sflag:s20] =	ssyncadd.s32 $0xFFFFFF80;
	s9 =	sadd.s32 @!p1 s8, s9  }
0xd2: {  	[tilespmem:s11], [sflag:$0x4] =	stream.linear.gather @!p1 [hbm4b:s9+s11], $0x80, $0x200038;
	[tilespmem:$0x19400] =	vst v63  }
0xd3: {  	s6 =	sadd.s32 $0x80, s6;
	s12 =	simm.s32 @!p1 $0x200;
	s8 =	sadd.s32 @!p1 s8, s10  }
0xd4: {  	[tilespmem:s12], [sflag:$0x4] =	stream.linear.gather @!p1 [hbm4b:s8+s11], $0x80, $0x200038;
	[tilespmem:$0x19400] =	vst v63  }
0xd5: {  	p0 =	sne.s32 s6, $0x1000;
	_ =	swait.ge [sflag:s0], $0x2800  }
.Ltmp1:
0xd6: {  	[sflag:s0] =	ssyncset.done $0x0;
	(pc) =	sbr.rel @p0 .LBB2_4-.Ltmp1, $4  }
0xd7: {  	[sflag:s0] =	ssyncadd.s32 $0xFFFFD800  }
0xd8: {  	[tilespmem:s28], [sflag:$0x1] =	stream.indirect.gather [hbm4b:s4+s23], $0x80, s29, s23, $0x2000b8;
	[tilespmem:$0x19400] =	vst v63  }
0xd9: {  	_ =	swait.ge [sflag:s24], $0x2800  }
0xda: {  	[sflag:s24] =	ssyncset.done $0x0  }
0xdb: {  	[sflag:s24] =	ssyncadd.s32 $0xFFFFD800  }
0xdc: {  	[spmem:s2] =	stream.indirect.scatter.add.f32 [tilespmem:s28], [sflag:$0x3], $0x80, s30, s23, $0x2000b8;
	[tilespmem:$0x19400] =	vst v63  }
0xdd: {  	_ =	swait.ge [sflag:s31], $0x2800  }
0xde: {  	[sflag:s31] =	ssyncset.done $0x0  }
0xdf: {  	[sflag:s31] =	ssyncadd.s32 $0xFFFFD800  }
0xe0: {  	_ =	swait.ge [sflag:s0], $0x2800  }
0xe1: {  	[sflag:s0] =	ssyncset.done $0x0  }
0xe2: {  	[sflag:s0] =	ssyncadd.s32 $0xFFFFD800  }
0xe3: {  	_ =	strace $0x90000057  }
0xe4: {  	_ =	strace $0x80000058  }
0xe5: {  	s6 =	stileid.u32;
	s8 =	sshrl.u32 s7, $0x3;
	[bflag:$0x0] =	sbarrier.arrive $0xFFFF  }
0xe6: {  	s1 =	sadd.s32 $0x1, s1;
	s6 =	sshll.u32 s6, $0x6;
	_ =	strace $0x90000058  }
0xe7: {  	p0 =	sne.s32 s1, s16;
	s6 =	sor.u32 $0x1C05, s6;
	_ =	strace $0x80000059  }
0xe8: {  	[hbm:s15], [sflag:s6] =	dma.local [spmem:s8], $0x2800  }
.Ltmp2:
0xe9: {  	_ = 	snop;
	(pc) =	sbr.rel @p0 .LBB2_1-.Ltmp2, $4  }
0xea: {  	_ =	swait.ge [sflag:s19], $0x2800  }
0xeb: {  	[sflag:s19] =	ssyncset.done $0x0  }
0xec: {  	[sflag:s19] =	ssyncadd.s32 $0xFFFFD800  }
0xed: {  	_ =	strace $0x90000059  }
0xee: {  	_ =	sfence.sel $0x180000  }
0xef: {  	[bflag:$0x0] =	sbarrier.arrive $0xFFFF  }
0xf0: {  	_ =	strace $0x90000055  }
0xf1: {  	s0 =	stileid.u32;
	[bflag:$0x2] =	sbarrier.arrive $0xFFFF  }
0xf2: {  	p0 =	sne.s32 s0, $0x0;
	s0 =	rddreg [dreg:$0x2]  }
0xf3: {  	s0 =	sadd.s32 @!p0 $0x100000, s0  }
0xf4: {  	[sflag:s0] =	ssyncadd.tile.s32 @!p0 $0x1;
	_ =	shalt  }
.Lfunc_end2:
_tile_overlayer_lowered:
.L_overlay_start_2:
0xf5: {  	(tag) =	ssettag $0x2  }
0xf6: {  	s0 =	rddreg [dreg:$0x0];
	s2 =	stileid.u32  }
0xf7: {  	s1 =	rddreg [dreg:$0x1];
	p0 =	sne.s32 s2, $0x0  }
0xf8: {  	s3 =	rddreg [dreg:$0x2];
	[bflag:$0x3] =	sbarrier.arrive $0xFFFF;
	s2 =	simm.s32 @!p0 $0x1C05  }
0xf9: {  	[timem:s3], [sflag:s2] =	dma.local @!p0 [hbm:s0], s1  }
0xfa: {  	s0 =	simm.s32 @!p0 $0x5  }
0xfb: {  	_ =	swait.ge @!p0 [sflag:s0], s1  }
0xfc: {  	s1 =	ssub.s32 @!p0 $0x0, s1;
	[sflag:s0] =	ssyncset.done @!p0 $0x0  }
0xfd: {  	[sflag:s0] =	ssyncadd.s32 @!p0 s1  }
0xfe: {  	[bflag:$0x3] =	sbarrier.arrive $0xFFFF  }
0xff: {  	_ =	shalt  }

// kernel: _run.22.cloned.1.call-start
scs
__scs_entry_jumppad:
0x0: {  	(pc) =	sbr.rel $0x88, $3  }
0x1: {  	(tag) =	ssettag $0x0;
	lr =	simm.s32 $0x1  }
0x2: {  	[smem:$0x3F91] =	sst lr;
	_ =	strace $0xD0000000  }
0x3: {  	_ = 	snop  }
0x4: {  	_ = 	snop  }
0x5: {  	_ = 	snop  }
0x6: {  	_ = 	snop  }
0x7: {  	_ = 	snop  }
__scs_overlays_trampoline_lowered:
0x8: {  	[smem:$0x3FA0] =	sst s0  }
0x9: {  	[smem:$0x3FA1] =	sst s1  }
0xa: {  	[smem:$0x3FA2] =	sst s2  }
0xb: {  	[smem:$0x3FA3] =	sst s3  }
0xc: {  	[smem:$0x3FA4] =	sst s4  }
0xd: {  	[smem:$0x3FA5] =	sst s5  }
0xe: {  	[smem:$0x3FA6] =	sst s6  }
0xf: {  	[smem:$0x3FA7] =	sst s7  }
0x10: {  	[smem:$0x3FA8] =	sst s8  }
0x11: {  	[smem:$0x3FA9] =	sst s9;
	s0 =	simm.s32 @!p0 $0x0  }
0x12: {  	s1 =	sld [smem:$0x3F8F];
	s0 =	simm.s32 @p0 $0x1  }
0x13: {  	[smem:$0x3FAA] =	sst s0;
	s0 =	simm.s32 @!p1 $0x0  }
0x14: {  	s2 =	sld [smem:$0x3F8E];
	s0 =	simm.s32 @p1 $0x1  }
0x15: {  	[smem:$0x3FAB] =	sst s0;
	s0 =	simm.s32 @!p2 $0x0  }
0x16: {  	s3 =	sld [smem:$0x3FDB];
	s0 =	simm.s32 @p2 $0x1  }
0x17: {  	s4 =	simm.s32 $0x1BF5;
	[smem:$0x3FAD] =	sst s0  }
0x18: {  	s0 =	sld [smem:$0x3F90];
	_ =	swait.ge [sflag:s4], $0x0  }
0x19: {  	s7 =	sld [smem:$0x3F91]  }
0x1a: {  	s8 =	sadd.s32 $0xFFFFE003, lr  }
0x1b: {  	s9 =	sadd.s32 $0xFFFFFEF7, lr;
	s5 =	simm.s32 $0xFFFFFFFF;
	p2 =	slt.u32 s8, $0xFFFFF086  }
0x1c: {  	p1 =	slt.u32 s9, $0xF7A;
	s5 =	simm.s32 @!p2 $0x0  }
0x1d: {  	s5 =	simm.s32 @p1 $0x1;
	p0 =	seq.s32 s7, s2  }
0x1e: {  	s7 =	smul.u32 @!p0 $0xF7A, s2;
	p2 =	seq.s32 @!p0 s5, $0x0  }
0x1f: {  	s9 =	smul.u32 $0xF7A, s1;
	s8 =	simm.s32 @!p0 $0x1BF5;
	p2 =	por !p2, p0  }
0x20: {  	[sflag:s8] =	ssyncset.s32 @!p0 $0xFFFFF086;
	s6 =	sadd.s32 @!p0 s3, s7;
	s7 =	simm.s32 @!p0 $0x108  }
0x21: {  	s3 =	sadd.s32 s3, s9;
	s6 =	sadd.s32 @!p0 $0x88, s6;
	s7 =	simm.s32 @p2 $0x1082  }
0x22: {  	[simem:s7], [sflag:s8] =	dma.local @!p0 [hbm:s6], $0xF7A  }
0x23: {  	s9 =	sor.u32 $0xD0000000, s2;
	s6 =	simm.s32 $0x108;
	_ =	swait.ge @!p0 [sflag:s8], $0x0  }
0x24: {  	s3 =	sadd.s32 $0x88, s3;
	s6 =	simm.s32 @!p1 $0x1082;
	[sflag:s4] =	ssyncset.s32 $0xFFFFF086  }
0x25: {  	[simem:s6], [sflag:s4] =	dma.local [hbm:s3], $0xF7A  }
0x26: {  	[smem:$0x3F91] =	sst s1;
	(tag) =	ssettag s2;
	_ =	strace s9  }
0x27: {  	s1 =	sld [smem:$0x3FA1]  }
0x28: {  	s2 =	sld [smem:$0x3FA2]  }
0x29: {  	s4 =	sld [smem:$0x3FA4]  }
0x2a: {  	p0 =	seq.s32 s5, $0x0;
	s5 =	sld [smem:$0x3FA5]  }
0x2b: {  	s6 =	sld [smem:$0x3FA6]  }
0x2c: {  	s7 =	sld [smem:$0x3FA7]  }
0x2d: {  	s3 =	simm.s32 $0x108;
	s8 =	sld [smem:$0x3FA8]  }
0x2e: {  	s3 =	simm.s32 @!p0 $0x1082;
	s9 =	sld [smem:$0x3FA9]  }
0x2f: {  	lr =	sadd.s32 s0, s3;
	s0 =	sld [smem:$0x3FA0]  }
0x30: {  	s3 =	sld [smem:$0x3FA3]  }
0x31: {  	[smem:$0x3FAC] =	sst s10  }
0x32: {  	s10 =	sld [smem:$0x3FAA];
	_ =	sdelay $0x3  }
0x33: {  	p0 =	seq.s32 s10, $0x1;
	s10 =	sld [smem:$0x3FAC];
	_ =	sdelay $0x3  }
0x34: {  	[smem:$0x3FAC] =	sst s10  }
0x35: {  	s10 =	sld [smem:$0x3FAB];
	_ =	sdelay $0x3  }
0x36: {  	p1 =	seq.s32 s10, $0x1;
	s10 =	sld [smem:$0x3FAC];
	_ =	sdelay $0x3  }
0x37: {  	[smem:$0x3FAC] =	sst s10  }
0x38: {  	s10 =	sld [smem:$0x3FAD]  }
0x39: {  	_ = 	snop;
	(pc) =	sbr.ind lr, $3  }
0x3a: {  	_ = 	snop  }
0x3b: {  	_ = 	snop  }
0x3c: {  	p2 =	seq.s32 s10, $0x1;
	s10 =	sld [smem:$0x3FAC]  }
0x3d: {  	_ =	shalt  }
0x3e: {  	_ =	shalt  }
0x3f: {  	_ =	shalt  }
0x40: {  	_ =	shalt  }
0x41: {  	_ =	shalt  }
0x42: {  	_ =	shalt  }
0x43: {  	_ =	shalt  }
0x44: {  	_ =	shalt  }
0x45: {  	_ =	shalt  }
0x46: {  	_ =	shalt  }
0x47: {  	_ =	shalt  }
0x48: {  	_ =	shalt  }
0x49: {  	_ =	shalt  }
0x4a: {  	_ =	shalt  }
0x4b: {  	_ =	shalt  }
0x4c: {  	_ =	shalt  }
0x4d: {  	_ =	shalt  }
0x4e: {  	_ =	shalt  }
0x4f: {  	_ =	shalt  }
0x50: {  	_ =	shalt  }
0x51: {  	_ =	shalt  }
0x52: {  	_ =	shalt  }
0x53: {  	_ =	shalt  }
0x54: {  	_ =	shalt  }
0x55: {  	_ =	shalt  }
0x56: {  	_ =	shalt  }
0x57: {  	_ =	shalt  }
0x58: {  	_ =	shalt  }
0x59: {  	_ =	shalt  }
0x5a: {  	_ =	shalt  }
0x5b: {  	_ =	shalt  }
0x5c: {  	_ =	shalt  }
0x5d: {  	_ =	shalt  }
0x5e: {  	_ =	shalt  }
0x5f: {  	_ =	shalt  }
0x60: {  	_ =	shalt  }
0x61: {  	_ =	shalt  }
0x62: {  	_ =	shalt  }
0x63: {  	_ =	shalt  }
0x64: {  	_ =	shalt  }
0x65: {  	_ =	shalt  }
0x66: {  	_ =	shalt  }
0x67: {  	_ =	shalt  }
0x68: {  	_ =	shalt  }
0x69: {  	_ =	shalt  }
0x6a: {  	_ =	shalt  }
0x6b: {  	_ =	shalt  }
0x6c: {  	_ =	shalt  }
0x6d: {  	_ =	shalt  }
0x6e: {  	_ =	shalt  }
0x6f: {  	_ =	shalt  }
0x70: {  	_ =	shalt  }
0x71: {  	_ =	shalt  }
0x72: {  	_ =	shalt  }
0x73: {  	_ =	shalt  }
0x74: {  	_ =	shalt  }
0x75: {  	_ =	shalt  }
0x76: {  	_ =	shalt  }
0x77: {  	_ =	shalt  }
0x78: {  	_ =	shalt  }
0x79: {  	_ =	shalt  }
0x7a: {  	_ =	shalt  }
0x7b: {  	_ =	shalt  }
0x7c: {  	_ =	shalt  }
0x7d: {  	_ =	shalt  }
0x7e: {  	_ =	shalt  }
0x7f: {  	_ =	shalt  }
0x80: {  	_ =	shalt  }
0x81: {  	_ =	shalt  }
0x82: {  	_ =	shalt  }
0x83: {  	_ =	shalt  }
0x84: {  	_ =	shalt  }
0x85: {  	_ =	shalt  }
0x86: {  	_ =	shalt  }
0x87: {  	_ =	shalt  }
.Lfunc_end0:
.L_simem_size_0:
called_computation.3_lowered:
.L_overlay_start_0:
0x88: {  	s2 =	sld [smem:$0x3FD9]  }
0x89: {  	s3 =	sld [smem:$0x3FFE];
	_ =	sdelay $0x1  }
0x8a: {  	s1 =	srdreg.scid  }
0x8b: {  	s0 =	sand.u32 $0x1, s1  }
0x8c: {  	s16 =	sshll.u32 s0, $0xA;
	s2 =	sadd.s32 s3, s2  }
0x8d: {  	s2 =	sadd.s32 s2, s16  }
0x8e: {  	[smem:$0x3FB8] =	sst s2  }
0x8f: {  	_ = 	snop  }
0x90: {  	(tm) =	ssettm $0x1  }
0x91: {  	s17 =	sld [smem:$0x3FFB];
	_ =	sdelay $0x3  }
0x92: {  	_ =	strace s17  }
0x93: {  	s2 =	sld [smem:$0x3FFC];
	_ =	sdelay $0x3  }
0x94: {  	_ =	strace s2  }
0x95: {  	s2 =	sld [smem:$0x3FFD];
	_ =	sdelay $0x3  }
0x96: {  	_ =	strace s2  }
0x97: {  	_ =	strace $0x8FFFFFFF  }
0x98: {  	s18 =	sld [smem:$0x3FDB];
	_ =	sdelay $0x1  }
0x99: {  	s19 =	simm.s32 $_scs_section_size  }
0x9a: {  	s4 =	simm.s32 $_size__tile_overlayer_lowered;
	s5 =	simm.s32 $_tile_overlayer_lowered  }
0x9b: {  	s22 =	simm.s32 $0x1BFF;
	s21 =	sshll.u32 s5, $0x1;
	s2 =	sadd.s32 s19, s18  }
0x9c: {  	s6 =	simm.s32 $0x0;
	s20 =	sshll.u32 s4, $0x1;
	s4 =	sadd.s32 s21, s2  }
0x9d: {  	[timem:s6], [sflag:s22] =	dma.local [hbm:s4], s20  }
0x9e: {  	_ =	swait.ge [sflag:s22], s20  }
0x9f: {  	s3 =	ssub.s32 $0x0, s20;
	[sflag:s22] =	ssyncset.done $0x0  }
0xa0: {  	[sflag:s22] =	ssyncadd.s32 s3;
	_ =	sdelay $0x1  }
0xa1: {  	s23 =	simm.s32 $0x1B8B  }
0xa2: {  	_ =	swait.ge [sflag:s23], $0x1  }
0xa3: {  	[sflag:s23] =	ssyncset.done $0x0  }
0xa4: {  	s25 =	simm.s32 $0x1B8E;
	s24 =	sld [smem:$0x3FFE];
	[sflag:s23] =	ssyncadd.s32 $0xFFFFFFFF  }
0xa5: {  	s26 =	simm.s32 $execute0_lowered;
	[smem:$0x3FD2] =	sst s25  }
0xa6: {  	s4 =	sshll.u32 s26, $0x1;
	_ =	strace $0x8000005B;
	[dreg:$0x1] =	wrdreg $0xFFFFFFFF  }
0xa7: {  	s28 =	simm.s32 $_size_execute0_lowered;
	s2 =	sadd.s32 s2, s4;
	[dreg:$0x0] =	wrdreg $0x0  }
0xa8: {  	s4 =	sshll.u32 s28, $0x1;
	[dreg:$0x2] =	wrdreg s2  }
0xa9: {  	[dreg:$0x3] =	wrdreg s4  }
0xaa: {  	[dreg:$0x4] =	wrdreg $0xC0  }
0xab: {  	_ =	task [dreg:s6], $0x5FFFF  }
0xac: {  	[dreg:$0x1] =	wrdreg $0xFFFFFFFF  }
0xad: {  	[dreg:$0x0] =	wrdreg $0x60  }
0xae: {  	[dreg:$0x2] =	wrdreg s24  }
0xaf: {  	[dreg:$0x3] =	wrdreg $0x54000  }
0xb0: {  	[dreg:$0x4] =	wrdreg $0x9  }
0xb1: {  	_ =	task.clear_ibuf [dreg:s6], $0x5FFFF;
	_ =	strace $0x9000005B  }
0xb2: {  	s29 =	simm.s32 $0x9;
	_ =	strace $0x80000061  }
0xb3: {  	_ =	swait.ge [sflag:s29], $0x1  }
0xb4: {  	[sflag:s29] =	ssyncadd.s32 $0xFFFFFFFF  }
0xb5: {  	_ =	strace $0x90000061  }
0xb6: {  	_ =	sfence  }
0xb7: {  	s30 =	sld [smem:$0x0];
	_ =	sdelay $0x2  }
0xb8: {  	s31 =	sshll.u32 s1, $0xD;
	s1 =	sshrl.u32 s1, $0x2  }
0xb9: {  	s3 =	sand.u32 $0x4000, s31;
	s1 =	sadd.s32 s1, s30  }
0xba: {  	s0 =	sor.u32 s3, s0;
	s1 =	sshll.u32 s1, $0x11  }
0xbb: {  	s0 =	sor.u32 s1, s0  }
0xbc: {  	s0 =	sadd.s32 $0x8F2B, s0  }
0xbd: {  	[sflag:s0] =	ssyncadd.remote.s32 $0x1  }
0xbe: {  	_ =	sfence.sel $0xFFFF  }
0xbf: {  	[dreg:$0x0] =	wrdreg $0xFFFFFFFF;
	(pc) =	sbr.abs _section_cstart, $3  }
0xc0: {  	[dreg:$0x1] =	wrdreg $0xFFFFFFFF  }
0xc1: {  	_ =	task.clear_ibuf [dreg:s6], $0x2FFFF;
	_ =	strace $0x9FFFFFFF  }
0xc2: {  	(tm) =	ssettm $0x7FFFFFFF  }
0xc3: {  	_ =	shalt  }
tec
execute0_lowered:
.L_overlay_start_1:
0x0: {  	(tag) =	ssettag $0x1  }
0x1: {  	s0 =	rddreg [dreg:$0x0];
	s1 =	srdreg.scid  }
0x2: {  	s2 =	rddreg [dreg:$0x1];
	s12 =	stileid.u32;
	s3 =	simm.s32 $0x0  }
0x3: {  	s28 =	simm.s32 $0x2C00;
	s29 =	simm.s32 $0x180;
	s30 =	simm.s32 $0x380  }
0x4: {  	s31 =	simm.s32 $0x2;
	s1 =	sand.u32 $0x1, s1;
	s5 =	smul.u32 $0x14000, s12  }
0x5: {  	[smem:$0x7FF] =	sst s3;
	s6 =	sadd.s32 $0x4E00, s0;
	s7 =	smul.u32 $0x50000, s12  }
0x6: {  	s9 =	sshll.u32 s12, $0xC;
	s20 =	sshll.u32 s12, $0xF;
	s4 =	smul.u32 $0x140000, s1  }
0x7: {  	_ =	strace $0x8000005C;
	s8 =	sshll.u32 s1, $0x10;
	s10 =	ssub.s32 $0x2, s1  }
0x8: {  	s1 =	sshll.u32 s1, $0x13;
	s17 =	sor.u32 s9, s8;
	s11 =	sshrl.u32 s10, $0x1  }
0x9: {  	s7 =	sshrl.u32 s7, $0x2;
	s1 =	sor.u32 s20, s1;
	s20 =	simm.s32 $0x4  }
0xa: {  	s5 =	sadd.s32 s5, s4;
	s4 =	sadd.s32 $0x24E00, s0;
	s16 =	ssub.s32 s10, s11  }
0xb: {  	s7 =	sadd.s32 s7, s2;
	s14 =	sor.u32 $0x400, s1;
	s5 =	sshrl.u32 s5, $0x3  }
0xc: {  	s19 =	sadd.s32 $0x2800, s7;
	s21 =	sadd.s32 $0x5000, s7;
	s22 =	sadd.s32 $0x7800, s7  }
0xd: {  	s23 =	sadd.s32 $0xA000, s7;
	s24 =	sadd.s32 $0xC800, s7;
	[dreg:$0x8] =	wrdreg s19  }
0xe: {  	s13 =	sadd.s32 $0xF000, s7;
	s15 =	sshrl.u32 s14, $0x3;
	[dreg:$0x9] =	wrdreg s21  }
0xf: {  	s14 =	sadd.s32 $0x11800, s7;
	s16 =	smax.u32 s16, $0x1;
	[dreg:$0xa] =	wrdreg s22  }
0x10: {  	s0 =	sadd.s32 s5, s0;
	s5 =	sadd.s32 s6, s17;
	[dreg:$0xb] =	wrdreg s23  }
0x11: {  	[dreg:$0xc] =	wrdreg s24;
	s17 =	sor.u32 $0x480, s1;
	s15 =	sadd.s32 s15, s6  }
0x12: {  	s1 =	sshrl.u32 s1, $0x3;
	s19 =	simm.s32 $0x5;
	s21 =	simm.s32 $0x80  }
0x13: {  	s22 =	simm.s32 $0x280;
	s23 =	simm.s32 $0x50;
	s24 =	simm.s32 $0x1  }
0x14: {  	s18 =	sadd.s32 $0x10, s5;
	s17 =	sshrl.u32 s17, $0x3;
	[dreg:$0x3] =	wrdreg s15  }
0x15: {  	s1 =	sadd.s32 s1, s6;
	s15 =	sadd.s32 $0x4CE00, s0;
	s0 =	simm.s32 $0x3  }
0x16: {  	[dreg:$0x7] =	wrdreg s18;
	s25 =	sadd.s32 s17, s6;
	s6 =	sadd.s32 s8, s6  }
0x17: {  	[dreg:$0x5] =	wrdreg s1;
	s17 =	simm.s32 $0x200;
	s18 =	simm.s32 $0x400  }
0x18: {  	s1 =	simm.s32 $0x0;
	[dreg:$0x4] =	wrdreg s25;
	s26 =	sadd.s32 s9, s6  }
0x19: {  	v0 =	vimm.f32 $0.0e+00;
	s25 =	simm.s32 $0x100;
	[dreg:$0x6] =	wrdreg s26;
	s26 =	simm.s32 $0x300  }
.LBB2_1:
0x1a: {  	[tilespmem:s3], [sflag:$0x4] =	stream.linear.gather [hbm4b:s5+s3], $0x80, $0x38;
	[tilespmem:$0x19400] =	vst v63  }
0x1b: {  	s6 =	rddreg [dreg:$0x7]  }
0x1c: {  	[tilespmem:s17], [sflag:$0x4] =	stream.linear.gather [hbm4b:s6+s3], $0x80, $0x38;
	[tilespmem:$0x19400] =	vst v63  }
0x1d: {  	s8 =	simm.s32 $0x200;
	s6 =	simm.s32 $0x0;
	_ =	strace $0x8000005D  }
.LBB2_2:
0x1e: {  	p0 =	sne.s32 s8, $0x9E00;
	[tilespmem:s6+$0x470] =	vst v0  }
0x1f: {  	[tilespmem:s6+$0x400] =	vst v0  }
0x20: {  	[tilespmem:s6+$0x410] =	vst v0  }
.Ltmp0:
0x21: {  	[tilespmem:s6+$0x420] =	vst v0;
	(pc) =	sbr.rel @p0 .LBB2_2-.Ltmp0, $4  }
0x22: {  	[tilespmem:s6+$0x430] =	vst v0  }
0x23: {  	[tilespmem:s6+$0x440] =	vst v0  }
0x24: {  	[tilespmem:s6+$0x450] =	vst v0  }
0x25: {  	[tilespmem:s6+$0x460] =	vst v0;
	s6 =	sshra.s32 s8, $0x2;
	s8 =	sadd.s32 $0x200, s8  }
0x26: {  	[tilespmem:s6+$0x470] =	vst v0  }
0x27: {  	[tilespmem:s6+$0x400] =	vst v0  }
0x28: {  	[tilespmem:s6+$0x410] =	vst v0  }
0x29: {  	[tilespmem:s6+$0x420] =	vst v0  }
0x2a: {  	[tilespmem:s6+$0x430] =	vst v0  }
0x2b: {  	[tilespmem:s6+$0x440] =	vst v0  }
0x2c: {  	[tilespmem:s6+$0x450] =	vst v0  }
0x2d: {  	[tilespmem:s6+$0x460] =	vst v0  }
0x2e: {  	[spmem:s7] =	stream.linear.scatter [tilespmem:s18], [sflag:$0x5], $0x2800, $0x200038;
	[tilespmem:$0x19400] =	vst v63  }
0x2f: {  	_ =	swait.ge [sflag:s19], $0x2800  }
0x30: {  	[sflag:s19] =	ssyncset.done $0x0  }
0x31: {  	s9 =	rddreg [dreg:$0x8];
	[sflag:s19] =	ssyncadd.s32 $0xFFFFD800  }
0x32: {  	[spmem:s9] =	stream.linear.scatter [tilespmem:s18], [sflag:$0x5], $0x2800, $0x200038;
	[tilespmem:$0x19400] =	vst v63  }
0x33: {  	_ =	swait.ge [sflag:s19], $0x2800  }
0x34: {  	[sflag:s19] =	ssyncset.done $0x0  }
0x35: {  	s10 =	rddreg [dreg:$0x9];
	[sflag:s19] =	ssyncadd.s32 $0xFFFFD800  }
0x36: {  	[spmem:s10] =	stream.linear.scatter [tilespmem:s18], [sflag:$0x5], $0x2800, $0x200038;
	[tilespmem:$0x19400] =	vst v63  }
0x37: {  	_ =	swait.ge [sflag:s19], $0x2800  }
0x38: {  	[sflag:s19] =	ssyncset.done $0x0  }
0x39: {  	s11 =	rddreg [dreg:$0xa];
	[sflag:s19] =	ssyncadd.s32 $0xFFFFD800  }
0x3a: {  	[spmem:s11] =	stream.linear.scatter [tilespmem:s18], [sflag:$0x5], $0x2800, $0x200038;
	[tilespmem:$0x19400] =	vst v63  }
0x3b: {  	_ =	swait.ge [sflag:s19], $0x2800  }
0x3c: {  	[sflag:s19] =	ssyncset.done $0x0  }
0x3d: {  	s12 =	rddreg [dreg:$0xb];
	[sflag:s19] =	ssyncadd.s32 $0xFFFFD800  }
0x3e: {  	[spmem:s12] =	stream.linear.scatter [tilespmem:s18], [sflag:$0x5], $0x2800, $0x200038;
	[tilespmem:$0x19400] =	vst v63  }
0x3f: {  	_ =	swait.ge [sflag:s19], $0x2800  }
0x40: {  	[sflag:s19] =	ssyncset.done $0x0  }
0x41: {  	s8 =	rddreg [dreg:$0xc];
	[sflag:s19] =	ssyncadd.s32 $0xFFFFD800  }
0x42: {  	[spmem:s8] =	stream.linear.scatter [tilespmem:s18], [sflag:$0x5], $0x2800, $0x200038;
	[tilespmem:$0x19400] =	vst v63  }
0x43: {  	_ =	swait.ge [sflag:s19], $0x2800  }
0x44: {  	[sflag:s19] =	ssyncset.done $0x0  }
0x45: {  	[sflag:s19] =	ssyncadd.s32 $0xFFFFD800  }
0x46: {  	[spmem:s13] =	stream.linear.scatter [tilespmem:s18], [sflag:$0x5], $0x2800, $0x200038;
	[tilespmem:$0x19400] =	vst v63  }
0x47: {  	_ =	swait.ge [sflag:s19], $0x2800  }
0x48: {  	[sflag:s19] =	ssyncset.done $0x0  }
0x49: {  	[sflag:s19] =	ssyncadd.s32 $0xFFFFD800  }
0x4a: {  	[spmem:s14] =	stream.linear.scatter [tilespmem:s18], [sflag:$0x5], $0x2800, $0x200038;
	[tilespmem:$0x19400] =	vst v63  }
0x4b: {  	_ =	swait.ge [sflag:s19], $0x2800  }
0x4c: {  	[sflag:s19] =	ssyncset.done $0x0  }
0x4d: {  	[sflag:s19] =	ssyncadd.s32 $0xFFFFD800  }
0x4e: {  	[bflag:$0x0] =	sbarrier.arrive $0xFFFF  }
0x4f: {  	_ =	strace $0x9000005D  }
0x50: {  	_ =	strace $0x8000005E  }
0x51: {  	_ =	swait.ge [sflag:s20], $0x80  }
0x52: {  	[sflag:s20] =	ssyncset.done $0x0  }
0x53: {  	[sflag:s20] =	ssyncadd.s32 $0xFFFFFF80  }
0x54: {  	_ =	swait.ge [sflag:s20], $0x80  }
0x55: {  	s9 =	rddreg [dreg:$0x6]  }
0x56: {  	[sflag:s20] =	ssyncset.done $0x0;
	s6 =	sadd.s32 $0x0, s9  }
0x57: {  	p0 =	por $0x1, $0x1;
	[sflag:s20] =	ssyncadd.s32 $0xFFFFFF80;
	s8 =	sadd.s32 $0x20, s6  }
0x58: {  	[tilespmem:s21], [sflag:$0x4] =	stream.linear.gather [hbm4b:s8+s3], $0x80, $0x200038;
	[tilespmem:$0x19400] =	vst v63  }
0x59: {  	s10 =	sadd.s32 $0x30, s6;
	s8 =	simm.s32 @!p0 $0x2  }
0x5a: {  	[tilespmem:s22], [sflag:$0x4] =	stream.linear.gather [hbm4b:s10+s3], $0x80, $0x200038;
	[tilespmem:$0x19400] =	vst v63  }
0x5b: {  	_ =	swait.ge @!p0 [sflag:s8], $0x2800  }
0x5c: {  	[sflag:s8] =	ssyncset.done @!p0 $0x0  }
0x5d: {  	[sflag:s8] =	ssyncadd.s32 @!p0 $0xFFFFD800  }
0x5e: {  	[tilespmem:s18], [sflag:$0x1] =	stream.indirect.gather [hbm4b:s4+s23], $0x80, s3, s23, $0x2000b8;
	[tilespmem:$0x19400] =	vst v63  }
0x5f: {  	_ =	swait.ge [sflag:s24], $0x2800  }
0x60: {  	[sflag:s24] =	ssyncset.done $0x0  }
0x61: {  	[sflag:s24] =	ssyncadd.s32 $0xFFFFD800  }
0x62: {  	[spmem:s2] =	stream.indirect.scatter.add.f32 [tilespmem:s18], [sflag:$0x2], $0x80, s17, s23, $0x2000b8;
	[tilespmem:$0x19400] =	vst v63  }
0x63: {  	_ =	swait.ge [sflag:s20], $0x80  }
0x64: {  	[sflag:s20] =	ssyncset.done $0x0  }
0x65: {  	[sflag:s20] =	ssyncadd.s32 $0xFFFFFF80  }
0x66: {  	_ =	swait.ge [sflag:s20], $0x80  }
0x67: {  	s11 =	rddreg [dreg:$0x5]  }
0x68: {  	[sflag:s20] =	ssyncset.done $0x0;
	s8 =	sadd.s32 $0x0, s11  }
0x69: {  	[sflag:s20] =	ssyncadd.s32 $0xFFFFFF80;
	s9 =	sadd.s32 $0x40, s8  }
0x6a: {  	[tilespmem:s25], [sflag:$0x4] =	stream.linear.gather [hbm4b:s9+s3], $0x80, $0x200038;
	[tilespmem:$0x19400] =	vst v63  }
0x6b: {  	s8 =	sadd.s32 $0x50, s8;
	s9 =	simm.s32 @!p0 $0x3  }
0x6c: {  	[tilespmem:s26], [sflag:$0x4] =	stream.linear.gather [hbm4b:s8+s3], $0x80, $0x200038;
	[tilespmem:$0x19400] =	vst v63  }
0x6d: {  	_ =	swait.ge @!p0 [sflag:s9], $0x2800  }
0x6e: {  	[sflag:s9] =	ssyncset.done @!p0 $0x0  }
0x6f: {  	[sflag:s9] =	ssyncadd.s32 @!p0 $0xFFFFD800  }
0x70: {  	[tilespmem:s28], [sflag:$0x1] =	stream.indirect.gather [hbm4b:s4+s23], $0x80, s21, s23, $0x2000b8;
	[tilespmem:$0x19400] =	vst v63  }
0x71: {  	_ =	swait.ge [sflag:s24], $0x2800  }
0x72: {  	[sflag:s24] =	ssyncset.done $0x0  }
0x73: {  	[sflag:s24] =	ssyncadd.s32 $0xFFFFD800  }
0x74: {  	[spmem:s2] =	stream.indirect.scatter.add.f32 [tilespmem:s28], [sflag:$0x3], $0x80, s22, s23, $0x2000b8;
	[tilespmem:$0x19400] =	vst v63  }
0x75: {  	_ =	swait.ge [sflag:s20], $0x80  }
0x76: {  	[sflag:s20] =	ssyncset.done $0x0  }
0x77: {  	[sflag:s20] =	ssyncadd.s32 $0xFFFFFF80  }
0x78: {  	_ =	swait.ge [sflag:s20], $0x80  }
0x79: {  	[sflag:s20] =	ssyncset.done $0x0  }
0x7a: {  	s12 =	sadd.s32 $0x60, s6;
	[sflag:s20] =	ssyncadd.s32 $0xFFFFFF80  }
0x7b: {  	[tilespmem:s29], [sflag:$0x4] =	stream.linear.gather [hbm4b:s12+s3], $0x80, $0x200038;
	[tilespmem:$0x19400] =	vst v63  }
0x7c: {  	s6 =	sadd.s32 $0x70, s6  }
0x7d: {  	[tilespmem:s30], [sflag:$0x4] =	stream.linear.gather [hbm4b:s6+s3], $0x80, $0x200038;
	[tilespmem:$0x19400] =	vst v63  }
0x7e: {  	_ =	swait.ge [sflag:s31], $0x2800  }
0x7f: {  	[sflag:s31] =	ssyncset.done $0x0  }
0x80: {  	[sflag:s31] =	ssyncadd.s32 $0xFFFFD800  }
0x81: {  	[tilespmem:s18], [sflag:$0x1] =	stream.indirect.gather [hbm4b:s4+s23], $0x80, s25, s23, $0x2000b8;
	[tilespmem:$0x19400] =	vst v63  }
0x82: {  	_ =	swait.ge [sflag:s24], $0x2800  }
0x83: {  	[sflag:s24] =	ssyncset.done $0x0  }
0x84: {  	[sflag:s24] =	ssyncadd.s32 $0xFFFFD800  }
0x85: {  	[spmem:s2] =	stream.indirect.scatter.add.f32 [tilespmem:s18], [sflag:$0x2], $0x80, s26, s23, $0x2000b8;
	[tilespmem:$0x19400] =	vst v63  }
0x86: {  	_ =	swait.ge [sflag:s20], $0x80  }
0x87: {  	[sflag:s20] =	ssyncset.done $0x0  }
0x88: {  	[sflag:s20] =	ssyncadd.s32 $0xFFFFFF80  }
0x89: {  	p0 =	por $0x0, $0x0;
	_ =	swait.ge [sflag:s20], $0x80  }
0x8a: {  	s9 =	simm.s32 @!p0 $0x0;
	s6 =	rddreg [dreg:$0x3];
	[sflag:s20] =	ssyncset.done $0x0  }
0x8b: {  	s8 =	rddreg [dreg:$0x4];
	[sflag:s20] =	ssyncadd.s32 $0xFFFFFF80;
	s6 =	sadd.s32 @!p0 $0x0, s6  }
0x8c: {  	[tilespmem:s9], [sflag:$0x4] =	stream.linear.gather @!p0 [hbm4b:s6+s9], $0x80, $0x200038;
	[tilespmem:$0x19400] =	vst v63  }
0x8d: {  	s8 =	sadd.s32 @!p0 $0x0, s8;
	s6 =	simm.s32 @!p0 $0x200  }
0x8e: {  	[tilespmem:s6], [sflag:$0x4] =	stream.linear.gather @!p0 [hbm4b:s8+s9], $0x80, $0x200038;
	[tilespmem:$0x19400] =	vst v63  }
0x8f: {  	_ =	swait.ge [sflag:s0], $0x2800  }
0x90: {  	[sflag:s0] =	ssyncset.done $0x0  }
0x91: {  	[sflag:s0] =	ssyncadd.s32 $0xFFFFD800  }
0x92: {  	[tilespmem:s28], [sflag:$0x1] =	stream.indirect.gather [hbm4b:s4+s23], $0x80, s29, s23, $0x2000b8;
	[tilespmem:$0x19400] =	vst v63  }
0x93: {  	_ =	swait.ge [sflag:s24], $0x2800  }
0x94: {  	s6 =	simm.s32 $0x80;
	[sflag:s24] =	ssyncset.done $0x0  }
.LBB2_4:
0x95: {  	[sflag:s24] =	ssyncadd.s32 $0xFFFFD800  }
0x96: {  	[spmem:s2] =	stream.indirect.scatter.add.f32 [tilespmem:s28], [sflag:$0x3], $0x80, s30, s23, $0x2000b8;
	[tilespmem:$0x19400] =	vst v63  }
0x97: {  	_ =	swait.ge [sflag:s20], $0x80  }
0x98: {  	[sflag:s20] =	ssyncset.done $0x0  }
0x99: {  	[sflag:s20] =	ssyncadd.s32 $0xFFFFFF80  }
0x9a: {  	_ =	swait.ge [sflag:s20], $0x80  }
0x9b: {  	s8 =	smov.u32 s6;
	s9 =	rddreg [dreg:$0x6]  }
0x9c: {  	[sflag:s20] =	ssyncset.done $0x0;
	s9 =	sadd.s32 s8, s9  }
0x9d: {  	p1 =	seq.s32 s8, $0x0;
	[sflag:s20] =	ssyncadd.s32 $0xFFFFFF80;
	s10 =	sadd.s32 $0x20, s9  }
0x9e: {  	[tilespmem:s21], [sflag:$0x4] =	stream.linear.gather [hbm4b:s10+s3], $0x80, $0x200038;
	[tilespmem:$0x19400] =	vst v63  }
0x9f: {  	s12 =	sadd.s32 $0x30, s9;
	s10 =	simm.s32 @!p1 $0x2  }
0xa0: {  	[tilespmem:s22], [sflag:$0x4] =	stream.linear.gather [hbm4b:s12+s3], $0x80, $0x200038;
	[tilespmem:$0x19400] =	vst v63  }
0xa1: {  	_ =	swait.ge @!p1 [sflag:s10], $0x2800  }
0xa2: {  	[sflag:s10] =	ssyncset.done @!p1 $0x0  }
0xa3: {  	[sflag:s10] =	ssyncadd.s32 @!p1 $0xFFFFD800  }
0xa4: {  	[tilespmem:s18], [sflag:$0x1] =	stream.indirect.gather [hbm4b:s4+s23], $0x80, s3, s23, $0x2000b8;
	[tilespmem:$0x19400] =	vst v63  }
0xa5: {  	_ =	swait.ge [sflag:s24], $0x2800  }
0xa6: {  	[sflag:s24] =	ssyncset.done $0x0  }
0xa7: {  	[sflag:s24] =	ssyncadd.s32 $0xFFFFD800  }
0xa8: {  	[spmem:s2] =	stream.indirect.scatter.add.f32 [tilespmem:s18], [sflag:$0x2], $0x80, s17, s23, $0x2000b8;
	[tilespmem:$0x19400] =	vst v63  }
0xa9: {  	_ =	swait.ge [sflag:s20], $0x80  }
0xaa: {  	[sflag:s20] =	ssyncset.done $0x0  }
0xab: {  	[sflag:s20] =	ssyncadd.s32 $0xFFFFFF80  }
0xac: {  	_ =	swait.ge [sflag:s20], $0x80  }
0xad: {  	s11 =	rddreg [dreg:$0x5]  }
0xae: {  	[sflag:s20] =	ssyncset.done $0x0;
	s10 =	sadd.s32 s8, s11  }
0xaf: {  	[sflag:s20] =	ssyncadd.s32 $0xFFFFFF80;
	s11 =	sadd.s32 $0x40, s10  }
0xb0: {  	[tilespmem:s25], [sflag:$0x4] =	stream.linear.gather [hbm4b:s11+s3], $0x80, $0x200038;
	[tilespmem:$0x19400] =	vst v63  }
0xb1: {  	s10 =	sadd.s32 $0x50, s10;
	s11 =	simm.s32 @!p1 $0x3  }
0xb2: {  	[tilespmem:s26], [sflag:$0x4] =	stream.linear.gather [hbm4b:s10+s3], $0x80, $0x200038;
	[tilespmem:$0x19400] =	vst v63  }
0xb3: {  	_ =	swait.ge @!p1 [sflag:s11], $0x2800  }
0xb4: {  	[sflag:s11] =	ssyncset.done @!p1 $0x0  }
0xb5: {  	[sflag:s11] =	ssyncadd.s32 @!p1 $0xFFFFD800  }
0xb6: {  	[tilespmem:s28], [sflag:$0x1] =	stream.indirect.gather [hbm4b:s4+s23], $0x80, s21, s23, $0x2000b8;
	[tilespmem:$0x19400] =	vst v63  }
0xb7: {  	_ =	swait.ge [sflag:s24], $0x2800  }
0xb8: {  	[sflag:s24] =	ssyncset.done $0x0  }
0xb9: {  	[sflag:s24] =	ssyncadd.s32 $0xFFFFD800  }
0xba: {  	[spmem:s2] =	stream.indirect.scatter.add.f32 [tilespmem:s28], [sflag:$0x3], $0x80, s22, s23, $0x2000b8;
	[tilespmem:$0x19400] =	vst v63  }
0xbb: {  	_ =	swait.ge [sflag:s20], $0x80  }
0xbc: {  	[sflag:s20] =	ssyncset.done $0x0  }
0xbd: {  	[sflag:s20] =	ssyncadd.s32 $0xFFFFFF80  }
0xbe: {  	_ =	swait.ge [sflag:s20], $0x80  }
0xbf: {  	[sflag:s20] =	ssyncset.done $0x0  }
0xc0: {  	s12 =	sadd.s32 $0x60, s9;
	[sflag:s20] =	ssyncadd.s32 $0xFFFFFF80  }
0xc1: {  	[tilespmem:s29], [sflag:$0x4] =	stream.linear.gather [hbm4b:s12+s3], $0x80, $0x200038;
	[tilespmem:$0x19400] =	vst v63  }
0xc2: {  	s9 =	sadd.s32 $0x70, s9  }
0xc3: {  	[tilespmem:s30], [sflag:$0x4] =	stream.linear.gather [hbm4b:s9+s3], $0x80, $0x200038;
	[tilespmem:$0x19400] =	vst v63  }
0xc4: {  	_ =	swait.ge [sflag:s31], $0x2800  }
0xc5: {  	[sflag:s31] =	ssyncset.done $0x0  }
0xc6: {  	[sflag:s31] =	ssyncadd.s32 $0xFFFFD800  }
0xc7: {  	[tilespmem:s18], [sflag:$0x1] =	stream.indirect.gather [hbm4b:s4+s23], $0x80, s25, s23, $0x2000b8;
	[tilespmem:$0x19400] =	vst v63  }
0xc8: {  	_ =	swait.ge [sflag:s24], $0x2800  }
0xc9: {  	[sflag:s24] =	ssyncset.done $0x0  }
0xca: {  	[sflag:s24] =	ssyncadd.s32 $0xFFFFD800  }
0xcb: {  	[spmem:s2] =	stream.indirect.scatter.add.f32 [tilespmem:s18], [sflag:$0x2], $0x80, s26, s23, $0x2000b8;
	[tilespmem:$0x19400] =	vst v63  }
0xcc: {  	_ =	swait.ge [sflag:s20], $0x80  }
0xcd: {  	[sflag:s20] =	ssyncset.done $0x0  }
0xce: {  	[sflag:s20] =	ssyncadd.s32 $0xFFFFFF80  }
0xcf: {  	p1 =	seq.s32 s8, $0xF80;
	_ =	swait.ge [sflag:s20], $0x80  }
0xd0: {  	s11 =	simm.s32 @!p1 $0x0;
	s9 =	rddreg [dreg:$0x3];
	[sflag:s20] =	ssyncset.done $0x0  }
0xd1: {  	s10 =	rddreg [dreg:$0x4];
	[sflag:s20] =	ssyncadd.s32 $0xFFFFFF80;
	s9 =	sadd.s32 @!p1 s8, s9  }
0xd2: {  	[tilespmem:s11], [sflag:$0x4] =	stream.linear.gather @!p1 [hbm4b:s9+s11], $0x80, $0x200038;
	[tilespmem:$0x19400] =	vst v63  }
0xd3: {  	s6 =	sadd.s32 $0x80, s6;
	s12 =	simm.s32 @!p1 $0x200;
	s8 =	sadd.s32 @!p1 s8, s10  }
0xd4: {  	[tilespmem:s12], [sflag:$0x4] =	stream.linear.gather @!p1 [hbm4b:s8+s11], $0x80, $0x200038;
	[tilespmem:$0x19400] =	vst v63  }
0xd5: {  	p0 =	sne.s32 s6, $0x1000;
	_ =	swait.ge [sflag:s0], $0x2800  }
.Ltmp1:
0xd6: {  	[sflag:s0] =	ssyncset.done $0x0;
	(pc) =	sbr.rel @p0 .LBB2_4-.Ltmp1, $4  }
0xd7: {  	[sflag:s0] =	ssyncadd.s32 $0xFFFFD800  }
0xd8: {  	[tilespmem:s28], [sflag:$0x1] =	stream.indirect.gather [hbm4b:s4+s23], $0x80, s29, s23, $0x2000b8;
	[tilespmem:$0x19400] =	vst v63  }
0xd9: {  	_ =	swait.ge [sflag:s24], $0x2800  }
0xda: {  	[sflag:s24] =	ssyncset.done $0x0  }
0xdb: {  	[sflag:s24] =	ssyncadd.s32 $0xFFFFD800  }
0xdc: {  	[spmem:s2] =	stream.indirect.scatter.add.f32 [tilespmem:s28], [sflag:$0x3], $0x80, s30, s23, $0x2000b8;
	[tilespmem:$0x19400] =	vst v63  }
0xdd: {  	_ =	swait.ge [sflag:s31], $0x2800  }
0xde: {  	[sflag:s31] =	ssyncset.done $0x0  }
0xdf: {  	[sflag:s31] =	ssyncadd.s32 $0xFFFFD800  }
0xe0: {  	_ =	swait.ge [sflag:s0], $0x2800  }
0xe1: {  	[sflag:s0] =	ssyncset.done $0x0  }
0xe2: {  	[sflag:s0] =	ssyncadd.s32 $0xFFFFD800  }
0xe3: {  	_ =	strace $0x9000005E  }
0xe4: {  	_ =	strace $0x8000005F  }
0xe5: {  	s6 =	stileid.u32;
	s8 =	sshrl.u32 s7, $0x3;
	[bflag:$0x0] =	sbarrier.arrive $0xFFFF  }
0xe6: {  	s1 =	sadd.s32 $0x1, s1;
	s6 =	sshll.u32 s6, $0x6;
	_ =	strace $0x9000005F  }
0xe7: {  	p0 =	sne.s32 s1, s16;
	s6 =	sor.u32 $0x1C05, s6;
	_ =	strace $0x80000060  }
0xe8: {  	[hbm:s15], [sflag:s6] =	dma.local [spmem:s8], $0x2800  }
.Ltmp2:
0xe9: {  	_ = 	snop;
	(pc) =	sbr.rel @p0 .LBB2_1-.Ltmp2, $4  }
0xea: {  	_ =	swait.ge [sflag:s19], $0x2800  }
0xeb: {  	[sflag:s19] =	ssyncset.done $0x0  }
0xec: {  	[sflag:s19] =	ssyncadd.s32 $0xFFFFD800  }
0xed: {  	_ =	strace $0x90000060  }
0xee: {  	_ =	sfence.sel $0x180000  }
0xef: {  	[bflag:$0x0] =	sbarrier.arrive $0xFFFF  }
0xf0: {  	_ =	strace $0x9000005C  }
0xf1: {  	s0 =	stileid.u32;
	[bflag:$0x2] =	sbarrier.arrive $0xFFFF  }
0xf2: {  	p0 =	sne.s32 s0, $0x0;
	s0 =	rddreg [dreg:$0x2]  }
0xf3: {  	s0 =	sadd.s32 @!p0 $0x100000, s0  }
0xf4: {  	[sflag:s0] =	ssyncadd.tile.s32 @!p0 $0x1;
	_ =	shalt  }
.Lfunc_end2:
_tile_overlayer_lowered:
.L_overlay_start_2:
0xf5: {  	(tag) =	ssettag $0x2  }
0xf6: {  	s0 =	rddreg [dreg:$0x0];
	s2 =	stileid.u32  }
0xf7: {  	s1 =	rddreg [dreg:$0x1];
	p0 =	sne.s32 s2, $0x0  }
0xf8: {  	s3 =	rddreg [dreg:$0x2];
	[bflag:$0x3] =	sbarrier.arrive $0xFFFF;
	s2 =	simm.s32 @!p0 $0x1C05  }
0xf9: {  	[timem:s3], [sflag:s2] =	dma.local @!p0 [hbm:s0], s1  }
0xfa: {  	s0 =	simm.s32 @!p0 $0x5  }
0xfb: {  	_ =	swait.ge @!p0 [sflag:s0], s1  }
0xfc: {  	s1 =	ssub.s32 @!p0 $0x0, s1;
	[sflag:s0] =	ssyncset.done @!p0 $0x0  }
0xfd: {  	[sflag:s0] =	ssyncadd.s32 @!p0 s1  }
0xfe: {  	[bflag:$0x3] =	sbarrier.arrive $0xFFFF  }
0xff: {  	_ =	shalt  }

// kernel: _run.25.cloned.1.call-start
scs
__scs_entry_jumppad:
0x0: {  	(pc) =	sbr.rel $0x88, $3  }
0x1: {  	(tag) =	ssettag $0x0;
	lr =	simm.s32 $0x1  }
0x2: {  	[smem:$0x3F91] =	sst lr;
	_ =	strace $0xD0000000  }
0x3: {  	_ = 	snop  }
0x4: {  	_ = 	snop  }
0x5: {  	_ = 	snop  }
0x6: {  	_ = 	snop  }
0x7: {  	_ = 	snop  }
__scs_overlays_trampoline_lowered:
0x8: {  	[smem:$0x3FA0] =	sst s0  }
0x9: {  	[smem:$0x3FA1] =	sst s1  }
0xa: {  	[smem:$0x3FA2] =	sst s2  }
0xb: {  	[smem:$0x3FA3] =	sst s3  }
0xc: {  	[smem:$0x3FA4] =	sst s4  }
0xd: {  	[smem:$0x3FA5] =	sst s5  }
0xe: {  	[smem:$0x3FA6] =	sst s6  }
0xf: {  	[smem:$0x3FA7] =	sst s7  }
0x10: {  	[smem:$0x3FA8] =	sst s8  }
0x11: {  	[smem:$0x3FA9] =	sst s9;
	s0 =	simm.s32 @!p0 $0x0  }
0x12: {  	s1 =	sld [smem:$0x3F8F];
	s0 =	simm.s32 @p0 $0x1  }
0x13: {  	[smem:$0x3FAA] =	sst s0;
	s0 =	simm.s32 @!p1 $0x0  }
0x14: {  	s2 =	sld [smem:$0x3F8E];
	s0 =	simm.s32 @p1 $0x1  }
0x15: {  	[smem:$0x3FAB] =	sst s0;
	s0 =	simm.s32 @!p2 $0x0  }
0x16: {  	s3 =	sld [smem:$0x3FDB];
	s0 =	simm.s32 @p2 $0x1  }
0x17: {  	s4 =	simm.s32 $0x1BF5;
	[smem:$0x3FAD] =	sst s0  }
0x18: {  	s0 =	sld [smem:$0x3F90];
	_ =	swait.ge [sflag:s4], $0x0  }
0x19: {  	s7 =	sld [smem:$0x3F91]  }
0x1a: {  	s8 =	sadd.s32 $0xFFFFE003, lr  }
0x1b: {  	s9 =	sadd.s32 $0xFFFFFEF7, lr;
	s5 =	simm.s32 $0xFFFFFFFF;
	p2 =	slt.u32 s8, $0xFFFFF086  }
0x1c: {  	p1 =	slt.u32 s9, $0xF7A;
	s5 =	simm.s32 @!p2 $0x0  }
0x1d: {  	s5 =	simm.s32 @p1 $0x1;
	p0 =	seq.s32 s7, s2  }
0x1e: {  	s7 =	smul.u32 @!p0 $0xF7A, s2;
	p2 =	seq.s32 @!p0 s5, $0x0  }
0x1f: {  	s9 =	smul.u32 $0xF7A, s1;
	s8 =	simm.s32 @!p0 $0x1BF5;
	p2 =	por !p2, p0  }
0x20: {  	[sflag:s8] =	ssyncset.s32 @!p0 $0xFFFFF086;
	s6 =	sadd.s32 @!p0 s3, s7;
	s7 =	simm.s32 @!p0 $0x108  }
0x21: {  	s3 =	sadd.s32 s3, s9;
	s6 =	sadd.s32 @!p0 $0x88, s6;
	s7 =	simm.s32 @p2 $0x1082  }
0x22: {  	[simem:s7], [sflag:s8] =	dma.local @!p0 [hbm:s6], $0xF7A  }
0x23: {  	s9 =	sor.u32 $0xD0000000, s2;
	s6 =	simm.s32 $0x108;
	_ =	swait.ge @!p0 [sflag:s8], $0x0  }
0x24: {  	s3 =	sadd.s32 $0x88, s3;
	s6 =	simm.s32 @!p1 $0x1082;
	[sflag:s4] =	ssyncset.s32 $0xFFFFF086  }
0x25: {  	[simem:s6], [sflag:s4] =	dma.local [hbm:s3], $0xF7A  }
0x26: {  	[smem:$0x3F91] =	sst s1;
	(tag) =	ssettag s2;
	_ =	strace s9  }
0x27: {  	s1 =	sld [smem:$0x3FA1]  }
0x28: {  	s2 =	sld [smem:$0x3FA2]  }
0x29: {  	s4 =	sld [smem:$0x3FA4]  }
0x2a: {  	p0 =	seq.s32 s5, $0x0;
	s5 =	sld [smem:$0x3FA5]  }
0x2b: {  	s6 =	sld [smem:$0x3FA6]  }
0x2c: {  	s7 =	sld [smem:$0x3FA7]  }
0x2d: {  	s3 =	simm.s32 $0x108;
	s8 =	sld [smem:$0x3FA8]  }
0x2e: {  	s3 =	simm.s32 @!p0 $0x1082;
	s9 =	sld [smem:$0x3FA9]  }
0x2f: {  	lr =	sadd.s32 s0, s3;
	s0 =	sld [smem:$0x3FA0]  }
0x30: {  	s3 =	sld [smem:$0x3FA3]  }
0x31: {  	[smem:$0x3FAC] =	sst s10  }
0x32: {  	s10 =	sld [smem:$0x3FAA];
	_ =	sdelay $0x3  }
0x33: {  	p0 =	seq.s32 s10, $0x1;
	s10 =	sld [smem:$0x3FAC];
	_ =	sdelay $0x3  }
0x34: {  	[smem:$0x3FAC] =	sst s10  }
0x35: {  	s10 =	sld [smem:$0x3FAB];
	_ =	sdelay $0x3  }
0x36: {  	p1 =	seq.s32 s10, $0x1;
	s10 =	sld [smem:$0x3FAC];
	_ =	sdelay $0x3  }
0x37: {  	[smem:$0x3FAC] =	sst s10  }
0x38: {  	s10 =	sld [smem:$0x3FAD]  }
0x39: {  	_ = 	snop;
	(pc) =	sbr.ind lr, $3  }
0x3a: {  	_ = 	snop  }
0x3b: {  	_ = 	snop  }
0x3c: {  	p2 =	seq.s32 s10, $0x1;
	s10 =	sld [smem:$0x3FAC]  }
0x3d: {  	_ =	shalt  }
0x3e: {  	_ =	shalt  }
0x3f: {  	_ =	shalt  }
0x40: {  	_ =	shalt  }
0x41: {  	_ =	shalt  }
0x42: {  	_ =	shalt  }
0x43: {  	_ =	shalt  }
0x44: {  	_ =	shalt  }
0x45: {  	_ =	shalt  }
0x46: {  	_ =	shalt  }
0x47: {  	_ =	shalt  }
0x48: {  	_ =	shalt  }
0x49: {  	_ =	shalt  }
0x4a: {  	_ =	shalt  }
0x4b: {  	_ =	shalt  }
0x4c: {  	_ =	shalt  }
0x4d: {  	_ =	shalt  }
0x4e: {  	_ =	shalt  }
0x4f: {  	_ =	shalt  }
0x50: {  	_ =	shalt  }
0x51: {  	_ =	shalt  }
0x52: {  	_ =	shalt  }
0x53: {  	_ =	shalt  }
0x54: {  	_ =	shalt  }
0x55: {  	_ =	shalt  }
0x56: {  	_ =	shalt  }
0x57: {  	_ =	shalt  }
0x58: {  	_ =	shalt  }
0x59: {  	_ =	shalt  }
0x5a: {  	_ =	shalt  }
0x5b: {  	_ =	shalt  }
0x5c: {  	_ =	shalt  }
0x5d: {  	_ =	shalt  }
0x5e: {  	_ =	shalt  }
0x5f: {  	_ =	shalt  }
0x60: {  	_ =	shalt  }
0x61: {  	_ =	shalt  }
0x62: {  	_ =	shalt  }
0x63: {  	_ =	shalt  }
0x64: {  	_ =	shalt  }
0x65: {  	_ =	shalt  }
0x66: {  	_ =	shalt  }
0x67: {  	_ =	shalt  }
0x68: {  	_ =	shalt  }
0x69: {  	_ =	shalt  }
0x6a: {  	_ =	shalt  }
0x6b: {  	_ =	shalt  }
0x6c: {  	_ =	shalt  }
0x6d: {  	_ =	shalt  }
0x6e: {  	_ =	shalt  }
0x6f: {  	_ =	shalt  }
0x70: {  	_ =	shalt  }
0x71: {  	_ =	shalt  }
0x72: {  	_ =	shalt  }
0x73: {  	_ =	shalt  }
0x74: {  	_ =	shalt  }
0x75: {  	_ =	shalt  }
0x76: {  	_ =	shalt  }
0x77: {  	_ =	shalt  }
0x78: {  	_ =	shalt  }
0x79: {  	_ =	shalt  }
0x7a: {  	_ =	shalt  }
0x7b: {  	_ =	shalt  }
0x7c: {  	_ =	shalt  }
0x7d: {  	_ =	shalt  }
0x7e: {  	_ =	shalt  }
0x7f: {  	_ =	shalt  }
0x80: {  	_ =	shalt  }
0x81: {  	_ =	shalt  }
0x82: {  	_ =	shalt  }
0x83: {  	_ =	shalt  }
0x84: {  	_ =	shalt  }
0x85: {  	_ =	shalt  }
0x86: {  	_ =	shalt  }
0x87: {  	_ =	shalt  }
.Lfunc_end0:
.L_simem_size_0:
called_computation.4_lowered:
.L_overlay_start_0:
0x88: {  	s2 =	sld [smem:$0x3FD9]  }
0x89: {  	s3 =	sld [smem:$0x3FFE];
	_ =	sdelay $0x1  }
0x8a: {  	s1 =	srdreg.scid  }
0x8b: {  	s0 =	sand.u32 $0x1, s1  }
0x8c: {  	s16 =	sshll.u32 s0, $0xA;
	s2 =	sadd.s32 s3, s2  }
0x8d: {  	s2 =	sadd.s32 s2, s16  }
0x8e: {  	[smem:$0x3FB8] =	sst s2  }
0x8f: {  	_ = 	snop  }
0x90: {  	(tm) =	ssettm $0x1  }
0x91: {  	s17 =	sld [smem:$0x3FFB];
	_ =	sdelay $0x3  }
0x92: {  	_ =	strace s17  }
0x93: {  	s2 =	sld [smem:$0x3FFC];
	_ =	sdelay $0x3  }
0x94: {  	_ =	strace s2  }
0x95: {  	s2 =	sld [smem:$0x3FFD];
	_ =	sdelay $0x3  }
0x96: {  	_ =	strace s2  }
0x97: {  	_ =	strace $0x8FFFFFFF  }
0x98: {  	s18 =	sld [smem:$0x3FDB];
	_ =	sdelay $0x1  }
0x99: {  	s19 =	simm.s32 $_scs_section_size  }
0x9a: {  	s4 =	simm.s32 $_size__tile_overlayer_lowered;
	s5 =	simm.s32 $_tile_overlayer_lowered  }
0x9b: {  	s22 =	simm.s32 $0x1BFF;
	s21 =	sshll.u32 s5, $0x1;
	s2 =	sadd.s32 s19, s18  }
0x9c: {  	s6 =	simm.s32 $0x0;
	s20 =	sshll.u32 s4, $0x1;
	s4 =	sadd.s32 s21, s2  }
0x9d: {  	[timem:s6], [sflag:s22] =	dma.local [hbm:s4], s20  }
0x9e: {  	_ =	swait.ge [sflag:s22], s20  }
0x9f: {  	s3 =	ssub.s32 $0x0, s20;
	[sflag:s22] =	ssyncset.done $0x0  }
0xa0: {  	[sflag:s22] =	ssyncadd.s32 s3;
	_ =	sdelay $0x1  }
0xa1: {  	s23 =	simm.s32 $0x1B8B  }
0xa2: {  	_ =	swait.ge [sflag:s23], $0x1  }
0xa3: {  	[sflag:s23] =	ssyncset.done $0x0  }
0xa4: {  	s25 =	simm.s32 $0x1B8E;
	s24 =	sld [smem:$0x3FFE];
	[sflag:s23] =	ssyncadd.s32 $0xFFFFFFFF  }
0xa5: {  	s26 =	simm.s32 $execute0_lowered;
	[smem:$0x3FD2] =	sst s25  }
0xa6: {  	s4 =	sshll.u32 s26, $0x1;
	_ =	strace $0x80000062;
	[dreg:$0x1] =	wrdreg $0xFFFFFFFF  }
0xa7: {  	s28 =	simm.s32 $_size_execute0_lowered;
	s2 =	sadd.s32 s2, s4;
	[dreg:$0x0] =	wrdreg $0x0  }
0xa8: {  	s4 =	sshll.u32 s28, $0x1;
	[dreg:$0x2] =	wrdreg s2  }
0xa9: {  	[dreg:$0x3] =	wrdreg s4  }
0xaa: {  	[dreg:$0x4] =	wrdreg $0xC0  }
0xab: {  	_ =	task [dreg:s6], $0x5FFFF  }
0xac: {  	[dreg:$0x1] =	wrdreg $0xFFFFFFFF  }
0xad: {  	[dreg:$0x0] =	wrdreg $0x60  }
0xae: {  	[dreg:$0x2] =	wrdreg s24  }
0xaf: {  	[dreg:$0x3] =	wrdreg $0x54000  }
0xb0: {  	[dreg:$0x4] =	wrdreg $0x9  }
0xb1: {  	_ =	task.clear_ibuf [dreg:s6], $0x5FFFF;
	_ =	strace $0x90000062  }
0xb2: {  	s29 =	simm.s32 $0x9;
	_ =	strace $0x80000068  }
0xb3: {  	_ =	swait.ge [sflag:s29], $0x1  }
0xb4: {  	[sflag:s29] =	ssyncadd.s32 $0xFFFFFFFF  }
0xb5: {  	_ =	strace $0x90000068  }
0xb6: {  	_ =	sfence  }
0xb7: {  	s30 =	sld [smem:$0x0];
	_ =	sdelay $0x2  }
0xb8: {  	s31 =	sshll.u32 s1, $0xD;
	s1 =	sshrl.u32 s1, $0x2  }
0xb9: {  	s3 =	sand.u32 $0x4000, s31;
	s1 =	sadd.s32 s1, s30  }
0xba: {  	s0 =	sor.u32 s3, s0;
	s1 =	sshll.u32 s1, $0x11  }
0xbb: {  	s0 =	sor.u32 s1, s0  }
0xbc: {  	s0 =	sadd.s32 $0x8F2B, s0  }
0xbd: {  	[sflag:s0] =	ssyncadd.remote.s32 $0x1  }
0xbe: {  	_ =	sfence.sel $0xFFFF  }
0xbf: {  	[dreg:$0x0] =	wrdreg $0xFFFFFFFF;
	(pc) =	sbr.abs _section_cstart, $3  }
0xc0: {  	[dreg:$0x1] =	wrdreg $0xFFFFFFFF  }
0xc1: {  	_ =	task.clear_ibuf [dreg:s6], $0x2FFFF;
	_ =	strace $0x9FFFFFFF  }
0xc2: {  	(tm) =	ssettm $0x7FFFFFFF  }
0xc3: {  	_ =	shalt  }
tec
execute0_lowered:
.L_overlay_start_1:
0x0: {  	(tag) =	ssettag $0x1  }
0x1: {  	s0 =	rddreg [dreg:$0x0];
	s1 =	srdreg.scid  }
0x2: {  	s2 =	rddreg [dreg:$0x1];
	s12 =	stileid.u32;
	s3 =	simm.s32 $0x0  }
0x3: {  	s28 =	simm.s32 $0x2C00;
	s29 =	simm.s32 $0x180;
	s30 =	simm.s32 $0x380  }
0x4: {  	s31 =	simm.s32 $0x2;
	s1 =	sand.u32 $0x1, s1;
	s5 =	smul.u32 $0x14000, s12  }
0x5: {  	[smem:$0x7FF] =	sst s3;
	s6 =	sadd.s32 $0x4E00, s0;
	s7 =	smul.u32 $0x50000, s12  }
0x6: {  	s9 =	sshll.u32 s12, $0xC;
	s20 =	sshll.u32 s12, $0xF;
	s4 =	smul.u32 $0x140000, s1  }
0x7: {  	_ =	strace $0x80000063;
	s8 =	sshll.u32 s1, $0x10;
	s10 =	ssub.s32 $0x2, s1  }
0x8: {  	s1 =	sshll.u32 s1, $0x13;
	s17 =	sor.u32 s9, s8;
	s11 =	sshrl.u32 s10, $0x1  }
0x9: {  	s7 =	sshrl.u32 s7, $0x2;
	s1 =	sor.u32 s20, s1;
	s20 =	simm.s32 $0x4  }
0xa: {  	s5 =	sadd.s32 s5, s4;
	s4 =	sadd.s32 $0x24E00, s0;
	s16 =	ssub.s32 s10, s11  }
0xb: {  	s7 =	sadd.s32 s7, s2;
	s14 =	sor.u32 $0x400, s1;
	s5 =	sshrl.u32 s5, $0x3  }
0xc: {  	s19 =	sadd.s32 $0x2800, s7;
	s21 =	sadd.s32 $0x5000, s7;
	s22 =	sadd.s32 $0x7800, s7  }
0xd: {  	s23 =	sadd.s32 $0xA000, s7;
	s24 =	sadd.s32 $0xC800, s7;
	[dreg:$0x8] =	wrdreg s19  }
0xe: {  	s13 =	sadd.s32 $0xF000, s7;
	s15 =	sshrl.u32 s14, $0x3;
	[dreg:$0x9] =	wrdreg s21  }
0xf: {  	s14 =	sadd.s32 $0x11800, s7;
	s16 =	smax.u32 s16, $0x1;
	[dreg:$0xa] =	wrdreg s22  }
0x10: {  	s0 =	sadd.s32 s5, s0;
	s5 =	sadd.s32 s6, s17;
	[dreg:$0xb] =	wrdreg s23  }
0x11: {  	[dreg:$0xc] =	wrdreg s24;
	s17 =	sor.u32 $0x480, s1;
	s15 =	sadd.s32 s15, s6  }
0x12: {  	s1 =	sshrl.u32 s1, $0x3;
	s19 =	simm.s32 $0x5;
	s21 =	simm.s32 $0x80  }
0x13: {  	s22 =	simm.s32 $0x280;
	s23 =	simm.s32 $0x50;
	s24 =	simm.s32 $0x1  }
0x14: {  	s18 =	sadd.s32 $0x10, s5;
	s17 =	sshrl.u32 s17, $0x3;
	[dreg:$0x3] =	wrdreg s15  }
0x15: {  	s1 =	sadd.s32 s1, s6;
	s15 =	sadd.s32 $0x4CE00, s0;
	s0 =	simm.s32 $0x3  }
0x16: {  	[dreg:$0x7] =	wrdreg s18;
	s25 =	sadd.s32 s17, s6;
	s6 =	sadd.s32 s8, s6  }
0x17: {  	[dreg:$0x5] =	wrdreg s1;
	s17 =	simm.s32 $0x200;
	s18 =	simm.s32 $0x400  }
0x18: {  	s1 =	simm.s32 $0x0;
	[dreg:$0x4] =	wrdreg s25;
	s26 =	sadd.s32 s9, s6  }
0x19: {  	v0 =	vimm.f32 $0.0e+00;
	s25 =	simm.s32 $0x100;
	[dreg:$0x6] =	wrdreg s26;
	s26 =	simm.s32 $0x300  }
.LBB2_1:
0x1a: {  	[tilespmem:s3], [sflag:$0x4] =	stream.linear.gather [hbm4b:s5+s3], $0x80, $0x38;
	[tilespmem:$0x19400] =	vst v63  }
0x1b: {  	s6 =	rddreg [dreg:$0x7]  }
0x1c: {  	[tilespmem:s17], [sflag:$0x4] =	stream.linear.gather [hbm4b:s6+s3], $0x80, $0x38;
	[tilespmem:$0x19400] =	vst v63  }
0x1d: {  	s8 =	simm.s32 $0x200;
	s6 =	simm.s32 $0x0;
	_ =	strace $0x80000064  }
.LBB2_2:
0x1e: {  	p0 =	sne.s32 s8, $0x9E00;
	[tilespmem:s6+$0x470] =	vst v0  }
0x1f: {  	[tilespmem:s6+$0x400] =	vst v0  }
0x20: {  	[tilespmem:s6+$0x410] =	vst v0  }
.Ltmp0:
0x21: {  	[tilespmem:s6+$0x420] =	vst v0;
	(pc) =	sbr.rel @p0 .LBB2_2-.Ltmp0, $4  }
0x22: {  	[tilespmem:s6+$0x430] =	vst v0  }
0x23: {  	[tilespmem:s6+$0x440] =	vst v0  }
0x24: {  	[tilespmem:s6+$0x450] =	vst v0  }
0x25: {  	[tilespmem:s6+$0x460] =	vst v0;
	s6 =	sshra.s32 s8, $0x2;
	s8 =	sadd.s32 $0x200, s8  }
0x26: {  	[tilespmem:s6+$0x470] =	vst v0  }
0x27: {  	[tilespmem:s6+$0x400] =	vst v0  }
0x28: {  	[tilespmem:s6+$0x410] =	vst v0  }
0x29: {  	[tilespmem:s6+$0x420] =	vst v0  }
0x2a: {  	[tilespmem:s6+$0x430] =	vst v0  }
0x2b: {  	[tilespmem:s6+$0x440] =	vst v0  }
0x2c: {  	[tilespmem:s6+$0x450] =	vst v0  }
0x2d: {  	[tilespmem:s6+$0x460] =	vst v0  }
0x2e: {  	[spmem:s7] =	stream.linear.scatter [tilespmem:s18], [sflag:$0x5], $0x2800, $0x200038;
	[tilespmem:$0x19400] =	vst v63  }
0x2f: {  	_ =	swait.ge [sflag:s19], $0x2800  }
0x30: {  	[sflag:s19] =	ssyncset.done $0x0  }
0x31: {  	s9 =	rddreg [dreg:$0x8];
	[sflag:s19] =	ssyncadd.s32 $0xFFFFD800  }
0x32: {  	[spmem:s9] =	stream.linear.scatter [tilespmem:s18], [sflag:$0x5], $0x2800, $0x200038;
	[tilespmem:$0x19400] =	vst v63  }
0x33: {  	_ =	swait.ge [sflag:s19], $0x2800  }
0x34: {  	[sflag:s19] =	ssyncset.done $0x0  }
0x35: {  	s10 =	rddreg [dreg:$0x9];
	[sflag:s19] =	ssyncadd.s32 $0xFFFFD800  }
0x36: {  	[spmem:s10] =	stream.linear.scatter [tilespmem:s18], [sflag:$0x5], $0x2800, $0x200038;
	[tilespmem:$0x19400] =	vst v63  }
0x37: {  	_ =	swait.ge [sflag:s19], $0x2800  }
0x38: {  	[sflag:s19] =	ssyncset.done $0x0  }
0x39: {  	s11 =	rddreg [dreg:$0xa];
	[sflag:s19] =	ssyncadd.s32 $0xFFFFD800  }
0x3a: {  	[spmem:s11] =	stream.linear.scatter [tilespmem:s18], [sflag:$0x5], $0x2800, $0x200038;
	[tilespmem:$0x19400] =	vst v63  }
0x3b: {  	_ =	swait.ge [sflag:s19], $0x2800  }
0x3c: {  	[sflag:s19] =	ssyncset.done $0x0  }
0x3d: {  	s12 =	rddreg [dreg:$0xb];
	[sflag:s19] =	ssyncadd.s32 $0xFFFFD800  }
0x3e: {  	[spmem:s12] =	stream.linear.scatter [tilespmem:s18], [sflag:$0x5], $0x2800, $0x200038;
	[tilespmem:$0x19400] =	vst v63  }
0x3f: {  	_ =	swait.ge [sflag:s19], $0x2800  }
0x40: {  	[sflag:s19] =	ssyncset.done $0x0  }
0x41: {  	s8 =	rddreg [dreg:$0xc];
	[sflag:s19] =	ssyncadd.s32 $0xFFFFD800  }
0x42: {  	[spmem:s8] =	stream.linear.scatter [tilespmem:s18], [sflag:$0x5], $0x2800, $0x200038;
	[tilespmem:$0x19400] =	vst v63  }
0x43: {  	_ =	swait.ge [sflag:s19], $0x2800  }
0x44: {  	[sflag:s19] =	ssyncset.done $0x0  }
0x45: {  	[sflag:s19] =	ssyncadd.s32 $0xFFFFD800  }
0x46: {  	[spmem:s13] =	stream.linear.scatter [tilespmem:s18], [sflag:$0x5], $0x2800, $0x200038;
	[tilespmem:$0x19400] =	vst v63  }
0x47: {  	_ =	swait.ge [sflag:s19], $0x2800  }
0x48: {  	[sflag:s19] =	ssyncset.done $0x0  }
0x49: {  	[sflag:s19] =	ssyncadd.s32 $0xFFFFD800  }
0x4a: {  	[spmem:s14] =	stream.linear.scatter [tilespmem:s18], [sflag:$0x5], $0x2800, $0x200038;
	[tilespmem:$0x19400] =	vst v63  }
0x4b: {  	_ =	swait.ge [sflag:s19], $0x2800  }
0x4c: {  	[sflag:s19] =	ssyncset.done $0x0  }
0x4d: {  	[sflag:s19] =	ssyncadd.s32 $0xFFFFD800  }
0x4e: {  	[bflag:$0x0] =	sbarrier.arrive $0xFFFF  }
0x4f: {  	_ =	strace $0x90000064  }
0x50: {  	_ =	strace $0x80000065  }
0x51: {  	_ =	swait.ge [sflag:s20], $0x80  }
0x52: {  	[sflag:s20] =	ssyncset.done $0x0  }
0x53: {  	[sflag:s20] =	ssyncadd.s32 $0xFFFFFF80  }
0x54: {  	_ =	swait.ge [sflag:s20], $0x80  }
0x55: {  	s9 =	rddreg [dreg:$0x6]  }
0x56: {  	[sflag:s20] =	ssyncset.done $0x0;
	s6 =	sadd.s32 $0x0, s9  }
0x57: {  	p0 =	por $0x1, $0x1;
	[sflag:s20] =	ssyncadd.s32 $0xFFFFFF80;
	s8 =	sadd.s32 $0x20, s6  }
0x58: {  	[tilespmem:s21], [sflag:$0x4] =	stream.linear.gather [hbm4b:s8+s3], $0x80, $0x200038;
	[tilespmem:$0x19400] =	vst v63  }
0x59: {  	s10 =	sadd.s32 $0x30, s6;
	s8 =	simm.s32 @!p0 $0x2  }
0x5a: {  	[tilespmem:s22], [sflag:$0x4] =	stream.linear.gather [hbm4b:s10+s3], $0x80, $0x200038;
	[tilespmem:$0x19400] =	vst v63  }
0x5b: {  	_ =	swait.ge @!p0 [sflag:s8], $0x2800  }
0x5c: {  	[sflag:s8] =	ssyncset.done @!p0 $0x0  }
0x5d: {  	[sflag:s8] =	ssyncadd.s32 @!p0 $0xFFFFD800  }
0x5e: {  	[tilespmem:s18], [sflag:$0x1] =	stream.indirect.gather [hbm4b:s4+s23], $0x80, s3, s23, $0x2000b8;
	[tilespmem:$0x19400] =	vst v63  }
0x5f: {  	_ =	swait.ge [sflag:s24], $0x2800  }
0x60: {  	[sflag:s24] =	ssyncset.done $0x0  }
0x61: {  	[sflag:s24] =	ssyncadd.s32 $0xFFFFD800  }
0x62: {  	[spmem:s2] =	stream.indirect.scatter.add.f32 [tilespmem:s18], [sflag:$0x2], $0x80, s17, s23, $0x2000b8;
	[tilespmem:$0x19400] =	vst v63  }
0x63: {  	_ =	swait.ge [sflag:s20], $0x80  }
0x64: {  	[sflag:s20] =	ssyncset.done $0x0  }
0x65: {  	[sflag:s20] =	ssyncadd.s32 $0xFFFFFF80  }
0x66: {  	_ =	swait.ge [sflag:s20], $0x80  }
0x67: {  	s11 =	rddreg [dreg:$0x5]  }
0x68: {  	[sflag:s20] =	ssyncset.done $0x0;
	s8 =	sadd.s32 $0x0, s11  }
0x69: {  	[sflag:s20] =	ssyncadd.s32 $0xFFFFFF80;
	s9 =	sadd.s32 $0x40, s8  }
0x6a: {  	[tilespmem:s25], [sflag:$0x4] =	stream.linear.gather [hbm4b:s9+s3], $0x80, $0x200038;
	[tilespmem:$0x19400] =	vst v63  }
0x6b: {  	s8 =	sadd.s32 $0x50, s8;
	s9 =	simm.s32 @!p0 $0x3  }
0x6c: {  	[tilespmem:s26], [sflag:$0x4] =	stream.linear.gather [hbm4b:s8+s3], $0x80, $0x200038;
	[tilespmem:$0x19400] =	vst v63  }
0x6d: {  	_ =	swait.ge @!p0 [sflag:s9], $0x2800  }
0x6e: {  	[sflag:s9] =	ssyncset.done @!p0 $0x0  }
0x6f: {  	[sflag:s9] =	ssyncadd.s32 @!p0 $0xFFFFD800  }
0x70: {  	[tilespmem:s28], [sflag:$0x1] =	stream.indirect.gather [hbm4b:s4+s23], $0x80, s21, s23, $0x2000b8;
	[tilespmem:$0x19400] =	vst v63  }
0x71: {  	_ =	swait.ge [sflag:s24], $0x2800  }
0x72: {  	[sflag:s24] =	ssyncset.done $0x0  }
0x73: {  	[sflag:s24] =	ssyncadd.s32 $0xFFFFD800  }
0x74: {  	[spmem:s2] =	stream.indirect.scatter.add.f32 [tilespmem:s28], [sflag:$0x3], $0x80, s22, s23, $0x2000b8;
	[tilespmem:$0x19400] =	vst v63  }
0x75: {  	_ =	swait.ge [sflag:s20], $0x80  }
0x76: {  	[sflag:s20] =	ssyncset.done $0x0  }
0x77: {  	[sflag:s20] =	ssyncadd.s32 $0xFFFFFF80  }
0x78: {  	_ =	swait.ge [sflag:s20], $0x80  }
0x79: {  	[sflag:s20] =	ssyncset.done $0x0  }
0x7a: {  	s12 =	sadd.s32 $0x60, s6;
	[sflag:s20] =	ssyncadd.s32 $0xFFFFFF80  }
0x7b: {  	[tilespmem:s29], [sflag:$0x4] =	stream.linear.gather [hbm4b:s12+s3], $0x80, $0x200038;
	[tilespmem:$0x19400] =	vst v63  }
0x7c: {  	s6 =	sadd.s32 $0x70, s6  }
0x7d: {  	[tilespmem:s30], [sflag:$0x4] =	stream.linear.gather [hbm4b:s6+s3], $0x80, $0x200038;
	[tilespmem:$0x19400] =	vst v63  }
0x7e: {  	_ =	swait.ge [sflag:s31], $0x2800  }
0x7f: {  	[sflag:s31] =	ssyncset.done $0x0  }
0x80: {  	[sflag:s31] =	ssyncadd.s32 $0xFFFFD800  }
0x81: {  	[tilespmem:s18], [sflag:$0x1] =	stream.indirect.gather [hbm4b:s4+s23], $0x80, s25, s23, $0x2000b8;
	[tilespmem:$0x19400] =	vst v63  }
0x82: {  	_ =	swait.ge [sflag:s24], $0x2800  }
0x83: {  	[sflag:s24] =	ssyncset.done $0x0  }
0x84: {  	[sflag:s24] =	ssyncadd.s32 $0xFFFFD800  }
0x85: {  	[spmem:s2] =	stream.indirect.scatter.add.f32 [tilespmem:s18], [sflag:$0x2], $0x80, s26, s23, $0x2000b8;
	[tilespmem:$0x19400] =	vst v63  }
0x86: {  	_ =	swait.ge [sflag:s20], $0x80  }
0x87: {  	[sflag:s20] =	ssyncset.done $0x0  }
0x88: {  	[sflag:s20] =	ssyncadd.s32 $0xFFFFFF80  }
0x89: {  	p0 =	por $0x0, $0x0;
	_ =	swait.ge [sflag:s20], $0x80  }
0x8a: {  	s9 =	simm.s32 @!p0 $0x0;
	s6 =	rddreg [dreg:$0x3];
	[sflag:s20] =	ssyncset.done $0x0  }
0x8b: {  	s8 =	rddreg [dreg:$0x4];
	[sflag:s20] =	ssyncadd.s32 $0xFFFFFF80;
	s6 =	sadd.s32 @!p0 $0x0, s6  }
0x8c: {  	[tilespmem:s9], [sflag:$0x4] =	stream.linear.gather @!p0 [hbm4b:s6+s9], $0x80, $0x200038;
	[tilespmem:$0x19400] =	vst v63  }
0x8d: {  	s8 =	sadd.s32 @!p0 $0x0, s8;
	s6 =	simm.s32 @!p0 $0x200  }
0x8e: {  	[tilespmem:s6], [sflag:$0x4] =	stream.linear.gather @!p0 [hbm4b:s8+s9], $0x80, $0x200038;
	[tilespmem:$0x19400] =	vst v63  }
0x8f: {  	_ =	swait.ge [sflag:s0], $0x2800  }
0x90: {  	[sflag:s0] =	ssyncset.done $0x0  }
0x91: {  	[sflag:s0] =	ssyncadd.s32 $0xFFFFD800  }
0x92: {  	[tilespmem:s28], [sflag:$0x1] =	stream.indirect.gather [hbm4b:s4+s23], $0x80, s29, s23, $0x2000b8;
	[tilespmem:$0x19400] =	vst v63  }
0x93: {  	_ =	swait.ge [sflag:s24], $0x2800  }
0x94: {  	s6 =	simm.s32 $0x80;
	[sflag:s24] =	ssyncset.done $0x0  }
.LBB2_4:
0x95: {  	[sflag:s24] =	ssyncadd.s32 $0xFFFFD800  }
0x96: {  	[spmem:s2] =	stream.indirect.scatter.add.f32 [tilespmem:s28], [sflag:$0x3], $0x80, s30, s23, $0x2000b8;
	[tilespmem:$0x19400] =	vst v63  }
0x97: {  	_ =	swait.ge [sflag:s20], $0x80  }
0x98: {  	[sflag:s20] =	ssyncset.done $0x0  }
0x99: {  	[sflag:s20] =	ssyncadd.s32 $0xFFFFFF80  }
0x9a: {  	_ =	swait.ge [sflag:s20], $0x80  }
0x9b: {  	s8 =	smov.u32 s6;
	s9 =	rddreg [dreg:$0x6]  }
0x9c: {  	[sflag:s20] =	ssyncset.done $0x0;
	s9 =	sadd.s32 s8, s9  }
0x9d: {  	p1 =	seq.s32 s8, $0x0;
	[sflag:s20] =	ssyncadd.s32 $0xFFFFFF80;
	s10 =	sadd.s32 $0x20, s9  }
0x9e: {  	[tilespmem:s21], [sflag:$0x4] =	stream.linear.gather [hbm4b:s10+s3], $0x80, $0x200038;
	[tilespmem:$0x19400] =	vst v63  }
0x9f: {  	s12 =	sadd.s32 $0x30, s9;
	s10 =	simm.s32 @!p1 $0x2  }
0xa0: {  	[tilespmem:s22], [sflag:$0x4] =	stream.linear.gather [hbm4b:s12+s3], $0x80, $0x200038;
	[tilespmem:$0x19400] =	vst v63  }
0xa1: {  	_ =	swait.ge @!p1 [sflag:s10], $0x2800  }
0xa2: {  	[sflag:s10] =	ssyncset.done @!p1 $0x0  }
0xa3: {  	[sflag:s10] =	ssyncadd.s32 @!p1 $0xFFFFD800  }
0xa4: {  	[tilespmem:s18], [sflag:$0x1] =	stream.indirect.gather [hbm4b:s4+s23], $0x80, s3, s23, $0x2000b8;
	[tilespmem:$0x19400] =	vst v63  }
0xa5: {  	_ =	swait.ge [sflag:s24], $0x2800  }
0xa6: {  	[sflag:s24] =	ssyncset.done $0x0  }
0xa7: {  	[sflag:s24] =	ssyncadd.s32 $0xFFFFD800  }
0xa8: {  	[spmem:s2] =	stream.indirect.scatter.add.f32 [tilespmem:s18], [sflag:$0x2], $0x80, s17, s23, $0x2000b8;
	[tilespmem:$0x19400] =	vst v63  }
0xa9: {  	_ =	swait.ge [sflag:s20], $0x80  }
0xaa: {  	[sflag:s20] =	ssyncset.done $0x0  }
0xab: {  	[sflag:s20] =	ssyncadd.s32 $0xFFFFFF80  }
0xac: {  	_ =	swait.ge [sflag:s20], $0x80  }
0xad: {  	s11 =	rddreg [dreg:$0x5]  }
0xae: {  	[sflag:s20] =	ssyncset.done $0x0;
	s10 =	sadd.s32 s8, s11  }
0xaf: {  	[sflag:s20] =	ssyncadd.s32 $0xFFFFFF80;
	s11 =	sadd.s32 $0x40, s10  }
0xb0: {  	[tilespmem:s25], [sflag:$0x4] =	stream.linear.gather [hbm4b:s11+s3], $0x80, $0x200038;
	[tilespmem:$0x19400] =	vst v63  }
0xb1: {  	s10 =	sadd.s32 $0x50, s10;
	s11 =	simm.s32 @!p1 $0x3  }
0xb2: {  	[tilespmem:s26], [sflag:$0x4] =	stream.linear.gather [hbm4b:s10+s3], $0x80, $0x200038;
	[tilespmem:$0x19400] =	vst v63  }
0xb3: {  	_ =	swait.ge @!p1 [sflag:s11], $0x2800  }
0xb4: {  	[sflag:s11] =	ssyncset.done @!p1 $0x0  }
0xb5: {  	[sflag:s11] =	ssyncadd.s32 @!p1 $0xFFFFD800  }
0xb6: {  	[tilespmem:s28], [sflag:$0x1] =	stream.indirect.gather [hbm4b:s4+s23], $0x80, s21, s23, $0x2000b8;
	[tilespmem:$0x19400] =	vst v63  }
0xb7: {  	_ =	swait.ge [sflag:s24], $0x2800  }
0xb8: {  	[sflag:s24] =	ssyncset.done $0x0  }
0xb9: {  	[sflag:s24] =	ssyncadd.s32 $0xFFFFD800  }
0xba: {  	[spmem:s2] =	stream.indirect.scatter.add.f32 [tilespmem:s28], [sflag:$0x3], $0x80, s22, s23, $0x2000b8;
	[tilespmem:$0x19400] =	vst v63  }
0xbb: {  	_ =	swait.ge [sflag:s20], $0x80  }
0xbc: {  	[sflag:s20] =	ssyncset.done $0x0  }
0xbd: {  	[sflag:s20] =	ssyncadd.s32 $0xFFFFFF80  }
0xbe: {  	_ =	swait.ge [sflag:s20], $0x80  }
0xbf: {  	[sflag:s20] =	ssyncset.done $0x0  }
0xc0: {  	s12 =	sadd.s32 $0x60, s9;
	[sflag:s20] =	ssyncadd.s32 $0xFFFFFF80  }
0xc1: {  	[tilespmem:s29], [sflag:$0x4] =	stream.linear.gather [hbm4b:s12+s3], $0x80, $0x200038;
	[tilespmem:$0x19400] =	vst v63  }
0xc2: {  	s9 =	sadd.s32 $0x70, s9  }
0xc3: {  	[tilespmem:s30], [sflag:$0x4] =	stream.linear.gather [hbm4b:s9+s3], $0x80, $0x200038;
	[tilespmem:$0x19400] =	vst v63  }
0xc4: {  	_ =	swait.ge [sflag:s31], $0x2800  }
0xc5: {  	[sflag:s31] =	ssyncset.done $0x0  }
0xc6: {  	[sflag:s31] =	ssyncadd.s32 $0xFFFFD800  }
0xc7: {  	[tilespmem:s18], [sflag:$0x1] =	stream.indirect.gather [hbm4b:s4+s23], $0x80, s25, s23, $0x2000b8;
	[tilespmem:$0x19400] =	vst v63  }
0xc8: {  	_ =	swait.ge [sflag:s24], $0x2800  }
0xc9: {  	[sflag:s24] =	ssyncset.done $0x0  }
0xca: {  	[sflag:s24] =	ssyncadd.s32 $0xFFFFD800  }
0xcb: {  	[spmem:s2] =	stream.indirect.scatter.add.f32 [tilespmem:s18], [sflag:$0x2], $0x80, s26, s23, $0x2000b8;
	[tilespmem:$0x19400] =	vst v63  }
0xcc: {  	_ =	swait.ge [sflag:s20], $0x80  }
0xcd: {  	[sflag:s20] =	ssyncset.done $0x0  }
0xce: {  	[sflag:s20] =	ssyncadd.s32 $0xFFFFFF80  }
0xcf: {  	p1 =	seq.s32 s8, $0xF80;
	_ =	swait.ge [sflag:s20], $0x80  }
0xd0: {  	s11 =	simm.s32 @!p1 $0x0;
	s9 =	rddreg [dreg:$0x3];
	[sflag:s20] =	ssyncset.done $0x0  }
0xd1: {  	s10 =	rddreg [dreg:$0x4];
	[sflag:s20] =	ssyncadd.s32 $0xFFFFFF80;
	s9 =	sadd.s32 @!p1 s8, s9  }
0xd2: {  	[tilespmem:s11], [sflag:$0x4] =	stream.linear.gather @!p1 [hbm4b:s9+s11], $0x80, $0x200038;
	[tilespmem:$0x19400] =	vst v63  }
0xd3: {  	s6 =	sadd.s32 $0x80, s6;
	s12 =	simm.s32 @!p1 $0x200;
	s8 =	sadd.s32 @!p1 s8, s10  }
0xd4: {  	[tilespmem:s12], [sflag:$0x4] =	stream.linear.gather @!p1 [hbm4b:s8+s11], $0x80, $0x200038;
	[tilespmem:$0x19400] =	vst v63  }
0xd5: {  	p0 =	sne.s32 s6, $0x1000;
	_ =	swait.ge [sflag:s0], $0x2800  }
.Ltmp1:
0xd6: {  	[sflag:s0] =	ssyncset.done $0x0;
	(pc) =	sbr.rel @p0 .LBB2_4-.Ltmp1, $4  }
0xd7: {  	[sflag:s0] =	ssyncadd.s32 $0xFFFFD800  }
0xd8: {  	[tilespmem:s28], [sflag:$0x1] =	stream.indirect.gather [hbm4b:s4+s23], $0x80, s29, s23, $0x2000b8;
	[tilespmem:$0x19400] =	vst v63  }
0xd9: {  	_ =	swait.ge [sflag:s24], $0x2800  }
0xda: {  	[sflag:s24] =	ssyncset.done $0x0  }
0xdb: {  	[sflag:s24] =	ssyncadd.s32 $0xFFFFD800  }
0xdc: {  	[spmem:s2] =	stream.indirect.scatter.add.f32 [tilespmem:s28], [sflag:$0x3], $0x80, s30, s23, $0x2000b8;
	[tilespmem:$0x19400] =	vst v63  }
0xdd: {  	_ =	swait.ge [sflag:s31], $0x2800  }
0xde: {  	[sflag:s31] =	ssyncset.done $0x0  }
0xdf: {  	[sflag:s31] =	ssyncadd.s32 $0xFFFFD800  }
0xe0: {  	_ =	swait.ge [sflag:s0], $0x2800  }
0xe1: {  	[sflag:s0] =	ssyncset.done $0x0  }
0xe2: {  	[sflag:s0] =	ssyncadd.s32 $0xFFFFD800  }
0xe3: {  	_ =	strace $0x90000065  }
0xe4: {  	_ =	strace $0x80000066  }
0xe5: {  	s6 =	stileid.u32;
	s8 =	sshrl.u32 s7, $0x3;
	[bflag:$0x0] =	sbarrier.arrive $0xFFFF  }
0xe6: {  	s1 =	sadd.s32 $0x1, s1;
	s6 =	sshll.u32 s6, $0x6;
	_ =	strace $0x90000066  }
0xe7: {  	p0 =	sne.s32 s1, s16;
	s6 =	sor.u32 $0x1C05, s6;
	_ =	strace $0x80000067  }
0xe8: {  	[hbm:s15], [sflag:s6] =	dma.local [spmem:s8], $0x2800  }
.Ltmp2:
0xe9: {  	_ = 	snop;
	(pc) =	sbr.rel @p0 .LBB2_1-.Ltmp2, $4  }
0xea: {  	_ =	swait.ge [sflag:s19], $0x2800  }
0xeb: {  	[sflag:s19] =	ssyncset.done $0x0  }
0xec: {  	[sflag:s19] =	ssyncadd.s32 $0xFFFFD800  }
0xed: {  	_ =	strace $0x90000067  }
0xee: {  	_ =	sfence.sel $0x180000  }
0xef: {  	[bflag:$0x0] =	sbarrier.arrive $0xFFFF  }
0xf0: {  	_ =	strace $0x90000063  }
0xf1: {  	s0 =	stileid.u32;
	[bflag:$0x2] =	sbarrier.arrive $0xFFFF  }
0xf2: {  	p0 =	sne.s32 s0, $0x0;
	s0 =	rddreg [dreg:$0x2]  }
0xf3: {  	s0 =	sadd.s32 @!p0 $0x100000, s0  }
0xf4: {  	[sflag:s0] =	ssyncadd.tile.s32 @!p0 $0x1;
	_ =	shalt  }
.Lfunc_end2:
_tile_overlayer_lowered:
.L_overlay_start_2:
0xf5: {  	(tag) =	ssettag $0x2  }
0xf6: {  	s0 =	rddreg [dreg:$0x0];
	s2 =	stileid.u32  }
0xf7: {  	s1 =	rddreg [dreg:$0x1];
	p0 =	sne.s32 s2, $0x0  }
0xf8: {  	s3 =	rddreg [dreg:$0x2];
	[bflag:$0x3] =	sbarrier.arrive $0xFFFF;
	s2 =	simm.s32 @!p0 $0x1C05  }
0xf9: {  	[timem:s3], [sflag:s2] =	dma.local @!p0 [hbm:s0], s1  }
0xfa: {  	s0 =	simm.s32 @!p0 $0x5  }
0xfb: {  	_ =	swait.ge @!p0 [sflag:s0], s1  }
0xfc: {  	s1 =	ssub.s32 @!p0 $0x0, s1;
	[sflag:s0] =	ssyncset.done @!p0 $0x0  }
0xfd: {  	[sflag:s0] =	ssyncadd.s32 @!p0 s1  }
0xfe: {  	[bflag:$0x3] =	sbarrier.arrive $0xFFFF  }
0xff: {  	_ =	shalt  }

</sc_bundles>
